<compile_context>
chip_gen: v7x
topology: tpu7x:2x2x1
jax: 0.10.2.dev20260603
libtpu: 0.0.44.dev20260713+nightly
codegen_flags: <defaults>
</compile_context>

<pallas_src>
import functools

import jax
import jax.numpy as jnp
from jax import lax
from jax.experimental import pallas as pl
from jax.experimental.pallas import tpu as pltpu
from jax.experimental.pallas import tpu_sc as plsc

NC = 2
NS = 16
NW = NC * NS
LANES = 16
CHUNK = 128


def _sc_scatter(table, src2, dst2, cwa, cwb):
    npad, d = table.shape
    npt = npad // NS
    nbuf = 6
    assert cwa % nbuf == 0 and cwb % nbuf == 0
    cmax = max(cwa, cwb)

    def body(tab_hbm, src_hbm, dst_hbm, out_hbm,
             srcall_v, dstall_v, rows_v, zero_v, acc_sh, gsems):
        cid = lax.axis_index("c")
        sid = lax.axis_index("s")

        def run(cw, base):
            pltpu.sync_copy(src_hbm.at[pl.ds(base, cw)],
                            srcall_v.at[pl.ds(0, cw)])
            pltpu.sync_copy(dst_hbm.at[pl.ds(base, cw)],
                            dstall_v.at[pl.ds(0, cw)])
            for b in range(nbuf):
                pltpu.async_copy(tab_hbm.at[srcall_v.at[b]], rows_v[b],
                                 gsems[b])

            zvec = jnp.zeros((LANES,), jnp.float32)

            def zrow(i, carry):
                for jz in range(d // LANES):
                    zero_v[i, pl.ds(jz * LANES, LANES)] = zvec
                return carry

            lax.fori_loop(0, CHUNK, zrow, 0)
            for r in range(npt // CHUNK):
                pltpu.sync_copy(zero_v,
                                acc_sh.at[pl.ds(sid * npt + r * CHUNK,
                                                CHUNK)])
            plsc.subcore_barrier()

            def group(g, carry):
                j0 = g * nbuf
                for b in range(nbuf):
                    j = j0 + b
                    pltpu.make_async_copy(tab_hbm.at[srcall_v.at[j]],
                                          rows_v[b], gsems[b]).wait()
                    pltpu.sync_copy(rows_v[b], acc_sh.at[dstall_v.at[j]],
                                    add=True)

                    @pl.when(j + nbuf < cw)
                    def _prefetch(jj=j + nbuf, bb=b):
                        pltpu.async_copy(tab_hbm.at[srcall_v.at[jj]],
                                         rows_v[bb], gsems[bb])
                return carry

            lax.fori_loop(0, cw // nbuf, group, 0)

        @pl.when(cid == 0)
        def _core0():
            run(cwa, sid * cwa)

        @pl.when(cid == 1)
        def _core1():
            run(cwb, NS * cwa + sid * cwb)

        plsc.subcore_barrier()

        pltpu.sync_copy(acc_sh.at[pl.ds(sid * npt, npt)],
                        out_hbm.at[cid, pl.ds(sid * npt, npt)])

    mesh = plsc.VectorSubcoreMesh(core_axis_name="c", subcore_axis_name="s")
    return pl.kernel(
        body,
        out_type=jax.ShapeDtypeStruct((NC, npad, d), jnp.float32),
        mesh=mesh,
        scratch_types=[
            pltpu.VMEM((cmax, CHUNK), jnp.int32),
            pltpu.VMEM((cmax, CHUNK), jnp.int32),
            [pltpu.VMEM((CHUNK, d), jnp.float32) for _ in range(nbuf)],
            pltpu.VMEM((CHUNK, d), jnp.float32),
            pltpu.VMEM_SHARED((npad, d), jnp.float32),
            [pltpu.SemaphoreType.DMA for _ in range(nbuf)],
        ],
        compiler_params=pltpu.CompilerParams(use_tc_tiling_on_sc=False),
        name=f"gcn_sc_scatter_d{d}",
    )(table, src2, dst2)


def _sc_degree(dst2, cw, npad):

    def body(dst_hbm, out_hbm, dstall_v, deg_v):
        cid = lax.axis_index("c")
        sid = lax.axis_index("s")
        w = cid * NS + sid
        zvec = jnp.zeros((LANES,), jnp.float32)

        def zi(i, carry):
            deg_v[pl.ds(i * LANES, LANES)] = zvec
            return carry

        lax.fori_loop(0, npad // LANES, zi, 0)
        pltpu.sync_copy(dst_hbm.at[pl.ds(w * cw, cw)], dstall_v)
        ones = jnp.ones((LANES,), jnp.float32)

        def row(j, carry):
            for k in range(CHUNK // LANES):
                idx = dstall_v[j, pl.ds(k * LANES, LANES)]
                plsc.addupdate_scatter(deg_v, [idx], ones)
            return carry

        lax.fori_loop(0, cw, row, 0)
        pltpu.sync_copy(deg_v, out_hbm.at[cid, sid])

    mesh = plsc.VectorSubcoreMesh(core_axis_name="c", subcore_axis_name="s")
    return pl.kernel(
        body,
        out_type=jax.ShapeDtypeStruct((NC, NS, npad), jnp.float32),
        mesh=mesh,
        scratch_types=[
            pltpu.VMEM((cw, CHUNK), jnp.int32),
            pltpu.VMEM((npad,), jnp.float32),
        ],
        compiler_params=pltpu.CompilerParams(use_tc_tiling_on_sc=False,
                                             needs_layout_passes=False),
        name="gcn_sc_degree",
    )(dst2)


def _tc_stage_a(degp, xp, w1):

    def body(deg_ref, x_ref, w_ref, dinv_ref, g_ref):
        deg = jnp.sum(deg_ref[...], axis=1, keepdims=True)
        dinv = jnp.where(deg > 0.0, lax.rsqrt(deg), 0.0)
        dinv64 = jnp.broadcast_to(dinv, (deg.shape[0], 64))
        dinv_ref[...] = dinv64
        h = jnp.dot(x_ref[...], w_ref[...], preferred_element_type=jnp.float32)
        g_ref[...] = h * dinv64

    npad = xp.shape[0]
    return pl.pallas_call(
        body,
        out_shape=[jax.ShapeDtypeStruct((npad, 64), jnp.float32),
                   jax.ShapeDtypeStruct((npad, 64), jnp.float32)],
    )(degp, xp, w1)


def _tc_stage_b(p, dinv64, b, w_next):

    def body(p_ref, dinv_ref, b_ref, w_ref, g_ref):
        dinv = dinv_ref[...]
        t = (p_ref[0] + p_ref[1]) * dinv + b_ref[...]
        h = jnp.maximum(t, 0.0)
        g_ref[...] = jnp.dot(h, w_ref[...],
                             preferred_element_type=jnp.float32) * dinv

    npad = dinv64.shape[0]
    return pl.pallas_call(
        body,
        out_shape=jax.ShapeDtypeStruct((npad, 64), jnp.float32),
    )(p, dinv64, b, w_next)


def _tc_head(p, dinv64, b3, wh1, bh1, wh2, bh2):

    def body(p_ref, dinv_ref, b3_ref, wh1_ref, bh1_ref, wh2_ref, bh2_ref,
             o_ref):
        dinv = dinv_ref[...]
        h = jnp.maximum((p_ref[0] + p_ref[1]) * dinv + b3_ref[...], 0.0)
        h = jnp.maximum(
            jnp.dot(h, wh1_ref[...], preferred_element_type=jnp.float32)
            + bh1_ref[...], 0.0)
        o_ref[...] = jnp.dot(h, wh2_ref[...],
                             preferred_element_type=jnp.float32) + bh2_ref[...]

    npad = dinv64.shape[0]
    return pl.pallas_call(
        body,
        out_shape=jax.ShapeDtypeStruct((npad, 1), jnp.float32),
    )(p, dinv64, b3, wh1, bh1, wh2, bh2)


def kernel(x, edge_index, W1, b1, W2, b2, W3, b3, Wh1, bh1, Wh2, bh2):
    n, in_ch = x.shape
    e = edge_index.shape[1]

    ei = edge_index.astype(jnp.int32)
    loops = jnp.arange(n, dtype=jnp.int32)
    src = jnp.concatenate([ei[0], loops])
    dst = jnp.concatenate([ei[1], loops])
    e_tot = e + n
    ctot = -(-e_tot // (NS * CHUNK))
    ctot = -(-ctot // 12) * 12
    cwa = -(-(ctot * 3) // (5 * 6)) * 6
    cwb = ctot - cwa
    e_pad = NS * ctot * CHUNK
    src = jnp.concatenate([src, jnp.zeros((e_pad - e_tot,), jnp.int32)])
    dst = jnp.concatenate([dst, jnp.full((e_pad - e_tot,), n, jnp.int32)])
    src2 = src.reshape(-1, CHUNK)
    dst2 = dst.reshape(-1, CHUNK)
    cw_d = ctot // 2

    npad = -(-(n + 1) // (NS * CHUNK)) * (NS * CHUNK)

    degp = _sc_degree(dst2, cw_d, npad)
    degt = degp.reshape(NW, npad).T

    xp = jnp.pad(x, ((0, npad - n), (0, 0)))
    dinv64, g1 = _tc_stage_a(degt, xp, W1)

    p1 = _sc_scatter(g1, src2, dst2, cwa, cwb)
    g2 = _tc_stage_b(p1, dinv64, b1.reshape(1, -1), W2)
    p2 = _sc_scatter(g2, src2, dst2, cwa, cwb)
    g3 = _tc_stage_b(p2, dinv64, b2.reshape(1, -1), W3)
    p3 = _sc_scatter(g3, src2, dst2, cwa, cwb)

    out = _tc_head(p3, dinv64, b3.reshape(1, -1), Wh1, bh1.reshape(1, -1),
                   Wh2, bh2.reshape(1, 1))
    return out[:n, 0]

# --- scband reference (transcript-rebuilt; emitter-appended) ---
"""Pipeline reference for scband-gcnmodel-3126736192223 (READ-ONLY COPY).

The authoritative reference and input builder live on the scoring server;
editing this copy changes nothing except your own understanding.
"""

import jax, jax.numpy as jnp
import numpy as np

N_NODES = 10000
N_EDGES = 320000
IN_CH = 128
HID = 64


def gcn_conv(x, src, dst, W, b):
    # PyG GCNConv (normalize=True, add_self_loops already applied via src/dst):
    # h = x @ W; out[dst] += norm * h[src]; out += b
    N = x.shape[0]
    deg = jnp.zeros((N,), dtype=x.dtype).at[dst].add(1.0)
    dinv = jnp.where(deg > 0, deg ** -0.5, 0.0)
    norm = dinv[src] * dinv[dst]
    h = x @ W
    msg = h[src] * norm[:, None]
    out = jnp.zeros((N, h.shape[1]), dtype=x.dtype).at[dst].add(msg)
    return out + b


def setup_inputs(seed: int = 0) -> dict:
    key = jax.random.key(seed)
    ks = jax.random.split(key, 16)
    x = jax.random.normal(ks[0], (N_NODES, IN_CH), dtype=jnp.float32)
    edge_index = jax.random.randint(ks[1], (2, N_EDGES), 0, N_NODES, dtype=jnp.int64)

    def glorot(k, shape):
        limit = np.sqrt(6.0 / (shape[0] + shape[1]))
        return jax.random.uniform(k, shape, dtype=jnp.float32, minval=-limit, maxval=limit)

    W1 = glorot(ks[2], (IN_CH, HID)); b1 = jnp.zeros((HID,), jnp.float32)
    W2 = glorot(ks[3], (HID, HID)); b2 = jnp.zeros((HID,), jnp.float32)
    W3 = glorot(ks[4], (HID, HID)); b3 = jnp.zeros((HID,), jnp.float32)
    Wh1 = glorot(ks[5], (HID, HID)); bh1 = jnp.zeros((HID,), jnp.float32)
    Wh2 = glorot(ks[6], (HID, 1)); bh2 = jnp.zeros((1,), jnp.float32)
    return {"x": x, "edge_index": edge_index, "W1": W1, "b1": b1, "W2": W2, "b2": b2,
            "W3": W3, "b3": b3, "Wh1": Wh1, "bh1": bh1, "Wh2": Wh2, "bh2": bh2}


def reference(x, edge_index, W1, b1, W2, b2, W3, b3, Wh1, bh1, Wh2, bh2):
    N = x.shape[0]
    loops = jnp.arange(N, dtype=edge_index.dtype)
    src = jnp.concatenate([edge_index[0], loops])
    dst = jnp.concatenate([edge_index[1], loops])
    # 3 GCN layers with ReLU (dropout is identity in eval mode)
    h = jax.nn.relu(gcn_conv(x, src, dst, W1, b1))
    h = jax.nn.relu(gcn_conv(h, src, dst, W2, b2))
    h = jax.nn.relu(gcn_conv(h, src, dst, W3, b3))
    # MLP head: Linear -> ReLU -> (Dropout identity) -> Linear -> squeeze(-1)
    h = jax.nn.relu(h @ Wh1 + bh1)
    out = (h @ Wh2 + bh2).squeeze(-1)
    return out

if __name__ == "__main__":
    import jax
    _d = setup_inputs()
    print(jax.jit(kernel)(*tuple(_d.values())))

</pallas_src>

<mosaic_0001>
#map = affine_map<(d0, d1) -> (0, 0)>
#map1 = affine_map<(d0, d1) -> (0, 0, 0)>
module attributes {stable_mosaic.version = 14 : i64} {
  func.func @gcn_sc_scatter_d64(%arg0: i32, %arg1: i32, %arg2: memref<10240x64xf32, #tpu.memory_space<hbm>>, %arg3: memref<2688x128xi32, #tpu.memory_space<hbm>>, %arg4: memref<2688x128xi32, #tpu.memory_space<hbm>>, %arg5: memref<2x10240x64xf32, #tpu.memory_space<hbm>>, %arg6: memref<102x128xi32, #tpu.memory_space<vmem>>, %arg7: memref<102x128xi32, #tpu.memory_space<vmem>>, %arg8: memref<128x64xf32, #tpu.memory_space<vmem>>, %arg9: memref<128x64xf32, #tpu.memory_space<vmem>>, %arg10: memref<128x64xf32, #tpu.memory_space<vmem>>, %arg11: memref<128x64xf32, #tpu.memory_space<vmem>>, %arg12: memref<128x64xf32, #tpu.memory_space<vmem>>, %arg13: memref<128x64xf32, #tpu.memory_space<vmem>>, %arg14: memref<128x64xf32, #tpu.memory_space<vmem>>, %arg15: memref<10240x64xf32, #tpu.memory_space<vmem_shared>>, %arg16: memref<!tpu.dma_semaphore, #tpu.memory_space<semaphore_mem>>, %arg17: memref<!tpu.dma_semaphore, #tpu.memory_space<semaphore_mem>>, %arg18: memref<!tpu.dma_semaphore, #tpu.memory_space<semaphore_mem>>, %arg19: memref<!tpu.dma_semaphore, #tpu.memory_space<semaphore_mem>>, %arg20: memref<!tpu.dma_semaphore, #tpu.memory_space<semaphore_mem>>, %arg21: memref<!tpu.dma_semaphore, #tpu.memory_space<semaphore_mem>>) attributes {dimension_semantics = [#tpu.dimension_semantics<core_parallel>, #tpu.dimension_semantics<subcore_parallel>], iteration_bounds = array<i64: 2, 16>, scalar_prefetch = 0 : i64, scratch_operands = 16 : i64, tpu.core_type = #tpu.core_type<sc_vector_subcore>, window_params = [{transform_indices = #map}, {transform_indices = #map}, {transform_indices = #map}, {transform_indices = #map1}]} {
    %eq3A = arith.constant 0 : i32
    %eq3A_0 = arith.cmpi eq, %arg0, %eq3A : i32
    %convert_element_type3A = arith.extui %eq3A_0 : i1 to i32
    %cond3A = arith.constant 0 : i32
    %cond3A_1 = arith.cmpi ne, %convert_element_type3A, %cond3A : i32
    scf.if %cond3A_1 {
      %mul3A_10 = arith.constant 102 : i32
      %mul3A_11 = arith.muli %arg1, %mul3A_10 : i32
      "tpu.region"() ({
        %run_scoped3A = tpu.sem_alloc : memref<!tpu.dma_semaphore, #tpu.memory_space<semaphore_mem>>
        %dma_start3A_85 = arith.constant 0 : i32
        %dma_start3A_86 = arith.constant 0 : i32
        %dma_start3A_87 = tpu.memref_slice %arg6[%dma_start3A_85, %dma_start3A_86] : memref<102x128xi32, #tpu.memory_space<vmem>> -> memref<102x128xi32, #tpu.memory_space<vmem>>
        %dma_start3A_88 = arith.constant 0 : i32
        %dma_start3A_89 = tpu.memref_slice %arg3[%mul3A_11, %dma_start3A_88] : memref<2688x128xi32, #tpu.memory_space<hbm>> -> memref<102x128xi32, #tpu.memory_space<hbm>>
        %dma_start3A_90 = arith.constant 0 : i32
        %dma_start3A_91 = arith.constant 0 : i32
        %dma_start3A_92 = tpu.memref_slice %arg6[%dma_start3A_90, %dma_start3A_91] : memref<102x128xi32, #tpu.memory_space<vmem>> -> memref<102x128xi32, #tpu.memory_space<vmem>>
        %dma_start3A_93 = arith.constant 0 : i32
        %dma_start3A_94 = tpu.memref_slice %arg3[%mul3A_11, %dma_start3A_93] : memref<2688x128xi32, #tpu.memory_space<hbm>> -> memref<102x128xi32, #tpu.memory_space<hbm>>
        tpu.enqueue_dma source(%dma_start3A_94 : memref<102x128xi32, #tpu.memory_space<hbm>>) target(%dma_start3A_92 : memref<102x128xi32, #tpu.memory_space<vmem>>) target_semaphore(%run_scoped3A : memref<!tpu.dma_semaphore, #tpu.memory_space<semaphore_mem>>)
        %dma_wait3A = arith.constant 0 : i32
        %dma_wait3A_95 = arith.constant 0 : i32
        %dma_wait3A_96 = tpu.memref_slice %arg6[%dma_wait3A, %dma_wait3A_95] : memref<102x128xi32, #tpu.memory_space<vmem>> -> memref<102x128xi32, #tpu.memory_space<vmem>>
        %dma_wait3A_97 = arith.constant 0 : i32
        %dma_wait3A_98 = tpu.memref_slice %arg3[%mul3A_11, %dma_wait3A_97] : memref<2688x128xi32, #tpu.memory_space<hbm>> -> memref<102x128xi32, #tpu.memory_space<hbm>>
        %dma_wait3A_99 = arith.constant 0 : i32
        %dma_wait3A_100 = arith.constant 0 : i32
        %dma_wait3A_101 = tpu.memref_slice %arg6[%dma_wait3A_99, %dma_wait3A_100] : memref<102x128xi32, #tpu.memory_space<vmem>> -> memref<102x128xi32, #tpu.memory_space<vmem>>
        %dma_wait3A_102 = arith.constant 0 : i32
        %dma_wait3A_103 = tpu.memref_slice %arg3[%mul3A_11, %dma_wait3A_102] : memref<2688x128xi32, #tpu.memory_space<hbm>> -> memref<102x128xi32, #tpu.memory_space<hbm>>
        tpu.wait_dma2 semaphore(%run_scoped3A : memref<!tpu.dma_semaphore, #tpu.memory_space<semaphore_mem>>) src(%dma_wait3A_103 : memref<102x128xi32, #tpu.memory_space<hbm>>) dst(%dma_wait3A_101 : memref<102x128xi32, #tpu.memory_space<vmem>>)
        tpu.yield
      }) : () -> ()
      "tpu.region"() ({
        %run_scoped3A = tpu.sem_alloc : memref<!tpu.dma_semaphore, #tpu.memory_space<semaphore_mem>>
        %dma_start3A_85 = arith.constant 0 : i32
        %dma_start3A_86 = arith.constant 0 : i32
        %dma_start3A_87 = tpu.memref_slice %arg7[%dma_start3A_85, %dma_start3A_86] : memref<102x128xi32, #tpu.memory_space<vmem>> -> memref<102x128xi32, #tpu.memory_space<vmem>>
        %dma_start3A_88 = arith.constant 0 : i32
        %dma_start3A_89 = tpu.memref_slice %arg4[%mul3A_11, %dma_start3A_88] : memref<2688x128xi32, #tpu.memory_space<hbm>> -> memref<102x128xi32, #tpu.memory_space<hbm>>
        %dma_start3A_90 = arith.constant 0 : i32
        %dma_start3A_91 = arith.constant 0 : i32
        %dma_start3A_92 = tpu.memref_slice %arg7[%dma_start3A_90, %dma_start3A_91] : memref<102x128xi32, #tpu.memory_space<vmem>> -> memref<102x128xi32, #tpu.memory_space<vmem>>
        %dma_start3A_93 = arith.constant 0 : i32
        %dma_start3A_94 = tpu.memref_slice %arg4[%mul3A_11, %dma_start3A_93] : memref<2688x128xi32, #tpu.memory_space<hbm>> -> memref<102x128xi32, #tpu.memory_space<hbm>>
        tpu.enqueue_dma source(%dma_start3A_94 : memref<102x128xi32, #tpu.memory_space<hbm>>) target(%dma_start3A_92 : memref<102x128xi32, #tpu.memory_space<vmem>>) target_semaphore(%run_scoped3A : memref<!tpu.dma_semaphore, #tpu.memory_space<semaphore_mem>>)
        %dma_wait3A = arith.constant 0 : i32
        %dma_wait3A_95 = arith.constant 0 : i32
        %dma_wait3A_96 = tpu.memref_slice %arg7[%dma_wait3A, %dma_wait3A_95] : memref<102x128xi32, #tpu.memory_space<vmem>> -> memref<102x128xi32, #tpu.memory_space<vmem>>
        %dma_wait3A_97 = arith.constant 0 : i32
        %dma_wait3A_98 = tpu.memref_slice %arg4[%mul3A_11, %dma_wait3A_97] : memref<2688x128xi32, #tpu.memory_space<hbm>> -> memref<102x128xi32, #tpu.memory_space<hbm>>
        %dma_wait3A_99 = arith.constant 0 : i32
        %dma_wait3A_100 = arith.constant 0 : i32
        %dma_wait3A_101 = tpu.memref_slice %arg7[%dma_wait3A_99, %dma_wait3A_100] : memref<102x128xi32, #tpu.memory_space<vmem>> -> memref<102x128xi32, #tpu.memory_space<vmem>>
        %dma_wait3A_102 = arith.constant 0 : i32
        %dma_wait3A_103 = tpu.memref_slice %arg4[%mul3A_11, %dma_wait3A_102] : memref<2688x128xi32, #tpu.memory_space<hbm>> -> memref<102x128xi32, #tpu.memory_space<hbm>>
        tpu.wait_dma2 semaphore(%run_scoped3A : memref<!tpu.dma_semaphore, #tpu.memory_space<semaphore_mem>>) src(%dma_wait3A_103 : memref<102x128xi32, #tpu.memory_space<hbm>>) dst(%dma_wait3A_101 : memref<102x128xi32, #tpu.memory_space<vmem>>)
        tpu.yield
      }) : () -> ()
      %dma_start3A = arith.constant 0 : i32
      %dma_start3A_12 = arith.constant 0 : i32
      %dma_start3A_13 = tpu.memref_slice %arg6[%dma_start3A, %dma_start3A_12] : memref<102x128xi32, #tpu.memory_space<vmem>> -> memref<1x128xi32, #tpu.memory_space<vmem>>
      %dma_start3A_14 = tpu.memref_squeeze %dma_start3A_13 : memref<1x128xi32, #tpu.memory_space<vmem>> -> memref<128xi32, #tpu.memory_space<vmem>>
      %dma_start3A_15 = arith.constant 0 : i32
      %dma_start3A_16 = arith.constant 0 : i32
      %dma_start3A_17 = tpu.memref_slice %arg2[%dma_start3A_15, %dma_start3A_16] : memref<10240x64xf32, #tpu.memory_space<hbm>> -> memref<10240x64xf32, #tpu.memory_space<hbm>>
      tpu.enqueue_indirect_dma source(%dma_start3A_17 : memref<10240x64xf32, #tpu.memory_space<hbm>>) target(%arg8 : memref<128x64xf32, #tpu.memory_space<vmem>>) offsets(%dma_start3A_14 : memref<128xi32, #tpu.memory_space<vmem>>) semaphore(%arg16 : memref<!tpu.dma_semaphore, #tpu.memory_space<semaphore_mem>>)
      %dma_start3A_18 = arith.constant 1 : i32
      %dma_start3A_19 = arith.constant 0 : i32
      %dma_start3A_20 = tpu.memref_slice %arg6[%dma_start3A_18, %dma_start3A_19] : memref<102x128xi32, #tpu.memory_space<vmem>> -> memref<1x128xi32, #tpu.memory_space<vmem>>
      %dma_start3A_21 = tpu.memref_squeeze %dma_start3A_20 : memref<1x128xi32, #tpu.memory_space<vmem>> -> memref<128xi32, #tpu.memory_space<vmem>>
      %dma_start3A_22 = arith.constant 0 : i32
      %dma_start3A_23 = arith.constant 0 : i32
      %dma_start3A_24 = tpu.memref_slice %arg2[%dma_start3A_22, %dma_start3A_23] : memref<10240x64xf32, #tpu.memory_space<hbm>> -> memref<10240x64xf32, #tpu.memory_space<hbm>>
      tpu.enqueue_indirect_dma source(%dma_start3A_24 : memref<10240x64xf32, #tpu.memory_space<hbm>>) target(%arg9 : memref<128x64xf32, #tpu.memory_space<vmem>>) offsets(%dma_start3A_21 : memref<128xi32, #tpu.memory_space<vmem>>) semaphore(%arg17 : memref<!tpu.dma_semaphore, #tpu.memory_space<semaphore_mem>>)
      %dma_start3A_25 = arith.constant 2 : i32
      %dma_start3A_26 = arith.constant 0 : i32
      %dma_start3A_27 = tpu.memref_slice %arg6[%dma_start3A_25, %dma_start3A_26] : memref<102x128xi32, #tpu.memory_space<vmem>> -> memref<1x128xi32, #tpu.memory_space<vmem>>
      %dma_start3A_28 = tpu.memref_squeeze %dma_start3A_27 : memref<1x128xi32, #tpu.memory_space<vmem>> -> memref<128xi32, #tpu.memory_space<vmem>>
      %dma_start3A_29 = arith.constant 0 : i32
      %dma_start3A_30 = arith.constant 0 : i32
      %dma_start3A_31 = tpu.memref_slice %arg2[%dma_start3A_29, %dma_start3A_30] : memref<10240x64xf32, #tpu.memory_space<hbm>> -> memref<10240x64xf32, #tpu.memory_space<hbm>>
      tpu.enqueue_indirect_dma source(%dma_start3A_31 : memref<10240x64xf32, #tpu.memory_space<hbm>>) target(%arg10 : memref<128x64xf32, #tpu.memory_space<vmem>>) offsets(%dma_start3A_28 : memref<128xi32, #tpu.memory_space<vmem>>) semaphore(%arg18 : memref<!tpu.dma_semaphore, #tpu.memory_space<semaphore_mem>>)
      %dma_start3A_32 = arith.constant 3 : i32
      %dma_start3A_33 = arith.constant 0 : i32
      %dma_start3A_34 = tpu.memref_slice %arg6[%dma_start3A_32, %dma_start3A_33] : memref<102x128xi32, #tpu.memory_space<vmem>> -> memref<1x128xi32, #tpu.memory_space<vmem>>
      %dma_start3A_35 = tpu.memref_squeeze %dma_start3A_34 : memref<1x128xi32, #tpu.memory_space<vmem>> -> memref<128xi32, #tpu.memory_space<vmem>>
      %dma_start3A_36 = arith.constant 0 : i32
      %dma_start3A_37 = arith.constant 0 : i32
      %dma_start3A_38 = tpu.memref_slice %arg2[%dma_start3A_36, %dma_start3A_37] : memref<10240x64xf32, #tpu.memory_space<hbm>> -> memref<10240x64xf32, #tpu.memory_space<hbm>>
      tpu.enqueue_indirect_dma source(%dma_start3A_38 : memref<10240x64xf32, #tpu.memory_space<hbm>>) target(%arg11 : memref<128x64xf32, #tpu.memory_space<vmem>>) offsets(%dma_start3A_35 : memref<128xi32, #tpu.memory_space<vmem>>) semaphore(%arg19 : memref<!tpu.dma_semaphore, #tpu.memory_space<semaphore_mem>>)
      %dma_start3A_39 = arith.constant 4 : i32
      %dma_start3A_40 = arith.constant 0 : i32
      %dma_start3A_41 = tpu.memref_slice %arg6[%dma_start3A_39, %dma_start3A_40] : memref<102x128xi32, #tpu.memory_space<vmem>> -> memref<1x128xi32, #tpu.memory_space<vmem>>
      %dma_start3A_42 = tpu.memref_squeeze %dma_start3A_41 : memref<1x128xi32, #tpu.memory_space<vmem>> -> memref<128xi32, #tpu.memory_space<vmem>>
      %dma_start3A_43 = arith.constant 0 : i32
      %dma_start3A_44 = arith.constant 0 : i32
      %dma_start3A_45 = tpu.memref_slice %arg2[%dma_start3A_43, %dma_start3A_44] : memref<10240x64xf32, #tpu.memory_space<hbm>> -> memref<10240x64xf32, #tpu.memory_space<hbm>>
      tpu.enqueue_indirect_dma source(%dma_start3A_45 : memref<10240x64xf32, #tpu.memory_space<hbm>>) target(%arg12 : memref<128x64xf32, #tpu.memory_space<vmem>>) offsets(%dma_start3A_42 : memref<128xi32, #tpu.memory_space<vmem>>) semaphore(%arg20 : memref<!tpu.dma_semaphore, #tpu.memory_space<semaphore_mem>>)
      %dma_start3A_46 = arith.constant 5 : i32
      %dma_start3A_47 = arith.constant 0 : i32
      %dma_start3A_48 = tpu.memref_slice %arg6[%dma_start3A_46, %dma_start3A_47] : memref<102x128xi32, #tpu.memory_space<vmem>> -> memref<1x128xi32, #tpu.memory_space<vmem>>
      %dma_start3A_49 = tpu.memref_squeeze %dma_start3A_48 : memref<1x128xi32, #tpu.memory_space<vmem>> -> memref<128xi32, #tpu.memory_space<vmem>>
      %dma_start3A_50 = arith.constant 0 : i32
      %dma_start3A_51 = arith.constant 0 : i32
      %dma_start3A_52 = tpu.memref_slice %arg2[%dma_start3A_50, %dma_start3A_51] : memref<10240x64xf32, #tpu.memory_space<hbm>> -> memref<10240x64xf32, #tpu.memory_space<hbm>>
      tpu.enqueue_indirect_dma source(%dma_start3A_52 : memref<10240x64xf32, #tpu.memory_space<hbm>>) target(%arg13 : memref<128x64xf32, #tpu.memory_space<vmem>>) offsets(%dma_start3A_49 : memref<128xi32, #tpu.memory_space<vmem>>) semaphore(%arg21 : memref<!tpu.dma_semaphore, #tpu.memory_space<semaphore_mem>>)
      %broadcast_in_dim3A = arith.constant 0.000000e+00 : f32
      %broadcast_in_dim3A_53 = vector.broadcast %broadcast_in_dim3A : f32 to vector<16xf32>
      %scan3A = arith.constant 0 : i32
      %scan3A_54 = arith.constant 0 : i32
      %scan3A_55 = arith.constant 128 : i32
      %scan3A_56 = arith.addi %scan3A_54, %scan3A_55 : i32
      %scan3A_57 = arith.constant 1 : i32
      scf.for %scan3A_85 = %scan3A_54 to %scan3A_56 step %scan3A_57  : i32 {
        %swap3A = arith.index_cast %scan3A_85 : i32 to index
        %swap3A_86 = arith.constant 0 : index
        %swap3A_87 = tpu.vector_load %arg14[%swap3A, %swap3A_86] {strides = array<i32>} : memref<128x64xf32, #tpu.memory_space<vmem>>, vector<1x16xf32>,
        %swap3A_88 = vector.shape_cast %swap3A_87 : vector<1x16xf32> to vector<16xf32>
        %swap3A_89 = vector.shape_cast %broadcast_in_dim3A_53 : vector<16xf32> to vector<1x16xf32>
        tpu.vector_store %arg14[%swap3A, %swap3A_86], %swap3A_89 {strides = array<i32>} : memref<128x64xf32, #tpu.memory_space<vmem>>, vector<1x16xf32>,
        %swap3A_90 = arith.index_cast %scan3A_85 : i32 to index
        %swap3A_91 = arith.constant 16 : index
        %swap3A_92 = tpu.vector_load %arg14[%swap3A_90, %swap3A_91] {strides = array<i32>} : memref<128x64xf32, #tpu.memory_space<vmem>>, vector<1x16xf32>,
        %swap3A_93 = vector.shape_cast %swap3A_92 : vector<1x16xf32> to vector<16xf32>
        %swap3A_94 = vector.shape_cast %broadcast_in_dim3A_53 : vector<16xf32> to vector<1x16xf32>
        tpu.vector_store %arg14[%swap3A_90, %swap3A_91], %swap3A_94 {strides = array<i32>} : memref<128x64xf32, #tpu.memory_space<vmem>>, vector<1x16xf32>,
        %swap3A_95 = arith.index_cast %scan3A_85 : i32 to index
        %swap3A_96 = arith.constant 32 : index
        %swap3A_97 = tpu.vector_load %arg14[%swap3A_95, %swap3A_96] {strides = array<i32>} : memref<128x64xf32, #tpu.memory_space<vmem>>, vector<1x16xf32>,
        %swap3A_98 = vector.shape_cast %swap3A_97 : vector<1x16xf32> to vector<16xf32>
        %swap3A_99 = vector.shape_cast %broadcast_in_dim3A_53 : vector<16xf32> to vector<1x16xf32>
        tpu.vector_store %arg14[%swap3A_95, %swap3A_96], %swap3A_99 {strides = array<i32>} : memref<128x64xf32, #tpu.memory_space<vmem>>, vector<1x16xf32>,
        %swap3A_100 = arith.index_cast %scan3A_85 : i32 to index
        %swap3A_101 = arith.constant 48 : index
        %swap3A_102 = tpu.vector_load %arg14[%swap3A_100, %swap3A_101] {strides = array<i32>} : memref<128x64xf32, #tpu.memory_space<vmem>>, vector<1x16xf32>,
        %swap3A_103 = vector.shape_cast %swap3A_102 : vector<1x16xf32> to vector<16xf32>
        %swap3A_104 = vector.shape_cast %broadcast_in_dim3A_53 : vector<16xf32> to vector<1x16xf32>
        tpu.vector_store %arg14[%swap3A_100, %swap3A_101], %swap3A_104 {strides = array<i32>} : memref<128x64xf32, #tpu.memory_space<vmem>>, vector<1x16xf32>,
      }
      %scan3A_58 = arith.constant 128 : i32
      %mul3A_59 = arith.constant 640 : i32
      %mul3A_60 = arith.muli %arg1, %mul3A_59 : i32
      %add3A = arith.constant 0 : i32
      %add3A_61 = arith.addi %mul3A_60, %add3A : i32
      "tpu.region"() ({
        %run_scoped3A = tpu.sem_alloc : memref<!tpu.dma_semaphore, #tpu.memory_space<semaphore_mem>>
        %dma_start3A_85 = arith.constant 0 : i32
        %dma_start3A_86 = tpu.memref_slice %arg15[%add3A_61, %dma_start3A_85] : memref<10240x64xf32, #tpu.memory_space<vmem_shared>> -> memref<128x64xf32, #tpu.memory_space<vmem_shared>>
        %dma_start3A_87 = arith.constant 0 : i32
        %dma_start3A_88 = tpu.memref_slice %arg15[%add3A_61, %dma_start3A_87] : memref<10240x64xf32, #tpu.memory_space<vmem_shared>> -> memref<128x64xf32, #tpu.memory_space<vmem_shared>>
        tpu.enqueue_dma source(%arg14 : memref<128x64xf32, #tpu.memory_space<vmem>>) target(%dma_start3A_88 : memref<128x64xf32, #tpu.memory_space<vmem_shared>>) target_semaphore(%run_scoped3A : memref<!tpu.dma_semaphore, #tpu.memory_space<semaphore_mem>>)
        %dma_wait3A = arith.constant 0 : i32
        %dma_wait3A_89 = tpu.memref_slice %arg15[%add3A_61, %dma_wait3A] : memref<10240x64xf32, #tpu.memory_space<vmem_shared>> -> memref<128x64xf32, #tpu.memory_space<vmem_shared>>
        %dma_wait3A_90 = arith.constant 0 : i32
        %dma_wait3A_91 = tpu.memref_slice %arg15[%add3A_61, %dma_wait3A_90] : memref<10240x64xf32, #tpu.memory_space<vmem_shared>> -> memref<128x64xf32, #tpu.memory_space<vmem_shared>>
        tpu.wait_dma2 semaphore(%run_scoped3A : memref<!tpu.dma_semaphore, #tpu.memory_space<semaphore_mem>>) src(%arg14 : memref<128x64xf32, #tpu.memory_space<vmem>>) dst(%dma_wait3A_91 : memref<128x64xf32, #tpu.memory_space<vmem_shared>>)
        tpu.yield
      }) : () -> ()
      %mul3A_62 = arith.constant 640 : i32
      %mul3A_63 = arith.muli %arg1, %mul3A_62 : i32
      %add3A_64 = arith.constant 128 : i32
      %add3A_65 = arith.addi %mul3A_63, %add3A_64 : i32
      "tpu.region"() ({
        %run_scoped3A = tpu.sem_alloc : memref<!tpu.dma_semaphore, #tpu.memory_space<semaphore_mem>>
        %dma_start3A_85 = arith.constant 0 : i32
        %dma_start3A_86 = tpu.memref_slice %arg15[%add3A_65, %dma_start3A_85] : memref<10240x64xf32, #tpu.memory_space<vmem_shared>> -> memref<128x64xf32, #tpu.memory_space<vmem_shared>>
        %dma_start3A_87 = arith.constant 0 : i32
        %dma_start3A_88 = tpu.memref_slice %arg15[%add3A_65, %dma_start3A_87] : memref<10240x64xf32, #tpu.memory_space<vmem_shared>> -> memref<128x64xf32, #tpu.memory_space<vmem_shared>>
        tpu.enqueue_dma source(%arg14 : memref<128x64xf32, #tpu.memory_space<vmem>>) target(%dma_start3A_88 : memref<128x64xf32, #tpu.memory_space<vmem_shared>>) target_semaphore(%run_scoped3A : memref<!tpu.dma_semaphore, #tpu.memory_space<semaphore_mem>>)
        %dma_wait3A = arith.constant 0 : i32
        %dma_wait3A_89 = tpu.memref_slice %arg15[%add3A_65, %dma_wait3A] : memref<10240x64xf32, #tpu.memory_space<vmem_shared>> -> memref<128x64xf32, #tpu.memory_space<vmem_shared>>
        %dma_wait3A_90 = arith.constant 0 : i32
        %dma_wait3A_91 = tpu.memref_slice %arg15[%add3A_65, %dma_wait3A_90] : memref<10240x64xf32, #tpu.memory_space<vmem_shared>> -> memref<128x64xf32, #tpu.memory_space<vmem_shared>>
        tpu.wait_dma2 semaphore(%run_scoped3A : memref<!tpu.dma_semaphore, #tpu.memory_space<semaphore_mem>>) src(%arg14 : memref<128x64xf32, #tpu.memory_space<vmem>>) dst(%dma_wait3A_91 : memref<128x64xf32, #tpu.memory_space<vmem_shared>>)
        tpu.yield
      }) : () -> ()
      %mul3A_66 = arith.constant 640 : i32
      %mul3A_67 = arith.muli %arg1, %mul3A_66 : i32
      %add3A_68 = arith.constant 256 : i32
      %add3A_69 = arith.addi %mul3A_67, %add3A_68 : i32
      "tpu.region"() ({
        %run_scoped3A = tpu.sem_alloc : memref<!tpu.dma_semaphore, #tpu.memory_space<semaphore_mem>>
        %dma_start3A_85 = arith.constant 0 : i32
        %dma_start3A_86 = tpu.memref_slice %arg15[%add3A_69, %dma_start3A_85] : memref<10240x64xf32, #tpu.memory_space<vmem_shared>> -> memref<128x64xf32, #tpu.memory_space<vmem_shared>>
        %dma_start3A_87 = arith.constant 0 : i32
        %dma_start3A_88 = tpu.memref_slice %arg15[%add3A_69, %dma_start3A_87] : memref<10240x64xf32, #tpu.memory_space<vmem_shared>> -> memref<128x64xf32, #tpu.memory_space<vmem_shared>>
        tpu.enqueue_dma source(%arg14 : memref<128x64xf32, #tpu.memory_space<vmem>>) target(%dma_start3A_88 : memref<128x64xf32, #tpu.memory_space<vmem_shared>>) target_semaphore(%run_scoped3A : memref<!tpu.dma_semaphore, #tpu.memory_space<semaphore_mem>>)
        %dma_wait3A = arith.constant 0 : i32
        %dma_wait3A_89 = tpu.memref_slice %arg15[%add3A_69, %dma_wait3A] : memref<10240x64xf32, #tpu.memory_space<vmem_shared>> -> memref<128x64xf32, #tpu.memory_space<vmem_shared>>
        %dma_wait3A_90 = arith.constant 0 : i32
        %dma_wait3A_91 = tpu.memref_slice %arg15[%add3A_69, %dma_wait3A_90] : memref<10240x64xf32, #tpu.memory_space<vmem_shared>> -> memref<128x64xf32, #tpu.memory_space<vmem_shared>>
        tpu.wait_dma2 semaphore(%run_scoped3A : memref<!tpu.dma_semaphore, #tpu.memory_space<semaphore_mem>>) src(%arg14 : memref<128x64xf32, #tpu.memory_space<vmem>>) dst(%dma_wait3A_91 : memref<128x64xf32, #tpu.memory_space<vmem_shared>>)
        tpu.yield
      }) : () -> ()
      %mul3A_70 = arith.constant 640 : i32
      %mul3A_71 = arith.muli %arg1, %mul3A_70 : i32
      %add3A_72 = arith.constant 384 : i32
      %add3A_73 = arith.addi %mul3A_71, %add3A_72 : i32
      "tpu.region"() ({
        %run_scoped3A = tpu.sem_alloc : memref<!tpu.dma_semaphore, #tpu.memory_space<semaphore_mem>>
        %dma_start3A_85 = arith.constant 0 : i32
        %dma_start3A_86 = tpu.memref_slice %arg15[%add3A_73, %dma_start3A_85] : memref<10240x64xf32, #tpu.memory_space<vmem_shared>> -> memref<128x64xf32, #tpu.memory_space<vmem_shared>>
        %dma_start3A_87 = arith.constant 0 : i32
        %dma_start3A_88 = tpu.memref_slice %arg15[%add3A_73, %dma_start3A_87] : memref<10240x64xf32, #tpu.memory_space<vmem_shared>> -> memref<128x64xf32, #tpu.memory_space<vmem_shared>>
        tpu.enqueue_dma source(%arg14 : memref<128x64xf32, #tpu.memory_space<vmem>>) target(%dma_start3A_88 : memref<128x64xf32, #tpu.memory_space<vmem_shared>>) target_semaphore(%run_scoped3A : memref<!tpu.dma_semaphore, #tpu.memory_space<semaphore_mem>>)
        %dma_wait3A = arith.constant 0 : i32
        %dma_wait3A_89 = tpu.memref_slice %arg15[%add3A_73, %dma_wait3A] : memref<10240x64xf32, #tpu.memory_space<vmem_shared>> -> memref<128x64xf32, #tpu.memory_space<vmem_shared>>
        %dma_wait3A_90 = arith.constant 0 : i32
        %dma_wait3A_91 = tpu.memref_slice %arg15[%add3A_73, %dma_wait3A_90] : memref<10240x64xf32, #tpu.memory_space<vmem_shared>> -> memref<128x64xf32, #tpu.memory_space<vmem_shared>>
        tpu.wait_dma2 semaphore(%run_scoped3A : memref<!tpu.dma_semaphore, #tpu.memory_space<semaphore_mem>>) src(%arg14 : memref<128x64xf32, #tpu.memory_space<vmem>>) dst(%dma_wait3A_91 : memref<128x64xf32, #tpu.memory_space<vmem_shared>>)
        tpu.yield
      }) : () -> ()
      %mul3A_74 = arith.constant 640 : i32
      %mul3A_75 = arith.muli %arg1, %mul3A_74 : i32
      %add3A_76 = arith.constant 512 : i32
      %add3A_77 = arith.addi %mul3A_75, %add3A_76 : i32
      "tpu.region"() ({
        %run_scoped3A = tpu.sem_alloc : memref<!tpu.dma_semaphore, #tpu.memory_space<semaphore_mem>>
        %dma_start3A_85 = arith.constant 0 : i32
        %dma_start3A_86 = tpu.memref_slice %arg15[%add3A_77, %dma_start3A_85] : memref<10240x64xf32, #tpu.memory_space<vmem_shared>> -> memref<128x64xf32, #tpu.memory_space<vmem_shared>>
        %dma_start3A_87 = arith.constant 0 : i32
        %dma_start3A_88 = tpu.memref_slice %arg15[%add3A_77, %dma_start3A_87] : memref<10240x64xf32, #tpu.memory_space<vmem_shared>> -> memref<128x64xf32, #tpu.memory_space<vmem_shared>>
        tpu.enqueue_dma source(%arg14 : memref<128x64xf32, #tpu.memory_space<vmem>>) target(%dma_start3A_88 : memref<128x64xf32, #tpu.memory_space<vmem_shared>>) target_semaphore(%run_scoped3A : memref<!tpu.dma_semaphore, #tpu.memory_space<semaphore_mem>>)
        %dma_wait3A = arith.constant 0 : i32
        %dma_wait3A_89 = tpu.memref_slice %arg15[%add3A_77, %dma_wait3A] : memref<10240x64xf32, #tpu.memory_space<vmem_shared>> -> memref<128x64xf32, #tpu.memory_space<vmem_shared>>
        %dma_wait3A_90 = arith.constant 0 : i32
        %dma_wait3A_91 = tpu.memref_slice %arg15[%add3A_77, %dma_wait3A_90] : memref<10240x64xf32, #tpu.memory_space<vmem_shared>> -> memref<128x64xf32, #tpu.memory_space<vmem_shared>>
        tpu.wait_dma2 semaphore(%run_scoped3A : memref<!tpu.dma_semaphore, #tpu.memory_space<semaphore_mem>>) src(%arg14 : memref<128x64xf32, #tpu.memory_space<vmem>>) dst(%dma_wait3A_91 : memref<128x64xf32, #tpu.memory_space<vmem_shared>>)
        tpu.yield
      }) : () -> ()
      %barrier3A_78 = arith.constant 0 : index
      tpu.barrier barrier_id(%barrier3A_78)
      %scan3A_79 = arith.constant 0 : i32
      %scan3A_80 = arith.constant 0 : i32
      %scan3A_81 = arith.constant 17 : i32
      %scan3A_82 = arith.addi %scan3A_80, %scan3A_81 : i32
      %scan3A_83 = arith.constant 1 : i32
      scf.for %scan3A_85 = %scan3A_80 to %scan3A_82 step %scan3A_83  : i32 {
        %mul3A_86 = arith.constant 6 : i32
        %mul3A_87 = arith.muli %scan3A_85, %mul3A_86 : i32
        %add3A_88 = arith.constant 0 : i32
        %add3A_89 = arith.addi %mul3A_87, %add3A_88 : i32
        %dma_wait3A = arith.constant 0 : i32
        %dma_wait3A_90 = tpu.memref_slice %arg6[%add3A_89, %dma_wait3A] : memref<102x128xi32, #tpu.memory_space<vmem>> -> memref<1x128xi32, #tpu.memory_space<vmem>>
        %dma_wait3A_91 = tpu.memref_squeeze %dma_wait3A_90 : memref<1x128xi32, #tpu.memory_space<vmem>> -> memref<128xi32, #tpu.memory_space<vmem>>
        %dma_wait3A_92 = arith.constant 0 : i32
        %dma_wait3A_93 = arith.constant 0 : i32
        %dma_wait3A_94 = tpu.memref_slice %arg2[%dma_wait3A_92, %dma_wait3A_93] : memref<10240x64xf32, #tpu.memory_space<hbm>> -> memref<10240x64xf32, #tpu.memory_space<hbm>>
        tpu.wait_indirect_dma semaphore(%arg16 : memref<!tpu.dma_semaphore, #tpu.memory_space<semaphore_mem>>) src(%dma_wait3A_94 : memref<10240x64xf32, #tpu.memory_space<hbm>>) dst(%arg8 : memref<128x64xf32, #tpu.memory_space<vmem>>)
        "tpu.region"() ({
          %run_scoped3A = tpu.sem_alloc : memref<!tpu.dma_semaphore, #tpu.memory_space<semaphore_mem>>
          %dma_start3A_188 = arith.constant 0 : i32
          %dma_start3A_189 = tpu.memref_slice %arg7[%add3A_89, %dma_start3A_188] : memref<102x128xi32, #tpu.memory_space<vmem>> -> memref<1x128xi32, #tpu.memory_space<vmem>>
          %dma_start3A_190 = tpu.memref_squeeze %dma_start3A_189 : memref<1x128xi32, #tpu.memory_space<vmem>> -> memref<128xi32, #tpu.memory_space<vmem>>
          %dma_start3A_191 = arith.constant 0 : i32
          %dma_start3A_192 = arith.constant 0 : i32
          %dma_start3A_193 = tpu.memref_slice %arg15[%dma_start3A_191, %dma_start3A_192] : memref<10240x64xf32, #tpu.memory_space<vmem_shared>> -> memref<10240x64xf32, #tpu.memory_space<vmem_shared>>
          tpu.enqueue_indirect_dma source(%arg8 : memref<128x64xf32, #tpu.memory_space<vmem>>) target(%dma_start3A_193 : memref<10240x64xf32, #tpu.memory_space<vmem_shared>>) offsets(%dma_start3A_190 : memref<128xi32, #tpu.memory_space<vmem>>) semaphore(%run_scoped3A : memref<!tpu.dma_semaphore, #tpu.memory_space<semaphore_mem>>) {add = true}
          %dma_wait3A_194 = arith.constant 0 : i32
          %dma_wait3A_195 = tpu.memref_slice %arg7[%add3A_89, %dma_wait3A_194] : memref<102x128xi32, #tpu.memory_space<vmem>> -> memref<1x128xi32, #tpu.memory_space<vmem>>
          %dma_wait3A_196 = tpu.memref_squeeze %dma_wait3A_195 : memref<1x128xi32, #tpu.memory_space<vmem>> -> memref<128xi32, #tpu.memory_space<vmem>>
          %dma_wait3A_197 = arith.constant 0 : i32
          %dma_wait3A_198 = arith.constant 0 : i32
          %dma_wait3A_199 = tpu.memref_slice %arg15[%dma_wait3A_197, %dma_wait3A_198] : memref<10240x64xf32, #tpu.memory_space<vmem_shared>> -> memref<10240x64xf32, #tpu.memory_space<vmem_shared>>
          tpu.wait_indirect_dma semaphore(%run_scoped3A : memref<!tpu.dma_semaphore, #tpu.memory_space<semaphore_mem>>) src(%arg8 : memref<128x64xf32, #tpu.memory_space<vmem>>) dst(%dma_wait3A_199 : memref<10240x64xf32, #tpu.memory_space<vmem_shared>>)
          tpu.yield
        }) : () -> ()
        %add3A_95 = arith.constant 6 : i32
        %add3A_96 = arith.addi %add3A_89, %add3A_95 : i32
        %lt3A = arith.constant 102 : i32
        %lt3A_97 = arith.cmpi slt, %add3A_96, %lt3A : i32
        %add3A_98 = arith.constant 6 : i32
        %add3A_99 = arith.addi %add3A_89, %add3A_98 : i32
        %convert_element_type3A_100 = arith.extui %lt3A_97 : i1 to i32
        %cond3A_101 = arith.constant 0 : i32
        %cond3A_102 = arith.cmpi ne, %convert_element_type3A_100, %cond3A_101 : i32
        scf.if %cond3A_102 {
          %dma_start3A_188 = arith.constant 0 : i32
          %dma_start3A_189 = tpu.memref_slice %arg6[%add3A_99, %dma_start3A_188] : memref<102x128xi32, #tpu.memory_space<vmem>> -> memref<1x128xi32, #tpu.memory_space<vmem>>
          %dma_start3A_190 = tpu.memref_squeeze %dma_start3A_189 : memref<1x128xi32, #tpu.memory_space<vmem>> -> memref<128xi32, #tpu.memory_space<vmem>>
          %dma_start3A_191 = arith.constant 0 : i32
          %dma_start3A_192 = arith.constant 0 : i32
          %dma_start3A_193 = tpu.memref_slice %arg2[%dma_start3A_191, %dma_start3A_192] : memref<10240x64xf32, #tpu.memory_space<hbm>> -> memref<10240x64xf32, #tpu.memory_space<hbm>>
          tpu.enqueue_indirect_dma source(%dma_start3A_193 : memref<10240x64xf32, #tpu.memory_space<hbm>>) target(%arg8 : memref<128x64xf32, #tpu.memory_space<vmem>>) offsets(%dma_start3A_190 : memref<128xi32, #tpu.memory_space<vmem>>) semaphore(%arg16 : memref<!tpu.dma_semaphore, #tpu.memory_space<semaphore_mem>>)
        } else {
        }
        %add3A_103 = arith.constant 1 : i32
        %add3A_104 = arith.addi %mul3A_87, %add3A_103 : i32
        %dma_wait3A_105 = arith.constant 0 : i32
        %dma_wait3A_106 = tpu.memref_slice %arg6[%add3A_104, %dma_wait3A_105] : memref<102x128xi32, #tpu.memory_space<vmem>> -> memref<1x128xi32, #tpu.memory_space<vmem>>
        %dma_wait3A_107 = tpu.memref_squeeze %dma_wait3A_106 : memref<1x128xi32, #tpu.memory_space<vmem>> -> memref<128xi32, #tpu.memory_space<vmem>>
        %dma_wait3A_108 = arith.constant 0 : i32
        %dma_wait3A_109 = arith.constant 0 : i32
        %dma_wait3A_110 = tpu.memref_slice %arg2[%dma_wait3A_108, %dma_wait3A_109] : memref<10240x64xf32, #tpu.memory_space<hbm>> -> memref<10240x64xf32, #tpu.memory_space<hbm>>
        tpu.wait_indirect_dma semaphore(%arg17 : memref<!tpu.dma_semaphore, #tpu.memory_space<semaphore_mem>>) src(%dma_wait3A_110 : memref<10240x64xf32, #tpu.memory_space<hbm>>) dst(%arg9 : memref<128x64xf32, #tpu.memory_space<vmem>>)
        "tpu.region"() ({
          %run_scoped3A = tpu.sem_alloc : memref<!tpu.dma_semaphore, #tpu.memory_space<semaphore_mem>>
          %dma_start3A_188 = arith.constant 0 : i32
          %dma_start3A_189 = tpu.memref_slice %arg7[%add3A_104, %dma_start3A_188] : memref<102x128xi32, #tpu.memory_space<vmem>> -> memref<1x128xi32, #tpu.memory_space<vmem>>
          %dma_start3A_190 = tpu.memref_squeeze %dma_start3A_189 : memref<1x128xi32, #tpu.memory_space<vmem>> -> memref<128xi32, #tpu.memory_space<vmem>>
          %dma_start3A_191 = arith.constant 0 : i32
          %dma_start3A_192 = arith.constant 0 : i32
          %dma_start3A_193 = tpu.memref_slice %arg15[%dma_start3A_191, %dma_start3A_192] : memref<10240x64xf32, #tpu.memory_space<vmem_shared>> -> memref<10240x64xf32, #tpu.memory_space<vmem_shared>>
          tpu.enqueue_indirect_dma source(%arg9 : memref<128x64xf32, #tpu.memory_space<vmem>>) target(%dma_start3A_193 : memref<10240x64xf32, #tpu.memory_space<vmem_shared>>) offsets(%dma_start3A_190 : memref<128xi32, #tpu.memory_space<vmem>>) semaphore(%run_scoped3A : memref<!tpu.dma_semaphore, #tpu.memory_space<semaphore_mem>>) {add = true}
          %dma_wait3A_194 = arith.constant 0 : i32
          %dma_wait3A_195 = tpu.memref_slice %arg7[%add3A_104, %dma_wait3A_194] : memref<102x128xi32, #tpu.memory_space<vmem>> -> memref<1x128xi32, #tpu.memory_space<vmem>>
          %dma_wait3A_196 = tpu.memref_squeeze %dma_wait3A_195 : memref<1x128xi32, #tpu.memory_space<vmem>> -> memref<128xi32, #tpu.memory_space<vmem>>
          %dma_wait3A_197 = arith.constant 0 : i32
          %dma_wait3A_198 = arith.constant 0 : i32
          %dma_wait3A_199 = tpu.memref_slice %arg15[%dma_wait3A_197, %dma_wait3A_198] : memref<10240x64xf32, #tpu.memory_space<vmem_shared>> -> memref<10240x64xf32, #tpu.memory_space<vmem_shared>>
          tpu.wait_indirect_dma semaphore(%run_scoped3A : memref<!tpu.dma_semaphore, #tpu.memory_space<semaphore_mem>>) src(%arg9 : memref<128x64xf32, #tpu.memory_space<vmem>>) dst(%dma_wait3A_199 : memref<10240x64xf32, #tpu.memory_space<vmem_shared>>)
          tpu.yield
        }) : () -> ()
        %add3A_111 = arith.constant 6 : i32
        %add3A_112 = arith.addi %add3A_104, %add3A_111 : i32
        %lt3A_113 = arith.constant 102 : i32
        %lt3A_114 = arith.cmpi slt, %add3A_112, %lt3A_113 : i32
        %add3A_115 = arith.constant 6 : i32
        %add3A_116 = arith.addi %add3A_104, %add3A_115 : i32
        %convert_element_type3A_117 = arith.extui %lt3A_114 : i1 to i32
        %cond3A_118 = arith.constant 0 : i32
        %cond3A_119 = arith.cmpi ne, %convert_element_type3A_117, %cond3A_118 : i32
        scf.if %cond3A_119 {
          %dma_start3A_188 = arith.constant 0 : i32
          %dma_start3A_189 = tpu.memref_slice %arg6[%add3A_116, %dma_start3A_188] : memref<102x128xi32, #tpu.memory_space<vmem>> -> memref<1x128xi32, #tpu.memory_space<vmem>>
          %dma_start3A_190 = tpu.memref_squeeze %dma_start3A_189 : memref<1x128xi32, #tpu.memory_space<vmem>> -> memref<128xi32, #tpu.memory_space<vmem>>
          %dma_start3A_191 = arith.constant 0 : i32
          %dma_start3A_192 = arith.constant 0 : i32
          %dma_start3A_193 = tpu.memref_slice %arg2[%dma_start3A_191, %dma_start3A_192] : memref<10240x64xf32, #tpu.memory_space<hbm>> -> memref<10240x64xf32, #tpu.memory_space<hbm>>
          tpu.enqueue_indirect_dma source(%dma_start3A_193 : memref<10240x64xf32, #tpu.memory_space<hbm>>) target(%arg9 : memref<128x64xf32, #tpu.memory_space<vmem>>) offsets(%dma_start3A_190 : memref<128xi32, #tpu.memory_space<vmem>>) semaphore(%arg17 : memref<!tpu.dma_semaphore, #tpu.memory_space<semaphore_mem>>)
        } else {
        }
        %add3A_120 = arith.constant 2 : i32
        %add3A_121 = arith.addi %mul3A_87, %add3A_120 : i32
        %dma_wait3A_122 = arith.constant 0 : i32
        %dma_wait3A_123 = tpu.memref_slice %arg6[%add3A_121, %dma_wait3A_122] : memref<102x128xi32, #tpu.memory_space<vmem>> -> memref<1x128xi32, #tpu.memory_space<vmem>>
        %dma_wait3A_124 = tpu.memref_squeeze %dma_wait3A_123 : memref<1x128xi32, #tpu.memory_space<vmem>> -> memref<128xi32, #tpu.memory_space<vmem>>
        %dma_wait3A_125 = arith.constant 0 : i32
        %dma_wait3A_126 = arith.constant 0 : i32
        %dma_wait3A_127 = tpu.memref_slice %arg2[%dma_wait3A_125, %dma_wait3A_126] : memref<10240x64xf32, #tpu.memory_space<hbm>> -> memref<10240x64xf32, #tpu.memory_space<hbm>>
        tpu.wait_indirect_dma semaphore(%arg18 : memref<!tpu.dma_semaphore, #tpu.memory_space<semaphore_mem>>) src(%dma_wait3A_127 : memref<10240x64xf32, #tpu.memory_space<hbm>>) dst(%arg10 : memref<128x64xf32, #tpu.memory_space<vmem>>)
        "tpu.region"() ({
          %run_scoped3A = tpu.sem_alloc : memref<!tpu.dma_semaphore, #tpu.memory_space<semaphore_mem>>
          %dma_start3A_188 = arith.constant 0 : i32
          %dma_start3A_189 = tpu.memref_slice %arg7[%add3A_121, %dma_start3A_188] : memref<102x128xi32, #tpu.memory_space<vmem>> -> memref<1x128xi32, #tpu.memory_space<vmem>>
          %dma_start3A_190 = tpu.memref_squeeze %dma_start3A_189 : memref<1x128xi32, #tpu.memory_space<vmem>> -> memref<128xi32, #tpu.memory_space<vmem>>
          %dma_start3A_191 = arith.constant 0 : i32
          %dma_start3A_192 = arith.constant 0 : i32
          %dma_start3A_193 = tpu.memref_slice %arg15[%dma_start3A_191, %dma_start3A_192] : memref<10240x64xf32, #tpu.memory_space<vmem_shared>> -> memref<10240x64xf32, #tpu.memory_space<vmem_shared>>
          tpu.enqueue_indirect_dma source(%arg10 : memref<128x64xf32, #tpu.memory_space<vmem>>) target(%dma_start3A_193 : memref<10240x64xf32, #tpu.memory_space<vmem_shared>>) offsets(%dma_start3A_190 : memref<128xi32, #tpu.memory_space<vmem>>) semaphore(%run_scoped3A : memref<!tpu.dma_semaphore, #tpu.memory_space<semaphore_mem>>) {add = true}
          %dma_wait3A_194 = arith.constant 0 : i32
          %dma_wait3A_195 = tpu.memref_slice %arg7[%add3A_121, %dma_wait3A_194] : memref<102x128xi32, #tpu.memory_space<vmem>> -> memref<1x128xi32, #tpu.memory_space<vmem>>
          %dma_wait3A_196 = tpu.memref_squeeze %dma_wait3A_195 : memref<1x128xi32, #tpu.memory_space<vmem>> -> memref<128xi32, #tpu.memory_space<vmem>>
          %dma_wait3A_197 = arith.constant 0 : i32
          %dma_wait3A_198 = arith.constant 0 : i32
          %dma_wait3A_199 = tpu.memref_slice %arg15[%dma_wait3A_197, %dma_wait3A_198] : memref<10240x64xf32, #tpu.memory_space<vmem_shared>> -> memref<10240x64xf32, #tpu.memory_space<vmem_shared>>
          tpu.wait_indirect_dma semaphore(%run_scoped3A : memref<!tpu.dma_semaphore, #tpu.memory_space<semaphore_mem>>) src(%arg10 : memref<128x64xf32, #tpu.memory_space<vmem>>) dst(%dma_wait3A_199 : memref<10240x64xf32, #tpu.memory_space<vmem_shared>>)
          tpu.yield
        }) : () -> ()
        %add3A_128 = arith.constant 6 : i32
        %add3A_129 = arith.addi %add3A_121, %add3A_128 : i32
        %lt3A_130 = arith.constant 102 : i32
        %lt3A_131 = arith.cmpi slt, %add3A_129, %lt3A_130 : i32
        %add3A_132 = arith.constant 6 : i32
        %add3A_133 = arith.addi %add3A_121, %add3A_132 : i32
        %convert_element_type3A_134 = arith.extui %lt3A_131 : i1 to i32
        %cond3A_135 = arith.constant 0 : i32
        %cond3A_136 = arith.cmpi ne, %convert_element_type3A_134, %cond3A_135 : i32
        scf.if %cond3A_136 {
          %dma_start3A_188 = arith.constant 0 : i32
          %dma_start3A_189 = tpu.memref_slice %arg6[%add3A_133, %dma_start3A_188] : memref<102x128xi32, #tpu.memory_space<vmem>> -> memref<1x128xi32, #tpu.memory_space<vmem>>
          %dma_start3A_190 = tpu.memref_squeeze %dma_start3A_189 : memref<1x128xi32, #tpu.memory_space<vmem>> -> memref<128xi32, #tpu.memory_space<vmem>>
          %dma_start3A_191 = arith.constant 0 : i32
          %dma_start3A_192 = arith.constant 0 : i32
          %dma_start3A_193 = tpu.memref_slice %arg2[%dma_start3A_191, %dma_start3A_192] : memref<10240x64xf32, #tpu.memory_space<hbm>> -> memref<10240x64xf32, #tpu.memory_space<hbm>>
          tpu.enqueue_indirect_dma source(%dma_start3A_193 : memref<10240x64xf32, #tpu.memory_space<hbm>>) target(%arg10 : memref<128x64xf32, #tpu.memory_space<vmem>>) offsets(%dma_start3A_190 : memref<128xi32, #tpu.memory_space<vmem>>) semaphore(%arg18 : memref<!tpu.dma_semaphore, #tpu.memory_space<semaphore_mem>>)
        } else {
        }
        %add3A_137 = arith.constant 3 : i32
        %add3A_138 = arith.addi %mul3A_87, %add3A_137 : i32
        %dma_wait3A_139 = arith.constant 0 : i32
        %dma_wait3A_140 = tpu.memref_slice %arg6[%add3A_138, %dma_wait3A_139] : memref<102x128xi32, #tpu.memory_space<vmem>> -> memref<1x128xi32, #tpu.memory_space<vmem>>
        %dma_wait3A_141 = tpu.memref_squeeze %dma_wait3A_140 : memref<1x128xi32, #tpu.memory_space<vmem>> -> memref<128xi32, #tpu.memory_space<vmem>>
        %dma_wait3A_142 = arith.constant 0 : i32
        %dma_wait3A_143 = arith.constant 0 : i32
        %dma_wait3A_144 = tpu.memref_slice %arg2[%dma_wait3A_142, %dma_wait3A_143] : memref<10240x64xf32, #tpu.memory_space<hbm>> -> memref<10240x64xf32, #tpu.memory_space<hbm>>
        tpu.wait_indirect_dma semaphore(%arg19 : memref<!tpu.dma_semaphore, #tpu.memory_space<semaphore_mem>>) src(%dma_wait3A_144 : memref<10240x64xf32, #tpu.memory_space<hbm>>) dst(%arg11 : memref<128x64xf32, #tpu.memory_space<vmem>>)
        "tpu.region"() ({
          %run_scoped3A = tpu.sem_alloc : memref<!tpu.dma_semaphore, #tpu.memory_space<semaphore_mem>>
          %dma_start3A_188 = arith.constant 0 : i32
          %dma_start3A_189 = tpu.memref_slice %arg7[%add3A_138, %dma_start3A_188] : memref<102x128xi32, #tpu.memory_space<vmem>> -> memref<1x128xi32, #tpu.memory_space<vmem>>
          %dma_start3A_190 = tpu.memref_squeeze %dma_start3A_189 : memref<1x128xi32, #tpu.memory_space<vmem>> -> memref<128xi32, #tpu.memory_space<vmem>>
          %dma_start3A_191 = arith.constant 0 : i32
          %dma_start3A_192 = arith.constant 0 : i32
          %dma_start3A_193 = tpu.memref_slice %arg15[%dma_start3A_191, %dma_start3A_192] : memref<10240x64xf32, #tpu.memory_space<vmem_shared>> -> memref<10240x64xf32, #tpu.memory_space<vmem_shared>>
          tpu.enqueue_indirect_dma source(%arg11 : memref<128x64xf32, #tpu.memory_space<vmem>>) target(%dma_start3A_193 : memref<10240x64xf32, #tpu.memory_space<vmem_shared>>) offsets(%dma_start3A_190 : memref<128xi32, #tpu.memory_space<vmem>>) semaphore(%run_scoped3A : memref<!tpu.dma_semaphore, #tpu.memory_space<semaphore_mem>>) {add = true}
          %dma_wait3A_194 = arith.constant 0 : i32
          %dma_wait3A_195 = tpu.memref_slice %arg7[%add3A_138, %dma_wait3A_194] : memref<102x128xi32, #tpu.memory_space<vmem>> -> memref<1x128xi32, #tpu.memory_space<vmem>>
          %dma_wait3A_196 = tpu.memref_squeeze %dma_wait3A_195 : memref<1x128xi32, #tpu.memory_space<vmem>> -> memref<128xi32, #tpu.memory_space<vmem>>
          %dma_wait3A_197 = arith.constant 0 : i32
          %dma_wait3A_198 = arith.constant 0 : i32
          %dma_wait3A_199 = tpu.memref_slice %arg15[%dma_wait3A_197, %dma_wait3A_198] : memref<10240x64xf32, #tpu.memory_space<vmem_shared>> -> memref<10240x64xf32, #tpu.memory_space<vmem_shared>>
          tpu.wait_indirect_dma semaphore(%run_scoped3A : memref<!tpu.dma_semaphore, #tpu.memory_space<semaphore_mem>>) src(%arg11 : memref<128x64xf32, #tpu.memory_space<vmem>>) dst(%dma_wait3A_199 : memref<10240x64xf32, #tpu.memory_space<vmem_shared>>)
          tpu.yield
        }) : () -> ()
        %add3A_145 = arith.constant 6 : i32
        %add3A_146 = arith.addi %add3A_138, %add3A_145 : i32
        %lt3A_147 = arith.constant 102 : i32
        %lt3A_148 = arith.cmpi slt, %add3A_146, %lt3A_147 : i32
        %add3A_149 = arith.constant 6 : i32
        %add3A_150 = arith.addi %add3A_138, %add3A_149 : i32
        %convert_element_type3A_151 = arith.extui %lt3A_148 : i1 to i32
        %cond3A_152 = arith.constant 0 : i32
        %cond3A_153 = arith.cmpi ne, %convert_element_type3A_151, %cond3A_152 : i32
        scf.if %cond3A_153 {
          %dma_start3A_188 = arith.constant 0 : i32
          %dma_start3A_189 = tpu.memref_slice %arg6[%add3A_150, %dma_start3A_188] : memref<102x128xi32, #tpu.memory_space<vmem>> -> memref<1x128xi32, #tpu.memory_space<vmem>>
          %dma_start3A_190 = tpu.memref_squeeze %dma_start3A_189 : memref<1x128xi32, #tpu.memory_space<vmem>> -> memref<128xi32, #tpu.memory_space<vmem>>
          %dma_start3A_191 = arith.constant 0 : i32
          %dma_start3A_192 = arith.constant 0 : i32
          %dma_start3A_193 = tpu.memref_slice %arg2[%dma_start3A_191, %dma_start3A_192] : memref<10240x64xf32, #tpu.memory_space<hbm>> -> memref<10240x64xf32, #tpu.memory_space<hbm>>
          tpu.enqueue_indirect_dma source(%dma_start3A_193 : memref<10240x64xf32, #tpu.memory_space<hbm>>) target(%arg11 : memref<128x64xf32, #tpu.memory_space<vmem>>) offsets(%dma_start3A_190 : memref<128xi32, #tpu.memory_space<vmem>>) semaphore(%arg19 : memref<!tpu.dma_semaphore, #tpu.memory_space<semaphore_mem>>)
        } else {
        }
        %add3A_154 = arith.constant 4 : i32
        %add3A_155 = arith.addi %mul3A_87, %add3A_154 : i32
        %dma_wait3A_156 = arith.constant 0 : i32
        %dma_wait3A_157 = tpu.memref_slice %arg6[%add3A_155, %dma_wait3A_156] : memref<102x128xi32, #tpu.memory_space<vmem>> -> memref<1x128xi32, #tpu.memory_space<vmem>>
        %dma_wait3A_158 = tpu.memref_squeeze %dma_wait3A_157 : memref<1x128xi32, #tpu.memory_space<vmem>> -> memref<128xi32, #tpu.memory_space<vmem>>
        %dma_wait3A_159 = arith.constant 0 : i32
        %dma_wait3A_160 = arith.constant 0 : i32
        %dma_wait3A_161 = tpu.memref_slice %arg2[%dma_wait3A_159, %dma_wait3A_160] : memref<10240x64xf32, #tpu.memory_space<hbm>> -> memref<10240x64xf32, #tpu.memory_space<hbm>>
        tpu.wait_indirect_dma semaphore(%arg20 : memref<!tpu.dma_semaphore, #tpu.memory_space<semaphore_mem>>) src(%dma_wait3A_161 : memref<10240x64xf32, #tpu.memory_space<hbm>>) dst(%arg12 : memref<128x64xf32, #tpu.memory_space<vmem>>)
        "tpu.region"() ({
          %run_scoped3A = tpu.sem_alloc : memref<!tpu.dma_semaphore, #tpu.memory_space<semaphore_mem>>
          %dma_start3A_188 = arith.constant 0 : i32
          %dma_start3A_189 = tpu.memref_slice %arg7[%add3A_155, %dma_start3A_188] : memref<102x128xi32, #tpu.memory_space<vmem>> -> memref<1x128xi32, #tpu.memory_space<vmem>>
          %dma_start3A_190 = tpu.memref_squeeze %dma_start3A_189 : memref<1x128xi32, #tpu.memory_space<vmem>> -> memref<128xi32, #tpu.memory_space<vmem>>
          %dma_start3A_191 = arith.constant 0 : i32
          %dma_start3A_192 = arith.constant 0 : i32
          %dma_start3A_193 = tpu.memref_slice %arg15[%dma_start3A_191, %dma_start3A_192] : memref<10240x64xf32, #tpu.memory_space<vmem_shared>> -> memref<10240x64xf32, #tpu.memory_space<vmem_shared>>
          tpu.enqueue_indirect_dma source(%arg12 : memref<128x64xf32, #tpu.memory_space<vmem>>) target(%dma_start3A_193 : memref<10240x64xf32, #tpu.memory_space<vmem_shared>>) offsets(%dma_start3A_190 : memref<128xi32, #tpu.memory_space<vmem>>) semaphore(%run_scoped3A : memref<!tpu.dma_semaphore, #tpu.memory_space<semaphore_mem>>) {add = true}
          %dma_wait3A_194 = arith.constant 0 : i32
          %dma_wait3A_195 = tpu.memref_slice %arg7[%add3A_155, %dma_wait3A_194] : memref<102x128xi32, #tpu.memory_space<vmem>> -> memref<1x128xi32, #tpu.memory_space<vmem>>
          %dma_wait3A_196 = tpu.memref_squeeze %dma_wait3A_195 : memref<1x128xi32, #tpu.memory_space<vmem>> -> memref<128xi32, #tpu.memory_space<vmem>>
          %dma_wait3A_197 = arith.constant 0 : i32
          %dma_wait3A_198 = arith.constant 0 : i32
          %dma_wait3A_199 = tpu.memref_slice %arg15[%dma_wait3A_197, %dma_wait3A_198] : memref<10240x64xf32, #tpu.memory_space<vmem_shared>> -> memref<10240x64xf32, #tpu.memory_space<vmem_shared>>
          tpu.wait_indirect_dma semaphore(%run_scoped3A : memref<!tpu.dma_semaphore, #tpu.memory_space<semaphore_mem>>) src(%arg12 : memref<128x64xf32, #tpu.memory_space<vmem>>) dst(%dma_wait3A_199 : memref<10240x64xf32, #tpu.memory_space<vmem_shared>>)
          tpu.yield
        }) : () -> ()
        %add3A_162 = arith.constant 6 : i32
        %add3A_163 = arith.addi %add3A_155, %add3A_162 : i32
        %lt3A_164 = arith.constant 102 : i32
        %lt3A_165 = arith.cmpi slt, %add3A_163, %lt3A_164 : i32
        %add3A_166 = arith.constant 6 : i32
        %add3A_167 = arith.addi %add3A_155, %add3A_166 : i32
        %convert_element_type3A_168 = arith.extui %lt3A_165 : i1 to i32
        %cond3A_169 = arith.constant 0 : i32
        %cond3A_170 = arith.cmpi ne, %convert_element_type3A_168, %cond3A_169 : i32
        scf.if %cond3A_170 {
          %dma_start3A_188 = arith.constant 0 : i32
          %dma_start3A_189 = tpu.memref_slice %arg6[%add3A_167, %dma_start3A_188] : memref<102x128xi32, #tpu.memory_space<vmem>> -> memref<1x128xi32, #tpu.memory_space<vmem>>
          %dma_start3A_190 = tpu.memref_squeeze %dma_start3A_189 : memref<1x128xi32, #tpu.memory_space<vmem>> -> memref<128xi32, #tpu.memory_space<vmem>>
          %dma_start3A_191 = arith.constant 0 : i32
          %dma_start3A_192 = arith.constant 0 : i32
          %dma_start3A_193 = tpu.memref_slice %arg2[%dma_start3A_191, %dma_start3A_192] : memref<10240x64xf32, #tpu.memory_space<hbm>> -> memref<10240x64xf32, #tpu.memory_space<hbm>>
          tpu.enqueue_indirect_dma source(%dma_start3A_193 : memref<10240x64xf32, #tpu.memory_space<hbm>>) target(%arg12 : memref<128x64xf32, #tpu.memory_space<vmem>>) offsets(%dma_start3A_190 : memref<128xi32, #tpu.memory_space<vmem>>) semaphore(%arg20 : memref<!tpu.dma_semaphore, #tpu.memory_space<semaphore_mem>>)
        } else {
        }
        %add3A_171 = arith.constant 5 : i32
        %add3A_172 = arith.addi %mul3A_87, %add3A_171 : i32
        %dma_wait3A_173 = arith.constant 0 : i32
        %dma_wait3A_174 = tpu.memref_slice %arg6[%add3A_172, %dma_wait3A_173] : memref<102x128xi32, #tpu.memory_space<vmem>> -> memref<1x128xi32, #tpu.memory_space<vmem>>
        %dma_wait3A_175 = tpu.memref_squeeze %dma_wait3A_174 : memref<1x128xi32, #tpu.memory_space<vmem>> -> memref<128xi32, #tpu.memory_space<vmem>>
        %dma_wait3A_176 = arith.constant 0 : i32
        %dma_wait3A_177 = arith.constant 0 : i32
        %dma_wait3A_178 = tpu.memref_slice %arg2[%dma_wait3A_176, %dma_wait3A_177] : memref<10240x64xf32, #tpu.memory_space<hbm>> -> memref<10240x64xf32, #tpu.memory_space<hbm>>
        tpu.wait_indirect_dma semaphore(%arg21 : memref<!tpu.dma_semaphore, #tpu.memory_space<semaphore_mem>>) src(%dma_wait3A_178 : memref<10240x64xf32, #tpu.memory_space<hbm>>) dst(%arg13 : memref<128x64xf32, #tpu.memory_space<vmem>>)
        "tpu.region"() ({
          %run_scoped3A = tpu.sem_alloc : memref<!tpu.dma_semaphore, #tpu.memory_space<semaphore_mem>>
          %dma_start3A_188 = arith.constant 0 : i32
          %dma_start3A_189 = tpu.memref_slice %arg7[%add3A_172, %dma_start3A_188] : memref<102x128xi32, #tpu.memory_space<vmem>> -> memref<1x128xi32, #tpu.memory_space<vmem>>
          %dma_start3A_190 = tpu.memref_squeeze %dma_start3A_189 : memref<1x128xi32, #tpu.memory_space<vmem>> -> memref<128xi32, #tpu.memory_space<vmem>>
          %dma_start3A_191 = arith.constant 0 : i32
          %dma_start3A_192 = arith.constant 0 : i32
          %dma_start3A_193 = tpu.memref_slice %arg15[%dma_start3A_191, %dma_start3A_192] : memref<10240x64xf32, #tpu.memory_space<vmem_shared>> -> memref<10240x64xf32, #tpu.memory_space<vmem_shared>>
          tpu.enqueue_indirect_dma source(%arg13 : memref<128x64xf32, #tpu.memory_space<vmem>>) target(%dma_start3A_193 : memref<10240x64xf32, #tpu.memory_space<vmem_shared>>) offsets(%dma_start3A_190 : memref<128xi32, #tpu.memory_space<vmem>>) semaphore(%run_scoped3A : memref<!tpu.dma_semaphore, #tpu.memory_space<semaphore_mem>>) {add = true}
          %dma_wait3A_194 = arith.constant 0 : i32
          %dma_wait3A_195 = tpu.memref_slice %arg7[%add3A_172, %dma_wait3A_194] : memref<102x128xi32, #tpu.memory_space<vmem>> -> memref<1x128xi32, #tpu.memory_space<vmem>>
          %dma_wait3A_196 = tpu.memref_squeeze %dma_wait3A_195 : memref<1x128xi32, #tpu.memory_space<vmem>> -> memref<128xi32, #tpu.memory_space<vmem>>
          %dma_wait3A_197 = arith.constant 0 : i32
          %dma_wait3A_198 = arith.constant 0 : i32
          %dma_wait3A_199 = tpu.memref_slice %arg15[%dma_wait3A_197, %dma_wait3A_198] : memref<10240x64xf32, #tpu.memory_space<vmem_shared>> -> memref<10240x64xf32, #tpu.memory_space<vmem_shared>>
          tpu.wait_indirect_dma semaphore(%run_scoped3A : memref<!tpu.dma_semaphore, #tpu.memory_space<semaphore_mem>>) src(%arg13 : memref<128x64xf32, #tpu.memory_space<vmem>>) dst(%dma_wait3A_199 : memref<10240x64xf32, #tpu.memory_space<vmem_shared>>)
          tpu.yield
        }) : () -> ()
        %add3A_179 = arith.constant 6 : i32
        %add3A_180 = arith.addi %add3A_172, %add3A_179 : i32
        %lt3A_181 = arith.constant 102 : i32
        %lt3A_182 = arith.cmpi slt, %add3A_180, %lt3A_181 : i32
        %add3A_183 = arith.constant 6 : i32
        %add3A_184 = arith.addi %add3A_172, %add3A_183 : i32
        %convert_element_type3A_185 = arith.extui %lt3A_182 : i1 to i32
        %cond3A_186 = arith.constant 0 : i32
        %cond3A_187 = arith.cmpi ne, %convert_element_type3A_185, %cond3A_186 : i32
        scf.if %cond3A_187 {
          %dma_start3A_188 = arith.constant 0 : i32
          %dma_start3A_189 = tpu.memref_slice %arg6[%add3A_184, %dma_start3A_188] : memref<102x128xi32, #tpu.memory_space<vmem>> -> memref<1x128xi32, #tpu.memory_space<vmem>>
          %dma_start3A_190 = tpu.memref_squeeze %dma_start3A_189 : memref<1x128xi32, #tpu.memory_space<vmem>> -> memref<128xi32, #tpu.memory_space<vmem>>
          %dma_start3A_191 = arith.constant 0 : i32
          %dma_start3A_192 = arith.constant 0 : i32
          %dma_start3A_193 = tpu.memref_slice %arg2[%dma_start3A_191, %dma_start3A_192] : memref<10240x64xf32, #tpu.memory_space<hbm>> -> memref<10240x64xf32, #tpu.memory_space<hbm>>
          tpu.enqueue_indirect_dma source(%dma_start3A_193 : memref<10240x64xf32, #tpu.memory_space<hbm>>) target(%arg13 : memref<128x64xf32, #tpu.memory_space<vmem>>) offsets(%dma_start3A_190 : memref<128xi32, #tpu.memory_space<vmem>>) semaphore(%arg21 : memref<!tpu.dma_semaphore, #tpu.memory_space<semaphore_mem>>)
        } else {
        }
      }
      %scan3A_84 = arith.constant 17 : i32
    } else {
    }
    %eq3A_2 = arith.constant 1 : i32
    %eq3A_3 = arith.cmpi eq, %arg0, %eq3A_2 : i32
    %convert_element_type3A_4 = arith.extui %eq3A_3 : i1 to i32
    %cond3A_5 = arith.constant 0 : i32
    %cond3A_6 = arith.cmpi ne, %convert_element_type3A_4, %cond3A_5 : i32
    scf.if %cond3A_6 {
      %mul3A_10 = arith.constant 66 : i32
      %mul3A_11 = arith.muli %arg1, %mul3A_10 : i32
      %add3A = arith.constant 1632 : i32
      %add3A_12 = arith.addi %add3A, %mul3A_11 : i32
      "tpu.region"() ({
        %run_scoped3A = tpu.sem_alloc : memref<!tpu.dma_semaphore, #tpu.memory_space<semaphore_mem>>
        %dma_start3A_87 = arith.constant 0 : i32
        %dma_start3A_88 = arith.constant 0 : i32
        %dma_start3A_89 = tpu.memref_slice %arg6[%dma_start3A_87, %dma_start3A_88] : memref<102x128xi32, #tpu.memory_space<vmem>> -> memref<66x128xi32, #tpu.memory_space<vmem>>
        %dma_start3A_90 = arith.constant 0 : i32
        %dma_start3A_91 = tpu.memref_slice %arg3[%add3A_12, %dma_start3A_90] : memref<2688x128xi32, #tpu.memory_space<hbm>> -> memref<66x128xi32, #tpu.memory_space<hbm>>
        %dma_start3A_92 = arith.constant 0 : i32
        %dma_start3A_93 = arith.constant 0 : i32
        %dma_start3A_94 = tpu.memref_slice %arg6[%dma_start3A_92, %dma_start3A_93] : memref<102x128xi32, #tpu.memory_space<vmem>> -> memref<66x128xi32, #tpu.memory_space<vmem>>
        %dma_start3A_95 = arith.constant 0 : i32
        %dma_start3A_96 = tpu.memref_slice %arg3[%add3A_12, %dma_start3A_95] : memref<2688x128xi32, #tpu.memory_space<hbm>> -> memref<66x128xi32, #tpu.memory_space<hbm>>
        tpu.enqueue_dma source(%dma_start3A_96 : memref<66x128xi32, #tpu.memory_space<hbm>>) target(%dma_start3A_94 : memref<66x128xi32, #tpu.memory_space<vmem>>) target_semaphore(%run_scoped3A : memref<!tpu.dma_semaphore, #tpu.memory_space<semaphore_mem>>)
        %dma_wait3A = arith.constant 0 : i32
        %dma_wait3A_97 = arith.constant 0 : i32
        %dma_wait3A_98 = tpu.memref_slice %arg6[%dma_wait3A, %dma_wait3A_97] : memref<102x128xi32, #tpu.memory_space<vmem>> -> memref<66x128xi32, #tpu.memory_space<vmem>>
        %dma_wait3A_99 = arith.constant 0 : i32
        %dma_wait3A_100 = tpu.memref_slice %arg3[%add3A_12, %dma_wait3A_99] : memref<2688x128xi32, #tpu.memory_space<hbm>> -> memref<66x128xi32, #tpu.memory_space<hbm>>
        %dma_wait3A_101 = arith.constant 0 : i32
        %dma_wait3A_102 = arith.constant 0 : i32
        %dma_wait3A_103 = tpu.memref_slice %arg6[%dma_wait3A_101, %dma_wait3A_102] : memref<102x128xi32, #tpu.memory_space<vmem>> -> memref<66x128xi32, #tpu.memory_space<vmem>>
        %dma_wait3A_104 = arith.constant 0 : i32
        %dma_wait3A_105 = tpu.memref_slice %arg3[%add3A_12, %dma_wait3A_104] : memref<2688x128xi32, #tpu.memory_space<hbm>> -> memref<66x128xi32, #tpu.memory_space<hbm>>
        tpu.wait_dma2 semaphore(%run_scoped3A : memref<!tpu.dma_semaphore, #tpu.memory_space<semaphore_mem>>) src(%dma_wait3A_105 : memref<66x128xi32, #tpu.memory_space<hbm>>) dst(%dma_wait3A_103 : memref<66x128xi32, #tpu.memory_space<vmem>>)
        tpu.yield
      }) : () -> ()
      "tpu.region"() ({
        %run_scoped3A = tpu.sem_alloc : memref<!tpu.dma_semaphore, #tpu.memory_space<semaphore_mem>>
        %dma_start3A_87 = arith.constant 0 : i32
        %dma_start3A_88 = arith.constant 0 : i32
        %dma_start3A_89 = tpu.memref_slice %arg7[%dma_start3A_87, %dma_start3A_88] : memref<102x128xi32, #tpu.memory_space<vmem>> -> memref<66x128xi32, #tpu.memory_space<vmem>>
        %dma_start3A_90 = arith.constant 0 : i32
        %dma_start3A_91 = tpu.memref_slice %arg4[%add3A_12, %dma_start3A_90] : memref<2688x128xi32, #tpu.memory_space<hbm>> -> memref<66x128xi32, #tpu.memory_space<hbm>>
        %dma_start3A_92 = arith.constant 0 : i32
        %dma_start3A_93 = arith.constant 0 : i32
        %dma_start3A_94 = tpu.memref_slice %arg7[%dma_start3A_92, %dma_start3A_93] : memref<102x128xi32, #tpu.memory_space<vmem>> -> memref<66x128xi32, #tpu.memory_space<vmem>>
        %dma_start3A_95 = arith.constant 0 : i32
        %dma_start3A_96 = tpu.memref_slice %arg4[%add3A_12, %dma_start3A_95] : memref<2688x128xi32, #tpu.memory_space<hbm>> -> memref<66x128xi32, #tpu.memory_space<hbm>>
        tpu.enqueue_dma source(%dma_start3A_96 : memref<66x128xi32, #tpu.memory_space<hbm>>) target(%dma_start3A_94 : memref<66x128xi32, #tpu.memory_space<vmem>>) target_semaphore(%run_scoped3A : memref<!tpu.dma_semaphore, #tpu.memory_space<semaphore_mem>>)
        %dma_wait3A = arith.constant 0 : i32
        %dma_wait3A_97 = arith.constant 0 : i32
        %dma_wait3A_98 = tpu.memref_slice %arg7[%dma_wait3A, %dma_wait3A_97] : memref<102x128xi32, #tpu.memory_space<vmem>> -> memref<66x128xi32, #tpu.memory_space<vmem>>
        %dma_wait3A_99 = arith.constant 0 : i32
        %dma_wait3A_100 = tpu.memref_slice %arg4[%add3A_12, %dma_wait3A_99] : memref<2688x128xi32, #tpu.memory_space<hbm>> -> memref<66x128xi32, #tpu.memory_space<hbm>>
        %dma_wait3A_101 = arith.constant 0 : i32
        %dma_wait3A_102 = arith.constant 0 : i32
        %dma_wait3A_103 = tpu.memref_slice %arg7[%dma_wait3A_101, %dma_wait3A_102] : memref<102x128xi32, #tpu.memory_space<vmem>> -> memref<66x128xi32, #tpu.memory_space<vmem>>
        %dma_wait3A_104 = arith.constant 0 : i32
        %dma_wait3A_105 = tpu.memref_slice %arg4[%add3A_12, %dma_wait3A_104] : memref<2688x128xi32, #tpu.memory_space<hbm>> -> memref<66x128xi32, #tpu.memory_space<hbm>>
        tpu.wait_dma2 semaphore(%run_scoped3A : memref<!tpu.dma_semaphore, #tpu.memory_space<semaphore_mem>>) src(%dma_wait3A_105 : memref<66x128xi32, #tpu.memory_space<hbm>>) dst(%dma_wait3A_103 : memref<66x128xi32, #tpu.memory_space<vmem>>)
        tpu.yield
      }) : () -> ()
      %dma_start3A = arith.constant 0 : i32
      %dma_start3A_13 = arith.constant 0 : i32
      %dma_start3A_14 = tpu.memref_slice %arg6[%dma_start3A, %dma_start3A_13] : memref<102x128xi32, #tpu.memory_space<vmem>> -> memref<1x128xi32, #tpu.memory_space<vmem>>
      %dma_start3A_15 = tpu.memref_squeeze %dma_start3A_14 : memref<1x128xi32, #tpu.memory_space<vmem>> -> memref<128xi32, #tpu.memory_space<vmem>>
      %dma_start3A_16 = arith.constant 0 : i32
      %dma_start3A_17 = arith.constant 0 : i32
      %dma_start3A_18 = tpu.memref_slice %arg2[%dma_start3A_16, %dma_start3A_17] : memref<10240x64xf32, #tpu.memory_space<hbm>> -> memref<10240x64xf32, #tpu.memory_space<hbm>>
      tpu.enqueue_indirect_dma source(%dma_start3A_18 : memref<10240x64xf32, #tpu.memory_space<hbm>>) target(%arg8 : memref<128x64xf32, #tpu.memory_space<vmem>>) offsets(%dma_start3A_15 : memref<128xi32, #tpu.memory_space<vmem>>) semaphore(%arg16 : memref<!tpu.dma_semaphore, #tpu.memory_space<semaphore_mem>>)
      %dma_start3A_19 = arith.constant 1 : i32
      %dma_start3A_20 = arith.constant 0 : i32
      %dma_start3A_21 = tpu.memref_slice %arg6[%dma_start3A_19, %dma_start3A_20] : memref<102x128xi32, #tpu.memory_space<vmem>> -> memref<1x128xi32, #tpu.memory_space<vmem>>
      %dma_start3A_22 = tpu.memref_squeeze %dma_start3A_21 : memref<1x128xi32, #tpu.memory_space<vmem>> -> memref<128xi32, #tpu.memory_space<vmem>>
      %dma_start3A_23 = arith.constant 0 : i32
      %dma_start3A_24 = arith.constant 0 : i32
      %dma_start3A_25 = tpu.memref_slice %arg2[%dma_start3A_23, %dma_start3A_24] : memref<10240x64xf32, #tpu.memory_space<hbm>> -> memref<10240x64xf32, #tpu.memory_space<hbm>>
      tpu.enqueue_indirect_dma source(%dma_start3A_25 : memref<10240x64xf32, #tpu.memory_space<hbm>>) target(%arg9 : memref<128x64xf32, #tpu.memory_space<vmem>>) offsets(%dma_start3A_22 : memref<128xi32, #tpu.memory_space<vmem>>) semaphore(%arg17 : memref<!tpu.dma_semaphore, #tpu.memory_space<semaphore_mem>>)
      %dma_start3A_26 = arith.constant 2 : i32
      %dma_start3A_27 = arith.constant 0 : i32
      %dma_start3A_28 = tpu.memref_slice %arg6[%dma_start3A_26, %dma_start3A_27] : memref<102x128xi32, #tpu.memory_space<vmem>> -> memref<1x128xi32, #tpu.memory_space<vmem>>
      %dma_start3A_29 = tpu.memref_squeeze %dma_start3A_28 : memref<1x128xi32, #tpu.memory_space<vmem>> -> memref<128xi32, #tpu.memory_space<vmem>>
      %dma_start3A_30 = arith.constant 0 : i32
      %dma_start3A_31 = arith.constant 0 : i32
      %dma_start3A_32 = tpu.memref_slice %arg2[%dma_start3A_30, %dma_start3A_31] : memref<10240x64xf32, #tpu.memory_space<hbm>> -> memref<10240x64xf32, #tpu.memory_space<hbm>>
      tpu.enqueue_indirect_dma source(%dma_start3A_32 : memref<10240x64xf32, #tpu.memory_space<hbm>>) target(%arg10 : memref<128x64xf32, #tpu.memory_space<vmem>>) offsets(%dma_start3A_29 : memref<128xi32, #tpu.memory_space<vmem>>) semaphore(%arg18 : memref<!tpu.dma_semaphore, #tpu.memory_space<semaphore_mem>>)
      %dma_start3A_33 = arith.constant 3 : i32
      %dma_start3A_34 = arith.constant 0 : i32
      %dma_start3A_35 = tpu.memref_slice %arg6[%dma_start3A_33, %dma_start3A_34] : memref<102x128xi32, #tpu.memory_space<vmem>> -> memref<1x128xi32, #tpu.memory_space<vmem>>
      %dma_start3A_36 = tpu.memref_squeeze %dma_start3A_35 : memref<1x128xi32, #tpu.memory_space<vmem>> -> memref<128xi32, #tpu.memory_space<vmem>>
      %dma_start3A_37 = arith.constant 0 : i32
      %dma_start3A_38 = arith.constant 0 : i32
      %dma_start3A_39 = tpu.memref_slice %arg2[%dma_start3A_37, %dma_start3A_38] : memref<10240x64xf32, #tpu.memory_space<hbm>> -> memref<10240x64xf32, #tpu.memory_space<hbm>>
      tpu.enqueue_indirect_dma source(%dma_start3A_39 : memref<10240x64xf32, #tpu.memory_space<hbm>>) target(%arg11 : memref<128x64xf32, #tpu.memory_space<vmem>>) offsets(%dma_start3A_36 : memref<128xi32, #tpu.memory_space<vmem>>) semaphore(%arg19 : memref<!tpu.dma_semaphore, #tpu.memory_space<semaphore_mem>>)
      %dma_start3A_40 = arith.constant 4 : i32
      %dma_start3A_41 = arith.constant 0 : i32
      %dma_start3A_42 = tpu.memref_slice %arg6[%dma_start3A_40, %dma_start3A_41] : memref<102x128xi32, #tpu.memory_space<vmem>> -> memref<1x128xi32, #tpu.memory_space<vmem>>
      %dma_start3A_43 = tpu.memref_squeeze %dma_start3A_42 : memref<1x128xi32, #tpu.memory_space<vmem>> -> memref<128xi32, #tpu.memory_space<vmem>>
      %dma_start3A_44 = arith.constant 0 : i32
      %dma_start3A_45 = arith.constant 0 : i32
      %dma_start3A_46 = tpu.memref_slice %arg2[%dma_start3A_44, %dma_start3A_45] : memref<10240x64xf32, #tpu.memory_space<hbm>> -> memref<10240x64xf32, #tpu.memory_space<hbm>>
      tpu.enqueue_indirect_dma source(%dma_start3A_46 : memref<10240x64xf32, #tpu.memory_space<hbm>>) target(%arg12 : memref<128x64xf32, #tpu.memory_space<vmem>>) offsets(%dma_start3A_43 : memref<128xi32, #tpu.memory_space<vmem>>) semaphore(%arg20 : memref<!tpu.dma_semaphore, #tpu.memory_space<semaphore_mem>>)
      %dma_start3A_47 = arith.constant 5 : i32
      %dma_start3A_48 = arith.constant 0 : i32
      %dma_start3A_49 = tpu.memref_slice %arg6[%dma_start3A_47, %dma_start3A_48] : memref<102x128xi32, #tpu.memory_space<vmem>> -> memref<1x128xi32, #tpu.memory_space<vmem>>
      %dma_start3A_50 = tpu.memref_squeeze %dma_start3A_49 : memref<1x128xi32, #tpu.memory_space<vmem>> -> memref<128xi32, #tpu.memory_space<vmem>>
      %dma_start3A_51 = arith.constant 0 : i32
      %dma_start3A_52 = arith.constant 0 : i32
      %dma_start3A_53 = tpu.memref_slice %arg2[%dma_start3A_51, %dma_start3A_52] : memref<10240x64xf32, #tpu.memory_space<hbm>> -> memref<10240x64xf32, #tpu.memory_space<hbm>>
      tpu.enqueue_indirect_dma source(%dma_start3A_53 : memref<10240x64xf32, #tpu.memory_space<hbm>>) target(%arg13 : memref<128x64xf32, #tpu.memory_space<vmem>>) offsets(%dma_start3A_50 : memref<128xi32, #tpu.memory_space<vmem>>) semaphore(%arg21 : memref<!tpu.dma_semaphore, #tpu.memory_space<semaphore_mem>>)
      %broadcast_in_dim3A = arith.constant 0.000000e+00 : f32
      %broadcast_in_dim3A_54 = vector.broadcast %broadcast_in_dim3A : f32 to vector<16xf32>
      %scan3A = arith.constant 0 : i32
      %scan3A_55 = arith.constant 0 : i32
      %scan3A_56 = arith.constant 128 : i32
      %scan3A_57 = arith.addi %scan3A_55, %scan3A_56 : i32
      %scan3A_58 = arith.constant 1 : i32
      scf.for %scan3A_87 = %scan3A_55 to %scan3A_57 step %scan3A_58  : i32 {
        %swap3A = arith.index_cast %scan3A_87 : i32 to index
        %swap3A_88 = arith.constant 0 : index
        %swap3A_89 = tpu.vector_load %arg14[%swap3A, %swap3A_88] {strides = array<i32>} : memref<128x64xf32, #tpu.memory_space<vmem>>, vector<1x16xf32>,
        %swap3A_90 = vector.shape_cast %swap3A_89 : vector<1x16xf32> to vector<16xf32>
        %swap3A_91 = vector.shape_cast %broadcast_in_dim3A_54 : vector<16xf32> to vector<1x16xf32>
        tpu.vector_store %arg14[%swap3A, %swap3A_88], %swap3A_91 {strides = array<i32>} : memref<128x64xf32, #tpu.memory_space<vmem>>, vector<1x16xf32>,
        %swap3A_92 = arith.index_cast %scan3A_87 : i32 to index
        %swap3A_93 = arith.constant 16 : index
        %swap3A_94 = tpu.vector_load %arg14[%swap3A_92, %swap3A_93] {strides = array<i32>} : memref<128x64xf32, #tpu.memory_space<vmem>>, vector<1x16xf32>,
        %swap3A_95 = vector.shape_cast %swap3A_94 : vector<1x16xf32> to vector<16xf32>
        %swap3A_96 = vector.shape_cast %broadcast_in_dim3A_54 : vector<16xf32> to vector<1x16xf32>
        tpu.vector_store %arg14[%swap3A_92, %swap3A_93], %swap3A_96 {strides = array<i32>} : memref<128x64xf32, #tpu.memory_space<vmem>>, vector<1x16xf32>,
        %swap3A_97 = arith.index_cast %scan3A_87 : i32 to index
        %swap3A_98 = arith.constant 32 : index
        %swap3A_99 = tpu.vector_load %arg14[%swap3A_97, %swap3A_98] {strides = array<i32>} : memref<128x64xf32, #tpu.memory_space<vmem>>, vector<1x16xf32>,
        %swap3A_100 = vector.shape_cast %swap3A_99 : vector<1x16xf32> to vector<16xf32>
        %swap3A_101 = vector.shape_cast %broadcast_in_dim3A_54 : vector<16xf32> to vector<1x16xf32>
        tpu.vector_store %arg14[%swap3A_97, %swap3A_98], %swap3A_101 {strides = array<i32>} : memref<128x64xf32, #tpu.memory_space<vmem>>, vector<1x16xf32>,
        %swap3A_102 = arith.index_cast %scan3A_87 : i32 to index
        %swap3A_103 = arith.constant 48 : index
        %swap3A_104 = tpu.vector_load %arg14[%swap3A_102, %swap3A_103] {strides = array<i32>} : memref<128x64xf32, #tpu.memory_space<vmem>>, vector<1x16xf32>,
        %swap3A_105 = vector.shape_cast %swap3A_104 : vector<1x16xf32> to vector<16xf32>
        %swap3A_106 = vector.shape_cast %broadcast_in_dim3A_54 : vector<16xf32> to vector<1x16xf32>
        tpu.vector_store %arg14[%swap3A_102, %swap3A_103], %swap3A_106 {strides = array<i32>} : memref<128x64xf32, #tpu.memory_space<vmem>>, vector<1x16xf32>,
      }
      %scan3A_59 = arith.constant 128 : i32
      %mul3A_60 = arith.constant 640 : i32
      %mul3A_61 = arith.muli %arg1, %mul3A_60 : i32
      %add3A_62 = arith.constant 0 : i32
      %add3A_63 = arith.addi %mul3A_61, %add3A_62 : i32
      "tpu.region"() ({
        %run_scoped3A = tpu.sem_alloc : memref<!tpu.dma_semaphore, #tpu.memory_space<semaphore_mem>>
        %dma_start3A_87 = arith.constant 0 : i32
        %dma_start3A_88 = tpu.memref_slice %arg15[%add3A_63, %dma_start3A_87] : memref<10240x64xf32, #tpu.memory_space<vmem_shared>> -> memref<128x64xf32, #tpu.memory_space<vmem_shared>>
        %dma_start3A_89 = arith.constant 0 : i32
        %dma_start3A_90 = tpu.memref_slice %arg15[%add3A_63, %dma_start3A_89] : memref<10240x64xf32, #tpu.memory_space<vmem_shared>> -> memref<128x64xf32, #tpu.memory_space<vmem_shared>>
        tpu.enqueue_dma source(%arg14 : memref<128x64xf32, #tpu.memory_space<vmem>>) target(%dma_start3A_90 : memref<128x64xf32, #tpu.memory_space<vmem_shared>>) target_semaphore(%run_scoped3A : memref<!tpu.dma_semaphore, #tpu.memory_space<semaphore_mem>>)
        %dma_wait3A = arith.constant 0 : i32
        %dma_wait3A_91 = tpu.memref_slice %arg15[%add3A_63, %dma_wait3A] : memref<10240x64xf32, #tpu.memory_space<vmem_shared>> -> memref<128x64xf32, #tpu.memory_space<vmem_shared>>
        %dma_wait3A_92 = arith.constant 0 : i32
        %dma_wait3A_93 = tpu.memref_slice %arg15[%add3A_63, %dma_wait3A_92] : memref<10240x64xf32, #tpu.memory_space<vmem_shared>> -> memref<128x64xf32, #tpu.memory_space<vmem_shared>>
        tpu.wait_dma2 semaphore(%run_scoped3A : memref<!tpu.dma_semaphore, #tpu.memory_space<semaphore_mem>>) src(%arg14 : memref<128x64xf32, #tpu.memory_space<vmem>>) dst(%dma_wait3A_93 : memref<128x64xf32, #tpu.memory_space<vmem_shared>>)
        tpu.yield
      }) : () -> ()
      %mul3A_64 = arith.constant 640 : i32
      %mul3A_65 = arith.muli %arg1, %mul3A_64 : i32
      %add3A_66 = arith.constant 128 : i32
      %add3A_67 = arith.addi %mul3A_65, %add3A_66 : i32
      "tpu.region"() ({
        %run_scoped3A = tpu.sem_alloc : memref<!tpu.dma_semaphore, #tpu.memory_space<semaphore_mem>>
        %dma_start3A_87 = arith.constant 0 : i32
        %dma_start3A_88 = tpu.memref_slice %arg15[%add3A_67, %dma_start3A_87] : memref<10240x64xf32, #tpu.memory_space<vmem_shared>> -> memref<128x64xf32, #tpu.memory_space<vmem_shared>>
        %dma_start3A_89 = arith.constant 0 : i32
        %dma_start3A_90 = tpu.memref_slice %arg15[%add3A_67, %dma_start3A_89] : memref<10240x64xf32, #tpu.memory_space<vmem_shared>> -> memref<128x64xf32, #tpu.memory_space<vmem_shared>>
        tpu.enqueue_dma source(%arg14 : memref<128x64xf32, #tpu.memory_space<vmem>>) target(%dma_start3A_90 : memref<128x64xf32, #tpu.memory_space<vmem_shared>>) target_semaphore(%run_scoped3A : memref<!tpu.dma_semaphore, #tpu.memory_space<semaphore_mem>>)
        %dma_wait3A = arith.constant 0 : i32
        %dma_wait3A_91 = tpu.memref_slice %arg15[%add3A_67, %dma_wait3A] : memref<10240x64xf32, #tpu.memory_space<vmem_shared>> -> memref<128x64xf32, #tpu.memory_space<vmem_shared>>
        %dma_wait3A_92 = arith.constant 0 : i32
        %dma_wait3A_93 = tpu.memref_slice %arg15[%add3A_67, %dma_wait3A_92] : memref<10240x64xf32, #tpu.memory_space<vmem_shared>> -> memref<128x64xf32, #tpu.memory_space<vmem_shared>>
        tpu.wait_dma2 semaphore(%run_scoped3A : memref<!tpu.dma_semaphore, #tpu.memory_space<semaphore_mem>>) src(%arg14 : memref<128x64xf32, #tpu.memory_space<vmem>>) dst(%dma_wait3A_93 : memref<128x64xf32, #tpu.memory_space<vmem_shared>>)
        tpu.yield
      }) : () -> ()
      %mul3A_68 = arith.constant 640 : i32
      %mul3A_69 = arith.muli %arg1, %mul3A_68 : i32
      %add3A_70 = arith.constant 256 : i32
      %add3A_71 = arith.addi %mul3A_69, %add3A_70 : i32
      "tpu.region"() ({
        %run_scoped3A = tpu.sem_alloc : memref<!tpu.dma_semaphore, #tpu.memory_space<semaphore_mem>>
        %dma_start3A_87 = arith.constant 0 : i32
        %dma_start3A_88 = tpu.memref_slice %arg15[%add3A_71, %dma_start3A_87] : memref<10240x64xf32, #tpu.memory_space<vmem_shared>> -> memref<128x64xf32, #tpu.memory_space<vmem_shared>>
        %dma_start3A_89 = arith.constant 0 : i32
        %dma_start3A_90 = tpu.memref_slice %arg15[%add3A_71, %dma_start3A_89] : memref<10240x64xf32, #tpu.memory_space<vmem_shared>> -> memref<128x64xf32, #tpu.memory_space<vmem_shared>>
        tpu.enqueue_dma source(%arg14 : memref<128x64xf32, #tpu.memory_space<vmem>>) target(%dma_start3A_90 : memref<128x64xf32, #tpu.memory_space<vmem_shared>>) target_semaphore(%run_scoped3A : memref<!tpu.dma_semaphore, #tpu.memory_space<semaphore_mem>>)
        %dma_wait3A = arith.constant 0 : i32
        %dma_wait3A_91 = tpu.memref_slice %arg15[%add3A_71, %dma_wait3A] : memref<10240x64xf32, #tpu.memory_space<vmem_shared>> -> memref<128x64xf32, #tpu.memory_space<vmem_shared>>
        %dma_wait3A_92 = arith.constant 0 : i32
        %dma_wait3A_93 = tpu.memref_slice %arg15[%add3A_71, %dma_wait3A_92] : memref<10240x64xf32, #tpu.memory_space<vmem_shared>> -> memref<128x64xf32, #tpu.memory_space<vmem_shared>>
        tpu.wait_dma2 semaphore(%run_scoped3A : memref<!tpu.dma_semaphore, #tpu.memory_space<semaphore_mem>>) src(%arg14 : memref<128x64xf32, #tpu.memory_space<vmem>>) dst(%dma_wait3A_93 : memref<128x64xf32, #tpu.memory_space<vmem_shared>>)
        tpu.yield
      }) : () -> ()
      %mul3A_72 = arith.constant 640 : i32
      %mul3A_73 = arith.muli %arg1, %mul3A_72 : i32
      %add3A_74 = arith.constant 384 : i32
      %add3A_75 = arith.addi %mul3A_73, %add3A_74 : i32
      "tpu.region"() ({
        %run_scoped3A = tpu.sem_alloc : memref<!tpu.dma_semaphore, #tpu.memory_space<semaphore_mem>>
        %dma_start3A_87 = arith.constant 0 : i32
        %dma_start3A_88 = tpu.memref_slice %arg15[%add3A_75, %dma_start3A_87] : memref<10240x64xf32, #tpu.memory_space<vmem_shared>> -> memref<128x64xf32, #tpu.memory_space<vmem_shared>>
        %dma_start3A_89 = arith.constant 0 : i32
        %dma_start3A_90 = tpu.memref_slice %arg15[%add3A_75, %dma_start3A_89] : memref<10240x64xf32, #tpu.memory_space<vmem_shared>> -> memref<128x64xf32, #tpu.memory_space<vmem_shared>>
        tpu.enqueue_dma source(%arg14 : memref<128x64xf32, #tpu.memory_space<vmem>>) target(%dma_start3A_90 : memref<128x64xf32, #tpu.memory_space<vmem_shared>>) target_semaphore(%run_scoped3A : memref<!tpu.dma_semaphore, #tpu.memory_space<semaphore_mem>>)
        %dma_wait3A = arith.constant 0 : i32
        %dma_wait3A_91 = tpu.memref_slice %arg15[%add3A_75, %dma_wait3A] : memref<10240x64xf32, #tpu.memory_space<vmem_shared>> -> memref<128x64xf32, #tpu.memory_space<vmem_shared>>
        %dma_wait3A_92 = arith.constant 0 : i32
        %dma_wait3A_93 = tpu.memref_slice %arg15[%add3A_75, %dma_wait3A_92] : memref<10240x64xf32, #tpu.memory_space<vmem_shared>> -> memref<128x64xf32, #tpu.memory_space<vmem_shared>>
        tpu.wait_dma2 semaphore(%run_scoped3A : memref<!tpu.dma_semaphore, #tpu.memory_space<semaphore_mem>>) src(%arg14 : memref<128x64xf32, #tpu.memory_space<vmem>>) dst(%dma_wait3A_93 : memref<128x64xf32, #tpu.memory_space<vmem_shared>>)
        tpu.yield
      }) : () -> ()
      %mul3A_76 = arith.constant 640 : i32
      %mul3A_77 = arith.muli %arg1, %mul3A_76 : i32
      %add3A_78 = arith.constant 512 : i32
      %add3A_79 = arith.addi %mul3A_77, %add3A_78 : i32
      "tpu.region"() ({
        %run_scoped3A = tpu.sem_alloc : memref<!tpu.dma_semaphore, #tpu.memory_space<semaphore_mem>>
        %dma_start3A_87 = arith.constant 0 : i32
        %dma_start3A_88 = tpu.memref_slice %arg15[%add3A_79, %dma_start3A_87] : memref<10240x64xf32, #tpu.memory_space<vmem_shared>> -> memref<128x64xf32, #tpu.memory_space<vmem_shared>>
        %dma_start3A_89 = arith.constant 0 : i32
        %dma_start3A_90 = tpu.memref_slice %arg15[%add3A_79, %dma_start3A_89] : memref<10240x64xf32, #tpu.memory_space<vmem_shared>> -> memref<128x64xf32, #tpu.memory_space<vmem_shared>>
        tpu.enqueue_dma source(%arg14 : memref<128x64xf32, #tpu.memory_space<vmem>>) target(%dma_start3A_90 : memref<128x64xf32, #tpu.memory_space<vmem_shared>>) target_semaphore(%run_scoped3A : memref<!tpu.dma_semaphore, #tpu.memory_space<semaphore_mem>>)
        %dma_wait3A = arith.constant 0 : i32
        %dma_wait3A_91 = tpu.memref_slice %arg15[%add3A_79, %dma_wait3A] : memref<10240x64xf32, #tpu.memory_space<vmem_shared>> -> memref<128x64xf32, #tpu.memory_space<vmem_shared>>
        %dma_wait3A_92 = arith.constant 0 : i32
        %dma_wait3A_93 = tpu.memref_slice %arg15[%add3A_79, %dma_wait3A_92] : memref<10240x64xf32, #tpu.memory_space<vmem_shared>> -> memref<128x64xf32, #tpu.memory_space<vmem_shared>>
        tpu.wait_dma2 semaphore(%run_scoped3A : memref<!tpu.dma_semaphore, #tpu.memory_space<semaphore_mem>>) src(%arg14 : memref<128x64xf32, #tpu.memory_space<vmem>>) dst(%dma_wait3A_93 : memref<128x64xf32, #tpu.memory_space<vmem_shared>>)
        tpu.yield
      }) : () -> ()
      %barrier3A_80 = arith.constant 0 : index
      tpu.barrier barrier_id(%barrier3A_80)
      %scan3A_81 = arith.constant 0 : i32
      %scan3A_82 = arith.constant 0 : i32
      %scan3A_83 = arith.constant 11 : i32
      %scan3A_84 = arith.addi %scan3A_82, %scan3A_83 : i32
      %scan3A_85 = arith.constant 1 : i32
      scf.for %scan3A_87 = %scan3A_82 to %scan3A_84 step %scan3A_85  : i32 {
        %mul3A_88 = arith.constant 6 : i32
        %mul3A_89 = arith.muli %scan3A_87, %mul3A_88 : i32
        %add3A_90 = arith.constant 0 : i32
        %add3A_91 = arith.addi %mul3A_89, %add3A_90 : i32
        %dma_wait3A = arith.constant 0 : i32
        %dma_wait3A_92 = tpu.memref_slice %arg6[%add3A_91, %dma_wait3A] : memref<102x128xi32, #tpu.memory_space<vmem>> -> memref<1x128xi32, #tpu.memory_space<vmem>>
        %dma_wait3A_93 = tpu.memref_squeeze %dma_wait3A_92 : memref<1x128xi32, #tpu.memory_space<vmem>> -> memref<128xi32, #tpu.memory_space<vmem>>
        %dma_wait3A_94 = arith.constant 0 : i32
        %dma_wait3A_95 = arith.constant 0 : i32
        %dma_wait3A_96 = tpu.memref_slice %arg2[%dma_wait3A_94, %dma_wait3A_95] : memref<10240x64xf32, #tpu.memory_space<hbm>> -> memref<10240x64xf32, #tpu.memory_space<hbm>>
        tpu.wait_indirect_dma semaphore(%arg16 : memref<!tpu.dma_semaphore, #tpu.memory_space<semaphore_mem>>) src(%dma_wait3A_96 : memref<10240x64xf32, #tpu.memory_space<hbm>>) dst(%arg8 : memref<128x64xf32, #tpu.memory_space<vmem>>)
        "tpu.region"() ({
          %run_scoped3A = tpu.sem_alloc : memref<!tpu.dma_semaphore, #tpu.memory_space<semaphore_mem>>
          %dma_start3A_190 = arith.constant 0 : i32
          %dma_start3A_191 = tpu.memref_slice %arg7[%add3A_91, %dma_start3A_190] : memref<102x128xi32, #tpu.memory_space<vmem>> -> memref<1x128xi32, #tpu.memory_space<vmem>>
          %dma_start3A_192 = tpu.memref_squeeze %dma_start3A_191 : memref<1x128xi32, #tpu.memory_space<vmem>> -> memref<128xi32, #tpu.memory_space<vmem>>
          %dma_start3A_193 = arith.constant 0 : i32
          %dma_start3A_194 = arith.constant 0 : i32
          %dma_start3A_195 = tpu.memref_slice %arg15[%dma_start3A_193, %dma_start3A_194] : memref<10240x64xf32, #tpu.memory_space<vmem_shared>> -> memref<10240x64xf32, #tpu.memory_space<vmem_shared>>
          tpu.enqueue_indirect_dma source(%arg8 : memref<128x64xf32, #tpu.memory_space<vmem>>) target(%dma_start3A_195 : memref<10240x64xf32, #tpu.memory_space<vmem_shared>>) offsets(%dma_start3A_192 : memref<128xi32, #tpu.memory_space<vmem>>) semaphore(%run_scoped3A : memref<!tpu.dma_semaphore, #tpu.memory_space<semaphore_mem>>) {add = true}
          %dma_wait3A_196 = arith.constant 0 : i32
          %dma_wait3A_197 = tpu.memref_slice %arg7[%add3A_91, %dma_wait3A_196] : memref<102x128xi32, #tpu.memory_space<vmem>> -> memref<1x128xi32, #tpu.memory_space<vmem>>
          %dma_wait3A_198 = tpu.memref_squeeze %dma_wait3A_197 : memref<1x128xi32, #tpu.memory_space<vmem>> -> memref<128xi32, #tpu.memory_space<vmem>>
          %dma_wait3A_199 = arith.constant 0 : i32
          %dma_wait3A_200 = arith.constant 0 : i32
          %dma_wait3A_201 = tpu.memref_slice %arg15[%dma_wait3A_199, %dma_wait3A_200] : memref<10240x64xf32, #tpu.memory_space<vmem_shared>> -> memref<10240x64xf32, #tpu.memory_space<vmem_shared>>
          tpu.wait_indirect_dma semaphore(%run_scoped3A : memref<!tpu.dma_semaphore, #tpu.memory_space<semaphore_mem>>) src(%arg8 : memref<128x64xf32, #tpu.memory_space<vmem>>) dst(%dma_wait3A_201 : memref<10240x64xf32, #tpu.memory_space<vmem_shared>>)
          tpu.yield
        }) : () -> ()
        %add3A_97 = arith.constant 6 : i32
        %add3A_98 = arith.addi %add3A_91, %add3A_97 : i32
        %lt3A = arith.constant 66 : i32
        %lt3A_99 = arith.cmpi slt, %add3A_98, %lt3A : i32
        %add3A_100 = arith.constant 6 : i32
        %add3A_101 = arith.addi %add3A_91, %add3A_100 : i32
        %convert_element_type3A_102 = arith.extui %lt3A_99 : i1 to i32
        %cond3A_103 = arith.constant 0 : i32
        %cond3A_104 = arith.cmpi ne, %convert_element_type3A_102, %cond3A_103 : i32
        scf.if %cond3A_104 {
          %dma_start3A_190 = arith.constant 0 : i32
          %dma_start3A_191 = tpu.memref_slice %arg6[%add3A_101, %dma_start3A_190] : memref<102x128xi32, #tpu.memory_space<vmem>> -> memref<1x128xi32, #tpu.memory_space<vmem>>
          %dma_start3A_192 = tpu.memref_squeeze %dma_start3A_191 : memref<1x128xi32, #tpu.memory_space<vmem>> -> memref<128xi32, #tpu.memory_space<vmem>>
          %dma_start3A_193 = arith.constant 0 : i32
          %dma_start3A_194 = arith.constant 0 : i32
          %dma_start3A_195 = tpu.memref_slice %arg2[%dma_start3A_193, %dma_start3A_194] : memref<10240x64xf32, #tpu.memory_space<hbm>> -> memref<10240x64xf32, #tpu.memory_space<hbm>>
          tpu.enqueue_indirect_dma source(%dma_start3A_195 : memref<10240x64xf32, #tpu.memory_space<hbm>>) target(%arg8 : memref<128x64xf32, #tpu.memory_space<vmem>>) offsets(%dma_start3A_192 : memref<128xi32, #tpu.memory_space<vmem>>) semaphore(%arg16 : memref<!tpu.dma_semaphore, #tpu.memory_space<semaphore_mem>>)
        } else {
        }
        %add3A_105 = arith.constant 1 : i32
        %add3A_106 = arith.addi %mul3A_89, %add3A_105 : i32
        %dma_wait3A_107 = arith.constant 0 : i32
        %dma_wait3A_108 = tpu.memref_slice %arg6[%add3A_106, %dma_wait3A_107] : memref<102x128xi32, #tpu.memory_space<vmem>> -> memref<1x128xi32, #tpu.memory_space<vmem>>
        %dma_wait3A_109 = tpu.memref_squeeze %dma_wait3A_108 : memref<1x128xi32, #tpu.memory_space<vmem>> -> memref<128xi32, #tpu.memory_space<vmem>>
        %dma_wait3A_110 = arith.constant 0 : i32
        %dma_wait3A_111 = arith.constant 0 : i32
        %dma_wait3A_112 = tpu.memref_slice %arg2[%dma_wait3A_110, %dma_wait3A_111] : memref<10240x64xf32, #tpu.memory_space<hbm>> -> memref<10240x64xf32, #tpu.memory_space<hbm>>
        tpu.wait_indirect_dma semaphore(%arg17 : memref<!tpu.dma_semaphore, #tpu.memory_space<semaphore_mem>>) src(%dma_wait3A_112 : memref<10240x64xf32, #tpu.memory_space<hbm>>) dst(%arg9 : memref<128x64xf32, #tpu.memory_space<vmem>>)
        "tpu.region"() ({
          %run_scoped3A = tpu.sem_alloc : memref<!tpu.dma_semaphore, #tpu.memory_space<semaphore_mem>>
          %dma_start3A_190 = arith.constant 0 : i32
          %dma_start3A_191 = tpu.memref_slice %arg7[%add3A_106, %dma_start3A_190] : memref<102x128xi32, #tpu.memory_space<vmem>> -> memref<1x128xi32, #tpu.memory_space<vmem>>
          %dma_start3A_192 = tpu.memref_squeeze %dma_start3A_191 : memref<1x128xi32, #tpu.memory_space<vmem>> -> memref<128xi32, #tpu.memory_space<vmem>>
          %dma_start3A_193 = arith.constant 0 : i32
          %dma_start3A_194 = arith.constant 0 : i32
          %dma_start3A_195 = tpu.memref_slice %arg15[%dma_start3A_193, %dma_start3A_194] : memref<10240x64xf32, #tpu.memory_space<vmem_shared>> -> memref<10240x64xf32, #tpu.memory_space<vmem_shared>>
          tpu.enqueue_indirect_dma source(%arg9 : memref<128x64xf32, #tpu.memory_space<vmem>>) target(%dma_start3A_195 : memref<10240x64xf32, #tpu.memory_space<vmem_shared>>) offsets(%dma_start3A_192 : memref<128xi32, #tpu.memory_space<vmem>>) semaphore(%run_scoped3A : memref<!tpu.dma_semaphore, #tpu.memory_space<semaphore_mem>>) {add = true}
          %dma_wait3A_196 = arith.constant 0 : i32
          %dma_wait3A_197 = tpu.memref_slice %arg7[%add3A_106, %dma_wait3A_196] : memref<102x128xi32, #tpu.memory_space<vmem>> -> memref<1x128xi32, #tpu.memory_space<vmem>>
          %dma_wait3A_198 = tpu.memref_squeeze %dma_wait3A_197 : memref<1x128xi32, #tpu.memory_space<vmem>> -> memref<128xi32, #tpu.memory_space<vmem>>
          %dma_wait3A_199 = arith.constant 0 : i32
          %dma_wait3A_200 = arith.constant 0 : i32
          %dma_wait3A_201 = tpu.memref_slice %arg15[%dma_wait3A_199, %dma_wait3A_200] : memref<10240x64xf32, #tpu.memory_space<vmem_shared>> -> memref<10240x64xf32, #tpu.memory_space<vmem_shared>>
          tpu.wait_indirect_dma semaphore(%run_scoped3A : memref<!tpu.dma_semaphore, #tpu.memory_space<semaphore_mem>>) src(%arg9 : memref<128x64xf32, #tpu.memory_space<vmem>>) dst(%dma_wait3A_201 : memref<10240x64xf32, #tpu.memory_space<vmem_shared>>)
          tpu.yield
        }) : () -> ()
        %add3A_113 = arith.constant 6 : i32
        %add3A_114 = arith.addi %add3A_106, %add3A_113 : i32
        %lt3A_115 = arith.constant 66 : i32
        %lt3A_116 = arith.cmpi slt, %add3A_114, %lt3A_115 : i32
        %add3A_117 = arith.constant 6 : i32
        %add3A_118 = arith.addi %add3A_106, %add3A_117 : i32
        %convert_element_type3A_119 = arith.extui %lt3A_116 : i1 to i32
        %cond3A_120 = arith.constant 0 : i32
        %cond3A_121 = arith.cmpi ne, %convert_element_type3A_119, %cond3A_120 : i32
        scf.if %cond3A_121 {
          %dma_start3A_190 = arith.constant 0 : i32
          %dma_start3A_191 = tpu.memref_slice %arg6[%add3A_118, %dma_start3A_190] : memref<102x128xi32, #tpu.memory_space<vmem>> -> memref<1x128xi32, #tpu.memory_space<vmem>>
          %dma_start3A_192 = tpu.memref_squeeze %dma_start3A_191 : memref<1x128xi32, #tpu.memory_space<vmem>> -> memref<128xi32, #tpu.memory_space<vmem>>
          %dma_start3A_193 = arith.constant 0 : i32
          %dma_start3A_194 = arith.constant 0 : i32
          %dma_start3A_195 = tpu.memref_slice %arg2[%dma_start3A_193, %dma_start3A_194] : memref<10240x64xf32, #tpu.memory_space<hbm>> -> memref<10240x64xf32, #tpu.memory_space<hbm>>
          tpu.enqueue_indirect_dma source(%dma_start3A_195 : memref<10240x64xf32, #tpu.memory_space<hbm>>) target(%arg9 : memref<128x64xf32, #tpu.memory_space<vmem>>) offsets(%dma_start3A_192 : memref<128xi32, #tpu.memory_space<vmem>>) semaphore(%arg17 : memref<!tpu.dma_semaphore, #tpu.memory_space<semaphore_mem>>)
        } else {
        }
        %add3A_122 = arith.constant 2 : i32
        %add3A_123 = arith.addi %mul3A_89, %add3A_122 : i32
        %dma_wait3A_124 = arith.constant 0 : i32
        %dma_wait3A_125 = tpu.memref_slice %arg6[%add3A_123, %dma_wait3A_124] : memref<102x128xi32, #tpu.memory_space<vmem>> -> memref<1x128xi32, #tpu.memory_space<vmem>>
        %dma_wait3A_126 = tpu.memref_squeeze %dma_wait3A_125 : memref<1x128xi32, #tpu.memory_space<vmem>> -> memref<128xi32, #tpu.memory_space<vmem>>
        %dma_wait3A_127 = arith.constant 0 : i32
        %dma_wait3A_128 = arith.constant 0 : i32
        %dma_wait3A_129 = tpu.memref_slice %arg2[%dma_wait3A_127, %dma_wait3A_128] : memref<10240x64xf32, #tpu.memory_space<hbm>> -> memref<10240x64xf32, #tpu.memory_space<hbm>>
        tpu.wait_indirect_dma semaphore(%arg18 : memref<!tpu.dma_semaphore, #tpu.memory_space<semaphore_mem>>) src(%dma_wait3A_129 : memref<10240x64xf32, #tpu.memory_space<hbm>>) dst(%arg10 : memref<128x64xf32, #tpu.memory_space<vmem>>)
        "tpu.region"() ({
          %run_scoped3A = tpu.sem_alloc : memref<!tpu.dma_semaphore, #tpu.memory_space<semaphore_mem>>
          %dma_start3A_190 = arith.constant 0 : i32
          %dma_start3A_191 = tpu.memref_slice %arg7[%add3A_123, %dma_start3A_190] : memref<102x128xi32, #tpu.memory_space<vmem>> -> memref<1x128xi32, #tpu.memory_space<vmem>>
          %dma_start3A_192 = tpu.memref_squeeze %dma_start3A_191 : memref<1x128xi32, #tpu.memory_space<vmem>> -> memref<128xi32, #tpu.memory_space<vmem>>
          %dma_start3A_193 = arith.constant 0 : i32
          %dma_start3A_194 = arith.constant 0 : i32
          %dma_start3A_195 = tpu.memref_slice %arg15[%dma_start3A_193, %dma_start3A_194] : memref<10240x64xf32, #tpu.memory_space<vmem_shared>> -> memref<10240x64xf32, #tpu.memory_space<vmem_shared>>
          tpu.enqueue_indirect_dma source(%arg10 : memref<128x64xf32, #tpu.memory_space<vmem>>) target(%dma_start3A_195 : memref<10240x64xf32, #tpu.memory_space<vmem_shared>>) offsets(%dma_start3A_192 : memref<128xi32, #tpu.memory_space<vmem>>) semaphore(%run_scoped3A : memref<!tpu.dma_semaphore, #tpu.memory_space<semaphore_mem>>) {add = true}
          %dma_wait3A_196 = arith.constant 0 : i32
          %dma_wait3A_197 = tpu.memref_slice %arg7[%add3A_123, %dma_wait3A_196] : memref<102x128xi32, #tpu.memory_space<vmem>> -> memref<1x128xi32, #tpu.memory_space<vmem>>
          %dma_wait3A_198 = tpu.memref_squeeze %dma_wait3A_197 : memref<1x128xi32, #tpu.memory_space<vmem>> -> memref<128xi32, #tpu.memory_space<vmem>>
          %dma_wait3A_199 = arith.constant 0 : i32
          %dma_wait3A_200 = arith.constant 0 : i32
          %dma_wait3A_201 = tpu.memref_slice %arg15[%dma_wait3A_199, %dma_wait3A_200] : memref<10240x64xf32, #tpu.memory_space<vmem_shared>> -> memref<10240x64xf32, #tpu.memory_space<vmem_shared>>
          tpu.wait_indirect_dma semaphore(%run_scoped3A : memref<!tpu.dma_semaphore, #tpu.memory_space<semaphore_mem>>) src(%arg10 : memref<128x64xf32, #tpu.memory_space<vmem>>) dst(%dma_wait3A_201 : memref<10240x64xf32, #tpu.memory_space<vmem_shared>>)
          tpu.yield
        }) : () -> ()
        %add3A_130 = arith.constant 6 : i32
        %add3A_131 = arith.addi %add3A_123, %add3A_130 : i32
        %lt3A_132 = arith.constant 66 : i32
        %lt3A_133 = arith.cmpi slt, %add3A_131, %lt3A_132 : i32
        %add3A_134 = arith.constant 6 : i32
        %add3A_135 = arith.addi %add3A_123, %add3A_134 : i32
        %convert_element_type3A_136 = arith.extui %lt3A_133 : i1 to i32
        %cond3A_137 = arith.constant 0 : i32
        %cond3A_138 = arith.cmpi ne, %convert_element_type3A_136, %cond3A_137 : i32
        scf.if %cond3A_138 {
          %dma_start3A_190 = arith.constant 0 : i32
          %dma_start3A_191 = tpu.memref_slice %arg6[%add3A_135, %dma_start3A_190] : memref<102x128xi32, #tpu.memory_space<vmem>> -> memref<1x128xi32, #tpu.memory_space<vmem>>
          %dma_start3A_192 = tpu.memref_squeeze %dma_start3A_191 : memref<1x128xi32, #tpu.memory_space<vmem>> -> memref<128xi32, #tpu.memory_space<vmem>>
          %dma_start3A_193 = arith.constant 0 : i32
          %dma_start3A_194 = arith.constant 0 : i32
          %dma_start3A_195 = tpu.memref_slice %arg2[%dma_start3A_193, %dma_start3A_194] : memref<10240x64xf32, #tpu.memory_space<hbm>> -> memref<10240x64xf32, #tpu.memory_space<hbm>>
          tpu.enqueue_indirect_dma source(%dma_start3A_195 : memref<10240x64xf32, #tpu.memory_space<hbm>>) target(%arg10 : memref<128x64xf32, #tpu.memory_space<vmem>>) offsets(%dma_start3A_192 : memref<128xi32, #tpu.memory_space<vmem>>) semaphore(%arg18 : memref<!tpu.dma_semaphore, #tpu.memory_space<semaphore_mem>>)
        } else {
        }
        %add3A_139 = arith.constant 3 : i32
        %add3A_140 = arith.addi %mul3A_89, %add3A_139 : i32
        %dma_wait3A_141 = arith.constant 0 : i32
        %dma_wait3A_142 = tpu.memref_slice %arg6[%add3A_140, %dma_wait3A_141] : memref<102x128xi32, #tpu.memory_space<vmem>> -> memref<1x128xi32, #tpu.memory_space<vmem>>
        %dma_wait3A_143 = tpu.memref_squeeze %dma_wait3A_142 : memref<1x128xi32, #tpu.memory_space<vmem>> -> memref<128xi32, #tpu.memory_space<vmem>>
        %dma_wait3A_144 = arith.constant 0 : i32
        %dma_wait3A_145 = arith.constant 0 : i32
        %dma_wait3A_146 = tpu.memref_slice %arg2[%dma_wait3A_144, %dma_wait3A_145] : memref<10240x64xf32, #tpu.memory_space<hbm>> -> memref<10240x64xf32, #tpu.memory_space<hbm>>
        tpu.wait_indirect_dma semaphore(%arg19 : memref<!tpu.dma_semaphore, #tpu.memory_space<semaphore_mem>>) src(%dma_wait3A_146 : memref<10240x64xf32, #tpu.memory_space<hbm>>) dst(%arg11 : memref<128x64xf32, #tpu.memory_space<vmem>>)
        "tpu.region"() ({
          %run_scoped3A = tpu.sem_alloc : memref<!tpu.dma_semaphore, #tpu.memory_space<semaphore_mem>>
          %dma_start3A_190 = arith.constant 0 : i32
          %dma_start3A_191 = tpu.memref_slice %arg7[%add3A_140, %dma_start3A_190] : memref<102x128xi32, #tpu.memory_space<vmem>> -> memref<1x128xi32, #tpu.memory_space<vmem>>
          %dma_start3A_192 = tpu.memref_squeeze %dma_start3A_191 : memref<1x128xi32, #tpu.memory_space<vmem>> -> memref<128xi32, #tpu.memory_space<vmem>>
          %dma_start3A_193 = arith.constant 0 : i32
          %dma_start3A_194 = arith.constant 0 : i32
          %dma_start3A_195 = tpu.memref_slice %arg15[%dma_start3A_193, %dma_start3A_194] : memref<10240x64xf32, #tpu.memory_space<vmem_shared>> -> memref<10240x64xf32, #tpu.memory_space<vmem_shared>>
          tpu.enqueue_indirect_dma source(%arg11 : memref<128x64xf32, #tpu.memory_space<vmem>>) target(%dma_start3A_195 : memref<10240x64xf32, #tpu.memory_space<vmem_shared>>) offsets(%dma_start3A_192 : memref<128xi32, #tpu.memory_space<vmem>>) semaphore(%run_scoped3A : memref<!tpu.dma_semaphore, #tpu.memory_space<semaphore_mem>>) {add = true}
          %dma_wait3A_196 = arith.constant 0 : i32
          %dma_wait3A_197 = tpu.memref_slice %arg7[%add3A_140, %dma_wait3A_196] : memref<102x128xi32, #tpu.memory_space<vmem>> -> memref<1x128xi32, #tpu.memory_space<vmem>>
          %dma_wait3A_198 = tpu.memref_squeeze %dma_wait3A_197 : memref<1x128xi32, #tpu.memory_space<vmem>> -> memref<128xi32, #tpu.memory_space<vmem>>
          %dma_wait3A_199 = arith.constant 0 : i32
          %dma_wait3A_200 = arith.constant 0 : i32
          %dma_wait3A_201 = tpu.memref_slice %arg15[%dma_wait3A_199, %dma_wait3A_200] : memref<10240x64xf32, #tpu.memory_space<vmem_shared>> -> memref<10240x64xf32, #tpu.memory_space<vmem_shared>>
          tpu.wait_indirect_dma semaphore(%run_scoped3A : memref<!tpu.dma_semaphore, #tpu.memory_space<semaphore_mem>>) src(%arg11 : memref<128x64xf32, #tpu.memory_space<vmem>>) dst(%dma_wait3A_201 : memref<10240x64xf32, #tpu.memory_space<vmem_shared>>)
          tpu.yield
        }) : () -> ()
        %add3A_147 = arith.constant 6 : i32
        %add3A_148 = arith.addi %add3A_140, %add3A_147 : i32
        %lt3A_149 = arith.constant 66 : i32
        %lt3A_150 = arith.cmpi slt, %add3A_148, %lt3A_149 : i32
        %add3A_151 = arith.constant 6 : i32
        %add3A_152 = arith.addi %add3A_140, %add3A_151 : i32
        %convert_element_type3A_153 = arith.extui %lt3A_150 : i1 to i32
        %cond3A_154 = arith.constant 0 : i32
        %cond3A_155 = arith.cmpi ne, %convert_element_type3A_153, %cond3A_154 : i32
        scf.if %cond3A_155 {
          %dma_start3A_190 = arith.constant 0 : i32
          %dma_start3A_191 = tpu.memref_slice %arg6[%add3A_152, %dma_start3A_190] : memref<102x128xi32, #tpu.memory_space<vmem>> -> memref<1x128xi32, #tpu.memory_space<vmem>>
          %dma_start3A_192 = tpu.memref_squeeze %dma_start3A_191 : memref<1x128xi32, #tpu.memory_space<vmem>> -> memref<128xi32, #tpu.memory_space<vmem>>
          %dma_start3A_193 = arith.constant 0 : i32
          %dma_start3A_194 = arith.constant 0 : i32
          %dma_start3A_195 = tpu.memref_slice %arg2[%dma_start3A_193, %dma_start3A_194] : memref<10240x64xf32, #tpu.memory_space<hbm>> -> memref<10240x64xf32, #tpu.memory_space<hbm>>
          tpu.enqueue_indirect_dma source(%dma_start3A_195 : memref<10240x64xf32, #tpu.memory_space<hbm>>) target(%arg11 : memref<128x64xf32, #tpu.memory_space<vmem>>) offsets(%dma_start3A_192 : memref<128xi32, #tpu.memory_space<vmem>>) semaphore(%arg19 : memref<!tpu.dma_semaphore, #tpu.memory_space<semaphore_mem>>)
        } else {
        }
        %add3A_156 = arith.constant 4 : i32
        %add3A_157 = arith.addi %mul3A_89, %add3A_156 : i32
        %dma_wait3A_158 = arith.constant 0 : i32
        %dma_wait3A_159 = tpu.memref_slice %arg6[%add3A_157, %dma_wait3A_158] : memref<102x128xi32, #tpu.memory_space<vmem>> -> memref<1x128xi32, #tpu.memory_space<vmem>>
        %dma_wait3A_160 = tpu.memref_squeeze %dma_wait3A_159 : memref<1x128xi32, #tpu.memory_space<vmem>> -> memref<128xi32, #tpu.memory_space<vmem>>
        %dma_wait3A_161 = arith.constant 0 : i32
        %dma_wait3A_162 = arith.constant 0 : i32
        %dma_wait3A_163 = tpu.memref_slice %arg2[%dma_wait3A_161, %dma_wait3A_162] : memref<10240x64xf32, #tpu.memory_space<hbm>> -> memref<10240x64xf32, #tpu.memory_space<hbm>>
        tpu.wait_indirect_dma semaphore(%arg20 : memref<!tpu.dma_semaphore, #tpu.memory_space<semaphore_mem>>) src(%dma_wait3A_163 : memref<10240x64xf32, #tpu.memory_space<hbm>>) dst(%arg12 : memref<128x64xf32, #tpu.memory_space<vmem>>)
        "tpu.region"() ({
          %run_scoped3A = tpu.sem_alloc : memref<!tpu.dma_semaphore, #tpu.memory_space<semaphore_mem>>
          %dma_start3A_190 = arith.constant 0 : i32
          %dma_start3A_191 = tpu.memref_slice %arg7[%add3A_157, %dma_start3A_190] : memref<102x128xi32, #tpu.memory_space<vmem>> -> memref<1x128xi32, #tpu.memory_space<vmem>>
          %dma_start3A_192 = tpu.memref_squeeze %dma_start3A_191 : memref<1x128xi32, #tpu.memory_space<vmem>> -> memref<128xi32, #tpu.memory_space<vmem>>
          %dma_start3A_193 = arith.constant 0 : i32
          %dma_start3A_194 = arith.constant 0 : i32
          %dma_start3A_195 = tpu.memref_slice %arg15[%dma_start3A_193, %dma_start3A_194] : memref<10240x64xf32, #tpu.memory_space<vmem_shared>> -> memref<10240x64xf32, #tpu.memory_space<vmem_shared>>
          tpu.enqueue_indirect_dma source(%arg12 : memref<128x64xf32, #tpu.memory_space<vmem>>) target(%dma_start3A_195 : memref<10240x64xf32, #tpu.memory_space<vmem_shared>>) offsets(%dma_start3A_192 : memref<128xi32, #tpu.memory_space<vmem>>) semaphore(%run_scoped3A : memref<!tpu.dma_semaphore, #tpu.memory_space<semaphore_mem>>) {add = true}
          %dma_wait3A_196 = arith.constant 0 : i32
          %dma_wait3A_197 = tpu.memref_slice %arg7[%add3A_157, %dma_wait3A_196] : memref<102x128xi32, #tpu.memory_space<vmem>> -> memref<1x128xi32, #tpu.memory_space<vmem>>
          %dma_wait3A_198 = tpu.memref_squeeze %dma_wait3A_197 : memref<1x128xi32, #tpu.memory_space<vmem>> -> memref<128xi32, #tpu.memory_space<vmem>>
          %dma_wait3A_199 = arith.constant 0 : i32
          %dma_wait3A_200 = arith.constant 0 : i32
          %dma_wait3A_201 = tpu.memref_slice %arg15[%dma_wait3A_199, %dma_wait3A_200] : memref<10240x64xf32, #tpu.memory_space<vmem_shared>> -> memref<10240x64xf32, #tpu.memory_space<vmem_shared>>
          tpu.wait_indirect_dma semaphore(%run_scoped3A : memref<!tpu.dma_semaphore, #tpu.memory_space<semaphore_mem>>) src(%arg12 : memref<128x64xf32, #tpu.memory_space<vmem>>) dst(%dma_wait3A_201 : memref<10240x64xf32, #tpu.memory_space<vmem_shared>>)
          tpu.yield
        }) : () -> ()
        %add3A_164 = arith.constant 6 : i32
        %add3A_165 = arith.addi %add3A_157, %add3A_164 : i32
        %lt3A_166 = arith.constant 66 : i32
        %lt3A_167 = arith.cmpi slt, %add3A_165, %lt3A_166 : i32
        %add3A_168 = arith.constant 6 : i32
        %add3A_169 = arith.addi %add3A_157, %add3A_168 : i32
        %convert_element_type3A_170 = arith.extui %lt3A_167 : i1 to i32
        %cond3A_171 = arith.constant 0 : i32
        %cond3A_172 = arith.cmpi ne, %convert_element_type3A_170, %cond3A_171 : i32
        scf.if %cond3A_172 {
          %dma_start3A_190 = arith.constant 0 : i32
          %dma_start3A_191 = tpu.memref_slice %arg6[%add3A_169, %dma_start3A_190] : memref<102x128xi32, #tpu.memory_space<vmem>> -> memref<1x128xi32, #tpu.memory_space<vmem>>
          %dma_start3A_192 = tpu.memref_squeeze %dma_start3A_191 : memref<1x128xi32, #tpu.memory_space<vmem>> -> memref<128xi32, #tpu.memory_space<vmem>>
          %dma_start3A_193 = arith.constant 0 : i32
          %dma_start3A_194 = arith.constant 0 : i32
          %dma_start3A_195 = tpu.memref_slice %arg2[%dma_start3A_193, %dma_start3A_194] : memref<10240x64xf32, #tpu.memory_space<hbm>> -> memref<10240x64xf32, #tpu.memory_space<hbm>>
          tpu.enqueue_indirect_dma source(%dma_start3A_195 : memref<10240x64xf32, #tpu.memory_space<hbm>>) target(%arg12 : memref<128x64xf32, #tpu.memory_space<vmem>>) offsets(%dma_start3A_192 : memref<128xi32, #tpu.memory_space<vmem>>) semaphore(%arg20 : memref<!tpu.dma_semaphore, #tpu.memory_space<semaphore_mem>>)
        } else {
        }
        %add3A_173 = arith.constant 5 : i32
        %add3A_174 = arith.addi %mul3A_89, %add3A_173 : i32
        %dma_wait3A_175 = arith.constant 0 : i32
        %dma_wait3A_176 = tpu.memref_slice %arg6[%add3A_174, %dma_wait3A_175] : memref<102x128xi32, #tpu.memory_space<vmem>> -> memref<1x128xi32, #tpu.memory_space<vmem>>
        %dma_wait3A_177 = tpu.memref_squeeze %dma_wait3A_176 : memref<1x128xi32, #tpu.memory_space<vmem>> -> memref<128xi32, #tpu.memory_space<vmem>>
        %dma_wait3A_178 = arith.constant 0 : i32
        %dma_wait3A_179 = arith.constant 0 : i32
        %dma_wait3A_180 = tpu.memref_slice %arg2[%dma_wait3A_178, %dma_wait3A_179] : memref<10240x64xf32, #tpu.memory_space<hbm>> -> memref<10240x64xf32, #tpu.memory_space<hbm>>
        tpu.wait_indirect_dma semaphore(%arg21 : memref<!tpu.dma_semaphore, #tpu.memory_space<semaphore_mem>>) src(%dma_wait3A_180 : memref<10240x64xf32, #tpu.memory_space<hbm>>) dst(%arg13 : memref<128x64xf32, #tpu.memory_space<vmem>>)
        "tpu.region"() ({
          %run_scoped3A = tpu.sem_alloc : memref<!tpu.dma_semaphore, #tpu.memory_space<semaphore_mem>>
          %dma_start3A_190 = arith.constant 0 : i32
          %dma_start3A_191 = tpu.memref_slice %arg7[%add3A_174, %dma_start3A_190] : memref<102x128xi32, #tpu.memory_space<vmem>> -> memref<1x128xi32, #tpu.memory_space<vmem>>
          %dma_start3A_192 = tpu.memref_squeeze %dma_start3A_191 : memref<1x128xi32, #tpu.memory_space<vmem>> -> memref<128xi32, #tpu.memory_space<vmem>>
          %dma_start3A_193 = arith.constant 0 : i32
          %dma_start3A_194 = arith.constant 0 : i32
          %dma_start3A_195 = tpu.memref_slice %arg15[%dma_start3A_193, %dma_start3A_194] : memref<10240x64xf32, #tpu.memory_space<vmem_shared>> -> memref<10240x64xf32, #tpu.memory_space<vmem_shared>>
          tpu.enqueue_indirect_dma source(%arg13 : memref<128x64xf32, #tpu.memory_space<vmem>>) target(%dma_start3A_195 : memref<10240x64xf32, #tpu.memory_space<vmem_shared>>) offsets(%dma_start3A_192 : memref<128xi32, #tpu.memory_space<vmem>>) semaphore(%run_scoped3A : memref<!tpu.dma_semaphore, #tpu.memory_space<semaphore_mem>>) {add = true}
          %dma_wait3A_196 = arith.constant 0 : i32
          %dma_wait3A_197 = tpu.memref_slice %arg7[%add3A_174, %dma_wait3A_196] : memref<102x128xi32, #tpu.memory_space<vmem>> -> memref<1x128xi32, #tpu.memory_space<vmem>>
          %dma_wait3A_198 = tpu.memref_squeeze %dma_wait3A_197 : memref<1x128xi32, #tpu.memory_space<vmem>> -> memref<128xi32, #tpu.memory_space<vmem>>
          %dma_wait3A_199 = arith.constant 0 : i32
          %dma_wait3A_200 = arith.constant 0 : i32
          %dma_wait3A_201 = tpu.memref_slice %arg15[%dma_wait3A_199, %dma_wait3A_200] : memref<10240x64xf32, #tpu.memory_space<vmem_shared>> -> memref<10240x64xf32, #tpu.memory_space<vmem_shared>>
          tpu.wait_indirect_dma semaphore(%run_scoped3A : memref<!tpu.dma_semaphore, #tpu.memory_space<semaphore_mem>>) src(%arg13 : memref<128x64xf32, #tpu.memory_space<vmem>>) dst(%dma_wait3A_201 : memref<10240x64xf32, #tpu.memory_space<vmem_shared>>)
          tpu.yield
        }) : () -> ()
        %add3A_181 = arith.constant 6 : i32
        %add3A_182 = arith.addi %add3A_174, %add3A_181 : i32
        %lt3A_183 = arith.constant 66 : i32
        %lt3A_184 = arith.cmpi slt, %add3A_182, %lt3A_183 : i32
        %add3A_185 = arith.constant 6 : i32
        %add3A_186 = arith.addi %add3A_174, %add3A_185 : i32
        %convert_element_type3A_187 = arith.extui %lt3A_184 : i1 to i32
        %cond3A_188 = arith.constant 0 : i32
        %cond3A_189 = arith.cmpi ne, %convert_element_type3A_187, %cond3A_188 : i32
        scf.if %cond3A_189 {
          %dma_start3A_190 = arith.constant 0 : i32
          %dma_start3A_191 = tpu.memref_slice %arg6[%add3A_186, %dma_start3A_190] : memref<102x128xi32, #tpu.memory_space<vmem>> -> memref<1x128xi32, #tpu.memory_space<vmem>>
          %dma_start3A_192 = tpu.memref_squeeze %dma_start3A_191 : memref<1x128xi32, #tpu.memory_space<vmem>> -> memref<128xi32, #tpu.memory_space<vmem>>
          %dma_start3A_193 = arith.constant 0 : i32
          %dma_start3A_194 = arith.constant 0 : i32
          %dma_start3A_195 = tpu.memref_slice %arg2[%dma_start3A_193, %dma_start3A_194] : memref<10240x64xf32, #tpu.memory_space<hbm>> -> memref<10240x64xf32, #tpu.memory_space<hbm>>
          tpu.enqueue_indirect_dma source(%dma_start3A_195 : memref<10240x64xf32, #tpu.memory_space<hbm>>) target(%arg13 : memref<128x64xf32, #tpu.memory_space<vmem>>) offsets(%dma_start3A_192 : memref<128xi32, #tpu.memory_space<vmem>>) semaphore(%arg21 : memref<!tpu.dma_semaphore, #tpu.memory_space<semaphore_mem>>)
        } else {
        }
      }
      %scan3A_86 = arith.constant 11 : i32
    } else {
    }
    %barrier3A = arith.constant 0 : index
    tpu.barrier barrier_id(%barrier3A)
    %mul3A = arith.constant 640 : i32
    %mul3A_7 = arith.muli %arg1, %mul3A : i32
    %mul3A_8 = arith.constant 640 : i32
    %mul3A_9 = arith.muli %arg1, %mul3A_8 : i32
    "tpu.region"() ({
      %run_scoped3A = tpu.sem_alloc : memref<!tpu.dma_semaphore, #tpu.memory_space<semaphore_mem>>
      %dma_start3A = arith.constant 0 : i32
      %dma_start3A_10 = tpu.memref_slice %arg5[%arg0, %mul3A_9, %dma_start3A] : memref<2x10240x64xf32, #tpu.memory_space<hbm>> -> memref<1x640x64xf32, #tpu.memory_space<hbm>>
      %dma_start3A_11 = tpu.memref_squeeze %dma_start3A_10 : memref<1x640x64xf32, #tpu.memory_space<hbm>> -> memref<640x64xf32, #tpu.memory_space<hbm>>
      %dma_start3A_12 = arith.constant 0 : i32
      %dma_start3A_13 = tpu.memref_slice %arg15[%mul3A_7, %dma_start3A_12] : memref<10240x64xf32, #tpu.memory_space<vmem_shared>> -> memref<640x64xf32, #tpu.memory_space<vmem_shared>>
      tpu.enqueue_dma source(%dma_start3A_13 : memref<640x64xf32, #tpu.memory_space<vmem_shared>>) target(%dma_start3A_11 : memref<640x64xf32, #tpu.memory_space<hbm>>) target_semaphore(%run_scoped3A : memref<!tpu.dma_semaphore, #tpu.memory_space<semaphore_mem>>)
      %dma_wait3A = arith.constant 0 : i32
      %dma_wait3A_14 = tpu.memref_slice %arg5[%arg0, %mul3A_9, %dma_wait3A] : memref<2x10240x64xf32, #tpu.memory_space<hbm>> -> memref<1x640x64xf32, #tpu.memory_space<hbm>>
      %dma_wait3A_15 = tpu.memref_squeeze %dma_wait3A_14 : memref<1x640x64xf32, #tpu.memory_space<hbm>> -> memref<640x64xf32, #tpu.memory_space<hbm>>
      %dma_wait3A_16 = arith.constant 0 : i32
      %dma_wait3A_17 = tpu.memref_slice %arg15[%mul3A_7, %dma_wait3A_16] : memref<10240x64xf32, #tpu.memory_space<vmem_shared>> -> memref<640x64xf32, #tpu.memory_space<vmem_shared>>
      tpu.wait_dma2 semaphore(%run_scoped3A : memref<!tpu.dma_semaphore, #tpu.memory_space<semaphore_mem>>) src(%dma_wait3A_17 : memref<640x64xf32, #tpu.memory_space<vmem_shared>>) dst(%dma_wait3A_15 : memref<640x64xf32, #tpu.memory_space<hbm>>)
      tpu.yield
    }) : () -> ()
    return
  }
}

#map = affine_map<(d0, d1) -> (0, 0)>
#map1 = affine_map<(d0, d1) -> (0, 0, 0)>
module attributes {stable_mosaic.version = 14 : i64} {
  func.func @gcn_sc_degree(%arg0: i32, %arg1: i32, %arg2: memref<2688x128xi32, #tpu.memory_space<hbm>>, %arg3: memref<2x16x10240xf32, #tpu.memory_space<hbm>>, %arg4: memref<84x128xi32, #tpu.memory_space<vmem>>, %arg5: memref<10240xf32, #tpu.memory_space<vmem>>) attributes {dimension_semantics = [#tpu.dimension_semantics<core_parallel>, #tpu.dimension_semantics<subcore_parallel>], iteration_bounds = array<i64: 2, 16>, scalar_prefetch = 0 : i64, scratch_operands = 2 : i64, tpu.core_type = #tpu.core_type<sc_vector_subcore>, window_params = [{transform_indices = #map}, {transform_indices = #map1}]} {
    %mul3A = arith.constant 16 : i32
    %mul3A_0 = arith.muli %arg0, %mul3A : i32
    %add3A = arith.addi %mul3A_0, %arg1 : i32
    %broadcast_in_dim3A = arith.constant 0.000000e+00 : f32
    %broadcast_in_dim3A_1 = vector.broadcast %broadcast_in_dim3A : f32 to vector<16xf32>
    %scan3A = arith.constant 0 : i32
    %scan3A_2 = arith.constant 0 : i32
    %scan3A_3 = arith.constant 640 : i32
    %scan3A_4 = arith.addi %scan3A_2, %scan3A_3 : i32
    %scan3A_5 = arith.constant 1 : i32
    scf.for %scan3A_17 = %scan3A_2 to %scan3A_4 step %scan3A_5  : i32 {
      %mul3A_18 = arith.constant 16 : i32
      %mul3A_19 = arith.muli %scan3A_17, %mul3A_18 : i32
      %swap3A = arith.index_cast %mul3A_19 : i32 to index
      %swap3A_20 = tpu.vector_load %arg5[%swap3A] {strides = array<i32>} : memref<10240xf32, #tpu.memory_space<vmem>>, vector<16xf32>,
      tpu.vector_store %arg5[%swap3A], %broadcast_in_dim3A_1 {strides = array<i32>} : memref<10240xf32, #tpu.memory_space<vmem>>, vector<16xf32>,
    }
    %scan3A_6 = arith.constant 640 : i32
    %mul3A_7 = arith.constant 84 : i32
    %mul3A_8 = arith.muli %add3A, %mul3A_7 : i32
    "tpu.region"() ({
      %run_scoped3A = tpu.sem_alloc : memref<!tpu.dma_semaphore, #tpu.memory_space<semaphore_mem>>
      %dma_start3A = arith.constant 0 : i32
      %dma_start3A_17 = tpu.memref_slice %arg2[%mul3A_8, %dma_start3A] : memref<2688x128xi32, #tpu.memory_space<hbm>> -> memref<84x128xi32, #tpu.memory_space<hbm>>
      %dma_start3A_18 = arith.constant 0 : i32
      %dma_start3A_19 = tpu.memref_slice %arg2[%mul3A_8, %dma_start3A_18] : memref<2688x128xi32, #tpu.memory_space<hbm>> -> memref<84x128xi32, #tpu.memory_space<hbm>>
      tpu.enqueue_dma source(%dma_start3A_19 : memref<84x128xi32, #tpu.memory_space<hbm>>) target(%arg4 : memref<84x128xi32, #tpu.memory_space<vmem>>) target_semaphore(%run_scoped3A : memref<!tpu.dma_semaphore, #tpu.memory_space<semaphore_mem>>)
      %dma_wait3A = arith.constant 0 : i32
      %dma_wait3A_20 = tpu.memref_slice %arg2[%mul3A_8, %dma_wait3A] : memref<2688x128xi32, #tpu.memory_space<hbm>> -> memref<84x128xi32, #tpu.memory_space<hbm>>
      %dma_wait3A_21 = arith.constant 0 : i32
      %dma_wait3A_22 = tpu.memref_slice %arg2[%mul3A_8, %dma_wait3A_21] : memref<2688x128xi32, #tpu.memory_space<hbm>> -> memref<84x128xi32, #tpu.memory_space<hbm>>
      tpu.wait_dma2 semaphore(%run_scoped3A : memref<!tpu.dma_semaphore, #tpu.memory_space<semaphore_mem>>) src(%dma_wait3A_22 : memref<84x128xi32, #tpu.memory_space<hbm>>) dst(%arg4 : memref<84x128xi32, #tpu.memory_space<vmem>>)
      tpu.yield
    }) : () -> ()
    %broadcast_in_dim3A_9 = arith.constant 1.000000e+00 : f32
    %broadcast_in_dim3A_10 = vector.broadcast %broadcast_in_dim3A_9 : f32 to vector<16xf32>
    %scan3A_11 = arith.constant 0 : i32
    %scan3A_12 = arith.constant 0 : i32
    %scan3A_13 = arith.constant 84 : i32
    %scan3A_14 = arith.addi %scan3A_12, %scan3A_13 : i32
    %scan3A_15 = arith.constant 1 : i32
    scf.for %scan3A_17 = %scan3A_12 to %scan3A_14 step %scan3A_15  : i32 {
      %get3A = arith.index_cast %scan3A_17 : i32 to index
      %get3A_18 = arith.constant 0 : index
      %get3A_19 = tpu.vector_load %arg4[%get3A, %get3A_18] {strides = array<i32>} : memref<84x128xi32, #tpu.memory_space<vmem>>, vector<16xi32>,
      tpu.vector_store_idx %arg5[%get3A_19], %broadcast_in_dim3A_10 {add = true} : memref<10240xf32, #tpu.memory_space<vmem>>[vector<16xi32>], vector<16xf32>,
      %get3A_20 = arith.index_cast %scan3A_17 : i32 to index
      %get3A_21 = arith.constant 16 : index
      %get3A_22 = tpu.vector_load %arg4[%get3A_20, %get3A_21] {strides = array<i32>} : memref<84x128xi32, #tpu.memory_space<vmem>>, vector<16xi32>,
      tpu.vector_store_idx %arg5[%get3A_22], %broadcast_in_dim3A_10 {add = true} : memref<10240xf32, #tpu.memory_space<vmem>>[vector<16xi32>], vector<16xf32>,
      %get3A_23 = arith.index_cast %scan3A_17 : i32 to index
      %get3A_24 = arith.constant 32 : index
      %get3A_25 = tpu.vector_load %arg4[%get3A_23, %get3A_24] {strides = array<i32>} : memref<84x128xi32, #tpu.memory_space<vmem>>, vector<16xi32>,
      tpu.vector_store_idx %arg5[%get3A_25], %broadcast_in_dim3A_10 {add = true} : memref<10240xf32, #tpu.memory_space<vmem>>[vector<16xi32>], vector<16xf32>,
      %get3A_26 = arith.index_cast %scan3A_17 : i32 to index
      %get3A_27 = arith.constant 48 : index
      %get3A_28 = tpu.vector_load %arg4[%get3A_26, %get3A_27] {strides = array<i32>} : memref<84x128xi32, #tpu.memory_space<vmem>>, vector<16xi32>,
      tpu.vector_store_idx %arg5[%get3A_28], %broadcast_in_dim3A_10 {add = true} : memref<10240xf32, #tpu.memory_space<vmem>>[vector<16xi32>], vector<16xf32>,
      %get3A_29 = arith.index_cast %scan3A_17 : i32 to index
      %get3A_30 = arith.constant 64 : index
      %get3A_31 = tpu.vector_load %arg4[%get3A_29, %get3A_30] {strides = array<i32>} : memref<84x128xi32, #tpu.memory_space<vmem>>, vector<16xi32>,
      tpu.vector_store_idx %arg5[%get3A_31], %broadcast_in_dim3A_10 {add = true} : memref<10240xf32, #tpu.memory_space<vmem>>[vector<16xi32>], vector<16xf32>,
      %get3A_32 = arith.index_cast %scan3A_17 : i32 to index
      %get3A_33 = arith.constant 80 : index
      %get3A_34 = tpu.vector_load %arg4[%get3A_32, %get3A_33] {strides = array<i32>} : memref<84x128xi32, #tpu.memory_space<vmem>>, vector<16xi32>,
      tpu.vector_store_idx %arg5[%get3A_34], %broadcast_in_dim3A_10 {add = true} : memref<10240xf32, #tpu.memory_space<vmem>>[vector<16xi32>], vector<16xf32>,
      %get3A_35 = arith.index_cast %scan3A_17 : i32 to index
      %get3A_36 = arith.constant 96 : index
      %get3A_37 = tpu.vector_load %arg4[%get3A_35, %get3A_36] {strides = array<i32>} : memref<84x128xi32, #tpu.memory_space<vmem>>, vector<16xi32>,
      tpu.vector_store_idx %arg5[%get3A_37], %broadcast_in_dim3A_10 {add = true} : memref<10240xf32, #tpu.memory_space<vmem>>[vector<16xi32>], vector<16xf32>,
      %get3A_38 = arith.index_cast %scan3A_17 : i32 to index
      %get3A_39 = arith.constant 112 : index
      %get3A_40 = tpu.vector_load %arg4[%get3A_38, %get3A_39] {strides = array<i32>} : memref<84x128xi32, #tpu.memory_space<vmem>>, vector<16xi32>,
      tpu.vector_store_idx %arg5[%get3A_40], %broadcast_in_dim3A_10 {add = true} : memref<10240xf32, #tpu.memory_space<vmem>>[vector<16xi32>], vector<16xf32>,
    }
    %scan3A_16 = arith.constant 84 : i32
    "tpu.region"() ({
      %run_scoped3A = tpu.sem_alloc : memref<!tpu.dma_semaphore, #tpu.memory_space<semaphore_mem>>
      %dma_start3A = arith.constant 0 : i32
      %dma_start3A_17 = tpu.memref_slice %arg3[%arg0, %arg1, %dma_start3A] : memref<2x16x10240xf32, #tpu.memory_space<hbm>> -> memref<1x1x10240xf32, #tpu.memory_space<hbm>>
      %dma_start3A_18 = tpu.memref_squeeze %dma_start3A_17 : memref<1x1x10240xf32, #tpu.memory_space<hbm>> -> memref<10240xf32, #tpu.memory_space<hbm>>
      %dma_start3A_19 = arith.constant 0 : i32
      %dma_start3A_20 = tpu.memref_slice %arg3[%arg0, %arg1, %dma_start3A_19] : memref<2x16x10240xf32, #tpu.memory_space<hbm>> -> memref<1x1x10240xf32, #tpu.memory_space<hbm>>
      %dma_start3A_21 = tpu.memref_squeeze %dma_start3A_20 : memref<1x1x10240xf32, #tpu.memory_space<hbm>> -> memref<10240xf32, #tpu.memory_space<hbm>>
      tpu.enqueue_dma source(%arg5 : memref<10240xf32, #tpu.memory_space<vmem>>) target(%dma_start3A_21 : memref<10240xf32, #tpu.memory_space<hbm>>) target_semaphore(%run_scoped3A : memref<!tpu.dma_semaphore, #tpu.memory_space<semaphore_mem>>)
      %dma_wait3A = arith.constant 0 : i32
      %dma_wait3A_22 = tpu.memref_slice %arg3[%arg0, %arg1, %dma_wait3A] : memref<2x16x10240xf32, #tpu.memory_space<hbm>> -> memref<1x1x10240xf32, #tpu.memory_space<hbm>>
      %dma_wait3A_23 = tpu.memref_squeeze %dma_wait3A_22 : memref<1x1x10240xf32, #tpu.memory_space<hbm>> -> memref<10240xf32, #tpu.memory_space<hbm>>
      %dma_wait3A_24 = arith.constant 0 : i32
      %dma_wait3A_25 = tpu.memref_slice %arg3[%arg0, %arg1, %dma_wait3A_24] : memref<2x16x10240xf32, #tpu.memory_space<hbm>> -> memref<1x1x10240xf32, #tpu.memory_space<hbm>>
      %dma_wait3A_26 = tpu.memref_squeeze %dma_wait3A_25 : memref<1x1x10240xf32, #tpu.memory_space<hbm>> -> memref<10240xf32, #tpu.memory_space<hbm>>
      tpu.wait_dma2 semaphore(%run_scoped3A : memref<!tpu.dma_semaphore, #tpu.memory_space<semaphore_mem>>) src(%arg5 : memref<10240xf32, #tpu.memory_space<vmem>>) dst(%dma_wait3A_26 : memref<10240xf32, #tpu.memory_space<hbm>>)
      tpu.yield
    }) : () -> ()
    return
  }
}

#map = affine_map<(d0, d1) -> (0, 0)>
#map1 = affine_map<(d0, d1) -> (0, 0, 0)>
module attributes {stable_mosaic.version = 14 : i64} {
  func.func @gcn_sc_scatter_d64(%arg0: i32, %arg1: i32, %arg2: memref<10240x64xf32, #tpu.memory_space<hbm>>, %arg3: memref<2688x128xi32, #tpu.memory_space<hbm>>, %arg4: memref<2688x128xi32, #tpu.memory_space<hbm>>, %arg5: memref<2x10240x64xf32, #tpu.memory_space<hbm>>, %arg6: memref<102x128xi32, #tpu.memory_space<vmem>>, %arg7: memref<102x128xi32, #tpu.memory_space<vmem>>, %arg8: memref<128x64xf32, #tpu.memory_space<vmem>>, %arg9: memref<128x64xf32, #tpu.memory_space<vmem>>, %arg10: memref<128x64xf32, #tpu.memory_space<vmem>>, %arg11: memref<128x64xf32, #tpu.memory_space<vmem>>, %arg12: memref<128x64xf32, #tpu.memory_space<vmem>>, %arg13: memref<128x64xf32, #tpu.memory_space<vmem>>, %arg14: memref<128x64xf32, #tpu.memory_space<vmem>>, %arg15: memref<10240x64xf32, #tpu.memory_space<vmem_shared>>, %arg16: memref<!tpu.dma_semaphore, #tpu.memory_space<semaphore_mem>>, %arg17: memref<!tpu.dma_semaphore, #tpu.memory_space<semaphore_mem>>, %arg18: memref<!tpu.dma_semaphore, #tpu.memory_space<semaphore_mem>>, %arg19: memref<!tpu.dma_semaphore, #tpu.memory_space<semaphore_mem>>, %arg20: memref<!tpu.dma_semaphore, #tpu.memory_space<semaphore_mem>>, %arg21: memref<!tpu.dma_semaphore, #tpu.memory_space<semaphore_mem>>) attributes {dimension_semantics = [#tpu.dimension_semantics<core_parallel>, #tpu.dimension_semantics<subcore_parallel>], iteration_bounds = array<i64: 2, 16>, scalar_prefetch = 0 : i64, scratch_operands = 16 : i64, tpu.core_type = #tpu.core_type<sc_vector_subcore>, window_params = [{transform_indices = #map}, {transform_indices = #map}, {transform_indices = #map}, {transform_indices = #map1}]} {
    %eq3A = arith.constant 0 : i32
    %eq3A_0 = arith.cmpi eq, %arg0, %eq3A : i32
    %convert_element_type3A = arith.extui %eq3A_0 : i1 to i32
    %cond3A = arith.constant 0 : i32
    %cond3A_1 = arith.cmpi ne, %convert_element_type3A, %cond3A : i32
    scf.if %cond3A_1 {
      %mul3A_10 = arith.constant 102 : i32
      %mul3A_11 = arith.muli %arg1, %mul3A_10 : i32
      "tpu.region"() ({
        %run_scoped3A = tpu.sem_alloc : memref<!tpu.dma_semaphore, #tpu.memory_space<semaphore_mem>>
        %dma_start3A_85 = arith.constant 0 : i32
        %dma_start3A_86 = arith.constant 0 : i32
        %dma_start3A_87 = tpu.memref_slice %arg6[%dma_start3A_85, %dma_start3A_86] : memref<102x128xi32, #tpu.memory_space<vmem>> -> memref<102x128xi32, #tpu.memory_space<vmem>>
        %dma_start3A_88 = arith.constant 0 : i32
        %dma_start3A_89 = tpu.memref_slice %arg3[%mul3A_11, %dma_start3A_88] : memref<2688x128xi32, #tpu.memory_space<hbm>> -> memref<102x128xi32, #tpu.memory_space<hbm>>
        %dma_start3A_90 = arith.constant 0 : i32
        %dma_start3A_91 = arith.constant 0 : i32
        %dma_start3A_92 = tpu.memref_slice %arg6[%dma_start3A_90, %dma_start3A_91] : memref<102x128xi32, #tpu.memory_space<vmem>> -> memref<102x128xi32, #tpu.memory_space<vmem>>
        %dma_start3A_93 = arith.constant 0 : i32
        %dma_start3A_94 = tpu.memref_slice %arg3[%mul3A_11, %dma_start3A_93] : memref<2688x128xi32, #tpu.memory_space<hbm>> -> memref<102x128xi32, #tpu.memory_space<hbm>>
        tpu.enqueue_dma source(%dma_start3A_94 : memref<102x128xi32, #tpu.memory_space<hbm>>) target(%dma_start3A_92 : memref<102x128xi32, #tpu.memory_space<vmem>>) target_semaphore(%run_scoped3A : memref<!tpu.dma_semaphore, #tpu.memory_space<semaphore_mem>>)
        %dma_wait3A = arith.constant 0 : i32
        %dma_wait3A_95 = arith.constant 0 : i32
        %dma_wait3A_96 = tpu.memref_slice %arg6[%dma_wait3A, %dma_wait3A_95] : memref<102x128xi32, #tpu.memory_space<vmem>> -> memref<102x128xi32, #tpu.memory_space<vmem>>
        %dma_wait3A_97 = arith.constant 0 : i32
        %dma_wait3A_98 = tpu.memref_slice %arg3[%mul3A_11, %dma_wait3A_97] : memref<2688x128xi32, #tpu.memory_space<hbm>> -> memref<102x128xi32, #tpu.memory_space<hbm>>
        %dma_wait3A_99 = arith.constant 0 : i32
        %dma_wait3A_100 = arith.constant 0 : i32
        %dma_wait3A_101 = tpu.memref_slice %arg6[%dma_wait3A_99, %dma_wait3A_100] : memref<102x128xi32, #tpu.memory_space<vmem>> -> memref<102x128xi32, #tpu.memory_space<vmem>>
        %dma_wait3A_102 = arith.constant 0 : i32
        %dma_wait3A_103 = tpu.memref_slice %arg3[%mul3A_11, %dma_wait3A_102] : memref<2688x128xi32, #tpu.memory_space<hbm>> -> memref<102x128xi32, #tpu.memory_space<hbm>>
        tpu.wait_dma2 semaphore(%run_scoped3A : memref<!tpu.dma_semaphore, #tpu.memory_space<semaphore_mem>>) src(%dma_wait3A_103 : memref<102x128xi32, #tpu.memory_space<hbm>>) dst(%dma_wait3A_101 : memref<102x128xi32, #tpu.memory_space<vmem>>)
        tpu.yield
      }) : () -> ()
      "tpu.region"() ({
        %run_scoped3A = tpu.sem_alloc : memref<!tpu.dma_semaphore, #tpu.memory_space<semaphore_mem>>
        %dma_start3A_85 = arith.constant 0 : i32
        %dma_start3A_86 = arith.constant 0 : i32
        %dma_start3A_87 = tpu.memref_slice %arg7[%dma_start3A_85, %dma_start3A_86] : memref<102x128xi32, #tpu.memory_space<vmem>> -> memref<102x128xi32, #tpu.memory_space<vmem>>
        %dma_start3A_88 = arith.constant 0 : i32
        %dma_start3A_89 = tpu.memref_slice %arg4[%mul3A_11, %dma_start3A_88] : memref<2688x128xi32, #tpu.memory_space<hbm>> -> memref<102x128xi32, #tpu.memory_space<hbm>>
        %dma_start3A_90 = arith.constant 0 : i32
        %dma_start3A_91 = arith.constant 0 : i32
        %dma_start3A_92 = tpu.memref_slice %arg7[%dma_start3A_90, %dma_start3A_91] : memref<102x128xi32, #tpu.memory_space<vmem>> -> memref<102x128xi32, #tpu.memory_space<vmem>>
        %dma_start3A_93 = arith.constant 0 : i32
        %dma_start3A_94 = tpu.memref_slice %arg4[%mul3A_11, %dma_start3A_93] : memref<2688x128xi32, #tpu.memory_space<hbm>> -> memref<102x128xi32, #tpu.memory_space<hbm>>
        tpu.enqueue_dma source(%dma_start3A_94 : memref<102x128xi32, #tpu.memory_space<hbm>>) target(%dma_start3A_92 : memref<102x128xi32, #tpu.memory_space<vmem>>) target_semaphore(%run_scoped3A : memref<!tpu.dma_semaphore, #tpu.memory_space<semaphore_mem>>)
        %dma_wait3A = arith.constant 0 : i32
        %dma_wait3A_95 = arith.constant 0 : i32
        %dma_wait3A_96 = tpu.memref_slice %arg7[%dma_wait3A, %dma_wait3A_95] : memref<102x128xi32, #tpu.memory_space<vmem>> -> memref<102x128xi32, #tpu.memory_space<vmem>>
        %dma_wait3A_97 = arith.constant 0 : i32
        %dma_wait3A_98 = tpu.memref_slice %arg4[%mul3A_11, %dma_wait3A_97] : memref<2688x128xi32, #tpu.memory_space<hbm>> -> memref<102x128xi32, #tpu.memory_space<hbm>>
        %dma_wait3A_99 = arith.constant 0 : i32
        %dma_wait3A_100 = arith.constant 0 : i32
        %dma_wait3A_101 = tpu.memref_slice %arg7[%dma_wait3A_99, %dma_wait3A_100] : memref<102x128xi32, #tpu.memory_space<vmem>> -> memref<102x128xi32, #tpu.memory_space<vmem>>
        %dma_wait3A_102 = arith.constant 0 : i32
        %dma_wait3A_103 = tpu.memref_slice %arg4[%mul3A_11, %dma_wait3A_102] : memref<2688x128xi32, #tpu.memory_space<hbm>> -> memref<102x128xi32, #tpu.memory_space<hbm>>
        tpu.wait_dma2 semaphore(%run_scoped3A : memref<!tpu.dma_semaphore, #tpu.memory_space<semaphore_mem>>) src(%dma_wait3A_103 : memref<102x128xi32, #tpu.memory_space<hbm>>) dst(%dma_wait3A_101 : memref<102x128xi32, #tpu.memory_space<vmem>>)
        tpu.yield
      }) : () -> ()
      %dma_start3A = arith.constant 0 : i32
      %dma_start3A_12 = arith.constant 0 : i32
      %dma_start3A_13 = tpu.memref_slice %arg6[%dma_start3A, %dma_start3A_12] : memref<102x128xi32, #tpu.memory_space<vmem>> -> memref<1x128xi32, #tpu.memory_space<vmem>>
      %dma_start3A_14 = tpu.memref_squeeze %dma_start3A_13 : memref<1x128xi32, #tpu.memory_space<vmem>> -> memref<128xi32, #tpu.memory_space<vmem>>
      %dma_start3A_15 = arith.constant 0 : i32
      %dma_start3A_16 = arith.constant 0 : i32
      %dma_start3A_17 = tpu.memref_slice %arg2[%dma_start3A_15, %dma_start3A_16] : memref<10240x64xf32, #tpu.memory_space<hbm>> -> memref<10240x64xf32, #tpu.memory_space<hbm>>
      tpu.enqueue_indirect_dma source(%dma_start3A_17 : memref<10240x64xf32, #tpu.memory_space<hbm>>) target(%arg8 : memref<128x64xf32, #tpu.memory_space<vmem>>) offsets(%dma_start3A_14 : memref<128xi32, #tpu.memory_space<vmem>>) semaphore(%arg16 : memref<!tpu.dma_semaphore, #tpu.memory_space<semaphore_mem>>)
      %dma_start3A_18 = arith.constant 1 : i32
      %dma_start3A_19 = arith.constant 0 : i32
      %dma_start3A_20 = tpu.memref_slice %arg6[%dma_start3A_18, %dma_start3A_19] : memref<102x128xi32, #tpu.memory_space<vmem>> -> memref<1x128xi32, #tpu.memory_space<vmem>>
      %dma_start3A_21 = tpu.memref_squeeze %dma_start3A_20 : memref<1x128xi32, #tpu.memory_space<vmem>> -> memref<128xi32, #tpu.memory_space<vmem>>
      %dma_start3A_22 = arith.constant 0 : i32
      %dma_start3A_23 = arith.constant 0 : i32
      %dma_start3A_24 = tpu.memref_slice %arg2[%dma_start3A_22, %dma_start3A_23] : memref<10240x64xf32, #tpu.memory_space<hbm>> -> memref<10240x64xf32, #tpu.memory_space<hbm>>
      tpu.enqueue_indirect_dma source(%dma_start3A_24 : memref<10240x64xf32, #tpu.memory_space<hbm>>) target(%arg9 : memref<128x64xf32, #tpu.memory_space<vmem>>) offsets(%dma_start3A_21 : memref<128xi32, #tpu.memory_space<vmem>>) semaphore(%arg17 : memref<!tpu.dma_semaphore, #tpu.memory_space<semaphore_mem>>)
      %dma_start3A_25 = arith.constant 2 : i32
      %dma_start3A_26 = arith.constant 0 : i32
      %dma_start3A_27 = tpu.memref_slice %arg6[%dma_start3A_25, %dma_start3A_26] : memref<102x128xi32, #tpu.memory_space<vmem>> -> memref<1x128xi32, #tpu.memory_space<vmem>>
      %dma_start3A_28 = tpu.memref_squeeze %dma_start3A_27 : memref<1x128xi32, #tpu.memory_space<vmem>> -> memref<128xi32, #tpu.memory_space<vmem>>
      %dma_start3A_29 = arith.constant 0 : i32
      %dma_start3A_30 = arith.constant 0 : i32
      %dma_start3A_31 = tpu.memref_slice %arg2[%dma_start3A_29, %dma_start3A_30] : memref<10240x64xf32, #tpu.memory_space<hbm>> -> memref<10240x64xf32, #tpu.memory_space<hbm>>
      tpu.enqueue_indirect_dma source(%dma_start3A_31 : memref<10240x64xf32, #tpu.memory_space<hbm>>) target(%arg10 : memref<128x64xf32, #tpu.memory_space<vmem>>) offsets(%dma_start3A_28 : memref<128xi32, #tpu.memory_space<vmem>>) semaphore(%arg18 : memref<!tpu.dma_semaphore, #tpu.memory_space<semaphore_mem>>)
      %dma_start3A_32 = arith.constant 3 : i32
      %dma_start3A_33 = arith.constant 0 : i32
      %dma_start3A_34 = tpu.memref_slice %arg6[%dma_start3A_32, %dma_start3A_33] : memref<102x128xi32, #tpu.memory_space<vmem>> -> memref<1x128xi32, #tpu.memory_space<vmem>>
      %dma_start3A_35 = tpu.memref_squeeze %dma_start3A_34 : memref<1x128xi32, #tpu.memory_space<vmem>> -> memref<128xi32, #tpu.memory_space<vmem>>
      %dma_start3A_36 = arith.constant 0 : i32
      %dma_start3A_37 = arith.constant 0 : i32
      %dma_start3A_38 = tpu.memref_slice %arg2[%dma_start3A_36, %dma_start3A_37] : memref<10240x64xf32, #tpu.memory_space<hbm>> -> memref<10240x64xf32, #tpu.memory_space<hbm>>
      tpu.enqueue_indirect_dma source(%dma_start3A_38 : memref<10240x64xf32, #tpu.memory_space<hbm>>) target(%arg11 : memref<128x64xf32, #tpu.memory_space<vmem>>) offsets(%dma_start3A_35 : memref<128xi32, #tpu.memory_space<vmem>>) semaphore(%arg19 : memref<!tpu.dma_semaphore, #tpu.memory_space<semaphore_mem>>)
      %dma_start3A_39 = arith.constant 4 : i32
      %dma_start3A_40 = arith.constant 0 : i32
      %dma_start3A_41 = tpu.memref_slice %arg6[%dma_start3A_39, %dma_start3A_40] : memref<102x128xi32, #tpu.memory_space<vmem>> -> memref<1x128xi32, #tpu.memory_space<vmem>>
      %dma_start3A_42 = tpu.memref_squeeze %dma_start3A_41 : memref<1x128xi32, #tpu.memory_space<vmem>> -> memref<128xi32, #tpu.memory_space<vmem>>
      %dma_start3A_43 = arith.constant 0 : i32
      %dma_start3A_44 = arith.constant 0 : i32
      %dma_start3A_45 = tpu.memref_slice %arg2[%dma_start3A_43, %dma_start3A_44] : memref<10240x64xf32, #tpu.memory_space<hbm>> -> memref<10240x64xf32, #tpu.memory_space<hbm>>
      tpu.enqueue_indirect_dma source(%dma_start3A_45 : memref<10240x64xf32, #tpu.memory_space<hbm>>) target(%arg12 : memref<128x64xf32, #tpu.memory_space<vmem>>) offsets(%dma_start3A_42 : memref<128xi32, #tpu.memory_space<vmem>>) semaphore(%arg20 : memref<!tpu.dma_semaphore, #tpu.memory_space<semaphore_mem>>)
      %dma_start3A_46 = arith.constant 5 : i32
      %dma_start3A_47 = arith.constant 0 : i32
      %dma_start3A_48 = tpu.memref_slice %arg6[%dma_start3A_46, %dma_start3A_47] : memref<102x128xi32, #tpu.memory_space<vmem>> -> memref<1x128xi32, #tpu.memory_space<vmem>>
      %dma_start3A_49 = tpu.memref_squeeze %dma_start3A_48 : memref<1x128xi32, #tpu.memory_space<vmem>> -> memref<128xi32, #tpu.memory_space<vmem>>
      %dma_start3A_50 = arith.constant 0 : i32
      %dma_start3A_51 = arith.constant 0 : i32
      %dma_start3A_52 = tpu.memref_slice %arg2[%dma_start3A_50, %dma_start3A_51] : memref<10240x64xf32, #tpu.memory_space<hbm>> -> memref<10240x64xf32, #tpu.memory_space<hbm>>
      tpu.enqueue_indirect_dma source(%dma_start3A_52 : memref<10240x64xf32, #tpu.memory_space<hbm>>) target(%arg13 : memref<128x64xf32, #tpu.memory_space<vmem>>) offsets(%dma_start3A_49 : memref<128xi32, #tpu.memory_space<vmem>>) semaphore(%arg21 : memref<!tpu.dma_semaphore, #tpu.memory_space<semaphore_mem>>)
      %broadcast_in_dim3A = arith.constant 0.000000e+00 : f32
      %broadcast_in_dim3A_53 = vector.broadcast %broadcast_in_dim3A : f32 to vector<16xf32>
      %scan3A = arith.constant 0 : i32
      %scan3A_54 = arith.constant 0 : i32
      %scan3A_55 = arith.constant 128 : i32
      %scan3A_56 = arith.addi %scan3A_54, %scan3A_55 : i32
      %scan3A_57 = arith.constant 1 : i32
      scf.for %scan3A_85 = %scan3A_54 to %scan3A_56 step %scan3A_57  : i32 {
        %swap3A = arith.index_cast %scan3A_85 : i32 to index
        %swap3A_86 = arith.constant 0 : index
        %swap3A_87 = tpu.vector_load %arg14[%swap3A, %swap3A_86] {strides = array<i32>} : memref<128x64xf32, #tpu.memory_space<vmem>>, vector<1x16xf32>,
        %swap3A_88 = vector.shape_cast %swap3A_87 : vector<1x16xf32> to vector<16xf32>
        %swap3A_89 = vector.shape_cast %broadcast_in_dim3A_53 : vector<16xf32> to vector<1x16xf32>
        tpu.vector_store %arg14[%swap3A, %swap3A_86], %swap3A_89 {strides = array<i32>} : memref<128x64xf32, #tpu.memory_space<vmem>>, vector<1x16xf32>,
        %swap3A_90 = arith.index_cast %scan3A_85 : i32 to index
        %swap3A_91 = arith.constant 16 : index
        %swap3A_92 = tpu.vector_load %arg14[%swap3A_90, %swap3A_91] {strides = array<i32>} : memref<128x64xf32, #tpu.memory_space<vmem>>, vector<1x16xf32>,
        %swap3A_93 = vector.shape_cast %swap3A_92 : vector<1x16xf32> to vector<16xf32>
        %swap3A_94 = vector.shape_cast %broadcast_in_dim3A_53 : vector<16xf32> to vector<1x16xf32>
        tpu.vector_store %arg14[%swap3A_90, %swap3A_91], %swap3A_94 {strides = array<i32>} : memref<128x64xf32, #tpu.memory_space<vmem>>, vector<1x16xf32>,
        %swap3A_95 = arith.index_cast %scan3A_85 : i32 to index
        %swap3A_96 = arith.constant 32 : index
        %swap3A_97 = tpu.vector_load %arg14[%swap3A_95, %swap3A_96] {strides = array<i32>} : memref<128x64xf32, #tpu.memory_space<vmem>>, vector<1x16xf32>,
        %swap3A_98 = vector.shape_cast %swap3A_97 : vector<1x16xf32> to vector<16xf32>
        %swap3A_99 = vector.shape_cast %broadcast_in_dim3A_53 : vector<16xf32> to vector<1x16xf32>
        tpu.vector_store %arg14[%swap3A_95, %swap3A_96], %swap3A_99 {strides = array<i32>} : memref<128x64xf32, #tpu.memory_space<vmem>>, vector<1x16xf32>,
        %swap3A_100 = arith.index_cast %scan3A_85 : i32 to index
        %swap3A_101 = arith.constant 48 : index
        %swap3A_102 = tpu.vector_load %arg14[%swap3A_100, %swap3A_101] {strides = array<i32>} : memref<128x64xf32, #tpu.memory_space<vmem>>, vector<1x16xf32>,
        %swap3A_103 = vector.shape_cast %swap3A_102 : vector<1x16xf32> to vector<16xf32>
        %swap3A_104 = vector.shape_cast %broadcast_in_dim3A_53 : vector<16xf32> to vector<1x16xf32>
        tpu.vector_store %arg14[%swap3A_100, %swap3A_101], %swap3A_104 {strides = array<i32>} : memref<128x64xf32, #tpu.memory_space<vmem>>, vector<1x16xf32>,
      }
      %scan3A_58 = arith.constant 128 : i32
      %mul3A_59 = arith.constant 640 : i32
      %mul3A_60 = arith.muli %arg1, %mul3A_59 : i32
      %add3A = arith.constant 0 : i32
      %add3A_61 = arith.addi %mul3A_60, %add3A : i32
      "tpu.region"() ({
        %run_scoped3A = tpu.sem_alloc : memref<!tpu.dma_semaphore, #tpu.memory_space<semaphore_mem>>
        %dma_start3A_85 = arith.constant 0 : i32
        %dma_start3A_86 = tpu.memref_slice %arg15[%add3A_61, %dma_start3A_85] : memref<10240x64xf32, #tpu.memory_space<vmem_shared>> -> memref<128x64xf32, #tpu.memory_space<vmem_shared>>
        %dma_start3A_87 = arith.constant 0 : i32
        %dma_start3A_88 = tpu.memref_slice %arg15[%add3A_61, %dma_start3A_87] : memref<10240x64xf32, #tpu.memory_space<vmem_shared>> -> memref<128x64xf32, #tpu.memory_space<vmem_shared>>
        tpu.enqueue_dma source(%arg14 : memref<128x64xf32, #tpu.memory_space<vmem>>) target(%dma_start3A_88 : memref<128x64xf32, #tpu.memory_space<vmem_shared>>) target_semaphore(%run_scoped3A : memref<!tpu.dma_semaphore, #tpu.memory_space<semaphore_mem>>)
        %dma_wait3A = arith.constant 0 : i32
        %dma_wait3A_89 = tpu.memref_slice %arg15[%add3A_61, %dma_wait3A] : memref<10240x64xf32, #tpu.memory_space<vmem_shared>> -> memref<128x64xf32, #tpu.memory_space<vmem_shared>>
        %dma_wait3A_90 = arith.constant 0 : i32
        %dma_wait3A_91 = tpu.memref_slice %arg15[%add3A_61, %dma_wait3A_90] : memref<10240x64xf32, #tpu.memory_space<vmem_shared>> -> memref<128x64xf32, #tpu.memory_space<vmem_shared>>
        tpu.wait_dma2 semaphore(%run_scoped3A : memref<!tpu.dma_semaphore, #tpu.memory_space<semaphore_mem>>) src(%arg14 : memref<128x64xf32, #tpu.memory_space<vmem>>) dst(%dma_wait3A_91 : memref<128x64xf32, #tpu.memory_space<vmem_shared>>)
        tpu.yield
      }) : () -> ()
      %mul3A_62 = arith.constant 640 : i32
      %mul3A_63 = arith.muli %arg1, %mul3A_62 : i32
      %add3A_64 = arith.constant 128 : i32
      %add3A_65 = arith.addi %mul3A_63, %add3A_64 : i32
      "tpu.region"() ({
        %run_scoped3A = tpu.sem_alloc : memref<!tpu.dma_semaphore, #tpu.memory_space<semaphore_mem>>
        %dma_start3A_85 = arith.constant 0 : i32
        %dma_start3A_86 = tpu.memref_slice %arg15[%add3A_65, %dma_start3A_85] : memref<10240x64xf32, #tpu.memory_space<vmem_shared>> -> memref<128x64xf32, #tpu.memory_space<vmem_shared>>
        %dma_start3A_87 = arith.constant 0 : i32
        %dma_start3A_88 = tpu.memref_slice %arg15[%add3A_65, %dma_start3A_87] : memref<10240x64xf32, #tpu.memory_space<vmem_shared>> -> memref<128x64xf32, #tpu.memory_space<vmem_shared>>
        tpu.enqueue_dma source(%arg14 : memref<128x64xf32, #tpu.memory_space<vmem>>) target(%dma_start3A_88 : memref<128x64xf32, #tpu.memory_space<vmem_shared>>) target_semaphore(%run_scoped3A : memref<!tpu.dma_semaphore, #tpu.memory_space<semaphore_mem>>)
        %dma_wait3A = arith.constant 0 : i32
        %dma_wait3A_89 = tpu.memref_slice %arg15[%add3A_65, %dma_wait3A] : memref<10240x64xf32, #tpu.memory_space<vmem_shared>> -> memref<128x64xf32, #tpu.memory_space<vmem_shared>>
        %dma_wait3A_90 = arith.constant 0 : i32
        %dma_wait3A_91 = tpu.memref_slice %arg15[%add3A_65, %dma_wait3A_90] : memref<10240x64xf32, #tpu.memory_space<vmem_shared>> -> memref<128x64xf32, #tpu.memory_space<vmem_shared>>
        tpu.wait_dma2 semaphore(%run_scoped3A : memref<!tpu.dma_semaphore, #tpu.memory_space<semaphore_mem>>) src(%arg14 : memref<128x64xf32, #tpu.memory_space<vmem>>) dst(%dma_wait3A_91 : memref<128x64xf32, #tpu.memory_space<vmem_shared>>)
        tpu.yield
      }) : () -> ()
      %mul3A_66 = arith.constant 640 : i32
      %mul3A_67 = arith.muli %arg1, %mul3A_66 : i32
      %add3A_68 = arith.constant 256 : i32
      %add3A_69 = arith.addi %mul3A_67, %add3A_68 : i32
      "tpu.region"() ({
        %run_scoped3A = tpu.sem_alloc : memref<!tpu.dma_semaphore, #tpu.memory_space<semaphore_mem>>
        %dma_start3A_85 = arith.constant 0 : i32
        %dma_start3A_86 = tpu.memref_slice %arg15[%add3A_69, %dma_start3A_85] : memref<10240x64xf32, #tpu.memory_space<vmem_shared>> -> memref<128x64xf32, #tpu.memory_space<vmem_shared>>
        %dma_start3A_87 = arith.constant 0 : i32
        %dma_start3A_88 = tpu.memref_slice %arg15[%add3A_69, %dma_start3A_87] : memref<10240x64xf32, #tpu.memory_space<vmem_shared>> -> memref<128x64xf32, #tpu.memory_space<vmem_shared>>
        tpu.enqueue_dma source(%arg14 : memref<128x64xf32, #tpu.memory_space<vmem>>) target(%dma_start3A_88 : memref<128x64xf32, #tpu.memory_space<vmem_shared>>) target_semaphore(%run_scoped3A : memref<!tpu.dma_semaphore, #tpu.memory_space<semaphore_mem>>)
        %dma_wait3A = arith.constant 0 : i32
        %dma_wait3A_89 = tpu.memref_slice %arg15[%add3A_69, %dma_wait3A] : memref<10240x64xf32, #tpu.memory_space<vmem_shared>> -> memref<128x64xf32, #tpu.memory_space<vmem_shared>>
        %dma_wait3A_90 = arith.constant 0 : i32
        %dma_wait3A_91 = tpu.memref_slice %arg15[%add3A_69, %dma_wait3A_90] : memref<10240x64xf32, #tpu.memory_space<vmem_shared>> -> memref<128x64xf32, #tpu.memory_space<vmem_shared>>
        tpu.wait_dma2 semaphore(%run_scoped3A : memref<!tpu.dma_semaphore, #tpu.memory_space<semaphore_mem>>) src(%arg14 : memref<128x64xf32, #tpu.memory_space<vmem>>) dst(%dma_wait3A_91 : memref<128x64xf32, #tpu.memory_space<vmem_shared>>)
        tpu.yield
      }) : () -> ()
      %mul3A_70 = arith.constant 640 : i32
      %mul3A_71 = arith.muli %arg1, %mul3A_70 : i32
      %add3A_72 = arith.constant 384 : i32
      %add3A_73 = arith.addi %mul3A_71, %add3A_72 : i32
      "tpu.region"() ({
        %run_scoped3A = tpu.sem_alloc : memref<!tpu.dma_semaphore, #tpu.memory_space<semaphore_mem>>
        %dma_start3A_85 = arith.constant 0 : i32
        %dma_start3A_86 = tpu.memref_slice %arg15[%add3A_73, %dma_start3A_85] : memref<10240x64xf32, #tpu.memory_space<vmem_shared>> -> memref<128x64xf32, #tpu.memory_space<vmem_shared>>
        %dma_start3A_87 = arith.constant 0 : i32
        %dma_start3A_88 = tpu.memref_slice %arg15[%add3A_73, %dma_start3A_87] : memref<10240x64xf32, #tpu.memory_space<vmem_shared>> -> memref<128x64xf32, #tpu.memory_space<vmem_shared>>
        tpu.enqueue_dma source(%arg14 : memref<128x64xf32, #tpu.memory_space<vmem>>) target(%dma_start3A_88 : memref<128x64xf32, #tpu.memory_space<vmem_shared>>) target_semaphore(%run_scoped3A : memref<!tpu.dma_semaphore, #tpu.memory_space<semaphore_mem>>)
        %dma_wait3A = arith.constant 0 : i32
        %dma_wait3A_89 = tpu.memref_slice %arg15[%add3A_73, %dma_wait3A] : memref<10240x64xf32, #tpu.memory_space<vmem_shared>> -> memref<128x64xf32, #tpu.memory_space<vmem_shared>>
        %dma_wait3A_90 = arith.constant 0 : i32
        %dma_wait3A_91 = tpu.memref_slice %arg15[%add3A_73, %dma_wait3A_90] : memref<10240x64xf32, #tpu.memory_space<vmem_shared>> -> memref<128x64xf32, #tpu.memory_space<vmem_shared>>
        tpu.wait_dma2 semaphore(%run_scoped3A : memref<!tpu.dma_semaphore, #tpu.memory_space<semaphore_mem>>) src(%arg14 : memref<128x64xf32, #tpu.memory_space<vmem>>) dst(%dma_wait3A_91 : memref<128x64xf32, #tpu.memory_space<vmem_shared>>)
        tpu.yield
      }) : () -> ()
      %mul3A_74 = arith.constant 640 : i32
      %mul3A_75 = arith.muli %arg1, %mul3A_74 : i32
      %add3A_76 = arith.constant 512 : i32
      %add3A_77 = arith.addi %mul3A_75, %add3A_76 : i32
      "tpu.region"() ({
        %run_scoped3A = tpu.sem_alloc : memref<!tpu.dma_semaphore, #tpu.memory_space<semaphore_mem>>
        %dma_start3A_85 = arith.constant 0 : i32
        %dma_start3A_86 = tpu.memref_slice %arg15[%add3A_77, %dma_start3A_85] : memref<10240x64xf32, #tpu.memory_space<vmem_shared>> -> memref<128x64xf32, #tpu.memory_space<vmem_shared>>
        %dma_start3A_87 = arith.constant 0 : i32
        %dma_start3A_88 = tpu.memref_slice %arg15[%add3A_77, %dma_start3A_87] : memref<10240x64xf32, #tpu.memory_space<vmem_shared>> -> memref<128x64xf32, #tpu.memory_space<vmem_shared>>
        tpu.enqueue_dma source(%arg14 : memref<128x64xf32, #tpu.memory_space<vmem>>) target(%dma_start3A_88 : memref<128x64xf32, #tpu.memory_space<vmem_shared>>) target_semaphore(%run_scoped3A : memref<!tpu.dma_semaphore, #tpu.memory_space<semaphore_mem>>)
        %dma_wait3A = arith.constant 0 : i32
        %dma_wait3A_89 = tpu.memref_slice %arg15[%add3A_77, %dma_wait3A] : memref<10240x64xf32, #tpu.memory_space<vmem_shared>> -> memref<128x64xf32, #tpu.memory_space<vmem_shared>>
        %dma_wait3A_90 = arith.constant 0 : i32
        %dma_wait3A_91 = tpu.memref_slice %arg15[%add3A_77, %dma_wait3A_90] : memref<10240x64xf32, #tpu.memory_space<vmem_shared>> -> memref<128x64xf32, #tpu.memory_space<vmem_shared>>
        tpu.wait_dma2 semaphore(%run_scoped3A : memref<!tpu.dma_semaphore, #tpu.memory_space<semaphore_mem>>) src(%arg14 : memref<128x64xf32, #tpu.memory_space<vmem>>) dst(%dma_wait3A_91 : memref<128x64xf32, #tpu.memory_space<vmem_shared>>)
        tpu.yield
      }) : () -> ()
      %barrier3A_78 = arith.constant 0 : index
      tpu.barrier barrier_id(%barrier3A_78)
      %scan3A_79 = arith.constant 0 : i32
      %scan3A_80 = arith.constant 0 : i32
      %scan3A_81 = arith.constant 17 : i32
      %scan3A_82 = arith.addi %scan3A_80, %scan3A_81 : i32
      %scan3A_83 = arith.constant 1 : i32
      scf.for %scan3A_85 = %scan3A_80 to %scan3A_82 step %scan3A_83  : i32 {
        %mul3A_86 = arith.constant 6 : i32
        %mul3A_87 = arith.muli %scan3A_85, %mul3A_86 : i32
        %add3A_88 = arith.constant 0 : i32
        %add3A_89 = arith.addi %mul3A_87, %add3A_88 : i32
        %dma_wait3A = arith.constant 0 : i32
        %dma_wait3A_90 = tpu.memref_slice %arg6[%add3A_89, %dma_wait3A] : memref<102x128xi32, #tpu.memory_space<vmem>> -> memref<1x128xi32, #tpu.memory_space<vmem>>
        %dma_wait3A_91 = tpu.memref_squeeze %dma_wait3A_90 : memref<1x128xi32, #tpu.memory_space<vmem>> -> memref<128xi32, #tpu.memory_space<vmem>>
        %dma_wait3A_92 = arith.constant 0 : i32
        %dma_wait3A_93 = arith.constant 0 : i32
        %dma_wait3A_94 = tpu.memref_slice %arg2[%dma_wait3A_92, %dma_wait3A_93] : memref<10240x64xf32, #tpu.memory_space<hbm>> -> memref<10240x64xf32, #tpu.memory_space<hbm>>
        tpu.wait_indirect_dma semaphore(%arg16 : memref<!tpu.dma_semaphore, #tpu.memory_space<semaphore_mem>>) src(%dma_wait3A_94 : memref<10240x64xf32, #tpu.memory_space<hbm>>) dst(%arg8 : memref<128x64xf32, #tpu.memory_space<vmem>>)
        "tpu.region"() ({
          %run_scoped3A = tpu.sem_alloc : memref<!tpu.dma_semaphore, #tpu.memory_space<semaphore_mem>>
          %dma_start3A_188 = arith.constant 0 : i32
          %dma_start3A_189 = tpu.memref_slice %arg7[%add3A_89, %dma_start3A_188] : memref<102x128xi32, #tpu.memory_space<vmem>> -> memref<1x128xi32, #tpu.memory_space<vmem>>
          %dma_start3A_190 = tpu.memref_squeeze %dma_start3A_189 : memref<1x128xi32, #tpu.memory_space<vmem>> -> memref<128xi32, #tpu.memory_space<vmem>>
          %dma_start3A_191 = arith.constant 0 : i32
          %dma_start3A_192 = arith.constant 0 : i32
          %dma_start3A_193 = tpu.memref_slice %arg15[%dma_start3A_191, %dma_start3A_192] : memref<10240x64xf32, #tpu.memory_space<vmem_shared>> -> memref<10240x64xf32, #tpu.memory_space<vmem_shared>>
          tpu.enqueue_indirect_dma source(%arg8 : memref<128x64xf32, #tpu.memory_space<vmem>>) target(%dma_start3A_193 : memref<10240x64xf32, #tpu.memory_space<vmem_shared>>) offsets(%dma_start3A_190 : memref<128xi32, #tpu.memory_space<vmem>>) semaphore(%run_scoped3A : memref<!tpu.dma_semaphore, #tpu.memory_space<semaphore_mem>>) {add = true}
          %dma_wait3A_194 = arith.constant 0 : i32
          %dma_wait3A_195 = tpu.memref_slice %arg7[%add3A_89, %dma_wait3A_194] : memref<102x128xi32, #tpu.memory_space<vmem>> -> memref<1x128xi32, #tpu.memory_space<vmem>>
          %dma_wait3A_196 = tpu.memref_squeeze %dma_wait3A_195 : memref<1x128xi32, #tpu.memory_space<vmem>> -> memref<128xi32, #tpu.memory_space<vmem>>
          %dma_wait3A_197 = arith.constant 0 : i32
          %dma_wait3A_198 = arith.constant 0 : i32
          %dma_wait3A_199 = tpu.memref_slice %arg15[%dma_wait3A_197, %dma_wait3A_198] : memref<10240x64xf32, #tpu.memory_space<vmem_shared>> -> memref<10240x64xf32, #tpu.memory_space<vmem_shared>>
          tpu.wait_indirect_dma semaphore(%run_scoped3A : memref<!tpu.dma_semaphore, #tpu.memory_space<semaphore_mem>>) src(%arg8 : memref<128x64xf32, #tpu.memory_space<vmem>>) dst(%dma_wait3A_199 : memref<10240x64xf32, #tpu.memory_space<vmem_shared>>)
          tpu.yield
        }) : () -> ()
        %add3A_95 = arith.constant 6 : i32
        %add3A_96 = arith.addi %add3A_89, %add3A_95 : i32
        %lt3A = arith.constant 102 : i32
        %lt3A_97 = arith.cmpi slt, %add3A_96, %lt3A : i32
        %add3A_98 = arith.constant 6 : i32
        %add3A_99 = arith.addi %add3A_89, %add3A_98 : i32
        %convert_element_type3A_100 = arith.extui %lt3A_97 : i1 to i32
        %cond3A_101 = arith.constant 0 : i32
        %cond3A_102 = arith.cmpi ne, %convert_element_type3A_100, %cond3A_101 : i32
        scf.if %cond3A_102 {
          %dma_start3A_188 = arith.constant 0 : i32
          %dma_start3A_189 = tpu.memref_slice %arg6[%add3A_99, %dma_start3A_188] : memref<102x128xi32, #tpu.memory_space<vmem>> -> memref<1x128xi32, #tpu.memory_space<vmem>>
          %dma_start3A_190 = tpu.memref_squeeze %dma_start3A_189 : memref<1x128xi32, #tpu.memory_space<vmem>> -> memref<128xi32, #tpu.memory_space<vmem>>
          %dma_start3A_191 = arith.constant 0 : i32
          %dma_start3A_192 = arith.constant 0 : i32
          %dma_start3A_193 = tpu.memref_slice %arg2[%dma_start3A_191, %dma_start3A_192] : memref<10240x64xf32, #tpu.memory_space<hbm>> -> memref<10240x64xf32, #tpu.memory_space<hbm>>
          tpu.enqueue_indirect_dma source(%dma_start3A_193 : memref<10240x64xf32, #tpu.memory_space<hbm>>) target(%arg8 : memref<128x64xf32, #tpu.memory_space<vmem>>) offsets(%dma_start3A_190 : memref<128xi32, #tpu.memory_space<vmem>>) semaphore(%arg16 : memref<!tpu.dma_semaphore, #tpu.memory_space<semaphore_mem>>)
        } else {
        }
        %add3A_103 = arith.constant 1 : i32
        %add3A_104 = arith.addi %mul3A_87, %add3A_103 : i32
        %dma_wait3A_105 = arith.constant 0 : i32
        %dma_wait3A_106 = tpu.memref_slice %arg6[%add3A_104, %dma_wait3A_105] : memref<102x128xi32, #tpu.memory_space<vmem>> -> memref<1x128xi32, #tpu.memory_space<vmem>>
        %dma_wait3A_107 = tpu.memref_squeeze %dma_wait3A_106 : memref<1x128xi32, #tpu.memory_space<vmem>> -> memref<128xi32, #tpu.memory_space<vmem>>
        %dma_wait3A_108 = arith.constant 0 : i32
        %dma_wait3A_109 = arith.constant 0 : i32
        %dma_wait3A_110 = tpu.memref_slice %arg2[%dma_wait3A_108, %dma_wait3A_109] : memref<10240x64xf32, #tpu.memory_space<hbm>> -> memref<10240x64xf32, #tpu.memory_space<hbm>>
        tpu.wait_indirect_dma semaphore(%arg17 : memref<!tpu.dma_semaphore, #tpu.memory_space<semaphore_mem>>) src(%dma_wait3A_110 : memref<10240x64xf32, #tpu.memory_space<hbm>>) dst(%arg9 : memref<128x64xf32, #tpu.memory_space<vmem>>)
        "tpu.region"() ({
          %run_scoped3A = tpu.sem_alloc : memref<!tpu.dma_semaphore, #tpu.memory_space<semaphore_mem>>
          %dma_start3A_188 = arith.constant 0 : i32
          %dma_start3A_189 = tpu.memref_slice %arg7[%add3A_104, %dma_start3A_188] : memref<102x128xi32, #tpu.memory_space<vmem>> -> memref<1x128xi32, #tpu.memory_space<vmem>>
          %dma_start3A_190 = tpu.memref_squeeze %dma_start3A_189 : memref<1x128xi32, #tpu.memory_space<vmem>> -> memref<128xi32, #tpu.memory_space<vmem>>
          %dma_start3A_191 = arith.constant 0 : i32
          %dma_start3A_192 = arith.constant 0 : i32
          %dma_start3A_193 = tpu.memref_slice %arg15[%dma_start3A_191, %dma_start3A_192] : memref<10240x64xf32, #tpu.memory_space<vmem_shared>> -> memref<10240x64xf32, #tpu.memory_space<vmem_shared>>
          tpu.enqueue_indirect_dma source(%arg9 : memref<128x64xf32, #tpu.memory_space<vmem>>) target(%dma_start3A_193 : memref<10240x64xf32, #tpu.memory_space<vmem_shared>>) offsets(%dma_start3A_190 : memref<128xi32, #tpu.memory_space<vmem>>) semaphore(%run_scoped3A : memref<!tpu.dma_semaphore, #tpu.memory_space<semaphore_mem>>) {add = true}
          %dma_wait3A_194 = arith.constant 0 : i32
          %dma_wait3A_195 = tpu.memref_slice %arg7[%add3A_104, %dma_wait3A_194] : memref<102x128xi32, #tpu.memory_space<vmem>> -> memref<1x128xi32, #tpu.memory_space<vmem>>
          %dma_wait3A_196 = tpu.memref_squeeze %dma_wait3A_195 : memref<1x128xi32, #tpu.memory_space<vmem>> -> memref<128xi32, #tpu.memory_space<vmem>>
          %dma_wait3A_197 = arith.constant 0 : i32
          %dma_wait3A_198 = arith.constant 0 : i32
          %dma_wait3A_199 = tpu.memref_slice %arg15[%dma_wait3A_197, %dma_wait3A_198] : memref<10240x64xf32, #tpu.memory_space<vmem_shared>> -> memref<10240x64xf32, #tpu.memory_space<vmem_shared>>
          tpu.wait_indirect_dma semaphore(%run_scoped3A : memref<!tpu.dma_semaphore, #tpu.memory_space<semaphore_mem>>) src(%arg9 : memref<128x64xf32, #tpu.memory_space<vmem>>) dst(%dma_wait3A_199 : memref<10240x64xf32, #tpu.memory_space<vmem_shared>>)
          tpu.yield
        }) : () -> ()
        %add3A_111 = arith.constant 6 : i32
        %add3A_112 = arith.addi %add3A_104, %add3A_111 : i32
        %lt3A_113 = arith.constant 102 : i32
        %lt3A_114 = arith.cmpi slt, %add3A_112, %lt3A_113 : i32
        %add3A_115 = arith.constant 6 : i32
        %add3A_116 = arith.addi %add3A_104, %add3A_115 : i32
        %convert_element_type3A_117 = arith.extui %lt3A_114 : i1 to i32
        %cond3A_118 = arith.constant 0 : i32
        %cond3A_119 = arith.cmpi ne, %convert_element_type3A_117, %cond3A_118 : i32
        scf.if %cond3A_119 {
          %dma_start3A_188 = arith.constant 0 : i32
          %dma_start3A_189 = tpu.memref_slice %arg6[%add3A_116, %dma_start3A_188] : memref<102x128xi32, #tpu.memory_space<vmem>> -> memref<1x128xi32, #tpu.memory_space<vmem>>
          %dma_start3A_190 = tpu.memref_squeeze %dma_start3A_189 : memref<1x128xi32, #tpu.memory_space<vmem>> -> memref<128xi32, #tpu.memory_space<vmem>>
          %dma_start3A_191 = arith.constant 0 : i32
          %dma_start3A_192 = arith.constant 0 : i32
          %dma_start3A_193 = tpu.memref_slice %arg2[%dma_start3A_191, %dma_start3A_192] : memref<10240x64xf32, #tpu.memory_space<hbm>> -> memref<10240x64xf32, #tpu.memory_space<hbm>>
          tpu.enqueue_indirect_dma source(%dma_start3A_193 : memref<10240x64xf32, #tpu.memory_space<hbm>>) target(%arg9 : memref<128x64xf32, #tpu.memory_space<vmem>>) offsets(%dma_start3A_190 : memref<128xi32, #tpu.memory_space<vmem>>) semaphore(%arg17 : memref<!tpu.dma_semaphore, #tpu.memory_space<semaphore_mem>>)
        } else {
        }
        %add3A_120 = arith.constant 2 : i32
        %add3A_121 = arith.addi %mul3A_87, %add3A_120 : i32
        %dma_wait3A_122 = arith.constant 0 : i32
        %dma_wait3A_123 = tpu.memref_slice %arg6[%add3A_121, %dma_wait3A_122] : memref<102x128xi32, #tpu.memory_space<vmem>> -> memref<1x128xi32, #tpu.memory_space<vmem>>
        %dma_wait3A_124 = tpu.memref_squeeze %dma_wait3A_123 : memref<1x128xi32, #tpu.memory_space<vmem>> -> memref<128xi32, #tpu.memory_space<vmem>>
        %dma_wait3A_125 = arith.constant 0 : i32
        %dma_wait3A_126 = arith.constant 0 : i32
        %dma_wait3A_127 = tpu.memref_slice %arg2[%dma_wait3A_125, %dma_wait3A_126] : memref<10240x64xf32, #tpu.memory_space<hbm>> -> memref<10240x64xf32, #tpu.memory_space<hbm>>
        tpu.wait_indirect_dma semaphore(%arg18 : memref<!tpu.dma_semaphore, #tpu.memory_space<semaphore_mem>>) src(%dma_wait3A_127 : memref<10240x64xf32, #tpu.memory_space<hbm>>) dst(%arg10 : memref<128x64xf32, #tpu.memory_space<vmem>>)
        "tpu.region"() ({
          %run_scoped3A = tpu.sem_alloc : memref<!tpu.dma_semaphore, #tpu.memory_space<semaphore_mem>>
          %dma_start3A_188 = arith.constant 0 : i32
          %dma_start3A_189 = tpu.memref_slice %arg7[%add3A_121, %dma_start3A_188] : memref<102x128xi32, #tpu.memory_space<vmem>> -> memref<1x128xi32, #tpu.memory_space<vmem>>
          %dma_start3A_190 = tpu.memref_squeeze %dma_start3A_189 : memref<1x128xi32, #tpu.memory_space<vmem>> -> memref<128xi32, #tpu.memory_space<vmem>>
          %dma_start3A_191 = arith.constant 0 : i32
          %dma_start3A_192 = arith.constant 0 : i32
          %dma_start3A_193 = tpu.memref_slice %arg15[%dma_start3A_191, %dma_start3A_192] : memref<10240x64xf32, #tpu.memory_space<vmem_shared>> -> memref<10240x64xf32, #tpu.memory_space<vmem_shared>>
          tpu.enqueue_indirect_dma source(%arg10 : memref<128x64xf32, #tpu.memory_space<vmem>>) target(%dma_start3A_193 : memref<10240x64xf32, #tpu.memory_space<vmem_shared>>) offsets(%dma_start3A_190 : memref<128xi32, #tpu.memory_space<vmem>>) semaphore(%run_scoped3A : memref<!tpu.dma_semaphore, #tpu.memory_space<semaphore_mem>>) {add = true}
          %dma_wait3A_194 = arith.constant 0 : i32
          %dma_wait3A_195 = tpu.memref_slice %arg7[%add3A_121, %dma_wait3A_194] : memref<102x128xi32, #tpu.memory_space<vmem>> -> memref<1x128xi32, #tpu.memory_space<vmem>>
          %dma_wait3A_196 = tpu.memref_squeeze %dma_wait3A_195 : memref<1x128xi32, #tpu.memory_space<vmem>> -> memref<128xi32, #tpu.memory_space<vmem>>
          %dma_wait3A_197 = arith.constant 0 : i32
          %dma_wait3A_198 = arith.constant 0 : i32
          %dma_wait3A_199 = tpu.memref_slice %arg15[%dma_wait3A_197, %dma_wait3A_198] : memref<10240x64xf32, #tpu.memory_space<vmem_shared>> -> memref<10240x64xf32, #tpu.memory_space<vmem_shared>>
          tpu.wait_indirect_dma semaphore(%run_scoped3A : memref<!tpu.dma_semaphore, #tpu.memory_space<semaphore_mem>>) src(%arg10 : memref<128x64xf32, #tpu.memory_space<vmem>>) dst(%dma_wait3A_199 : memref<10240x64xf32, #tpu.memory_space<vmem_shared>>)
          tpu.yield
        }) : () -> ()
        %add3A_128 = arith.constant 6 : i32
        %add3A_129 = arith.addi %add3A_121, %add3A_128 : i32
        %lt3A_130 = arith.constant 102 : i32
        %lt3A_131 = arith.cmpi slt, %add3A_129, %lt3A_130 : i32
        %add3A_132 = arith.constant 6 : i32
        %add3A_133 = arith.addi %add3A_121, %add3A_132 : i32
        %convert_element_type3A_134 = arith.extui %lt3A_131 : i1 to i32
        %cond3A_135 = arith.constant 0 : i32
        %cond3A_136 = arith.cmpi ne, %convert_element_type3A_134, %cond3A_135 : i32
        scf.if %cond3A_136 {
          %dma_start3A_188 = arith.constant 0 : i32
          %dma_start3A_189 = tpu.memref_slice %arg6[%add3A_133, %dma_start3A_188] : memref<102x128xi32, #tpu.memory_space<vmem>> -> memref<1x128xi32, #tpu.memory_space<vmem>>
          %dma_start3A_190 = tpu.memref_squeeze %dma_start3A_189 : memref<1x128xi32, #tpu.memory_space<vmem>> -> memref<128xi32, #tpu.memory_space<vmem>>
          %dma_start3A_191 = arith.constant 0 : i32
          %dma_start3A_192 = arith.constant 0 : i32
          %dma_start3A_193 = tpu.memref_slice %arg2[%dma_start3A_191, %dma_start3A_192] : memref<10240x64xf32, #tpu.memory_space<hbm>> -> memref<10240x64xf32, #tpu.memory_space<hbm>>
          tpu.enqueue_indirect_dma source(%dma_start3A_193 : memref<10240x64xf32, #tpu.memory_space<hbm>>) target(%arg10 : memref<128x64xf32, #tpu.memory_space<vmem>>) offsets(%dma_start3A_190 : memref<128xi32, #tpu.memory_space<vmem>>) semaphore(%arg18 : memref<!tpu.dma_semaphore, #tpu.memory_space<semaphore_mem>>)
        } else {
        }
        %add3A_137 = arith.constant 3 : i32
        %add3A_138 = arith.addi %mul3A_87, %add3A_137 : i32
        %dma_wait3A_139 = arith.constant 0 : i32
        %dma_wait3A_140 = tpu.memref_slice %arg6[%add3A_138, %dma_wait3A_139] : memref<102x128xi32, #tpu.memory_space<vmem>> -> memref<1x128xi32, #tpu.memory_space<vmem>>
        %dma_wait3A_141 = tpu.memref_squeeze %dma_wait3A_140 : memref<1x128xi32, #tpu.memory_space<vmem>> -> memref<128xi32, #tpu.memory_space<vmem>>
        %dma_wait3A_142 = arith.constant 0 : i32
        %dma_wait3A_143 = arith.constant 0 : i32
        %dma_wait3A_144 = tpu.memref_slice %arg2[%dma_wait3A_142, %dma_wait3A_143] : memref<10240x64xf32, #tpu.memory_space<hbm>> -> memref<10240x64xf32, #tpu.memory_space<hbm>>
        tpu.wait_indirect_dma semaphore(%arg19 : memref<!tpu.dma_semaphore, #tpu.memory_space<semaphore_mem>>) src(%dma_wait3A_144 : memref<10240x64xf32, #tpu.memory_space<hbm>>) dst(%arg11 : memref<128x64xf32, #tpu.memory_space<vmem>>)
        "tpu.region"() ({
          %run_scoped3A = tpu.sem_alloc : memref<!tpu.dma_semaphore, #tpu.memory_space<semaphore_mem>>
          %dma_start3A_188 = arith.constant 0 : i32
          %dma_start3A_189 = tpu.memref_slice %arg7[%add3A_138, %dma_start3A_188] : memref<102x128xi32, #tpu.memory_space<vmem>> -> memref<1x128xi32, #tpu.memory_space<vmem>>
          %dma_start3A_190 = tpu.memref_squeeze %dma_start3A_189 : memref<1x128xi32, #tpu.memory_space<vmem>> -> memref<128xi32, #tpu.memory_space<vmem>>
          %dma_start3A_191 = arith.constant 0 : i32
          %dma_start3A_192 = arith.constant 0 : i32
          %dma_start3A_193 = tpu.memref_slice %arg15[%dma_start3A_191, %dma_start3A_192] : memref<10240x64xf32, #tpu.memory_space<vmem_shared>> -> memref<10240x64xf32, #tpu.memory_space<vmem_shared>>
          tpu.enqueue_indirect_dma source(%arg11 : memref<128x64xf32, #tpu.memory_space<vmem>>) target(%dma_start3A_193 : memref<10240x64xf32, #tpu.memory_space<vmem_shared>>) offsets(%dma_start3A_190 : memref<128xi32, #tpu.memory_space<vmem>>) semaphore(%run_scoped3A : memref<!tpu.dma_semaphore, #tpu.memory_space<semaphore_mem>>) {add = true}
          %dma_wait3A_194 = arith.constant 0 : i32
          %dma_wait3A_195 = tpu.memref_slice %arg7[%add3A_138, %dma_wait3A_194] : memref<102x128xi32, #tpu.memory_space<vmem>> -> memref<1x128xi32, #tpu.memory_space<vmem>>
          %dma_wait3A_196 = tpu.memref_squeeze %dma_wait3A_195 : memref<1x128xi32, #tpu.memory_space<vmem>> -> memref<128xi32, #tpu.memory_space<vmem>>
          %dma_wait3A_197 = arith.constant 0 : i32
          %dma_wait3A_198 = arith.constant 0 : i32
          %dma_wait3A_199 = tpu.memref_slice %arg15[%dma_wait3A_197, %dma_wait3A_198] : memref<10240x64xf32, #tpu.memory_space<vmem_shared>> -> memref<10240x64xf32, #tpu.memory_space<vmem_shared>>
          tpu.wait_indirect_dma semaphore(%run_scoped3A : memref<!tpu.dma_semaphore, #tpu.memory_space<semaphore_mem>>) src(%arg11 : memref<128x64xf32, #tpu.memory_space<vmem>>) dst(%dma_wait3A_199 : memref<10240x64xf32, #tpu.memory_space<vmem_shared>>)
          tpu.yield
        }) : () -> ()
        %add3A_145 = arith.constant 6 : i32
        %add3A_146 = arith.addi %add3A_138, %add3A_145 : i32
        %lt3A_147 = arith.constant 102 : i32
        %lt3A_148 = arith.cmpi slt, %add3A_146, %lt3A_147 : i32
        %add3A_149 = arith.constant 6 : i32
        %add3A_150 = arith.addi %add3A_138, %add3A_149 : i32
        %convert_element_type3A_151 = arith.extui %lt3A_148 : i1 to i32
        %cond3A_152 = arith.constant 0 : i32
        %cond3A_153 = arith.cmpi ne, %convert_element_type3A_151, %cond3A_152 : i32
        scf.if %cond3A_153 {
          %dma_start3A_188 = arith.constant 0 : i32
          %dma_start3A_189 = tpu.memref_slice %arg6[%add3A_150, %dma_start3A_188] : memref<102x128xi32, #tpu.memory_space<vmem>> -> memref<1x128xi32, #tpu.memory_space<vmem>>
          %dma_start3A_190 = tpu.memref_squeeze %dma_start3A_189 : memref<1x128xi32, #tpu.memory_space<vmem>> -> memref<128xi32, #tpu.memory_space<vmem>>
          %dma_start3A_191 = arith.constant 0 : i32
          %dma_start3A_192 = arith.constant 0 : i32
          %dma_start3A_193 = tpu.memref_slice %arg2[%dma_start3A_191, %dma_start3A_192] : memref<10240x64xf32, #tpu.memory_space<hbm>> -> memref<10240x64xf32, #tpu.memory_space<hbm>>
          tpu.enqueue_indirect_dma source(%dma_start3A_193 : memref<10240x64xf32, #tpu.memory_space<hbm>>) target(%arg11 : memref<128x64xf32, #tpu.memory_space<vmem>>) offsets(%dma_start3A_190 : memref<128xi32, #tpu.memory_space<vmem>>) semaphore(%arg19 : memref<!tpu.dma_semaphore, #tpu.memory_space<semaphore_mem>>)
        } else {
        }
        %add3A_154 = arith.constant 4 : i32
        %add3A_155 = arith.addi %mul3A_87, %add3A_154 : i32
        %dma_wait3A_156 = arith.constant 0 : i32
        %dma_wait3A_157 = tpu.memref_slice %arg6[%add3A_155, %dma_wait3A_156] : memref<102x128xi32, #tpu.memory_space<vmem>> -> memref<1x128xi32, #tpu.memory_space<vmem>>
        %dma_wait3A_158 = tpu.memref_squeeze %dma_wait3A_157 : memref<1x128xi32, #tpu.memory_space<vmem>> -> memref<128xi32, #tpu.memory_space<vmem>>
        %dma_wait3A_159 = arith.constant 0 : i32
        %dma_wait3A_160 = arith.constant 0 : i32
        %dma_wait3A_161 = tpu.memref_slice %arg2[%dma_wait3A_159, %dma_wait3A_160] : memref<10240x64xf32, #tpu.memory_space<hbm>> -> memref<10240x64xf32, #tpu.memory_space<hbm>>
        tpu.wait_indirect_dma semaphore(%arg20 : memref<!tpu.dma_semaphore, #tpu.memory_space<semaphore_mem>>) src(%dma_wait3A_161 : memref<10240x64xf32, #tpu.memory_space<hbm>>) dst(%arg12 : memref<128x64xf32, #tpu.memory_space<vmem>>)
        "tpu.region"() ({
          %run_scoped3A = tpu.sem_alloc : memref<!tpu.dma_semaphore, #tpu.memory_space<semaphore_mem>>
          %dma_start3A_188 = arith.constant 0 : i32
          %dma_start3A_189 = tpu.memref_slice %arg7[%add3A_155, %dma_start3A_188] : memref<102x128xi32, #tpu.memory_space<vmem>> -> memref<1x128xi32, #tpu.memory_space<vmem>>
          %dma_start3A_190 = tpu.memref_squeeze %dma_start3A_189 : memref<1x128xi32, #tpu.memory_space<vmem>> -> memref<128xi32, #tpu.memory_space<vmem>>
          %dma_start3A_191 = arith.constant 0 : i32
          %dma_start3A_192 = arith.constant 0 : i32
          %dma_start3A_193 = tpu.memref_slice %arg15[%dma_start3A_191, %dma_start3A_192] : memref<10240x64xf32, #tpu.memory_space<vmem_shared>> -> memref<10240x64xf32, #tpu.memory_space<vmem_shared>>
          tpu.enqueue_indirect_dma source(%arg12 : memref<128x64xf32, #tpu.memory_space<vmem>>) target(%dma_start3A_193 : memref<10240x64xf32, #tpu.memory_space<vmem_shared>>) offsets(%dma_start3A_190 : memref<128xi32, #tpu.memory_space<vmem>>) semaphore(%run_scoped3A : memref<!tpu.dma_semaphore, #tpu.memory_space<semaphore_mem>>) {add = true}
          %dma_wait3A_194 = arith.constant 0 : i32
          %dma_wait3A_195 = tpu.memref_slice %arg7[%add3A_155, %dma_wait3A_194] : memref<102x128xi32, #tpu.memory_space<vmem>> -> memref<1x128xi32, #tpu.memory_space<vmem>>
          %dma_wait3A_196 = tpu.memref_squeeze %dma_wait3A_195 : memref<1x128xi32, #tpu.memory_space<vmem>> -> memref<128xi32, #tpu.memory_space<vmem>>
          %dma_wait3A_197 = arith.constant 0 : i32
          %dma_wait3A_198 = arith.constant 0 : i32
          %dma_wait3A_199 = tpu.memref_slice %arg15[%dma_wait3A_197, %dma_wait3A_198] : memref<10240x64xf32, #tpu.memory_space<vmem_shared>> -> memref<10240x64xf32, #tpu.memory_space<vmem_shared>>
          tpu.wait_indirect_dma semaphore(%run_scoped3A : memref<!tpu.dma_semaphore, #tpu.memory_space<semaphore_mem>>) src(%arg12 : memref<128x64xf32, #tpu.memory_space<vmem>>) dst(%dma_wait3A_199 : memref<10240x64xf32, #tpu.memory_space<vmem_shared>>)
          tpu.yield
        }) : () -> ()
        %add3A_162 = arith.constant 6 : i32
        %add3A_163 = arith.addi %add3A_155, %add3A_162 : i32
        %lt3A_164 = arith.constant 102 : i32
        %lt3A_165 = arith.cmpi slt, %add3A_163, %lt3A_164 : i32
        %add3A_166 = arith.constant 6 : i32
        %add3A_167 = arith.addi %add3A_155, %add3A_166 : i32
        %convert_element_type3A_168 = arith.extui %lt3A_165 : i1 to i32
        %cond3A_169 = arith.constant 0 : i32
        %cond3A_170 = arith.cmpi ne, %convert_element_type3A_168, %cond3A_169 : i32
        scf.if %cond3A_170 {
          %dma_start3A_188 = arith.constant 0 : i32
          %dma_start3A_189 = tpu.memref_slice %arg6[%add3A_167, %dma_start3A_188] : memref<102x128xi32, #tpu.memory_space<vmem>> -> memref<1x128xi32, #tpu.memory_space<vmem>>
          %dma_start3A_190 = tpu.memref_squeeze %dma_start3A_189 : memref<1x128xi32, #tpu.memory_space<vmem>> -> memref<128xi32, #tpu.memory_space<vmem>>
          %dma_start3A_191 = arith.constant 0 : i32
          %dma_start3A_192 = arith.constant 0 : i32
          %dma_start3A_193 = tpu.memref_slice %arg2[%dma_start3A_191, %dma_start3A_192] : memref<10240x64xf32, #tpu.memory_space<hbm>> -> memref<10240x64xf32, #tpu.memory_space<hbm>>
          tpu.enqueue_indirect_dma source(%dma_start3A_193 : memref<10240x64xf32, #tpu.memory_space<hbm>>) target(%arg12 : memref<128x64xf32, #tpu.memory_space<vmem>>) offsets(%dma_start3A_190 : memref<128xi32, #tpu.memory_space<vmem>>) semaphore(%arg20 : memref<!tpu.dma_semaphore, #tpu.memory_space<semaphore_mem>>)
        } else {
        }
        %add3A_171 = arith.constant 5 : i32
        %add3A_172 = arith.addi %mul3A_87, %add3A_171 : i32
        %dma_wait3A_173 = arith.constant 0 : i32
        %dma_wait3A_174 = tpu.memref_slice %arg6[%add3A_172, %dma_wait3A_173] : memref<102x128xi32, #tpu.memory_space<vmem>> -> memref<1x128xi32, #tpu.memory_space<vmem>>
        %dma_wait3A_175 = tpu.memref_squeeze %dma_wait3A_174 : memref<1x128xi32, #tpu.memory_space<vmem>> -> memref<128xi32, #tpu.memory_space<vmem>>
        %dma_wait3A_176 = arith.constant 0 : i32
        %dma_wait3A_177 = arith.constant 0 : i32
        %dma_wait3A_178 = tpu.memref_slice %arg2[%dma_wait3A_176, %dma_wait3A_177] : memref<10240x64xf32, #tpu.memory_space<hbm>> -> memref<10240x64xf32, #tpu.memory_space<hbm>>
        tpu.wait_indirect_dma semaphore(%arg21 : memref<!tpu.dma_semaphore, #tpu.memory_space<semaphore_mem>>) src(%dma_wait3A_178 : memref<10240x64xf32, #tpu.memory_space<hbm>>) dst(%arg13 : memref<128x64xf32, #tpu.memory_space<vmem>>)
        "tpu.region"() ({
          %run_scoped3A = tpu.sem_alloc : memref<!tpu.dma_semaphore, #tpu.memory_space<semaphore_mem>>
          %dma_start3A_188 = arith.constant 0 : i32
          %dma_start3A_189 = tpu.memref_slice %arg7[%add3A_172, %dma_start3A_188] : memref<102x128xi32, #tpu.memory_space<vmem>> -> memref<1x128xi32, #tpu.memory_space<vmem>>
          %dma_start3A_190 = tpu.memref_squeeze %dma_start3A_189 : memref<1x128xi32, #tpu.memory_space<vmem>> -> memref<128xi32, #tpu.memory_space<vmem>>
          %dma_start3A_191 = arith.constant 0 : i32
          %dma_start3A_192 = arith.constant 0 : i32
          %dma_start3A_193 = tpu.memref_slice %arg15[%dma_start3A_191, %dma_start3A_192] : memref<10240x64xf32, #tpu.memory_space<vmem_shared>> -> memref<10240x64xf32, #tpu.memory_space<vmem_shared>>
          tpu.enqueue_indirect_dma source(%arg13 : memref<128x64xf32, #tpu.memory_space<vmem>>) target(%dma_start3A_193 : memref<10240x64xf32, #tpu.memory_space<vmem_shared>>) offsets(%dma_start3A_190 : memref<128xi32, #tpu.memory_space<vmem>>) semaphore(%run_scoped3A : memref<!tpu.dma_semaphore, #tpu.memory_space<semaphore_mem>>) {add = true}
          %dma_wait3A_194 = arith.constant 0 : i32
          %dma_wait3A_195 = tpu.memref_slice %arg7[%add3A_172, %dma_wait3A_194] : memref<102x128xi32, #tpu.memory_space<vmem>> -> memref<1x128xi32, #tpu.memory_space<vmem>>
          %dma_wait3A_196 = tpu.memref_squeeze %dma_wait3A_195 : memref<1x128xi32, #tpu.memory_space<vmem>> -> memref<128xi32, #tpu.memory_space<vmem>>
          %dma_wait3A_197 = arith.constant 0 : i32
          %dma_wait3A_198 = arith.constant 0 : i32
          %dma_wait3A_199 = tpu.memref_slice %arg15[%dma_wait3A_197, %dma_wait3A_198] : memref<10240x64xf32, #tpu.memory_space<vmem_shared>> -> memref<10240x64xf32, #tpu.memory_space<vmem_shared>>
          tpu.wait_indirect_dma semaphore(%run_scoped3A : memref<!tpu.dma_semaphore, #tpu.memory_space<semaphore_mem>>) src(%arg13 : memref<128x64xf32, #tpu.memory_space<vmem>>) dst(%dma_wait3A_199 : memref<10240x64xf32, #tpu.memory_space<vmem_shared>>)
          tpu.yield
        }) : () -> ()
        %add3A_179 = arith.constant 6 : i32
        %add3A_180 = arith.addi %add3A_172, %add3A_179 : i32
        %lt3A_181 = arith.constant 102 : i32
        %lt3A_182 = arith.cmpi slt, %add3A_180, %lt3A_181 : i32
        %add3A_183 = arith.constant 6 : i32
        %add3A_184 = arith.addi %add3A_172, %add3A_183 : i32
        %convert_element_type3A_185 = arith.extui %lt3A_182 : i1 to i32
        %cond3A_186 = arith.constant 0 : i32
        %cond3A_187 = arith.cmpi ne, %convert_element_type3A_185, %cond3A_186 : i32
        scf.if %cond3A_187 {
          %dma_start3A_188 = arith.constant 0 : i32
          %dma_start3A_189 = tpu.memref_slice %arg6[%add3A_184, %dma_start3A_188] : memref<102x128xi32, #tpu.memory_space<vmem>> -> memref<1x128xi32, #tpu.memory_space<vmem>>
          %dma_start3A_190 = tpu.memref_squeeze %dma_start3A_189 : memref<1x128xi32, #tpu.memory_space<vmem>> -> memref<128xi32, #tpu.memory_space<vmem>>
          %dma_start3A_191 = arith.constant 0 : i32
          %dma_start3A_192 = arith.constant 0 : i32
          %dma_start3A_193 = tpu.memref_slice %arg2[%dma_start3A_191, %dma_start3A_192] : memref<10240x64xf32, #tpu.memory_space<hbm>> -> memref<10240x64xf32, #tpu.memory_space<hbm>>
          tpu.enqueue_indirect_dma source(%dma_start3A_193 : memref<10240x64xf32, #tpu.memory_space<hbm>>) target(%arg13 : memref<128x64xf32, #tpu.memory_space<vmem>>) offsets(%dma_start3A_190 : memref<128xi32, #tpu.memory_space<vmem>>) semaphore(%arg21 : memref<!tpu.dma_semaphore, #tpu.memory_space<semaphore_mem>>)
        } else {
        }
      }
      %scan3A_84 = arith.constant 17 : i32
    } else {
    }
    %eq3A_2 = arith.constant 1 : i32
    %eq3A_3 = arith.cmpi eq, %arg0, %eq3A_2 : i32
    %convert_element_type3A_4 = arith.extui %eq3A_3 : i1 to i32
    %cond3A_5 = arith.constant 0 : i32
    %cond3A_6 = arith.cmpi ne, %convert_element_type3A_4, %cond3A_5 : i32
    scf.if %cond3A_6 {
      %mul3A_10 = arith.constant 66 : i32
      %mul3A_11 = arith.muli %arg1, %mul3A_10 : i32
      %add3A = arith.constant 1632 : i32
      %add3A_12 = arith.addi %add3A, %mul3A_11 : i32
      "tpu.region"() ({
        %run_scoped3A = tpu.sem_alloc : memref<!tpu.dma_semaphore, #tpu.memory_space<semaphore_mem>>
        %dma_start3A_87 = arith.constant 0 : i32
        %dma_start3A_88 = arith.constant 0 : i32
        %dma_start3A_89 = tpu.memref_slice %arg6[%dma_start3A_87, %dma_start3A_88] : memref<102x128xi32, #tpu.memory_space<vmem>> -> memref<66x128xi32, #tpu.memory_space<vmem>>
        %dma_start3A_90 = arith.constant 0 : i32
        %dma_start3A_91 = tpu.memref_slice %arg3[%add3A_12, %dma_start3A_90] : memref<2688x128xi32, #tpu.memory_space<hbm>> -> memref<66x128xi32, #tpu.memory_space<hbm>>
        %dma_start3A_92 = arith.constant 0 : i32
        %dma_start3A_93 = arith.constant 0 : i32
        %dma_start3A_94 = tpu.memref_slice %arg6[%dma_start3A_92, %dma_start3A_93] : memref<102x128xi32, #tpu.memory_space<vmem>> -> memref<66x128xi32, #tpu.memory_space<vmem>>
        %dma_start3A_95 = arith.constant 0 : i32
        %dma_start3A_96 = tpu.memref_slice %arg3[%add3A_12, %dma_start3A_95] : memref<2688x128xi32, #tpu.memory_space<hbm>> -> memref<66x128xi32, #tpu.memory_space<hbm>>
        tpu.enqueue_dma source(%dma_start3A_96 : memref<66x128xi32, #tpu.memory_space<hbm>>) target(%dma_start3A_94 : memref<66x128xi32, #tpu.memory_space<vmem>>) target_semaphore(%run_scoped3A : memref<!tpu.dma_semaphore, #tpu.memory_space<semaphore_mem>>)
        %dma_wait3A = arith.constant 0 : i32
        %dma_wait3A_97 = arith.constant 0 : i32
        %dma_wait3A_98 = tpu.memref_slice %arg6[%dma_wait3A, %dma_wait3A_97] : memref<102x128xi32, #tpu.memory_space<vmem>> -> memref<66x128xi32, #tpu.memory_space<vmem>>
        %dma_wait3A_99 = arith.constant 0 : i32
        %dma_wait3A_100 = tpu.memref_slice %arg3[%add3A_12, %dma_wait3A_99] : memref<2688x128xi32, #tpu.memory_space<hbm>> -> memref<66x128xi32, #tpu.memory_space<hbm>>
        %dma_wait3A_101 = arith.constant 0 : i32
        %dma_wait3A_102 = arith.constant 0 : i32
        %dma_wait3A_103 = tpu.memref_slice %arg6[%dma_wait3A_101, %dma_wait3A_102] : memref<102x128xi32, #tpu.memory_space<vmem>> -> memref<66x128xi32, #tpu.memory_space<vmem>>
        %dma_wait3A_104 = arith.constant 0 : i32
        %dma_wait3A_105 = tpu.memref_slice %arg3[%add3A_12, %dma_wait3A_104] : memref<2688x128xi32, #tpu.memory_space<hbm>> -> memref<66x128xi32, #tpu.memory_space<hbm>>
        tpu.wait_dma2 semaphore(%run_scoped3A : memref<!tpu.dma_semaphore, #tpu.memory_space<semaphore_mem>>) src(%dma_wait3A_105 : memref<66x128xi32, #tpu.memory_space<hbm>>) dst(%dma_wait3A_103 : memref<66x128xi32, #tpu.memory_space<vmem>>)
        tpu.yield
      }) : () -> ()
      "tpu.region"() ({
        %run_scoped3A = tpu.sem_alloc : memref<!tpu.dma_semaphore, #tpu.memory_space<semaphore_mem>>
        %dma_start3A_87 = arith.constant 0 : i32
        %dma_start3A_88 = arith.constant 0 : i32
        %dma_start3A_89 = tpu.memref_slice %arg7[%dma_start3A_87, %dma_start3A_88] : memref<102x128xi32, #tpu.memory_space<vmem>> -> memref<66x128xi32, #tpu.memory_space<vmem>>
        %dma_start3A_90 = arith.constant 0 : i32
        %dma_start3A_91 = tpu.memref_slice %arg4[%add3A_12, %dma_start3A_90] : memref<2688x128xi32, #tpu.memory_space<hbm>> -> memref<66x128xi32, #tpu.memory_space<hbm>>
        %dma_start3A_92 = arith.constant 0 : i32
        %dma_start3A_93 = arith.constant 0 : i32
        %dma_start3A_94 = tpu.memref_slice %arg7[%dma_start3A_92, %dma_start3A_93] : memref<102x128xi32, #tpu.memory_space<vmem>> -> memref<66x128xi32, #tpu.memory_space<vmem>>
        %dma_start3A_95 = arith.constant 0 : i32
        %dma_start3A_96 = tpu.memref_slice %arg4[%add3A_12, %dma_start3A_95] : memref<2688x128xi32, #tpu.memory_space<hbm>> -> memref<66x128xi32, #tpu.memory_space<hbm>>
        tpu.enqueue_dma source(%dma_start3A_96 : memref<66x128xi32, #tpu.memory_space<hbm>>) target(%dma_start3A_94 : memref<66x128xi32, #tpu.memory_space<vmem>>) target_semaphore(%run_scoped3A : memref<!tpu.dma_semaphore, #tpu.memory_space<semaphore_mem>>)
        %dma_wait3A = arith.constant 0 : i32
        %dma_wait3A_97 = arith.constant 0 : i32
        %dma_wait3A_98 = tpu.memref_slice %arg7[%dma_wait3A, %dma_wait3A_97] : memref<102x128xi32, #tpu.memory_space<vmem>> -> memref<66x128xi32, #tpu.memory_space<vmem>>
        %dma_wait3A_99 = arith.constant 0 : i32
        %dma_wait3A_100 = tpu.memref_slice %arg4[%add3A_12, %dma_wait3A_99] : memref<2688x128xi32, #tpu.memory_space<hbm>> -> memref<66x128xi32, #tpu.memory_space<hbm>>
        %dma_wait3A_101 = arith.constant 0 : i32
        %dma_wait3A_102 = arith.constant 0 : i32
        %dma_wait3A_103 = tpu.memref_slice %arg7[%dma_wait3A_101, %dma_wait3A_102] : memref<102x128xi32, #tpu.memory_space<vmem>> -> memref<66x128xi32, #tpu.memory_space<vmem>>
        %dma_wait3A_104 = arith.constant 0 : i32
        %dma_wait3A_105 = tpu.memref_slice %arg4[%add3A_12, %dma_wait3A_104] : memref<2688x128xi32, #tpu.memory_space<hbm>> -> memref<66x128xi32, #tpu.memory_space<hbm>>
        tpu.wait_dma2 semaphore(%run_scoped3A : memref<!tpu.dma_semaphore, #tpu.memory_space<semaphore_mem>>) src(%dma_wait3A_105 : memref<66x128xi32, #tpu.memory_space<hbm>>) dst(%dma_wait3A_103 : memref<66x128xi32, #tpu.memory_space<vmem>>)
        tpu.yield
      }) : () -> ()
      %dma_start3A = arith.constant 0 : i32
      %dma_start3A_13 = arith.constant 0 : i32
      %dma_start3A_14 = tpu.memref_slice %arg6[%dma_start3A, %dma_start3A_13] : memref<102x128xi32, #tpu.memory_space<vmem>> -> memref<1x128xi32, #tpu.memory_space<vmem>>
      %dma_start3A_15 = tpu.memref_squeeze %dma_start3A_14 : memref<1x128xi32, #tpu.memory_space<vmem>> -> memref<128xi32, #tpu.memory_space<vmem>>
      %dma_start3A_16 = arith.constant 0 : i32
      %dma_start3A_17 = arith.constant 0 : i32
      %dma_start3A_18 = tpu.memref_slice %arg2[%dma_start3A_16, %dma_start3A_17] : memref<10240x64xf32, #tpu.memory_space<hbm>> -> memref<10240x64xf32, #tpu.memory_space<hbm>>
      tpu.enqueue_indirect_dma source(%dma_start3A_18 : memref<10240x64xf32, #tpu.memory_space<hbm>>) target(%arg8 : memref<128x64xf32, #tpu.memory_space<vmem>>) offsets(%dma_start3A_15 : memref<128xi32, #tpu.memory_space<vmem>>) semaphore(%arg16 : memref<!tpu.dma_semaphore, #tpu.memory_space<semaphore_mem>>)
      %dma_start3A_19 = arith.constant 1 : i32
      %dma_start3A_20 = arith.constant 0 : i32
      %dma_start3A_21 = tpu.memref_slice %arg6[%dma_start3A_19, %dma_start3A_20] : memref<102x128xi32, #tpu.memory_space<vmem>> -> memref<1x128xi32, #tpu.memory_space<vmem>>
      %dma_start3A_22 = tpu.memref_squeeze %dma_start3A_21 : memref<1x128xi32, #tpu.memory_space<vmem>> -> memref<128xi32, #tpu.memory_space<vmem>>
      %dma_start3A_23 = arith.constant 0 : i32
      %dma_start3A_24 = arith.constant 0 : i32
      %dma_start3A_25 = tpu.memref_slice %arg2[%dma_start3A_23, %dma_start3A_24] : memref<10240x64xf32, #tpu.memory_space<hbm>> -> memref<10240x64xf32, #tpu.memory_space<hbm>>
      tpu.enqueue_indirect_dma source(%dma_start3A_25 : memref<10240x64xf32, #tpu.memory_space<hbm>>) target(%arg9 : memref<128x64xf32, #tpu.memory_space<vmem>>) offsets(%dma_start3A_22 : memref<128xi32, #tpu.memory_space<vmem>>) semaphore(%arg17 : memref<!tpu.dma_semaphore, #tpu.memory_space<semaphore_mem>>)
      %dma_start3A_26 = arith.constant 2 : i32
      %dma_start3A_27 = arith.constant 0 : i32
      %dma_start3A_28 = tpu.memref_slice %arg6[%dma_start3A_26, %dma_start3A_27] : memref<102x128xi32, #tpu.memory_space<vmem>> -> memref<1x128xi32, #tpu.memory_space<vmem>>
      %dma_start3A_29 = tpu.memref_squeeze %dma_start3A_28 : memref<1x128xi32, #tpu.memory_space<vmem>> -> memref<128xi32, #tpu.memory_space<vmem>>
      %dma_start3A_30 = arith.constant 0 : i32
      %dma_start3A_31 = arith.constant 0 : i32
      %dma_start3A_32 = tpu.memref_slice %arg2[%dma_start3A_30, %dma_start3A_31] : memref<10240x64xf32, #tpu.memory_space<hbm>> -> memref<10240x64xf32, #tpu.memory_space<hbm>>
      tpu.enqueue_indirect_dma source(%dma_start3A_32 : memref<10240x64xf32, #tpu.memory_space<hbm>>) target(%arg10 : memref<128x64xf32, #tpu.memory_space<vmem>>) offsets(%dma_start3A_29 : memref<128xi32, #tpu.memory_space<vmem>>) semaphore(%arg18 : memref<!tpu.dma_semaphore, #tpu.memory_space<semaphore_mem>>)
      %dma_start3A_33 = arith.constant 3 : i32
      %dma_start3A_34 = arith.constant 0 : i32
      %dma_start3A_35 = tpu.memref_slice %arg6[%dma_start3A_33, %dma_start3A_34] : memref<102x128xi32, #tpu.memory_space<vmem>> -> memref<1x128xi32, #tpu.memory_space<vmem>>
      %dma_start3A_36 = tpu.memref_squeeze %dma_start3A_35 : memref<1x128xi32, #tpu.memory_space<vmem>> -> memref<128xi32, #tpu.memory_space<vmem>>
      %dma_start3A_37 = arith.constant 0 : i32
      %dma_start3A_38 = arith.constant 0 : i32
      %dma_start3A_39 = tpu.memref_slice %arg2[%dma_start3A_37, %dma_start3A_38] : memref<10240x64xf32, #tpu.memory_space<hbm>> -> memref<10240x64xf32, #tpu.memory_space<hbm>>
      tpu.enqueue_indirect_dma source(%dma_start3A_39 : memref<10240x64xf32, #tpu.memory_space<hbm>>) target(%arg11 : memref<128x64xf32, #tpu.memory_space<vmem>>) offsets(%dma_start3A_36 : memref<128xi32, #tpu.memory_space<vmem>>) semaphore(%arg19 : memref<!tpu.dma_semaphore, #tpu.memory_space<semaphore_mem>>)
      %dma_start3A_40 = arith.constant 4 : i32
      %dma_start3A_41 = arith.constant 0 : i32
      %dma_start3A_42 = tpu.memref_slice %arg6[%dma_start3A_40, %dma_start3A_41] : memref<102x128xi32, #tpu.memory_space<vmem>> -> memref<1x128xi32, #tpu.memory_space<vmem>>
      %dma_start3A_43 = tpu.memref_squeeze %dma_start3A_42 : memref<1x128xi32, #tpu.memory_space<vmem>> -> memref<128xi32, #tpu.memory_space<vmem>>
      %dma_start3A_44 = arith.constant 0 : i32
      %dma_start3A_45 = arith.constant 0 : i32
      %dma_start3A_46 = tpu.memref_slice %arg2[%dma_start3A_44, %dma_start3A_45] : memref<10240x64xf32, #tpu.memory_space<hbm>> -> memref<10240x64xf32, #tpu.memory_space<hbm>>
      tpu.enqueue_indirect_dma source(%dma_start3A_46 : memref<10240x64xf32, #tpu.memory_space<hbm>>) target(%arg12 : memref<128x64xf32, #tpu.memory_space<vmem>>) offsets(%dma_start3A_43 : memref<128xi32, #tpu.memory_space<vmem>>) semaphore(%arg20 : memref<!tpu.dma_semaphore, #tpu.memory_space<semaphore_mem>>)
      %dma_start3A_47 = arith.constant 5 : i32
      %dma_start3A_48 = arith.constant 0 : i32
      %dma_start3A_49 = tpu.memref_slice %arg6[%dma_start3A_47, %dma_start3A_48] : memref<102x128xi32, #tpu.memory_space<vmem>> -> memref<1x128xi32, #tpu.memory_space<vmem>>
      %dma_start3A_50 = tpu.memref_squeeze %dma_start3A_49 : memref<1x128xi32, #tpu.memory_space<vmem>> -> memref<128xi32, #tpu.memory_space<vmem>>
      %dma_start3A_51 = arith.constant 0 : i32
      %dma_start3A_52 = arith.constant 0 : i32
      %dma_start3A_53 = tpu.memref_slice %arg2[%dma_start3A_51, %dma_start3A_52] : memref<10240x64xf32, #tpu.memory_space<hbm>> -> memref<10240x64xf32, #tpu.memory_space<hbm>>
      tpu.enqueue_indirect_dma source(%dma_start3A_53 : memref<10240x64xf32, #tpu.memory_space<hbm>>) target(%arg13 : memref<128x64xf32, #tpu.memory_space<vmem>>) offsets(%dma_start3A_50 : memref<128xi32, #tpu.memory_space<vmem>>) semaphore(%arg21 : memref<!tpu.dma_semaphore, #tpu.memory_space<semaphore_mem>>)
      %broadcast_in_dim3A = arith.constant 0.000000e+00 : f32
      %broadcast_in_dim3A_54 = vector.broadcast %broadcast_in_dim3A : f32 to vector<16xf32>
      %scan3A = arith.constant 0 : i32
      %scan3A_55 = arith.constant 0 : i32
      %scan3A_56 = arith.constant 128 : i32
      %scan3A_57 = arith.addi %scan3A_55, %scan3A_56 : i32
      %scan3A_58 = arith.constant 1 : i32
      scf.for %scan3A_87 = %scan3A_55 to %scan3A_57 step %scan3A_58  : i32 {
        %swap3A = arith.index_cast %scan3A_87 : i32 to index
        %swap3A_88 = arith.constant 0 : index
        %swap3A_89 = tpu.vector_load %arg14[%swap3A, %swap3A_88] {strides = array<i32>} : memref<128x64xf32, #tpu.memory_space<vmem>>, vector<1x16xf32>,
        %swap3A_90 = vector.shape_cast %swap3A_89 : vector<1x16xf32> to vector<16xf32>
        %swap3A_91 = vector.shape_cast %broadcast_in_dim3A_54 : vector<16xf32> to vector<1x16xf32>
        tpu.vector_store %arg14[%swap3A, %swap3A_88], %swap3A_91 {strides = array<i32>} : memref<128x64xf32, #tpu.memory_space<vmem>>, vector<1x16xf32>,
        %swap3A_92 = arith.index_cast %scan3A_87 : i32 to index
        %swap3A_93 = arith.constant 16 : index
        %swap3A_94 = tpu.vector_load %arg14[%swap3A_92, %swap3A_93] {strides = array<i32>} : memref<128x64xf32, #tpu.memory_space<vmem>>, vector<1x16xf32>,
        %swap3A_95 = vector.shape_cast %swap3A_94 : vector<1x16xf32> to vector<16xf32>
        %swap3A_96 = vector.shape_cast %broadcast_in_dim3A_54 : vector<16xf32> to vector<1x16xf32>
        tpu.vector_store %arg14[%swap3A_92, %swap3A_93], %swap3A_96 {strides = array<i32>} : memref<128x64xf32, #tpu.memory_space<vmem>>, vector<1x16xf32>,
        %swap3A_97 = arith.index_cast %scan3A_87 : i32 to index
        %swap3A_98 = arith.constant 32 : index
        %swap3A_99 = tpu.vector_load %arg14[%swap3A_97, %swap3A_98] {strides = array<i32>} : memref<128x64xf32, #tpu.memory_space<vmem>>, vector<1x16xf32>,
        %swap3A_100 = vector.shape_cast %swap3A_99 : vector<1x16xf32> to vector<16xf32>
        %swap3A_101 = vector.shape_cast %broadcast_in_dim3A_54 : vector<16xf32> to vector<1x16xf32>
        tpu.vector_store %arg14[%swap3A_97, %swap3A_98], %swap3A_101 {strides = array<i32>} : memref<128x64xf32, #tpu.memory_space<vmem>>, vector<1x16xf32>,
        %swap3A_102 = arith.index_cast %scan3A_87 : i32 to index
        %swap3A_103 = arith.constant 48 : index
        %swap3A_104 = tpu.vector_load %arg14[%swap3A_102, %swap3A_103] {strides = array<i32>} : memref<128x64xf32, #tpu.memory_space<vmem>>, vector<1x16xf32>,
        %swap3A_105 = vector.shape_cast %swap3A_104 : vector<1x16xf32> to vector<16xf32>
        %swap3A_106 = vector.shape_cast %broadcast_in_dim3A_54 : vector<16xf32> to vector<1x16xf32>
        tpu.vector_store %arg14[%swap3A_102, %swap3A_103], %swap3A_106 {strides = array<i32>} : memref<128x64xf32, #tpu.memory_space<vmem>>, vector<1x16xf32>,
      }
      %scan3A_59 = arith.constant 128 : i32
      %mul3A_60 = arith.constant 640 : i32
      %mul3A_61 = arith.muli %arg1, %mul3A_60 : i32
      %add3A_62 = arith.constant 0 : i32
      %add3A_63 = arith.addi %mul3A_61, %add3A_62 : i32
      "tpu.region"() ({
        %run_scoped3A = tpu.sem_alloc : memref<!tpu.dma_semaphore, #tpu.memory_space<semaphore_mem>>
        %dma_start3A_87 = arith.constant 0 : i32
        %dma_start3A_88 = tpu.memref_slice %arg15[%add3A_63, %dma_start3A_87] : memref<10240x64xf32, #tpu.memory_space<vmem_shared>> -> memref<128x64xf32, #tpu.memory_space<vmem_shared>>
        %dma_start3A_89 = arith.constant 0 : i32
        %dma_start3A_90 = tpu.memref_slice %arg15[%add3A_63, %dma_start3A_89] : memref<10240x64xf32, #tpu.memory_space<vmem_shared>> -> memref<128x64xf32, #tpu.memory_space<vmem_shared>>
        tpu.enqueue_dma source(%arg14 : memref<128x64xf32, #tpu.memory_space<vmem>>) target(%dma_start3A_90 : memref<128x64xf32, #tpu.memory_space<vmem_shared>>) target_semaphore(%run_scoped3A : memref<!tpu.dma_semaphore, #tpu.memory_space<semaphore_mem>>)
        %dma_wait3A = arith.constant 0 : i32
        %dma_wait3A_91 = tpu.memref_slice %arg15[%add3A_63, %dma_wait3A] : memref<10240x64xf32, #tpu.memory_space<vmem_shared>> -> memref<128x64xf32, #tpu.memory_space<vmem_shared>>
        %dma_wait3A_92 = arith.constant 0 : i32
        %dma_wait3A_93 = tpu.memref_slice %arg15[%add3A_63, %dma_wait3A_92] : memref<10240x64xf32, #tpu.memory_space<vmem_shared>> -> memref<128x64xf32, #tpu.memory_space<vmem_shared>>
        tpu.wait_dma2 semaphore(%run_scoped3A : memref<!tpu.dma_semaphore, #tpu.memory_space<semaphore_mem>>) src(%arg14 : memref<128x64xf32, #tpu.memory_space<vmem>>) dst(%dma_wait3A_93 : memref<128x64xf32, #tpu.memory_space<vmem_shared>>)
        tpu.yield
      }) : () -> ()
      %mul3A_64 = arith.constant 640 : i32
      %mul3A_65 = arith.muli %arg1, %mul3A_64 : i32
      %add3A_66 = arith.constant 128 : i32
      %add3A_67 = arith.addi %mul3A_65, %add3A_66 : i32
      "tpu.region"() ({
        %run_scoped3A = tpu.sem_alloc : memref<!tpu.dma_semaphore, #tpu.memory_space<semaphore_mem>>
        %dma_start3A_87 = arith.constant 0 : i32
        %dma_start3A_88 = tpu.memref_slice %arg15[%add3A_67, %dma_start3A_87] : memref<10240x64xf32, #tpu.memory_space<vmem_shared>> -> memref<128x64xf32, #tpu.memory_space<vmem_shared>>
        %dma_start3A_89 = arith.constant 0 : i32
        %dma_start3A_90 = tpu.memref_slice %arg15[%add3A_67, %dma_start3A_89] : memref<10240x64xf32, #tpu.memory_space<vmem_shared>> -> memref<128x64xf32, #tpu.memory_space<vmem_shared>>
        tpu.enqueue_dma source(%arg14 : memref<128x64xf32, #tpu.memory_space<vmem>>) target(%dma_start3A_90 : memref<128x64xf32, #tpu.memory_space<vmem_shared>>) target_semaphore(%run_scoped3A : memref<!tpu.dma_semaphore, #tpu.memory_space<semaphore_mem>>)
        %dma_wait3A = arith.constant 0 : i32
        %dma_wait3A_91 = tpu.memref_slice %arg15[%add3A_67, %dma_wait3A] : memref<10240x64xf32, #tpu.memory_space<vmem_shared>> -> memref<128x64xf32, #tpu.memory_space<vmem_shared>>
        %dma_wait3A_92 = arith.constant 0 : i32
        %dma_wait3A_93 = tpu.memref_slice %arg15[%add3A_67, %dma_wait3A_92] : memref<10240x64xf32, #tpu.memory_space<vmem_shared>> -> memref<128x64xf32, #tpu.memory_space<vmem_shared>>
        tpu.wait_dma2 semaphore(%run_scoped3A : memref<!tpu.dma_semaphore, #tpu.memory_space<semaphore_mem>>) src(%arg14 : memref<128x64xf32, #tpu.memory_space<vmem>>) dst(%dma_wait3A_93 : memref<128x64xf32, #tpu.memory_space<vmem_shared>>)
        tpu.yield
      }) : () -> ()
      %mul3A_68 = arith.constant 640 : i32
      %mul3A_69 = arith.muli %arg1, %mul3A_68 : i32
      %add3A_70 = arith.constant 256 : i32
      %add3A_71 = arith.addi %mul3A_69, %add3A_70 : i32
      "tpu.region"() ({
        %run_scoped3A = tpu.sem_alloc : memref<!tpu.dma_semaphore, #tpu.memory_space<semaphore_mem>>
        %dma_start3A_87 = arith.constant 0 : i32
        %dma_start3A_88 = tpu.memref_slice %arg15[%add3A_71, %dma_start3A_87] : memref<10240x64xf32, #tpu.memory_space<vmem_shared>> -> memref<128x64xf32, #tpu.memory_space<vmem_shared>>
        %dma_start3A_89 = arith.constant 0 : i32
        %dma_start3A_90 = tpu.memref_slice %arg15[%add3A_71, %dma_start3A_89] : memref<10240x64xf32, #tpu.memory_space<vmem_shared>> -> memref<128x64xf32, #tpu.memory_space<vmem_shared>>
        tpu.enqueue_dma source(%arg14 : memref<128x64xf32, #tpu.memory_space<vmem>>) target(%dma_start3A_90 : memref<128x64xf32, #tpu.memory_space<vmem_shared>>) target_semaphore(%run_scoped3A : memref<!tpu.dma_semaphore, #tpu.memory_space<semaphore_mem>>)
        %dma_wait3A = arith.constant 0 : i32
        %dma_wait3A_91 = tpu.memref_slice %arg15[%add3A_71, %dma_wait3A] : memref<10240x64xf32, #tpu.memory_space<vmem_shared>> -> memref<128x64xf32, #tpu.memory_space<vmem_shared>>
        %dma_wait3A_92 = arith.constant 0 : i32
        %dma_wait3A_93 = tpu.memref_slice %arg15[%add3A_71, %dma_wait3A_92] : memref<10240x64xf32, #tpu.memory_space<vmem_shared>> -> memref<128x64xf32, #tpu.memory_space<vmem_shared>>
        tpu.wait_dma2 semaphore(%run_scoped3A : memref<!tpu.dma_semaphore, #tpu.memory_space<semaphore_mem>>) src(%arg14 : memref<128x64xf32, #tpu.memory_space<vmem>>) dst(%dma_wait3A_93 : memref<128x64xf32, #tpu.memory_space<vmem_shared>>)
        tpu.yield
      }) : () -> ()
      %mul3A_72 = arith.constant 640 : i32
      %mul3A_73 = arith.muli %arg1, %mul3A_72 : i32
      %add3A_74 = arith.constant 384 : i32
      %add3A_75 = arith.addi %mul3A_73, %add3A_74 : i32
      "tpu.region"() ({
        %run_scoped3A = tpu.sem_alloc : memref<!tpu.dma_semaphore, #tpu.memory_space<semaphore_mem>>
        %dma_start3A_87 = arith.constant 0 : i32
        %dma_start3A_88 = tpu.memref_slice %arg15[%add3A_75, %dma_start3A_87] : memref<10240x64xf32, #tpu.memory_space<vmem_shared>> -> memref<128x64xf32, #tpu.memory_space<vmem_shared>>
        %dma_start3A_89 = arith.constant 0 : i32
        %dma_start3A_90 = tpu.memref_slice %arg15[%add3A_75, %dma_start3A_89] : memref<10240x64xf32, #tpu.memory_space<vmem_shared>> -> memref<128x64xf32, #tpu.memory_space<vmem_shared>>
        tpu.enqueue_dma source(%arg14 : memref<128x64xf32, #tpu.memory_space<vmem>>) target(%dma_start3A_90 : memref<128x64xf32, #tpu.memory_space<vmem_shared>>) target_semaphore(%run_scoped3A : memref<!tpu.dma_semaphore, #tpu.memory_space<semaphore_mem>>)
        %dma_wait3A = arith.constant 0 : i32
        %dma_wait3A_91 = tpu.memref_slice %arg15[%add3A_75, %dma_wait3A] : memref<10240x64xf32, #tpu.memory_space<vmem_shared>> -> memref<128x64xf32, #tpu.memory_space<vmem_shared>>
        %dma_wait3A_92 = arith.constant 0 : i32
        %dma_wait3A_93 = tpu.memref_slice %arg15[%add3A_75, %dma_wait3A_92] : memref<10240x64xf32, #tpu.memory_space<vmem_shared>> -> memref<128x64xf32, #tpu.memory_space<vmem_shared>>
        tpu.wait_dma2 semaphore(%run_scoped3A : memref<!tpu.dma_semaphore, #tpu.memory_space<semaphore_mem>>) src(%arg14 : memref<128x64xf32, #tpu.memory_space<vmem>>) dst(%dma_wait3A_93 : memref<128x64xf32, #tpu.memory_space<vmem_shared>>)
        tpu.yield
      }) : () -> ()
      %mul3A_76 = arith.constant 640 : i32
      %mul3A_77 = arith.muli %arg1, %mul3A_76 : i32
      %add3A_78 = arith.constant 512 : i32
      %add3A_79 = arith.addi %mul3A_77, %add3A_78 : i32
      "tpu.region"() ({
        %run_scoped3A = tpu.sem_alloc : memref<!tpu.dma_semaphore, #tpu.memory_space<semaphore_mem>>
        %dma_start3A_87 = arith.constant 0 : i32
        %dma_start3A_88 = tpu.memref_slice %arg15[%add3A_79, %dma_start3A_87] : memref<10240x64xf32, #tpu.memory_space<vmem_shared>> -> memref<128x64xf32, #tpu.memory_space<vmem_shared>>
        %dma_start3A_89 = arith.constant 0 : i32
        %dma_start3A_90 = tpu.memref_slice %arg15[%add3A_79, %dma_start3A_89] : memref<10240x64xf32, #tpu.memory_space<vmem_shared>> -> memref<128x64xf32, #tpu.memory_space<vmem_shared>>
        tpu.enqueue_dma source(%arg14 : memref<128x64xf32, #tpu.memory_space<vmem>>) target(%dma_start3A_90 : memref<128x64xf32, #tpu.memory_space<vmem_shared>>) target_semaphore(%run_scoped3A : memref<!tpu.dma_semaphore, #tpu.memory_space<semaphore_mem>>)
        %dma_wait3A = arith.constant 0 : i32
        %dma_wait3A_91 = tpu.memref_slice %arg15[%add3A_79, %dma_wait3A] : memref<10240x64xf32, #tpu.memory_space<vmem_shared>> -> memref<128x64xf32, #tpu.memory_space<vmem_shared>>
        %dma_wait3A_92 = arith.constant 0 : i32
        %dma_wait3A_93 = tpu.memref_slice %arg15[%add3A_79, %dma_wait3A_92] : memref<10240x64xf32, #tpu.memory_space<vmem_shared>> -> memref<128x64xf32, #tpu.memory_space<vmem_shared>>
        tpu.wait_dma2 semaphore(%run_scoped3A : memref<!tpu.dma_semaphore, #tpu.memory_space<semaphore_mem>>) src(%arg14 : memref<128x64xf32, #tpu.memory_space<vmem>>) dst(%dma_wait3A_93 : memref<128x64xf32, #tpu.memory_space<vmem_shared>>)
        tpu.yield
      }) : () -> ()
      %barrier3A_80 = arith.constant 0 : index
      tpu.barrier barrier_id(%barrier3A_80)
      %scan3A_81 = arith.constant 0 : i32
      %scan3A_82 = arith.constant 0 : i32
      %scan3A_83 = arith.constant 11 : i32
      %scan3A_84 = arith.addi %scan3A_82, %scan3A_83 : i32
      %scan3A_85 = arith.constant 1 : i32
      scf.for %scan3A_87 = %scan3A_82 to %scan3A_84 step %scan3A_85  : i32 {
        %mul3A_88 = arith.constant 6 : i32
        %mul3A_89 = arith.muli %scan3A_87, %mul3A_88 : i32
        %add3A_90 = arith.constant 0 : i32
        %add3A_91 = arith.addi %mul3A_89, %add3A_90 : i32
        %dma_wait3A = arith.constant 0 : i32
        %dma_wait3A_92 = tpu.memref_slice %arg6[%add3A_91, %dma_wait3A] : memref<102x128xi32, #tpu.memory_space<vmem>> -> memref<1x128xi32, #tpu.memory_space<vmem>>
        %dma_wait3A_93 = tpu.memref_squeeze %dma_wait3A_92 : memref<1x128xi32, #tpu.memory_space<vmem>> -> memref<128xi32, #tpu.memory_space<vmem>>
        %dma_wait3A_94 = arith.constant 0 : i32
        %dma_wait3A_95 = arith.constant 0 : i32
        %dma_wait3A_96 = tpu.memref_slice %arg2[%dma_wait3A_94, %dma_wait3A_95] : memref<10240x64xf32, #tpu.memory_space<hbm>> -> memref<10240x64xf32, #tpu.memory_space<hbm>>
        tpu.wait_indirect_dma semaphore(%arg16 : memref<!tpu.dma_semaphore, #tpu.memory_space<semaphore_mem>>) src(%dma_wait3A_96 : memref<10240x64xf32, #tpu.memory_space<hbm>>) dst(%arg8 : memref<128x64xf32, #tpu.memory_space<vmem>>)
        "tpu.region"() ({
          %run_scoped3A = tpu.sem_alloc : memref<!tpu.dma_semaphore, #tpu.memory_space<semaphore_mem>>
          %dma_start3A_190 = arith.constant 0 : i32
          %dma_start3A_191 = tpu.memref_slice %arg7[%add3A_91, %dma_start3A_190] : memref<102x128xi32, #tpu.memory_space<vmem>> -> memref<1x128xi32, #tpu.memory_space<vmem>>
          %dma_start3A_192 = tpu.memref_squeeze %dma_start3A_191 : memref<1x128xi32, #tpu.memory_space<vmem>> -> memref<128xi32, #tpu.memory_space<vmem>>
          %dma_start3A_193 = arith.constant 0 : i32
          %dma_start3A_194 = arith.constant 0 : i32
          %dma_start3A_195 = tpu.memref_slice %arg15[%dma_start3A_193, %dma_start3A_194] : memref<10240x64xf32, #tpu.memory_space<vmem_shared>> -> memref<10240x64xf32, #tpu.memory_space<vmem_shared>>
          tpu.enqueue_indirect_dma source(%arg8 : memref<128x64xf32, #tpu.memory_space<vmem>>) target(%dma_start3A_195 : memref<10240x64xf32, #tpu.memory_space<vmem_shared>>) offsets(%dma_start3A_192 : memref<128xi32, #tpu.memory_space<vmem>>) semaphore(%run_scoped3A : memref<!tpu.dma_semaphore, #tpu.memory_space<semaphore_mem>>) {add = true}
          %dma_wait3A_196 = arith.constant 0 : i32
          %dma_wait3A_197 = tpu.memref_slice %arg7[%add3A_91, %dma_wait3A_196] : memref<102x128xi32, #tpu.memory_space<vmem>> -> memref<1x128xi32, #tpu.memory_space<vmem>>
          %dma_wait3A_198 = tpu.memref_squeeze %dma_wait3A_197 : memref<1x128xi32, #tpu.memory_space<vmem>> -> memref<128xi32, #tpu.memory_space<vmem>>
          %dma_wait3A_199 = arith.constant 0 : i32
          %dma_wait3A_200 = arith.constant 0 : i32
          %dma_wait3A_201 = tpu.memref_slice %arg15[%dma_wait3A_199, %dma_wait3A_200] : memref<10240x64xf32, #tpu.memory_space<vmem_shared>> -> memref<10240x64xf32, #tpu.memory_space<vmem_shared>>
          tpu.wait_indirect_dma semaphore(%run_scoped3A : memref<!tpu.dma_semaphore, #tpu.memory_space<semaphore_mem>>) src(%arg8 : memref<128x64xf32, #tpu.memory_space<vmem>>) dst(%dma_wait3A_201 : memref<10240x64xf32, #tpu.memory_space<vmem_shared>>)
          tpu.yield
        }) : () -> ()
        %add3A_97 = arith.constant 6 : i32
        %add3A_98 = arith.addi %add3A_91, %add3A_97 : i32
        %lt3A = arith.constant 66 : i32
        %lt3A_99 = arith.cmpi slt, %add3A_98, %lt3A : i32
        %add3A_100 = arith.constant 6 : i32
        %add3A_101 = arith.addi %add3A_91, %add3A_100 : i32
        %convert_element_type3A_102 = arith.extui %lt3A_99 : i1 to i32
        %cond3A_103 = arith.constant 0 : i32
        %cond3A_104 = arith.cmpi ne, %convert_element_type3A_102, %cond3A_103 : i32
        scf.if %cond3A_104 {
          %dma_start3A_190 = arith.constant 0 : i32
          %dma_start3A_191 = tpu.memref_slice %arg6[%add3A_101, %dma_start3A_190] : memref<102x128xi32, #tpu.memory_space<vmem>> -> memref<1x128xi32, #tpu.memory_space<vmem>>
          %dma_start3A_192 = tpu.memref_squeeze %dma_start3A_191 : memref<1x128xi32, #tpu.memory_space<vmem>> -> memref<128xi32, #tpu.memory_space<vmem>>
          %dma_start3A_193 = arith.constant 0 : i32
          %dma_start3A_194 = arith.constant 0 : i32
          %dma_start3A_195 = tpu.memref_slice %arg2[%dma_start3A_193, %dma_start3A_194] : memref<10240x64xf32, #tpu.memory_space<hbm>> -> memref<10240x64xf32, #tpu.memory_space<hbm>>
          tpu.enqueue_indirect_dma source(%dma_start3A_195 : memref<10240x64xf32, #tpu.memory_space<hbm>>) target(%arg8 : memref<128x64xf32, #tpu.memory_space<vmem>>) offsets(%dma_start3A_192 : memref<128xi32, #tpu.memory_space<vmem>>) semaphore(%arg16 : memref<!tpu.dma_semaphore, #tpu.memory_space<semaphore_mem>>)
        } else {
        }
        %add3A_105 = arith.constant 1 : i32
        %add3A_106 = arith.addi %mul3A_89, %add3A_105 : i32
        %dma_wait3A_107 = arith.constant 0 : i32
        %dma_wait3A_108 = tpu.memref_slice %arg6[%add3A_106, %dma_wait3A_107] : memref<102x128xi32, #tpu.memory_space<vmem>> -> memref<1x128xi32, #tpu.memory_space<vmem>>
        %dma_wait3A_109 = tpu.memref_squeeze %dma_wait3A_108 : memref<1x128xi32, #tpu.memory_space<vmem>> -> memref<128xi32, #tpu.memory_space<vmem>>
        %dma_wait3A_110 = arith.constant 0 : i32
        %dma_wait3A_111 = arith.constant 0 : i32
        %dma_wait3A_112 = tpu.memref_slice %arg2[%dma_wait3A_110, %dma_wait3A_111] : memref<10240x64xf32, #tpu.memory_space<hbm>> -> memref<10240x64xf32, #tpu.memory_space<hbm>>
        tpu.wait_indirect_dma semaphore(%arg17 : memref<!tpu.dma_semaphore, #tpu.memory_space<semaphore_mem>>) src(%dma_wait3A_112 : memref<10240x64xf32, #tpu.memory_space<hbm>>) dst(%arg9 : memref<128x64xf32, #tpu.memory_space<vmem>>)
        "tpu.region"() ({
          %run_scoped3A = tpu.sem_alloc : memref<!tpu.dma_semaphore, #tpu.memory_space<semaphore_mem>>
          %dma_start3A_190 = arith.constant 0 : i32
          %dma_start3A_191 = tpu.memref_slice %arg7[%add3A_106, %dma_start3A_190] : memref<102x128xi32, #tpu.memory_space<vmem>> -> memref<1x128xi32, #tpu.memory_space<vmem>>
          %dma_start3A_192 = tpu.memref_squeeze %dma_start3A_191 : memref<1x128xi32, #tpu.memory_space<vmem>> -> memref<128xi32, #tpu.memory_space<vmem>>
          %dma_start3A_193 = arith.constant 0 : i32
          %dma_start3A_194 = arith.constant 0 : i32
          %dma_start3A_195 = tpu.memref_slice %arg15[%dma_start3A_193, %dma_start3A_194] : memref<10240x64xf32, #tpu.memory_space<vmem_shared>> -> memref<10240x64xf32, #tpu.memory_space<vmem_shared>>
          tpu.enqueue_indirect_dma source(%arg9 : memref<128x64xf32, #tpu.memory_space<vmem>>) target(%dma_start3A_195 : memref<10240x64xf32, #tpu.memory_space<vmem_shared>>) offsets(%dma_start3A_192 : memref<128xi32, #tpu.memory_space<vmem>>) semaphore(%run_scoped3A : memref<!tpu.dma_semaphore, #tpu.memory_space<semaphore_mem>>) {add = true}
          %dma_wait3A_196 = arith.constant 0 : i32
          %dma_wait3A_197 = tpu.memref_slice %arg7[%add3A_106, %dma_wait3A_196] : memref<102x128xi32, #tpu.memory_space<vmem>> -> memref<1x128xi32, #tpu.memory_space<vmem>>
          %dma_wait3A_198 = tpu.memref_squeeze %dma_wait3A_197 : memref<1x128xi32, #tpu.memory_space<vmem>> -> memref<128xi32, #tpu.memory_space<vmem>>
          %dma_wait3A_199 = arith.constant 0 : i32
          %dma_wait3A_200 = arith.constant 0 : i32
          %dma_wait3A_201 = tpu.memref_slice %arg15[%dma_wait3A_199, %dma_wait3A_200] : memref<10240x64xf32, #tpu.memory_space<vmem_shared>> -> memref<10240x64xf32, #tpu.memory_space<vmem_shared>>
          tpu.wait_indirect_dma semaphore(%run_scoped3A : memref<!tpu.dma_semaphore, #tpu.memory_space<semaphore_mem>>) src(%arg9 : memref<128x64xf32, #tpu.memory_space<vmem>>) dst(%dma_wait3A_201 : memref<10240x64xf32, #tpu.memory_space<vmem_shared>>)
          tpu.yield
        }) : () -> ()
        %add3A_113 = arith.constant 6 : i32
        %add3A_114 = arith.addi %add3A_106, %add3A_113 : i32
        %lt3A_115 = arith.constant 66 : i32
        %lt3A_116 = arith.cmpi slt, %add3A_114, %lt3A_115 : i32
        %add3A_117 = arith.constant 6 : i32
        %add3A_118 = arith.addi %add3A_106, %add3A_117 : i32
        %convert_element_type3A_119 = arith.extui %lt3A_116 : i1 to i32
        %cond3A_120 = arith.constant 0 : i32
        %cond3A_121 = arith.cmpi ne, %convert_element_type3A_119, %cond3A_120 : i32
        scf.if %cond3A_121 {
          %dma_start3A_190 = arith.constant 0 : i32
          %dma_start3A_191 = tpu.memref_slice %arg6[%add3A_118, %dma_start3A_190] : memref<102x128xi32, #tpu.memory_space<vmem>> -> memref<1x128xi32, #tpu.memory_space<vmem>>
          %dma_start3A_192 = tpu.memref_squeeze %dma_start3A_191 : memref<1x128xi32, #tpu.memory_space<vmem>> -> memref<128xi32, #tpu.memory_space<vmem>>
          %dma_start3A_193 = arith.constant 0 : i32
          %dma_start3A_194 = arith.constant 0 : i32
          %dma_start3A_195 = tpu.memref_slice %arg2[%dma_start3A_193, %dma_start3A_194] : memref<10240x64xf32, #tpu.memory_space<hbm>> -> memref<10240x64xf32, #tpu.memory_space<hbm>>
          tpu.enqueue_indirect_dma source(%dma_start3A_195 : memref<10240x64xf32, #tpu.memory_space<hbm>>) target(%arg9 : memref<128x64xf32, #tpu.memory_space<vmem>>) offsets(%dma_start3A_192 : memref<128xi32, #tpu.memory_space<vmem>>) semaphore(%arg17 : memref<!tpu.dma_semaphore, #tpu.memory_space<semaphore_mem>>)
        } else {
        }
        %add3A_122 = arith.constant 2 : i32
        %add3A_123 = arith.addi %mul3A_89, %add3A_122 : i32
        %dma_wait3A_124 = arith.constant 0 : i32
        %dma_wait3A_125 = tpu.memref_slice %arg6[%add3A_123, %dma_wait3A_124] : memref<102x128xi32, #tpu.memory_space<vmem>> -> memref<1x128xi32, #tpu.memory_space<vmem>>
        %dma_wait3A_126 = tpu.memref_squeeze %dma_wait3A_125 : memref<1x128xi32, #tpu.memory_space<vmem>> -> memref<128xi32, #tpu.memory_space<vmem>>
        %dma_wait3A_127 = arith.constant 0 : i32
        %dma_wait3A_128 = arith.constant 0 : i32
        %dma_wait3A_129 = tpu.memref_slice %arg2[%dma_wait3A_127, %dma_wait3A_128] : memref<10240x64xf32, #tpu.memory_space<hbm>> -> memref<10240x64xf32, #tpu.memory_space<hbm>>
        tpu.wait_indirect_dma semaphore(%arg18 : memref<!tpu.dma_semaphore, #tpu.memory_space<semaphore_mem>>) src(%dma_wait3A_129 : memref<10240x64xf32, #tpu.memory_space<hbm>>) dst(%arg10 : memref<128x64xf32, #tpu.memory_space<vmem>>)
        "tpu.region"() ({
          %run_scoped3A = tpu.sem_alloc : memref<!tpu.dma_semaphore, #tpu.memory_space<semaphore_mem>>
          %dma_start3A_190 = arith.constant 0 : i32
          %dma_start3A_191 = tpu.memref_slice %arg7[%add3A_123, %dma_start3A_190] : memref<102x128xi32, #tpu.memory_space<vmem>> -> memref<1x128xi32, #tpu.memory_space<vmem>>
          %dma_start3A_192 = tpu.memref_squeeze %dma_start3A_191 : memref<1x128xi32, #tpu.memory_space<vmem>> -> memref<128xi32, #tpu.memory_space<vmem>>
          %dma_start3A_193 = arith.constant 0 : i32
          %dma_start3A_194 = arith.constant 0 : i32
          %dma_start3A_195 = tpu.memref_slice %arg15[%dma_start3A_193, %dma_start3A_194] : memref<10240x64xf32, #tpu.memory_space<vmem_shared>> -> memref<10240x64xf32, #tpu.memory_space<vmem_shared>>
          tpu.enqueue_indirect_dma source(%arg10 : memref<128x64xf32, #tpu.memory_space<vmem>>) target(%dma_start3A_195 : memref<10240x64xf32, #tpu.memory_space<vmem_shared>>) offsets(%dma_start3A_192 : memref<128xi32, #tpu.memory_space<vmem>>) semaphore(%run_scoped3A : memref<!tpu.dma_semaphore, #tpu.memory_space<semaphore_mem>>) {add = true}
          %dma_wait3A_196 = arith.constant 0 : i32
          %dma_wait3A_197 = tpu.memref_slice %arg7[%add3A_123, %dma_wait3A_196] : memref<102x128xi32, #tpu.memory_space<vmem>> -> memref<1x128xi32, #tpu.memory_space<vmem>>
          %dma_wait3A_198 = tpu.memref_squeeze %dma_wait3A_197 : memref<1x128xi32, #tpu.memory_space<vmem>> -> memref<128xi32, #tpu.memory_space<vmem>>
          %dma_wait3A_199 = arith.constant 0 : i32
          %dma_wait3A_200 = arith.constant 0 : i32
          %dma_wait3A_201 = tpu.memref_slice %arg15[%dma_wait3A_199, %dma_wait3A_200] : memref<10240x64xf32, #tpu.memory_space<vmem_shared>> -> memref<10240x64xf32, #tpu.memory_space<vmem_shared>>
          tpu.wait_indirect_dma semaphore(%run_scoped3A : memref<!tpu.dma_semaphore, #tpu.memory_space<semaphore_mem>>) src(%arg10 : memref<128x64xf32, #tpu.memory_space<vmem>>) dst(%dma_wait3A_201 : memref<10240x64xf32, #tpu.memory_space<vmem_shared>>)
          tpu.yield
        }) : () -> ()
        %add3A_130 = arith.constant 6 : i32
        %add3A_131 = arith.addi %add3A_123, %add3A_130 : i32
        %lt3A_132 = arith.constant 66 : i32
        %lt3A_133 = arith.cmpi slt, %add3A_131, %lt3A_132 : i32
        %add3A_134 = arith.constant 6 : i32
        %add3A_135 = arith.addi %add3A_123, %add3A_134 : i32
        %convert_element_type3A_136 = arith.extui %lt3A_133 : i1 to i32
        %cond3A_137 = arith.constant 0 : i32
        %cond3A_138 = arith.cmpi ne, %convert_element_type3A_136, %cond3A_137 : i32
        scf.if %cond3A_138 {
          %dma_start3A_190 = arith.constant 0 : i32
          %dma_start3A_191 = tpu.memref_slice %arg6[%add3A_135, %dma_start3A_190] : memref<102x128xi32, #tpu.memory_space<vmem>> -> memref<1x128xi32, #tpu.memory_space<vmem>>
          %dma_start3A_192 = tpu.memref_squeeze %dma_start3A_191 : memref<1x128xi32, #tpu.memory_space<vmem>> -> memref<128xi32, #tpu.memory_space<vmem>>
          %dma_start3A_193 = arith.constant 0 : i32
          %dma_start3A_194 = arith.constant 0 : i32
          %dma_start3A_195 = tpu.memref_slice %arg2[%dma_start3A_193, %dma_start3A_194] : memref<10240x64xf32, #tpu.memory_space<hbm>> -> memref<10240x64xf32, #tpu.memory_space<hbm>>
          tpu.enqueue_indirect_dma source(%dma_start3A_195 : memref<10240x64xf32, #tpu.memory_space<hbm>>) target(%arg10 : memref<128x64xf32, #tpu.memory_space<vmem>>) offsets(%dma_start3A_192 : memref<128xi32, #tpu.memory_space<vmem>>) semaphore(%arg18 : memref<!tpu.dma_semaphore, #tpu.memory_space<semaphore_mem>>)
        } else {
        }
        %add3A_139 = arith.constant 3 : i32
        %add3A_140 = arith.addi %mul3A_89, %add3A_139 : i32
        %dma_wait3A_141 = arith.constant 0 : i32
        %dma_wait3A_142 = tpu.memref_slice %arg6[%add3A_140, %dma_wait3A_141] : memref<102x128xi32, #tpu.memory_space<vmem>> -> memref<1x128xi32, #tpu.memory_space<vmem>>
        %dma_wait3A_143 = tpu.memref_squeeze %dma_wait3A_142 : memref<1x128xi32, #tpu.memory_space<vmem>> -> memref<128xi32, #tpu.memory_space<vmem>>
        %dma_wait3A_144 = arith.constant 0 : i32
        %dma_wait3A_145 = arith.constant 0 : i32
        %dma_wait3A_146 = tpu.memref_slice %arg2[%dma_wait3A_144, %dma_wait3A_145] : memref<10240x64xf32, #tpu.memory_space<hbm>> -> memref<10240x64xf32, #tpu.memory_space<hbm>>
        tpu.wait_indirect_dma semaphore(%arg19 : memref<!tpu.dma_semaphore, #tpu.memory_space<semaphore_mem>>) src(%dma_wait3A_146 : memref<10240x64xf32, #tpu.memory_space<hbm>>) dst(%arg11 : memref<128x64xf32, #tpu.memory_space<vmem>>)
        "tpu.region"() ({
          %run_scoped3A = tpu.sem_alloc : memref<!tpu.dma_semaphore, #tpu.memory_space<semaphore_mem>>
          %dma_start3A_190 = arith.constant 0 : i32
          %dma_start3A_191 = tpu.memref_slice %arg7[%add3A_140, %dma_start3A_190] : memref<102x128xi32, #tpu.memory_space<vmem>> -> memref<1x128xi32, #tpu.memory_space<vmem>>
          %dma_start3A_192 = tpu.memref_squeeze %dma_start3A_191 : memref<1x128xi32, #tpu.memory_space<vmem>> -> memref<128xi32, #tpu.memory_space<vmem>>
          %dma_start3A_193 = arith.constant 0 : i32
          %dma_start3A_194 = arith.constant 0 : i32
          %dma_start3A_195 = tpu.memref_slice %arg15[%dma_start3A_193, %dma_start3A_194] : memref<10240x64xf32, #tpu.memory_space<vmem_shared>> -> memref<10240x64xf32, #tpu.memory_space<vmem_shared>>
          tpu.enqueue_indirect_dma source(%arg11 : memref<128x64xf32, #tpu.memory_space<vmem>>) target(%dma_start3A_195 : memref<10240x64xf32, #tpu.memory_space<vmem_shared>>) offsets(%dma_start3A_192 : memref<128xi32, #tpu.memory_space<vmem>>) semaphore(%run_scoped3A : memref<!tpu.dma_semaphore, #tpu.memory_space<semaphore_mem>>) {add = true}
          %dma_wait3A_196 = arith.constant 0 : i32
          %dma_wait3A_197 = tpu.memref_slice %arg7[%add3A_140, %dma_wait3A_196] : memref<102x128xi32, #tpu.memory_space<vmem>> -> memref<1x128xi32, #tpu.memory_space<vmem>>
          %dma_wait3A_198 = tpu.memref_squeeze %dma_wait3A_197 : memref<1x128xi32, #tpu.memory_space<vmem>> -> memref<128xi32, #tpu.memory_space<vmem>>
          %dma_wait3A_199 = arith.constant 0 : i32
          %dma_wait3A_200 = arith.constant 0 : i32
          %dma_wait3A_201 = tpu.memref_slice %arg15[%dma_wait3A_199, %dma_wait3A_200] : memref<10240x64xf32, #tpu.memory_space<vmem_shared>> -> memref<10240x64xf32, #tpu.memory_space<vmem_shared>>
          tpu.wait_indirect_dma semaphore(%run_scoped3A : memref<!tpu.dma_semaphore, #tpu.memory_space<semaphore_mem>>) src(%arg11 : memref<128x64xf32, #tpu.memory_space<vmem>>) dst(%dma_wait3A_201 : memref<10240x64xf32, #tpu.memory_space<vmem_shared>>)
          tpu.yield
        }) : () -> ()
        %add3A_147 = arith.constant 6 : i32
        %add3A_148 = arith.addi %add3A_140, %add3A_147 : i32
        %lt3A_149 = arith.constant 66 : i32
        %lt3A_150 = arith.cmpi slt, %add3A_148, %lt3A_149 : i32
        %add3A_151 = arith.constant 6 : i32
        %add3A_152 = arith.addi %add3A_140, %add3A_151 : i32
        %convert_element_type3A_153 = arith.extui %lt3A_150 : i1 to i32
        %cond3A_154 = arith.constant 0 : i32
        %cond3A_155 = arith.cmpi ne, %convert_element_type3A_153, %cond3A_154 : i32
        scf.if %cond3A_155 {
          %dma_start3A_190 = arith.constant 0 : i32
          %dma_start3A_191 = tpu.memref_slice %arg6[%add3A_152, %dma_start3A_190] : memref<102x128xi32, #tpu.memory_space<vmem>> -> memref<1x128xi32, #tpu.memory_space<vmem>>
          %dma_start3A_192 = tpu.memref_squeeze %dma_start3A_191 : memref<1x128xi32, #tpu.memory_space<vmem>> -> memref<128xi32, #tpu.memory_space<vmem>>
          %dma_start3A_193 = arith.constant 0 : i32
          %dma_start3A_194 = arith.constant 0 : i32
          %dma_start3A_195 = tpu.memref_slice %arg2[%dma_start3A_193, %dma_start3A_194] : memref<10240x64xf32, #tpu.memory_space<hbm>> -> memref<10240x64xf32, #tpu.memory_space<hbm>>
          tpu.enqueue_indirect_dma source(%dma_start3A_195 : memref<10240x64xf32, #tpu.memory_space<hbm>>) target(%arg11 : memref<128x64xf32, #tpu.memory_space<vmem>>) offsets(%dma_start3A_192 : memref<128xi32, #tpu.memory_space<vmem>>) semaphore(%arg19 : memref<!tpu.dma_semaphore, #tpu.memory_space<semaphore_mem>>)
        } else {
        }
        %add3A_156 = arith.constant 4 : i32
        %add3A_157 = arith.addi %mul3A_89, %add3A_156 : i32
        %dma_wait3A_158 = arith.constant 0 : i32
        %dma_wait3A_159 = tpu.memref_slice %arg6[%add3A_157, %dma_wait3A_158] : memref<102x128xi32, #tpu.memory_space<vmem>> -> memref<1x128xi32, #tpu.memory_space<vmem>>
        %dma_wait3A_160 = tpu.memref_squeeze %dma_wait3A_159 : memref<1x128xi32, #tpu.memory_space<vmem>> -> memref<128xi32, #tpu.memory_space<vmem>>
        %dma_wait3A_161 = arith.constant 0 : i32
        %dma_wait3A_162 = arith.constant 0 : i32
        %dma_wait3A_163 = tpu.memref_slice %arg2[%dma_wait3A_161, %dma_wait3A_162] : memref<10240x64xf32, #tpu.memory_space<hbm>> -> memref<10240x64xf32, #tpu.memory_space<hbm>>
        tpu.wait_indirect_dma semaphore(%arg20 : memref<!tpu.dma_semaphore, #tpu.memory_space<semaphore_mem>>) src(%dma_wait3A_163 : memref<10240x64xf32, #tpu.memory_space<hbm>>) dst(%arg12 : memref<128x64xf32, #tpu.memory_space<vmem>>)
        "tpu.region"() ({
          %run_scoped3A = tpu.sem_alloc : memref<!tpu.dma_semaphore, #tpu.memory_space<semaphore_mem>>
          %dma_start3A_190 = arith.constant 0 : i32
          %dma_start3A_191 = tpu.memref_slice %arg7[%add3A_157, %dma_start3A_190] : memref<102x128xi32, #tpu.memory_space<vmem>> -> memref<1x128xi32, #tpu.memory_space<vmem>>
          %dma_start3A_192 = tpu.memref_squeeze %dma_start3A_191 : memref<1x128xi32, #tpu.memory_space<vmem>> -> memref<128xi32, #tpu.memory_space<vmem>>
          %dma_start3A_193 = arith.constant 0 : i32
          %dma_start3A_194 = arith.constant 0 : i32
          %dma_start3A_195 = tpu.memref_slice %arg15[%dma_start3A_193, %dma_start3A_194] : memref<10240x64xf32, #tpu.memory_space<vmem_shared>> -> memref<10240x64xf32, #tpu.memory_space<vmem_shared>>
          tpu.enqueue_indirect_dma source(%arg12 : memref<128x64xf32, #tpu.memory_space<vmem>>) target(%dma_start3A_195 : memref<10240x64xf32, #tpu.memory_space<vmem_shared>>) offsets(%dma_start3A_192 : memref<128xi32, #tpu.memory_space<vmem>>) semaphore(%run_scoped3A : memref<!tpu.dma_semaphore, #tpu.memory_space<semaphore_mem>>) {add = true}
          %dma_wait3A_196 = arith.constant 0 : i32
          %dma_wait3A_197 = tpu.memref_slice %arg7[%add3A_157, %dma_wait3A_196] : memref<102x128xi32, #tpu.memory_space<vmem>> -> memref<1x128xi32, #tpu.memory_space<vmem>>
          %dma_wait3A_198 = tpu.memref_squeeze %dma_wait3A_197 : memref<1x128xi32, #tpu.memory_space<vmem>> -> memref<128xi32, #tpu.memory_space<vmem>>
          %dma_wait3A_199 = arith.constant 0 : i32
          %dma_wait3A_200 = arith.constant 0 : i32
          %dma_wait3A_201 = tpu.memref_slice %arg15[%dma_wait3A_199, %dma_wait3A_200] : memref<10240x64xf32, #tpu.memory_space<vmem_shared>> -> memref<10240x64xf32, #tpu.memory_space<vmem_shared>>
          tpu.wait_indirect_dma semaphore(%run_scoped3A : memref<!tpu.dma_semaphore, #tpu.memory_space<semaphore_mem>>) src(%arg12 : memref<128x64xf32, #tpu.memory_space<vmem>>) dst(%dma_wait3A_201 : memref<10240x64xf32, #tpu.memory_space<vmem_shared>>)
          tpu.yield
        }) : () -> ()
        %add3A_164 = arith.constant 6 : i32
        %add3A_165 = arith.addi %add3A_157, %add3A_164 : i32
        %lt3A_166 = arith.constant 66 : i32
        %lt3A_167 = arith.cmpi slt, %add3A_165, %lt3A_166 : i32
        %add3A_168 = arith.constant 6 : i32
        %add3A_169 = arith.addi %add3A_157, %add3A_168 : i32
        %convert_element_type3A_170 = arith.extui %lt3A_167 : i1 to i32
        %cond3A_171 = arith.constant 0 : i32
        %cond3A_172 = arith.cmpi ne, %convert_element_type3A_170, %cond3A_171 : i32
        scf.if %cond3A_172 {
          %dma_start3A_190 = arith.constant 0 : i32
          %dma_start3A_191 = tpu.memref_slice %arg6[%add3A_169, %dma_start3A_190] : memref<102x128xi32, #tpu.memory_space<vmem>> -> memref<1x128xi32, #tpu.memory_space<vmem>>
          %dma_start3A_192 = tpu.memref_squeeze %dma_start3A_191 : memref<1x128xi32, #tpu.memory_space<vmem>> -> memref<128xi32, #tpu.memory_space<vmem>>
          %dma_start3A_193 = arith.constant 0 : i32
          %dma_start3A_194 = arith.constant 0 : i32
          %dma_start3A_195 = tpu.memref_slice %arg2[%dma_start3A_193, %dma_start3A_194] : memref<10240x64xf32, #tpu.memory_space<hbm>> -> memref<10240x64xf32, #tpu.memory_space<hbm>>
          tpu.enqueue_indirect_dma source(%dma_start3A_195 : memref<10240x64xf32, #tpu.memory_space<hbm>>) target(%arg12 : memref<128x64xf32, #tpu.memory_space<vmem>>) offsets(%dma_start3A_192 : memref<128xi32, #tpu.memory_space<vmem>>) semaphore(%arg20 : memref<!tpu.dma_semaphore, #tpu.memory_space<semaphore_mem>>)
        } else {
        }
        %add3A_173 = arith.constant 5 : i32
        %add3A_174 = arith.addi %mul3A_89, %add3A_173 : i32
        %dma_wait3A_175 = arith.constant 0 : i32
        %dma_wait3A_176 = tpu.memref_slice %arg6[%add3A_174, %dma_wait3A_175] : memref<102x128xi32, #tpu.memory_space<vmem>> -> memref<1x128xi32, #tpu.memory_space<vmem>>
        %dma_wait3A_177 = tpu.memref_squeeze %dma_wait3A_176 : memref<1x128xi32, #tpu.memory_space<vmem>> -> memref<128xi32, #tpu.memory_space<vmem>>
        %dma_wait3A_178 = arith.constant 0 : i32
        %dma_wait3A_179 = arith.constant 0 : i32
        %dma_wait3A_180 = tpu.memref_slice %arg2[%dma_wait3A_178, %dma_wait3A_179] : memref<10240x64xf32, #tpu.memory_space<hbm>> -> memref<10240x64xf32, #tpu.memory_space<hbm>>
        tpu.wait_indirect_dma semaphore(%arg21 : memref<!tpu.dma_semaphore, #tpu.memory_space<semaphore_mem>>) src(%dma_wait3A_180 : memref<10240x64xf32, #tpu.memory_space<hbm>>) dst(%arg13 : memref<128x64xf32, #tpu.memory_space<vmem>>)
        "tpu.region"() ({
          %run_scoped3A = tpu.sem_alloc : memref<!tpu.dma_semaphore, #tpu.memory_space<semaphore_mem>>
          %dma_start3A_190 = arith.constant 0 : i32
          %dma_start3A_191 = tpu.memref_slice %arg7[%add3A_174, %dma_start3A_190] : memref<102x128xi32, #tpu.memory_space<vmem>> -> memref<1x128xi32, #tpu.memory_space<vmem>>
          %dma_start3A_192 = tpu.memref_squeeze %dma_start3A_191 : memref<1x128xi32, #tpu.memory_space<vmem>> -> memref<128xi32, #tpu.memory_space<vmem>>
          %dma_start3A_193 = arith.constant 0 : i32
          %dma_start3A_194 = arith.constant 0 : i32
          %dma_start3A_195 = tpu.memref_slice %arg15[%dma_start3A_193, %dma_start3A_194] : memref<10240x64xf32, #tpu.memory_space<vmem_shared>> -> memref<10240x64xf32, #tpu.memory_space<vmem_shared>>
          tpu.enqueue_indirect_dma source(%arg13 : memref<128x64xf32, #tpu.memory_space<vmem>>) target(%dma_start3A_195 : memref<10240x64xf32, #tpu.memory_space<vmem_shared>>) offsets(%dma_start3A_192 : memref<128xi32, #tpu.memory_space<vmem>>) semaphore(%run_scoped3A : memref<!tpu.dma_semaphore, #tpu.memory_space<semaphore_mem>>) {add = true}
          %dma_wait3A_196 = arith.constant 0 : i32
          %dma_wait3A_197 = tpu.memref_slice %arg7[%add3A_174, %dma_wait3A_196] : memref<102x128xi32, #tpu.memory_space<vmem>> -> memref<1x128xi32, #tpu.memory_space<vmem>>
          %dma_wait3A_198 = tpu.memref_squeeze %dma_wait3A_197 : memref<1x128xi32, #tpu.memory_space<vmem>> -> memref<128xi32, #tpu.memory_space<vmem>>
          %dma_wait3A_199 = arith.constant 0 : i32
          %dma_wait3A_200 = arith.constant 0 : i32
          %dma_wait3A_201 = tpu.memref_slice %arg15[%dma_wait3A_199, %dma_wait3A_200] : memref<10240x64xf32, #tpu.memory_space<vmem_shared>> -> memref<10240x64xf32, #tpu.memory_space<vmem_shared>>
          tpu.wait_indirect_dma semaphore(%run_scoped3A : memref<!tpu.dma_semaphore, #tpu.memory_space<semaphore_mem>>) src(%arg13 : memref<128x64xf32, #tpu.memory_space<vmem>>) dst(%dma_wait3A_201 : memref<10240x64xf32, #tpu.memory_space<vmem_shared>>)
          tpu.yield
        }) : () -> ()
        %add3A_181 = arith.constant 6 : i32
        %add3A_182 = arith.addi %add3A_174, %add3A_181 : i32
        %lt3A_183 = arith.constant 66 : i32
        %lt3A_184 = arith.cmpi slt, %add3A_182, %lt3A_183 : i32
        %add3A_185 = arith.constant 6 : i32
        %add3A_186 = arith.addi %add3A_174, %add3A_185 : i32
        %convert_element_type3A_187 = arith.extui %lt3A_184 : i1 to i32
        %cond3A_188 = arith.constant 0 : i32
        %cond3A_189 = arith.cmpi ne, %convert_element_type3A_187, %cond3A_188 : i32
        scf.if %cond3A_189 {
          %dma_start3A_190 = arith.constant 0 : i32
          %dma_start3A_191 = tpu.memref_slice %arg6[%add3A_186, %dma_start3A_190] : memref<102x128xi32, #tpu.memory_space<vmem>> -> memref<1x128xi32, #tpu.memory_space<vmem>>
          %dma_start3A_192 = tpu.memref_squeeze %dma_start3A_191 : memref<1x128xi32, #tpu.memory_space<vmem>> -> memref<128xi32, #tpu.memory_space<vmem>>
          %dma_start3A_193 = arith.constant 0 : i32
          %dma_start3A_194 = arith.constant 0 : i32
          %dma_start3A_195 = tpu.memref_slice %arg2[%dma_start3A_193, %dma_start3A_194] : memref<10240x64xf32, #tpu.memory_space<hbm>> -> memref<10240x64xf32, #tpu.memory_space<hbm>>
          tpu.enqueue_indirect_dma source(%dma_start3A_195 : memref<10240x64xf32, #tpu.memory_space<hbm>>) target(%arg13 : memref<128x64xf32, #tpu.memory_space<vmem>>) offsets(%dma_start3A_192 : memref<128xi32, #tpu.memory_space<vmem>>) semaphore(%arg21 : memref<!tpu.dma_semaphore, #tpu.memory_space<semaphore_mem>>)
        } else {
        }
      }
      %scan3A_86 = arith.constant 11 : i32
    } else {
    }
    %barrier3A = arith.constant 0 : index
    tpu.barrier barrier_id(%barrier3A)
    %mul3A = arith.constant 640 : i32
    %mul3A_7 = arith.muli %arg1, %mul3A : i32
    %mul3A_8 = arith.constant 640 : i32
    %mul3A_9 = arith.muli %arg1, %mul3A_8 : i32
    "tpu.region"() ({
      %run_scoped3A = tpu.sem_alloc : memref<!tpu.dma_semaphore, #tpu.memory_space<semaphore_mem>>
      %dma_start3A = arith.constant 0 : i32
      %dma_start3A_10 = tpu.memref_slice %arg5[%arg0, %mul3A_9, %dma_start3A] : memref<2x10240x64xf32, #tpu.memory_space<hbm>> -> memref<1x640x64xf32, #tpu.memory_space<hbm>>
      %dma_start3A_11 = tpu.memref_squeeze %dma_start3A_10 : memref<1x640x64xf32, #tpu.memory_space<hbm>> -> memref<640x64xf32, #tpu.memory_space<hbm>>
      %dma_start3A_12 = arith.constant 0 : i32
      %dma_start3A_13 = tpu.memref_slice %arg15[%mul3A_7, %dma_start3A_12] : memref<10240x64xf32, #tpu.memory_space<vmem_shared>> -> memref<640x64xf32, #tpu.memory_space<vmem_shared>>
      tpu.enqueue_dma source(%dma_start3A_13 : memref<640x64xf32, #tpu.memory_space<vmem_shared>>) target(%dma_start3A_11 : memref<640x64xf32, #tpu.memory_space<hbm>>) target_semaphore(%run_scoped3A : memref<!tpu.dma_semaphore, #tpu.memory_space<semaphore_mem>>)
      %dma_wait3A = arith.constant 0 : i32
      %dma_wait3A_14 = tpu.memref_slice %arg5[%arg0, %mul3A_9, %dma_wait3A] : memref<2x10240x64xf32, #tpu.memory_space<hbm>> -> memref<1x640x64xf32, #tpu.memory_space<hbm>>
      %dma_wait3A_15 = tpu.memref_squeeze %dma_wait3A_14 : memref<1x640x64xf32, #tpu.memory_space<hbm>> -> memref<640x64xf32, #tpu.memory_space<hbm>>
      %dma_wait3A_16 = arith.constant 0 : i32
      %dma_wait3A_17 = tpu.memref_slice %arg15[%mul3A_7, %dma_wait3A_16] : memref<10240x64xf32, #tpu.memory_space<vmem_shared>> -> memref<640x64xf32, #tpu.memory_space<vmem_shared>>
      tpu.wait_dma2 semaphore(%run_scoped3A : memref<!tpu.dma_semaphore, #tpu.memory_space<semaphore_mem>>) src(%dma_wait3A_17 : memref<640x64xf32, #tpu.memory_space<vmem_shared>>) dst(%dma_wait3A_15 : memref<640x64xf32, #tpu.memory_space<hbm>>)
      tpu.yield
    }) : () -> ()
    return
  }
}

#map = affine_map<(d0, d1) -> (0, 0)>
#map1 = affine_map<(d0, d1) -> (0, 0, 0)>
module attributes {stable_mosaic.version = 14 : i64} {
  func.func @gcn_sc_scatter_d64(%arg0: i32, %arg1: i32, %arg2: memref<10240x64xf32, #tpu.memory_space<hbm>>, %arg3: memref<2688x128xi32, #tpu.memory_space<hbm>>, %arg4: memref<2688x128xi32, #tpu.memory_space<hbm>>, %arg5: memref<2x10240x64xf32, #tpu.memory_space<hbm>>, %arg6: memref<102x128xi32, #tpu.memory_space<vmem>>, %arg7: memref<102x128xi32, #tpu.memory_space<vmem>>, %arg8: memref<128x64xf32, #tpu.memory_space<vmem>>, %arg9: memref<128x64xf32, #tpu.memory_space<vmem>>, %arg10: memref<128x64xf32, #tpu.memory_space<vmem>>, %arg11: memref<128x64xf32, #tpu.memory_space<vmem>>, %arg12: memref<128x64xf32, #tpu.memory_space<vmem>>, %arg13: memref<128x64xf32, #tpu.memory_space<vmem>>, %arg14: memref<128x64xf32, #tpu.memory_space<vmem>>, %arg15: memref<10240x64xf32, #tpu.memory_space<vmem_shared>>, %arg16: memref<!tpu.dma_semaphore, #tpu.memory_space<semaphore_mem>>, %arg17: memref<!tpu.dma_semaphore, #tpu.memory_space<semaphore_mem>>, %arg18: memref<!tpu.dma_semaphore, #tpu.memory_space<semaphore_mem>>, %arg19: memref<!tpu.dma_semaphore, #tpu.memory_space<semaphore_mem>>, %arg20: memref<!tpu.dma_semaphore, #tpu.memory_space<semaphore_mem>>, %arg21: memref<!tpu.dma_semaphore, #tpu.memory_space<semaphore_mem>>) attributes {dimension_semantics = [#tpu.dimension_semantics<core_parallel>, #tpu.dimension_semantics<subcore_parallel>], iteration_bounds = array<i64: 2, 16>, scalar_prefetch = 0 : i64, scratch_operands = 16 : i64, tpu.core_type = #tpu.core_type<sc_vector_subcore>, window_params = [{transform_indices = #map}, {transform_indices = #map}, {transform_indices = #map}, {transform_indices = #map1}]} {
    %eq3A = arith.constant 0 : i32
    %eq3A_0 = arith.cmpi eq, %arg0, %eq3A : i32
    %convert_element_type3A = arith.extui %eq3A_0 : i1 to i32
    %cond3A = arith.constant 0 : i32
    %cond3A_1 = arith.cmpi ne, %convert_element_type3A, %cond3A : i32
    scf.if %cond3A_1 {
      %mul3A_10 = arith.constant 102 : i32
      %mul3A_11 = arith.muli %arg1, %mul3A_10 : i32
      "tpu.region"() ({
        %run_scoped3A = tpu.sem_alloc : memref<!tpu.dma_semaphore, #tpu.memory_space<semaphore_mem>>
        %dma_start3A_85 = arith.constant 0 : i32
        %dma_start3A_86 = arith.constant 0 : i32
        %dma_start3A_87 = tpu.memref_slice %arg6[%dma_start3A_85, %dma_start3A_86] : memref<102x128xi32, #tpu.memory_space<vmem>> -> memref<102x128xi32, #tpu.memory_space<vmem>>
        %dma_start3A_88 = arith.constant 0 : i32
        %dma_start3A_89 = tpu.memref_slice %arg3[%mul3A_11, %dma_start3A_88] : memref<2688x128xi32, #tpu.memory_space<hbm>> -> memref<102x128xi32, #tpu.memory_space<hbm>>
        %dma_start3A_90 = arith.constant 0 : i32
        %dma_start3A_91 = arith.constant 0 : i32
        %dma_start3A_92 = tpu.memref_slice %arg6[%dma_start3A_90, %dma_start3A_91] : memref<102x128xi32, #tpu.memory_space<vmem>> -> memref<102x128xi32, #tpu.memory_space<vmem>>
        %dma_start3A_93 = arith.constant 0 : i32
        %dma_start3A_94 = tpu.memref_slice %arg3[%mul3A_11, %dma_start3A_93] : memref<2688x128xi32, #tpu.memory_space<hbm>> -> memref<102x128xi32, #tpu.memory_space<hbm>>
        tpu.enqueue_dma source(%dma_start3A_94 : memref<102x128xi32, #tpu.memory_space<hbm>>) target(%dma_start3A_92 : memref<102x128xi32, #tpu.memory_space<vmem>>) target_semaphore(%run_scoped3A : memref<!tpu.dma_semaphore, #tpu.memory_space<semaphore_mem>>)
        %dma_wait3A = arith.constant 0 : i32
        %dma_wait3A_95 = arith.constant 0 : i32
        %dma_wait3A_96 = tpu.memref_slice %arg6[%dma_wait3A, %dma_wait3A_95] : memref<102x128xi32, #tpu.memory_space<vmem>> -> memref<102x128xi32, #tpu.memory_space<vmem>>
        %dma_wait3A_97 = arith.constant 0 : i32
        %dma_wait3A_98 = tpu.memref_slice %arg3[%mul3A_11, %dma_wait3A_97] : memref<2688x128xi32, #tpu.memory_space<hbm>> -> memref<102x128xi32, #tpu.memory_space<hbm>>
        %dma_wait3A_99 = arith.constant 0 : i32
        %dma_wait3A_100 = arith.constant 0 : i32
        %dma_wait3A_101 = tpu.memref_slice %arg6[%dma_wait3A_99, %dma_wait3A_100] : memref<102x128xi32, #tpu.memory_space<vmem>> -> memref<102x128xi32, #tpu.memory_space<vmem>>
        %dma_wait3A_102 = arith.constant 0 : i32
        %dma_wait3A_103 = tpu.memref_slice %arg3[%mul3A_11, %dma_wait3A_102] : memref<2688x128xi32, #tpu.memory_space<hbm>> -> memref<102x128xi32, #tpu.memory_space<hbm>>
        tpu.wait_dma2 semaphore(%run_scoped3A : memref<!tpu.dma_semaphore, #tpu.memory_space<semaphore_mem>>) src(%dma_wait3A_103 : memref<102x128xi32, #tpu.memory_space<hbm>>) dst(%dma_wait3A_101 : memref<102x128xi32, #tpu.memory_space<vmem>>)
        tpu.yield
      }) : () -> ()
      "tpu.region"() ({
        %run_scoped3A = tpu.sem_alloc : memref<!tpu.dma_semaphore, #tpu.memory_space<semaphore_mem>>
        %dma_start3A_85 = arith.constant 0 : i32
        %dma_start3A_86 = arith.constant 0 : i32
        %dma_start3A_87 = tpu.memref_slice %arg7[%dma_start3A_85, %dma_start3A_86] : memref<102x128xi32, #tpu.memory_space<vmem>> -> memref<102x128xi32, #tpu.memory_space<vmem>>
        %dma_start3A_88 = arith.constant 0 : i32
        %dma_start3A_89 = tpu.memref_slice %arg4[%mul3A_11, %dma_start3A_88] : memref<2688x128xi32, #tpu.memory_space<hbm>> -> memref<102x128xi32, #tpu.memory_space<hbm>>
        %dma_start3A_90 = arith.constant 0 : i32
        %dma_start3A_91 = arith.constant 0 : i32
        %dma_start3A_92 = tpu.memref_slice %arg7[%dma_start3A_90, %dma_start3A_91] : memref<102x128xi32, #tpu.memory_space<vmem>> -> memref<102x128xi32, #tpu.memory_space<vmem>>
        %dma_start3A_93 = arith.constant 0 : i32
        %dma_start3A_94 = tpu.memref_slice %arg4[%mul3A_11, %dma_start3A_93] : memref<2688x128xi32, #tpu.memory_space<hbm>> -> memref<102x128xi32, #tpu.memory_space<hbm>>
        tpu.enqueue_dma source(%dma_start3A_94 : memref<102x128xi32, #tpu.memory_space<hbm>>) target(%dma_start3A_92 : memref<102x128xi32, #tpu.memory_space<vmem>>) target_semaphore(%run_scoped3A : memref<!tpu.dma_semaphore, #tpu.memory_space<semaphore_mem>>)
        %dma_wait3A = arith.constant 0 : i32
        %dma_wait3A_95 = arith.constant 0 : i32
        %dma_wait3A_96 = tpu.memref_slice %arg7[%dma_wait3A, %dma_wait3A_95] : memref<102x128xi32, #tpu.memory_space<vmem>> -> memref<102x128xi32, #tpu.memory_space<vmem>>
        %dma_wait3A_97 = arith.constant 0 : i32
        %dma_wait3A_98 = tpu.memref_slice %arg4[%mul3A_11, %dma_wait3A_97] : memref<2688x128xi32, #tpu.memory_space<hbm>> -> memref<102x128xi32, #tpu.memory_space<hbm>>
        %dma_wait3A_99 = arith.constant 0 : i32
        %dma_wait3A_100 = arith.constant 0 : i32
        %dma_wait3A_101 = tpu.memref_slice %arg7[%dma_wait3A_99, %dma_wait3A_100] : memref<102x128xi32, #tpu.memory_space<vmem>> -> memref<102x128xi32, #tpu.memory_space<vmem>>
        %dma_wait3A_102 = arith.constant 0 : i32
        %dma_wait3A_103 = tpu.memref_slice %arg4[%mul3A_11, %dma_wait3A_102] : memref<2688x128xi32, #tpu.memory_space<hbm>> -> memref<102x128xi32, #tpu.memory_space<hbm>>
        tpu.wait_dma2 semaphore(%run_scoped3A : memref<!tpu.dma_semaphore, #tpu.memory_space<semaphore_mem>>) src(%dma_wait3A_103 : memref<102x128xi32, #tpu.memory_space<hbm>>) dst(%dma_wait3A_101 : memref<102x128xi32, #tpu.memory_space<vmem>>)
        tpu.yield
      }) : () -> ()
      %dma_start3A = arith.constant 0 : i32
      %dma_start3A_12 = arith.constant 0 : i32
      %dma_start3A_13 = tpu.memref_slice %arg6[%dma_start3A, %dma_start3A_12] : memref<102x128xi32, #tpu.memory_space<vmem>> -> memref<1x128xi32, #tpu.memory_space<vmem>>
      %dma_start3A_14 = tpu.memref_squeeze %dma_start3A_13 : memref<1x128xi32, #tpu.memory_space<vmem>> -> memref<128xi32, #tpu.memory_space<vmem>>
      %dma_start3A_15 = arith.constant 0 : i32
      %dma_start3A_16 = arith.constant 0 : i32
      %dma_start3A_17 = tpu.memref_slice %arg2[%dma_start3A_15, %dma_start3A_16] : memref<10240x64xf32, #tpu.memory_space<hbm>> -> memref<10240x64xf32, #tpu.memory_space<hbm>>
      tpu.enqueue_indirect_dma source(%dma_start3A_17 : memref<10240x64xf32, #tpu.memory_space<hbm>>) target(%arg8 : memref<128x64xf32, #tpu.memory_space<vmem>>) offsets(%dma_start3A_14 : memref<128xi32, #tpu.memory_space<vmem>>) semaphore(%arg16 : memref<!tpu.dma_semaphore, #tpu.memory_space<semaphore_mem>>)
      %dma_start3A_18 = arith.constant 1 : i32
      %dma_start3A_19 = arith.constant 0 : i32
      %dma_start3A_20 = tpu.memref_slice %arg6[%dma_start3A_18, %dma_start3A_19] : memref<102x128xi32, #tpu.memory_space<vmem>> -> memref<1x128xi32, #tpu.memory_space<vmem>>
      %dma_start3A_21 = tpu.memref_squeeze %dma_start3A_20 : memref<1x128xi32, #tpu.memory_space<vmem>> -> memref<128xi32, #tpu.memory_space<vmem>>
      %dma_start3A_22 = arith.constant 0 : i32
      %dma_start3A_23 = arith.constant 0 : i32
      %dma_start3A_24 = tpu.memref_slice %arg2[%dma_start3A_22, %dma_start3A_23] : memref<10240x64xf32, #tpu.memory_space<hbm>> -> memref<10240x64xf32, #tpu.memory_space<hbm>>
      tpu.enqueue_indirect_dma source(%dma_start3A_24 : memref<10240x64xf32, #tpu.memory_space<hbm>>) target(%arg9 : memref<128x64xf32, #tpu.memory_space<vmem>>) offsets(%dma_start3A_21 : memref<128xi32, #tpu.memory_space<vmem>>) semaphore(%arg17 : memref<!tpu.dma_semaphore, #tpu.memory_space<semaphore_mem>>)
      %dma_start3A_25 = arith.constant 2 : i32
      %dma_start3A_26 = arith.constant 0 : i32
      %dma_start3A_27 = tpu.memref_slice %arg6[%dma_start3A_25, %dma_start3A_26] : memref<102x128xi32, #tpu.memory_space<vmem>> -> memref<1x128xi32, #tpu.memory_space<vmem>>
      %dma_start3A_28 = tpu.memref_squeeze %dma_start3A_27 : memref<1x128xi32, #tpu.memory_space<vmem>> -> memref<128xi32, #tpu.memory_space<vmem>>
      %dma_start3A_29 = arith.constant 0 : i32
      %dma_start3A_30 = arith.constant 0 : i32
      %dma_start3A_31 = tpu.memref_slice %arg2[%dma_start3A_29, %dma_start3A_30] : memref<10240x64xf32, #tpu.memory_space<hbm>> -> memref<10240x64xf32, #tpu.memory_space<hbm>>
      tpu.enqueue_indirect_dma source(%dma_start3A_31 : memref<10240x64xf32, #tpu.memory_space<hbm>>) target(%arg10 : memref<128x64xf32, #tpu.memory_space<vmem>>) offsets(%dma_start3A_28 : memref<128xi32, #tpu.memory_space<vmem>>) semaphore(%arg18 : memref<!tpu.dma_semaphore, #tpu.memory_space<semaphore_mem>>)
      %dma_start3A_32 = arith.constant 3 : i32
      %dma_start3A_33 = arith.constant 0 : i32
      %dma_start3A_34 = tpu.memref_slice %arg6[%dma_start3A_32, %dma_start3A_33] : memref<102x128xi32, #tpu.memory_space<vmem>> -> memref<1x128xi32, #tpu.memory_space<vmem>>
      %dma_start3A_35 = tpu.memref_squeeze %dma_start3A_34 : memref<1x128xi32, #tpu.memory_space<vmem>> -> memref<128xi32, #tpu.memory_space<vmem>>
      %dma_start3A_36 = arith.constant 0 : i32
      %dma_start3A_37 = arith.constant 0 : i32
      %dma_start3A_38 = tpu.memref_slice %arg2[%dma_start3A_36, %dma_start3A_37] : memref<10240x64xf32, #tpu.memory_space<hbm>> -> memref<10240x64xf32, #tpu.memory_space<hbm>>
      tpu.enqueue_indirect_dma source(%dma_start3A_38 : memref<10240x64xf32, #tpu.memory_space<hbm>>) target(%arg11 : memref<128x64xf32, #tpu.memory_space<vmem>>) offsets(%dma_start3A_35 : memref<128xi32, #tpu.memory_space<vmem>>) semaphore(%arg19 : memref<!tpu.dma_semaphore, #tpu.memory_space<semaphore_mem>>)
      %dma_start3A_39 = arith.constant 4 : i32
      %dma_start3A_40 = arith.constant 0 : i32
      %dma_start3A_41 = tpu.memref_slice %arg6[%dma_start3A_39, %dma_start3A_40] : memref<102x128xi32, #tpu.memory_space<vmem>> -> memref<1x128xi32, #tpu.memory_space<vmem>>
      %dma_start3A_42 = tpu.memref_squeeze %dma_start3A_41 : memref<1x128xi32, #tpu.memory_space<vmem>> -> memref<128xi32, #tpu.memory_space<vmem>>
      %dma_start3A_43 = arith.constant 0 : i32
      %dma_start3A_44 = arith.constant 0 : i32
      %dma_start3A_45 = tpu.memref_slice %arg2[%dma_start3A_43, %dma_start3A_44] : memref<10240x64xf32, #tpu.memory_space<hbm>> -> memref<10240x64xf32, #tpu.memory_space<hbm>>
      tpu.enqueue_indirect_dma source(%dma_start3A_45 : memref<10240x64xf32, #tpu.memory_space<hbm>>) target(%arg12 : memref<128x64xf32, #tpu.memory_space<vmem>>) offsets(%dma_start3A_42 : memref<128xi32, #tpu.memory_space<vmem>>) semaphore(%arg20 : memref<!tpu.dma_semaphore, #tpu.memory_space<semaphore_mem>>)
      %dma_start3A_46 = arith.constant 5 : i32
      %dma_start3A_47 = arith.constant 0 : i32
      %dma_start3A_48 = tpu.memref_slice %arg6[%dma_start3A_46, %dma_start3A_47] : memref<102x128xi32, #tpu.memory_space<vmem>> -> memref<1x128xi32, #tpu.memory_space<vmem>>
      %dma_start3A_49 = tpu.memref_squeeze %dma_start3A_48 : memref<1x128xi32, #tpu.memory_space<vmem>> -> memref<128xi32, #tpu.memory_space<vmem>>
      %dma_start3A_50 = arith.constant 0 : i32
      %dma_start3A_51 = arith.constant 0 : i32
      %dma_start3A_52 = tpu.memref_slice %arg2[%dma_start3A_50, %dma_start3A_51] : memref<10240x64xf32, #tpu.memory_space<hbm>> -> memref<10240x64xf32, #tpu.memory_space<hbm>>
      tpu.enqueue_indirect_dma source(%dma_start3A_52 : memref<10240x64xf32, #tpu.memory_space<hbm>>) target(%arg13 : memref<128x64xf32, #tpu.memory_space<vmem>>) offsets(%dma_start3A_49 : memref<128xi32, #tpu.memory_space<vmem>>) semaphore(%arg21 : memref<!tpu.dma_semaphore, #tpu.memory_space<semaphore_mem>>)
      %broadcast_in_dim3A = arith.constant 0.000000e+00 : f32
      %broadcast_in_dim3A_53 = vector.broadcast %broadcast_in_dim3A : f32 to vector<16xf32>
      %scan3A = arith.constant 0 : i32
      %scan3A_54 = arith.constant 0 : i32
      %scan3A_55 = arith.constant 128 : i32
      %scan3A_56 = arith.addi %scan3A_54, %scan3A_55 : i32
      %scan3A_57 = arith.constant 1 : i32
      scf.for %scan3A_85 = %scan3A_54 to %scan3A_56 step %scan3A_57  : i32 {
        %swap3A = arith.index_cast %scan3A_85 : i32 to index
        %swap3A_86 = arith.constant 0 : index
        %swap3A_87 = tpu.vector_load %arg14[%swap3A, %swap3A_86] {strides = array<i32>} : memref<128x64xf32, #tpu.memory_space<vmem>>, vector<1x16xf32>,
        %swap3A_88 = vector.shape_cast %swap3A_87 : vector<1x16xf32> to vector<16xf32>
        %swap3A_89 = vector.shape_cast %broadcast_in_dim3A_53 : vector<16xf32> to vector<1x16xf32>
        tpu.vector_store %arg14[%swap3A, %swap3A_86], %swap3A_89 {strides = array<i32>} : memref<128x64xf32, #tpu.memory_space<vmem>>, vector<1x16xf32>,
        %swap3A_90 = arith.index_cast %scan3A_85 : i32 to index
        %swap3A_91 = arith.constant 16 : index
        %swap3A_92 = tpu.vector_load %arg14[%swap3A_90, %swap3A_91] {strides = array<i32>} : memref<128x64xf32, #tpu.memory_space<vmem>>, vector<1x16xf32>,
        %swap3A_93 = vector.shape_cast %swap3A_92 : vector<1x16xf32> to vector<16xf32>
        %swap3A_94 = vector.shape_cast %broadcast_in_dim3A_53 : vector<16xf32> to vector<1x16xf32>
        tpu.vector_store %arg14[%swap3A_90, %swap3A_91], %swap3A_94 {strides = array<i32>} : memref<128x64xf32, #tpu.memory_space<vmem>>, vector<1x16xf32>,
        %swap3A_95 = arith.index_cast %scan3A_85 : i32 to index
        %swap3A_96 = arith.constant 32 : index
        %swap3A_97 = tpu.vector_load %arg14[%swap3A_95, %swap3A_96] {strides = array<i32>} : memref<128x64xf32, #tpu.memory_space<vmem>>, vector<1x16xf32>,
        %swap3A_98 = vector.shape_cast %swap3A_97 : vector<1x16xf32> to vector<16xf32>
        %swap3A_99 = vector.shape_cast %broadcast_in_dim3A_53 : vector<16xf32> to vector<1x16xf32>
        tpu.vector_store %arg14[%swap3A_95, %swap3A_96], %swap3A_99 {strides = array<i32>} : memref<128x64xf32, #tpu.memory_space<vmem>>, vector<1x16xf32>,
        %swap3A_100 = arith.index_cast %scan3A_85 : i32 to index
        %swap3A_101 = arith.constant 48 : index
        %swap3A_102 = tpu.vector_load %arg14[%swap3A_100, %swap3A_101] {strides = array<i32>} : memref<128x64xf32, #tpu.memory_space<vmem>>, vector<1x16xf32>,
        %swap3A_103 = vector.shape_cast %swap3A_102 : vector<1x16xf32> to vector<16xf32>
        %swap3A_104 = vector.shape_cast %broadcast_in_dim3A_53 : vector<16xf32> to vector<1x16xf32>
        tpu.vector_store %arg14[%swap3A_100, %swap3A_101], %swap3A_104 {strides = array<i32>} : memref<128x64xf32, #tpu.memory_space<vmem>>, vector<1x16xf32>,
      }
      %scan3A_58 = arith.constant 128 : i32
      %mul3A_59 = arith.constant 640 : i32
      %mul3A_60 = arith.muli %arg1, %mul3A_59 : i32
      %add3A = arith.constant 0 : i32
      %add3A_61 = arith.addi %mul3A_60, %add3A : i32
      "tpu.region"() ({
        %run_scoped3A = tpu.sem_alloc : memref<!tpu.dma_semaphore, #tpu.memory_space<semaphore_mem>>
        %dma_start3A_85 = arith.constant 0 : i32
        %dma_start3A_86 = tpu.memref_slice %arg15[%add3A_61, %dma_start3A_85] : memref<10240x64xf32, #tpu.memory_space<vmem_shared>> -> memref<128x64xf32, #tpu.memory_space<vmem_shared>>
        %dma_start3A_87 = arith.constant 0 : i32
        %dma_start3A_88 = tpu.memref_slice %arg15[%add3A_61, %dma_start3A_87] : memref<10240x64xf32, #tpu.memory_space<vmem_shared>> -> memref<128x64xf32, #tpu.memory_space<vmem_shared>>
        tpu.enqueue_dma source(%arg14 : memref<128x64xf32, #tpu.memory_space<vmem>>) target(%dma_start3A_88 : memref<128x64xf32, #tpu.memory_space<vmem_shared>>) target_semaphore(%run_scoped3A : memref<!tpu.dma_semaphore, #tpu.memory_space<semaphore_mem>>)
        %dma_wait3A = arith.constant 0 : i32
        %dma_wait3A_89 = tpu.memref_slice %arg15[%add3A_61, %dma_wait3A] : memref<10240x64xf32, #tpu.memory_space<vmem_shared>> -> memref<128x64xf32, #tpu.memory_space<vmem_shared>>
        %dma_wait3A_90 = arith.constant 0 : i32
        %dma_wait3A_91 = tpu.memref_slice %arg15[%add3A_61, %dma_wait3A_90] : memref<10240x64xf32, #tpu.memory_space<vmem_shared>> -> memref<128x64xf32, #tpu.memory_space<vmem_shared>>
        tpu.wait_dma2 semaphore(%run_scoped3A : memref<!tpu.dma_semaphore, #tpu.memory_space<semaphore_mem>>) src(%arg14 : memref<128x64xf32, #tpu.memory_space<vmem>>) dst(%dma_wait3A_91 : memref<128x64xf32, #tpu.memory_space<vmem_shared>>)
        tpu.yield
      }) : () -> ()
      %mul3A_62 = arith.constant 640 : i32
      %mul3A_63 = arith.muli %arg1, %mul3A_62 : i32
      %add3A_64 = arith.constant 128 : i32
      %add3A_65 = arith.addi %mul3A_63, %add3A_64 : i32
      "tpu.region"() ({
        %run_scoped3A = tpu.sem_alloc : memref<!tpu.dma_semaphore, #tpu.memory_space<semaphore_mem>>
        %dma_start3A_85 = arith.constant 0 : i32
        %dma_start3A_86 = tpu.memref_slice %arg15[%add3A_65, %dma_start3A_85] : memref<10240x64xf32, #tpu.memory_space<vmem_shared>> -> memref<128x64xf32, #tpu.memory_space<vmem_shared>>
        %dma_start3A_87 = arith.constant 0 : i32
        %dma_start3A_88 = tpu.memref_slice %arg15[%add3A_65, %dma_start3A_87] : memref<10240x64xf32, #tpu.memory_space<vmem_shared>> -> memref<128x64xf32, #tpu.memory_space<vmem_shared>>
        tpu.enqueue_dma source(%arg14 : memref<128x64xf32, #tpu.memory_space<vmem>>) target(%dma_start3A_88 : memref<128x64xf32, #tpu.memory_space<vmem_shared>>) target_semaphore(%run_scoped3A : memref<!tpu.dma_semaphore, #tpu.memory_space<semaphore_mem>>)
        %dma_wait3A = arith.constant 0 : i32
        %dma_wait3A_89 = tpu.memref_slice %arg15[%add3A_65, %dma_wait3A] : memref<10240x64xf32, #tpu.memory_space<vmem_shared>> -> memref<128x64xf32, #tpu.memory_space<vmem_shared>>
        %dma_wait3A_90 = arith.constant 0 : i32
        %dma_wait3A_91 = tpu.memref_slice %arg15[%add3A_65, %dma_wait3A_90] : memref<10240x64xf32, #tpu.memory_space<vmem_shared>> -> memref<128x64xf32, #tpu.memory_space<vmem_shared>>
        tpu.wait_dma2 semaphore(%run_scoped3A : memref<!tpu.dma_semaphore, #tpu.memory_space<semaphore_mem>>) src(%arg14 : memref<128x64xf32, #tpu.memory_space<vmem>>) dst(%dma_wait3A_91 : memref<128x64xf32, #tpu.memory_space<vmem_shared>>)
        tpu.yield
      }) : () -> ()
      %mul3A_66 = arith.constant 640 : i32
      %mul3A_67 = arith.muli %arg1, %mul3A_66 : i32
      %add3A_68 = arith.constant 256 : i32
      %add3A_69 = arith.addi %mul3A_67, %add3A_68 : i32
      "tpu.region"() ({
        %run_scoped3A = tpu.sem_alloc : memref<!tpu.dma_semaphore, #tpu.memory_space<semaphore_mem>>
        %dma_start3A_85 = arith.constant 0 : i32
        %dma_start3A_86 = tpu.memref_slice %arg15[%add3A_69, %dma_start3A_85] : memref<10240x64xf32, #tpu.memory_space<vmem_shared>> -> memref<128x64xf32, #tpu.memory_space<vmem_shared>>
        %dma_start3A_87 = arith.constant 0 : i32
        %dma_start3A_88 = tpu.memref_slice %arg15[%add3A_69, %dma_start3A_87] : memref<10240x64xf32, #tpu.memory_space<vmem_shared>> -> memref<128x64xf32, #tpu.memory_space<vmem_shared>>
        tpu.enqueue_dma source(%arg14 : memref<128x64xf32, #tpu.memory_space<vmem>>) target(%dma_start3A_88 : memref<128x64xf32, #tpu.memory_space<vmem_shared>>) target_semaphore(%run_scoped3A : memref<!tpu.dma_semaphore, #tpu.memory_space<semaphore_mem>>)
        %dma_wait3A = arith.constant 0 : i32
        %dma_wait3A_89 = tpu.memref_slice %arg15[%add3A_69, %dma_wait3A] : memref<10240x64xf32, #tpu.memory_space<vmem_shared>> -> memref<128x64xf32, #tpu.memory_space<vmem_shared>>
        %dma_wait3A_90 = arith.constant 0 : i32
        %dma_wait3A_91 = tpu.memref_slice %arg15[%add3A_69, %dma_wait3A_90] : memref<10240x64xf32, #tpu.memory_space<vmem_shared>> -> memref<128x64xf32, #tpu.memory_space<vmem_shared>>
        tpu.wait_dma2 semaphore(%run_scoped3A : memref<!tpu.dma_semaphore, #tpu.memory_space<semaphore_mem>>) src(%arg14 : memref<128x64xf32, #tpu.memory_space<vmem>>) dst(%dma_wait3A_91 : memref<128x64xf32, #tpu.memory_space<vmem_shared>>)
        tpu.yield
      }) : () -> ()
      %mul3A_70 = arith.constant 640 : i32
      %mul3A_71 = arith.muli %arg1, %mul3A_70 : i32
      %add3A_72 = arith.constant 384 : i32
      %add3A_73 = arith.addi %mul3A_71, %add3A_72 : i32
      "tpu.region"() ({
        %run_scoped3A = tpu.sem_alloc : memref<!tpu.dma_semaphore, #tpu.memory_space<semaphore_mem>>
        %dma_start3A_85 = arith.constant 0 : i32
        %dma_start3A_86 = tpu.memref_slice %arg15[%add3A_73, %dma_start3A_85] : memref<10240x64xf32, #tpu.memory_space<vmem_shared>> -> memref<128x64xf32, #tpu.memory_space<vmem_shared>>
        %dma_start3A_87 = arith.constant 0 : i32
        %dma_start3A_88 = tpu.memref_slice %arg15[%add3A_73, %dma_start3A_87] : memref<10240x64xf32, #tpu.memory_space<vmem_shared>> -> memref<128x64xf32, #tpu.memory_space<vmem_shared>>
        tpu.enqueue_dma source(%arg14 : memref<128x64xf32, #tpu.memory_space<vmem>>) target(%dma_start3A_88 : memref<128x64xf32, #tpu.memory_space<vmem_shared>>) target_semaphore(%run_scoped3A : memref<!tpu.dma_semaphore, #tpu.memory_space<semaphore_mem>>)
        %dma_wait3A = arith.constant 0 : i32
        %dma_wait3A_89 = tpu.memref_slice %arg15[%add3A_73, %dma_wait3A] : memref<10240x64xf32, #tpu.memory_space<vmem_shared>> -> memref<128x64xf32, #tpu.memory_space<vmem_shared>>
        %dma_wait3A_90 = arith.constant 0 : i32
        %dma_wait3A_91 = tpu.memref_slice %arg15[%add3A_73, %dma_wait3A_90] : memref<10240x64xf32, #tpu.memory_space<vmem_shared>> -> memref<128x64xf32, #tpu.memory_space<vmem_shared>>
        tpu.wait_dma2 semaphore(%run_scoped3A : memref<!tpu.dma_semaphore, #tpu.memory_space<semaphore_mem>>) src(%arg14 : memref<128x64xf32, #tpu.memory_space<vmem>>) dst(%dma_wait3A_91 : memref<128x64xf32, #tpu.memory_space<vmem_shared>>)
        tpu.yield
      }) : () -> ()
      %mul3A_74 = arith.constant 640 : i32
      %mul3A_75 = arith.muli %arg1, %mul3A_74 : i32
      %add3A_76 = arith.constant 512 : i32
      %add3A_77 = arith.addi %mul3A_75, %add3A_76 : i32
      "tpu.region"() ({
        %run_scoped3A = tpu.sem_alloc : memref<!tpu.dma_semaphore, #tpu.memory_space<semaphore_mem>>
        %dma_start3A_85 = arith.constant 0 : i32
        %dma_start3A_86 = tpu.memref_slice %arg15[%add3A_77, %dma_start3A_85] : memref<10240x64xf32, #tpu.memory_space<vmem_shared>> -> memref<128x64xf32, #tpu.memory_space<vmem_shared>>
        %dma_start3A_87 = arith.constant 0 : i32
        %dma_start3A_88 = tpu.memref_slice %arg15[%add3A_77, %dma_start3A_87] : memref<10240x64xf32, #tpu.memory_space<vmem_shared>> -> memref<128x64xf32, #tpu.memory_space<vmem_shared>>
        tpu.enqueue_dma source(%arg14 : memref<128x64xf32, #tpu.memory_space<vmem>>) target(%dma_start3A_88 : memref<128x64xf32, #tpu.memory_space<vmem_shared>>) target_semaphore(%run_scoped3A : memref<!tpu.dma_semaphore, #tpu.memory_space<semaphore_mem>>)
        %dma_wait3A = arith.constant 0 : i32
        %dma_wait3A_89 = tpu.memref_slice %arg15[%add3A_77, %dma_wait3A] : memref<10240x64xf32, #tpu.memory_space<vmem_shared>> -> memref<128x64xf32, #tpu.memory_space<vmem_shared>>
        %dma_wait3A_90 = arith.constant 0 : i32
        %dma_wait3A_91 = tpu.memref_slice %arg15[%add3A_77, %dma_wait3A_90] : memref<10240x64xf32, #tpu.memory_space<vmem_shared>> -> memref<128x64xf32, #tpu.memory_space<vmem_shared>>
        tpu.wait_dma2 semaphore(%run_scoped3A : memref<!tpu.dma_semaphore, #tpu.memory_space<semaphore_mem>>) src(%arg14 : memref<128x64xf32, #tpu.memory_space<vmem>>) dst(%dma_wait3A_91 : memref<128x64xf32, #tpu.memory_space<vmem_shared>>)
        tpu.yield
      }) : () -> ()
      %barrier3A_78 = arith.constant 0 : index
      tpu.barrier barrier_id(%barrier3A_78)
      %scan3A_79 = arith.constant 0 : i32
      %scan3A_80 = arith.constant 0 : i32
      %scan3A_81 = arith.constant 17 : i32
      %scan3A_82 = arith.addi %scan3A_80, %scan3A_81 : i32
      %scan3A_83 = arith.constant 1 : i32
      scf.for %scan3A_85 = %scan3A_80 to %scan3A_82 step %scan3A_83  : i32 {
        %mul3A_86 = arith.constant 6 : i32
        %mul3A_87 = arith.muli %scan3A_85, %mul3A_86 : i32
        %add3A_88 = arith.constant 0 : i32
        %add3A_89 = arith.addi %mul3A_87, %add3A_88 : i32
        %dma_wait3A = arith.constant 0 : i32
        %dma_wait3A_90 = tpu.memref_slice %arg6[%add3A_89, %dma_wait3A] : memref<102x128xi32, #tpu.memory_space<vmem>> -> memref<1x128xi32, #tpu.memory_space<vmem>>
        %dma_wait3A_91 = tpu.memref_squeeze %dma_wait3A_90 : memref<1x128xi32, #tpu.memory_space<vmem>> -> memref<128xi32, #tpu.memory_space<vmem>>
        %dma_wait3A_92 = arith.constant 0 : i32
        %dma_wait3A_93 = arith.constant 0 : i32
        %dma_wait3A_94 = tpu.memref_slice %arg2[%dma_wait3A_92, %dma_wait3A_93] : memref<10240x64xf32, #tpu.memory_space<hbm>> -> memref<10240x64xf32, #tpu.memory_space<hbm>>
        tpu.wait_indirect_dma semaphore(%arg16 : memref<!tpu.dma_semaphore, #tpu.memory_space<semaphore_mem>>) src(%dma_wait3A_94 : memref<10240x64xf32, #tpu.memory_space<hbm>>) dst(%arg8 : memref<128x64xf32, #tpu.memory_space<vmem>>)
        "tpu.region"() ({
          %run_scoped3A = tpu.sem_alloc : memref<!tpu.dma_semaphore, #tpu.memory_space<semaphore_mem>>
          %dma_start3A_188 = arith.constant 0 : i32
          %dma_start3A_189 = tpu.memref_slice %arg7[%add3A_89, %dma_start3A_188] : memref<102x128xi32, #tpu.memory_space<vmem>> -> memref<1x128xi32, #tpu.memory_space<vmem>>
          %dma_start3A_190 = tpu.memref_squeeze %dma_start3A_189 : memref<1x128xi32, #tpu.memory_space<vmem>> -> memref<128xi32, #tpu.memory_space<vmem>>
          %dma_start3A_191 = arith.constant 0 : i32
          %dma_start3A_192 = arith.constant 0 : i32
          %dma_start3A_193 = tpu.memref_slice %arg15[%dma_start3A_191, %dma_start3A_192] : memref<10240x64xf32, #tpu.memory_space<vmem_shared>> -> memref<10240x64xf32, #tpu.memory_space<vmem_shared>>
          tpu.enqueue_indirect_dma source(%arg8 : memref<128x64xf32, #tpu.memory_space<vmem>>) target(%dma_start3A_193 : memref<10240x64xf32, #tpu.memory_space<vmem_shared>>) offsets(%dma_start3A_190 : memref<128xi32, #tpu.memory_space<vmem>>) semaphore(%run_scoped3A : memref<!tpu.dma_semaphore, #tpu.memory_space<semaphore_mem>>) {add = true}
          %dma_wait3A_194 = arith.constant 0 : i32
          %dma_wait3A_195 = tpu.memref_slice %arg7[%add3A_89, %dma_wait3A_194] : memref<102x128xi32, #tpu.memory_space<vmem>> -> memref<1x128xi32, #tpu.memory_space<vmem>>
          %dma_wait3A_196 = tpu.memref_squeeze %dma_wait3A_195 : memref<1x128xi32, #tpu.memory_space<vmem>> -> memref<128xi32, #tpu.memory_space<vmem>>
          %dma_wait3A_197 = arith.constant 0 : i32
          %dma_wait3A_198 = arith.constant 0 : i32
          %dma_wait3A_199 = tpu.memref_slice %arg15[%dma_wait3A_197, %dma_wait3A_198] : memref<10240x64xf32, #tpu.memory_space<vmem_shared>> -> memref<10240x64xf32, #tpu.memory_space<vmem_shared>>
          tpu.wait_indirect_dma semaphore(%run_scoped3A : memref<!tpu.dma_semaphore, #tpu.memory_space<semaphore_mem>>) src(%arg8 : memref<128x64xf32, #tpu.memory_space<vmem>>) dst(%dma_wait3A_199 : memref<10240x64xf32, #tpu.memory_space<vmem_shared>>)
          tpu.yield
        }) : () -> ()
        %add3A_95 = arith.constant 6 : i32
        %add3A_96 = arith.addi %add3A_89, %add3A_95 : i32
        %lt3A = arith.constant 102 : i32
        %lt3A_97 = arith.cmpi slt, %add3A_96, %lt3A : i32
        %add3A_98 = arith.constant 6 : i32
        %add3A_99 = arith.addi %add3A_89, %add3A_98 : i32
        %convert_element_type3A_100 = arith.extui %lt3A_97 : i1 to i32
        %cond3A_101 = arith.constant 0 : i32
        %cond3A_102 = arith.cmpi ne, %convert_element_type3A_100, %cond3A_101 : i32
        scf.if %cond3A_102 {
          %dma_start3A_188 = arith.constant 0 : i32
          %dma_start3A_189 = tpu.memref_slice %arg6[%add3A_99, %dma_start3A_188] : memref<102x128xi32, #tpu.memory_space<vmem>> -> memref<1x128xi32, #tpu.memory_space<vmem>>
          %dma_start3A_190 = tpu.memref_squeeze %dma_start3A_189 : memref<1x128xi32, #tpu.memory_space<vmem>> -> memref<128xi32, #tpu.memory_space<vmem>>
          %dma_start3A_191 = arith.constant 0 : i32
          %dma_start3A_192 = arith.constant 0 : i32
          %dma_start3A_193 = tpu.memref_slice %arg2[%dma_start3A_191, %dma_start3A_192] : memref<10240x64xf32, #tpu.memory_space<hbm>> -> memref<10240x64xf32, #tpu.memory_space<hbm>>
          tpu.enqueue_indirect_dma source(%dma_start3A_193 : memref<10240x64xf32, #tpu.memory_space<hbm>>) target(%arg8 : memref<128x64xf32, #tpu.memory_space<vmem>>) offsets(%dma_start3A_190 : memref<128xi32, #tpu.memory_space<vmem>>) semaphore(%arg16 : memref<!tpu.dma_semaphore, #tpu.memory_space<semaphore_mem>>)
        } else {
        }
        %add3A_103 = arith.constant 1 : i32
        %add3A_104 = arith.addi %mul3A_87, %add3A_103 : i32
        %dma_wait3A_105 = arith.constant 0 : i32
        %dma_wait3A_106 = tpu.memref_slice %arg6[%add3A_104, %dma_wait3A_105] : memref<102x128xi32, #tpu.memory_space<vmem>> -> memref<1x128xi32, #tpu.memory_space<vmem>>
        %dma_wait3A_107 = tpu.memref_squeeze %dma_wait3A_106 : memref<1x128xi32, #tpu.memory_space<vmem>> -> memref<128xi32, #tpu.memory_space<vmem>>
        %dma_wait3A_108 = arith.constant 0 : i32
        %dma_wait3A_109 = arith.constant 0 : i32
        %dma_wait3A_110 = tpu.memref_slice %arg2[%dma_wait3A_108, %dma_wait3A_109] : memref<10240x64xf32, #tpu.memory_space<hbm>> -> memref<10240x64xf32, #tpu.memory_space<hbm>>
        tpu.wait_indirect_dma semaphore(%arg17 : memref<!tpu.dma_semaphore, #tpu.memory_space<semaphore_mem>>) src(%dma_wait3A_110 : memref<10240x64xf32, #tpu.memory_space<hbm>>) dst(%arg9 : memref<128x64xf32, #tpu.memory_space<vmem>>)
        "tpu.region"() ({
          %run_scoped3A = tpu.sem_alloc : memref<!tpu.dma_semaphore, #tpu.memory_space<semaphore_mem>>
          %dma_start3A_188 = arith.constant 0 : i32
          %dma_start3A_189 = tpu.memref_slice %arg7[%add3A_104, %dma_start3A_188] : memref<102x128xi32, #tpu.memory_space<vmem>> -> memref<1x128xi32, #tpu.memory_space<vmem>>
          %dma_start3A_190 = tpu.memref_squeeze %dma_start3A_189 : memref<1x128xi32, #tpu.memory_space<vmem>> -> memref<128xi32, #tpu.memory_space<vmem>>
          %dma_start3A_191 = arith.constant 0 : i32
          %dma_start3A_192 = arith.constant 0 : i32
          %dma_start3A_193 = tpu.memref_slice %arg15[%dma_start3A_191, %dma_start3A_192] : memref<10240x64xf32, #tpu.memory_space<vmem_shared>> -> memref<10240x64xf32, #tpu.memory_space<vmem_shared>>
          tpu.enqueue_indirect_dma source(%arg9 : memref<128x64xf32, #tpu.memory_space<vmem>>) target(%dma_start3A_193 : memref<10240x64xf32, #tpu.memory_space<vmem_shared>>) offsets(%dma_start3A_190 : memref<128xi32, #tpu.memory_space<vmem>>) semaphore(%run_scoped3A : memref<!tpu.dma_semaphore, #tpu.memory_space<semaphore_mem>>) {add = true}
          %dma_wait3A_194 = arith.constant 0 : i32
          %dma_wait3A_195 = tpu.memref_slice %arg7[%add3A_104, %dma_wait3A_194] : memref<102x128xi32, #tpu.memory_space<vmem>> -> memref<1x128xi32, #tpu.memory_space<vmem>>
          %dma_wait3A_196 = tpu.memref_squeeze %dma_wait3A_195 : memref<1x128xi32, #tpu.memory_space<vmem>> -> memref<128xi32, #tpu.memory_space<vmem>>
          %dma_wait3A_197 = arith.constant 0 : i32
          %dma_wait3A_198 = arith.constant 0 : i32
          %dma_wait3A_199 = tpu.memref_slice %arg15[%dma_wait3A_197, %dma_wait3A_198] : memref<10240x64xf32, #tpu.memory_space<vmem_shared>> -> memref<10240x64xf32, #tpu.memory_space<vmem_shared>>
          tpu.wait_indirect_dma semaphore(%run_scoped3A : memref<!tpu.dma_semaphore, #tpu.memory_space<semaphore_mem>>) src(%arg9 : memref<128x64xf32, #tpu.memory_space<vmem>>) dst(%dma_wait3A_199 : memref<10240x64xf32, #tpu.memory_space<vmem_shared>>)
          tpu.yield
        }) : () -> ()
        %add3A_111 = arith.constant 6 : i32
        %add3A_112 = arith.addi %add3A_104, %add3A_111 : i32
        %lt3A_113 = arith.constant 102 : i32
        %lt3A_114 = arith.cmpi slt, %add3A_112, %lt3A_113 : i32
        %add3A_115 = arith.constant 6 : i32
        %add3A_116 = arith.addi %add3A_104, %add3A_115 : i32
        %convert_element_type3A_117 = arith.extui %lt3A_114 : i1 to i32
        %cond3A_118 = arith.constant 0 : i32
        %cond3A_119 = arith.cmpi ne, %convert_element_type3A_117, %cond3A_118 : i32
        scf.if %cond3A_119 {
          %dma_start3A_188 = arith.constant 0 : i32
          %dma_start3A_189 = tpu.memref_slice %arg6[%add3A_116, %dma_start3A_188] : memref<102x128xi32, #tpu.memory_space<vmem>> -> memref<1x128xi32, #tpu.memory_space<vmem>>
          %dma_start3A_190 = tpu.memref_squeeze %dma_start3A_189 : memref<1x128xi32, #tpu.memory_space<vmem>> -> memref<128xi32, #tpu.memory_space<vmem>>
          %dma_start3A_191 = arith.constant 0 : i32
          %dma_start3A_192 = arith.constant 0 : i32
          %dma_start3A_193 = tpu.memref_slice %arg2[%dma_start3A_191, %dma_start3A_192] : memref<10240x64xf32, #tpu.memory_space<hbm>> -> memref<10240x64xf32, #tpu.memory_space<hbm>>
          tpu.enqueue_indirect_dma source(%dma_start3A_193 : memref<10240x64xf32, #tpu.memory_space<hbm>>) target(%arg9 : memref<128x64xf32, #tpu.memory_space<vmem>>) offsets(%dma_start3A_190 : memref<128xi32, #tpu.memory_space<vmem>>) semaphore(%arg17 : memref<!tpu.dma_semaphore, #tpu.memory_space<semaphore_mem>>)
        } else {
        }
        %add3A_120 = arith.constant 2 : i32
        %add3A_121 = arith.addi %mul3A_87, %add3A_120 : i32
        %dma_wait3A_122 = arith.constant 0 : i32
        %dma_wait3A_123 = tpu.memref_slice %arg6[%add3A_121, %dma_wait3A_122] : memref<102x128xi32, #tpu.memory_space<vmem>> -> memref<1x128xi32, #tpu.memory_space<vmem>>
        %dma_wait3A_124 = tpu.memref_squeeze %dma_wait3A_123 : memref<1x128xi32, #tpu.memory_space<vmem>> -> memref<128xi32, #tpu.memory_space<vmem>>
        %dma_wait3A_125 = arith.constant 0 : i32
        %dma_wait3A_126 = arith.constant 0 : i32
        %dma_wait3A_127 = tpu.memref_slice %arg2[%dma_wait3A_125, %dma_wait3A_126] : memref<10240x64xf32, #tpu.memory_space<hbm>> -> memref<10240x64xf32, #tpu.memory_space<hbm>>
        tpu.wait_indirect_dma semaphore(%arg18 : memref<!tpu.dma_semaphore, #tpu.memory_space<semaphore_mem>>) src(%dma_wait3A_127 : memref<10240x64xf32, #tpu.memory_space<hbm>>) dst(%arg10 : memref<128x64xf32, #tpu.memory_space<vmem>>)
        "tpu.region"() ({
          %run_scoped3A = tpu.sem_alloc : memref<!tpu.dma_semaphore, #tpu.memory_space<semaphore_mem>>
          %dma_start3A_188 = arith.constant 0 : i32
          %dma_start3A_189 = tpu.memref_slice %arg7[%add3A_121, %dma_start3A_188] : memref<102x128xi32, #tpu.memory_space<vmem>> -> memref<1x128xi32, #tpu.memory_space<vmem>>
          %dma_start3A_190 = tpu.memref_squeeze %dma_start3A_189 : memref<1x128xi32, #tpu.memory_space<vmem>> -> memref<128xi32, #tpu.memory_space<vmem>>
          %dma_start3A_191 = arith.constant 0 : i32
          %dma_start3A_192 = arith.constant 0 : i32
          %dma_start3A_193 = tpu.memref_slice %arg15[%dma_start3A_191, %dma_start3A_192] : memref<10240x64xf32, #tpu.memory_space<vmem_shared>> -> memref<10240x64xf32, #tpu.memory_space<vmem_shared>>
          tpu.enqueue_indirect_dma source(%arg10 : memref<128x64xf32, #tpu.memory_space<vmem>>) target(%dma_start3A_193 : memref<10240x64xf32, #tpu.memory_space<vmem_shared>>) offsets(%dma_start3A_190 : memref<128xi32, #tpu.memory_space<vmem>>) semaphore(%run_scoped3A : memref<!tpu.dma_semaphore, #tpu.memory_space<semaphore_mem>>) {add = true}
          %dma_wait3A_194 = arith.constant 0 : i32
          %dma_wait3A_195 = tpu.memref_slice %arg7[%add3A_121, %dma_wait3A_194] : memref<102x128xi32, #tpu.memory_space<vmem>> -> memref<1x128xi32, #tpu.memory_space<vmem>>
          %dma_wait3A_196 = tpu.memref_squeeze %dma_wait3A_195 : memref<1x128xi32, #tpu.memory_space<vmem>> -> memref<128xi32, #tpu.memory_space<vmem>>
          %dma_wait3A_197 = arith.constant 0 : i32
          %dma_wait3A_198 = arith.constant 0 : i32
          %dma_wait3A_199 = tpu.memref_slice %arg15[%dma_wait3A_197, %dma_wait3A_198] : memref<10240x64xf32, #tpu.memory_space<vmem_shared>> -> memref<10240x64xf32, #tpu.memory_space<vmem_shared>>
          tpu.wait_indirect_dma semaphore(%run_scoped3A : memref<!tpu.dma_semaphore, #tpu.memory_space<semaphore_mem>>) src(%arg10 : memref<128x64xf32, #tpu.memory_space<vmem>>) dst(%dma_wait3A_199 : memref<10240x64xf32, #tpu.memory_space<vmem_shared>>)
          tpu.yield
        }) : () -> ()
        %add3A_128 = arith.constant 6 : i32
        %add3A_129 = arith.addi %add3A_121, %add3A_128 : i32
        %lt3A_130 = arith.constant 102 : i32
        %lt3A_131 = arith.cmpi slt, %add3A_129, %lt3A_130 : i32
        %add3A_132 = arith.constant 6 : i32
        %add3A_133 = arith.addi %add3A_121, %add3A_132 : i32
        %convert_element_type3A_134 = arith.extui %lt3A_131 : i1 to i32
        %cond3A_135 = arith.constant 0 : i32
        %cond3A_136 = arith.cmpi ne, %convert_element_type3A_134, %cond3A_135 : i32
        scf.if %cond3A_136 {
          %dma_start3A_188 = arith.constant 0 : i32
          %dma_start3A_189 = tpu.memref_slice %arg6[%add3A_133, %dma_start3A_188] : memref<102x128xi32, #tpu.memory_space<vmem>> -> memref<1x128xi32, #tpu.memory_space<vmem>>
          %dma_start3A_190 = tpu.memref_squeeze %dma_start3A_189 : memref<1x128xi32, #tpu.memory_space<vmem>> -> memref<128xi32, #tpu.memory_space<vmem>>
          %dma_start3A_191 = arith.constant 0 : i32
          %dma_start3A_192 = arith.constant 0 : i32
          %dma_start3A_193 = tpu.memref_slice %arg2[%dma_start3A_191, %dma_start3A_192] : memref<10240x64xf32, #tpu.memory_space<hbm>> -> memref<10240x64xf32, #tpu.memory_space<hbm>>
          tpu.enqueue_indirect_dma source(%dma_start3A_193 : memref<10240x64xf32, #tpu.memory_space<hbm>>) target(%arg10 : memref<128x64xf32, #tpu.memory_space<vmem>>) offsets(%dma_start3A_190 : memref<128xi32, #tpu.memory_space<vmem>>) semaphore(%arg18 : memref<!tpu.dma_semaphore, #tpu.memory_space<semaphore_mem>>)
        } else {
        }
        %add3A_137 = arith.constant 3 : i32
        %add3A_138 = arith.addi %mul3A_87, %add3A_137 : i32
        %dma_wait3A_139 = arith.constant 0 : i32
        %dma_wait3A_140 = tpu.memref_slice %arg6[%add3A_138, %dma_wait3A_139] : memref<102x128xi32, #tpu.memory_space<vmem>> -> memref<1x128xi32, #tpu.memory_space<vmem>>
        %dma_wait3A_141 = tpu.memref_squeeze %dma_wait3A_140 : memref<1x128xi32, #tpu.memory_space<vmem>> -> memref<128xi32, #tpu.memory_space<vmem>>
        %dma_wait3A_142 = arith.constant 0 : i32
        %dma_wait3A_143 = arith.constant 0 : i32
        %dma_wait3A_144 = tpu.memref_slice %arg2[%dma_wait3A_142, %dma_wait3A_143] : memref<10240x64xf32, #tpu.memory_space<hbm>> -> memref<10240x64xf32, #tpu.memory_space<hbm>>
        tpu.wait_indirect_dma semaphore(%arg19 : memref<!tpu.dma_semaphore, #tpu.memory_space<semaphore_mem>>) src(%dma_wait3A_144 : memref<10240x64xf32, #tpu.memory_space<hbm>>) dst(%arg11 : memref<128x64xf32, #tpu.memory_space<vmem>>)
        "tpu.region"() ({
          %run_scoped3A = tpu.sem_alloc : memref<!tpu.dma_semaphore, #tpu.memory_space<semaphore_mem>>
          %dma_start3A_188 = arith.constant 0 : i32
          %dma_start3A_189 = tpu.memref_slice %arg7[%add3A_138, %dma_start3A_188] : memref<102x128xi32, #tpu.memory_space<vmem>> -> memref<1x128xi32, #tpu.memory_space<vmem>>
          %dma_start3A_190 = tpu.memref_squeeze %dma_start3A_189 : memref<1x128xi32, #tpu.memory_space<vmem>> -> memref<128xi32, #tpu.memory_space<vmem>>
          %dma_start3A_191 = arith.constant 0 : i32
          %dma_start3A_192 = arith.constant 0 : i32
          %dma_start3A_193 = tpu.memref_slice %arg15[%dma_start3A_191, %dma_start3A_192] : memref<10240x64xf32, #tpu.memory_space<vmem_shared>> -> memref<10240x64xf32, #tpu.memory_space<vmem_shared>>
          tpu.enqueue_indirect_dma source(%arg11 : memref<128x64xf32, #tpu.memory_space<vmem>>) target(%dma_start3A_193 : memref<10240x64xf32, #tpu.memory_space<vmem_shared>>) offsets(%dma_start3A_190 : memref<128xi32, #tpu.memory_space<vmem>>) semaphore(%run_scoped3A : memref<!tpu.dma_semaphore, #tpu.memory_space<semaphore_mem>>) {add = true}
          %dma_wait3A_194 = arith.constant 0 : i32
          %dma_wait3A_195 = tpu.memref_slice %arg7[%add3A_138, %dma_wait3A_194] : memref<102x128xi32, #tpu.memory_space<vmem>> -> memref<1x128xi32, #tpu.memory_space<vmem>>
          %dma_wait3A_196 = tpu.memref_squeeze %dma_wait3A_195 : memref<1x128xi32, #tpu.memory_space<vmem>> -> memref<128xi32, #tpu.memory_space<vmem>>
          %dma_wait3A_197 = arith.constant 0 : i32
          %dma_wait3A_198 = arith.constant 0 : i32
          %dma_wait3A_199 = tpu.memref_slice %arg15[%dma_wait3A_197, %dma_wait3A_198] : memref<10240x64xf32, #tpu.memory_space<vmem_shared>> -> memref<10240x64xf32, #tpu.memory_space<vmem_shared>>
          tpu.wait_indirect_dma semaphore(%run_scoped3A : memref<!tpu.dma_semaphore, #tpu.memory_space<semaphore_mem>>) src(%arg11 : memref<128x64xf32, #tpu.memory_space<vmem>>) dst(%dma_wait3A_199 : memref<10240x64xf32, #tpu.memory_space<vmem_shared>>)
          tpu.yield
        }) : () -> ()
        %add3A_145 = arith.constant 6 : i32
        %add3A_146 = arith.addi %add3A_138, %add3A_145 : i32
        %lt3A_147 = arith.constant 102 : i32
        %lt3A_148 = arith.cmpi slt, %add3A_146, %lt3A_147 : i32
        %add3A_149 = arith.constant 6 : i32
        %add3A_150 = arith.addi %add3A_138, %add3A_149 : i32
        %convert_element_type3A_151 = arith.extui %lt3A_148 : i1 to i32
        %cond3A_152 = arith.constant 0 : i32
        %cond3A_153 = arith.cmpi ne, %convert_element_type3A_151, %cond3A_152 : i32
        scf.if %cond3A_153 {
          %dma_start3A_188 = arith.constant 0 : i32
          %dma_start3A_189 = tpu.memref_slice %arg6[%add3A_150, %dma_start3A_188] : memref<102x128xi32, #tpu.memory_space<vmem>> -> memref<1x128xi32, #tpu.memory_space<vmem>>
          %dma_start3A_190 = tpu.memref_squeeze %dma_start3A_189 : memref<1x128xi32, #tpu.memory_space<vmem>> -> memref<128xi32, #tpu.memory_space<vmem>>
          %dma_start3A_191 = arith.constant 0 : i32
          %dma_start3A_192 = arith.constant 0 : i32
          %dma_start3A_193 = tpu.memref_slice %arg2[%dma_start3A_191, %dma_start3A_192] : memref<10240x64xf32, #tpu.memory_space<hbm>> -> memref<10240x64xf32, #tpu.memory_space<hbm>>
          tpu.enqueue_indirect_dma source(%dma_start3A_193 : memref<10240x64xf32, #tpu.memory_space<hbm>>) target(%arg11 : memref<128x64xf32, #tpu.memory_space<vmem>>) offsets(%dma_start3A_190 : memref<128xi32, #tpu.memory_space<vmem>>) semaphore(%arg19 : memref<!tpu.dma_semaphore, #tpu.memory_space<semaphore_mem>>)
        } else {
        }
        %add3A_154 = arith.constant 4 : i32
        %add3A_155 = arith.addi %mul3A_87, %add3A_154 : i32
        %dma_wait3A_156 = arith.constant 0 : i32
        %dma_wait3A_157 = tpu.memref_slice %arg6[%add3A_155, %dma_wait3A_156] : memref<102x128xi32, #tpu.memory_space<vmem>> -> memref<1x128xi32, #tpu.memory_space<vmem>>
        %dma_wait3A_158 = tpu.memref_squeeze %dma_wait3A_157 : memref<1x128xi32, #tpu.memory_space<vmem>> -> memref<128xi32, #tpu.memory_space<vmem>>
        %dma_wait3A_159 = arith.constant 0 : i32
        %dma_wait3A_160 = arith.constant 0 : i32
        %dma_wait3A_161 = tpu.memref_slice %arg2[%dma_wait3A_159, %dma_wait3A_160] : memref<10240x64xf32, #tpu.memory_space<hbm>> -> memref<10240x64xf32, #tpu.memory_space<hbm>>
        tpu.wait_indirect_dma semaphore(%arg20 : memref<!tpu.dma_semaphore, #tpu.memory_space<semaphore_mem>>) src(%dma_wait3A_161 : memref<10240x64xf32, #tpu.memory_space<hbm>>) dst(%arg12 : memref<128x64xf32, #tpu.memory_space<vmem>>)
        "tpu.region"() ({
          %run_scoped3A = tpu.sem_alloc : memref<!tpu.dma_semaphore, #tpu.memory_space<semaphore_mem>>
          %dma_start3A_188 = arith.constant 0 : i32
          %dma_start3A_189 = tpu.memref_slice %arg7[%add3A_155, %dma_start3A_188] : memref<102x128xi32, #tpu.memory_space<vmem>> -> memref<1x128xi32, #tpu.memory_space<vmem>>
          %dma_start3A_190 = tpu.memref_squeeze %dma_start3A_189 : memref<1x128xi32, #tpu.memory_space<vmem>> -> memref<128xi32, #tpu.memory_space<vmem>>
          %dma_start3A_191 = arith.constant 0 : i32
          %dma_start3A_192 = arith.constant 0 : i32
          %dma_start3A_193 = tpu.memref_slice %arg15[%dma_start3A_191, %dma_start3A_192] : memref<10240x64xf32, #tpu.memory_space<vmem_shared>> -> memref<10240x64xf32, #tpu.memory_space<vmem_shared>>
          tpu.enqueue_indirect_dma source(%arg12 : memref<128x64xf32, #tpu.memory_space<vmem>>) target(%dma_start3A_193 : memref<10240x64xf32, #tpu.memory_space<vmem_shared>>) offsets(%dma_start3A_190 : memref<128xi32, #tpu.memory_space<vmem>>) semaphore(%run_scoped3A : memref<!tpu.dma_semaphore, #tpu.memory_space<semaphore_mem>>) {add = true}
          %dma_wait3A_194 = arith.constant 0 : i32
          %dma_wait3A_195 = tpu.memref_slice %arg7[%add3A_155, %dma_wait3A_194] : memref<102x128xi32, #tpu.memory_space<vmem>> -> memref<1x128xi32, #tpu.memory_space<vmem>>
          %dma_wait3A_196 = tpu.memref_squeeze %dma_wait3A_195 : memref<1x128xi32, #tpu.memory_space<vmem>> -> memref<128xi32, #tpu.memory_space<vmem>>
          %dma_wait3A_197 = arith.constant 0 : i32
          %dma_wait3A_198 = arith.constant 0 : i32
          %dma_wait3A_199 = tpu.memref_slice %arg15[%dma_wait3A_197, %dma_wait3A_198] : memref<10240x64xf32, #tpu.memory_space<vmem_shared>> -> memref<10240x64xf32, #tpu.memory_space<vmem_shared>>
          tpu.wait_indirect_dma semaphore(%run_scoped3A : memref<!tpu.dma_semaphore, #tpu.memory_space<semaphore_mem>>) src(%arg12 : memref<128x64xf32, #tpu.memory_space<vmem>>) dst(%dma_wait3A_199 : memref<10240x64xf32, #tpu.memory_space<vmem_shared>>)
          tpu.yield
        }) : () -> ()
        %add3A_162 = arith.constant 6 : i32
        %add3A_163 = arith.addi %add3A_155, %add3A_162 : i32
        %lt3A_164 = arith.constant 102 : i32
        %lt3A_165 = arith.cmpi slt, %add3A_163, %lt3A_164 : i32
        %add3A_166 = arith.constant 6 : i32
        %add3A_167 = arith.addi %add3A_155, %add3A_166 : i32
        %convert_element_type3A_168 = arith.extui %lt3A_165 : i1 to i32
        %cond3A_169 = arith.constant 0 : i32
        %cond3A_170 = arith.cmpi ne, %convert_element_type3A_168, %cond3A_169 : i32
        scf.if %cond3A_170 {
          %dma_start3A_188 = arith.constant 0 : i32
          %dma_start3A_189 = tpu.memref_slice %arg6[%add3A_167, %dma_start3A_188] : memref<102x128xi32, #tpu.memory_space<vmem>> -> memref<1x128xi32, #tpu.memory_space<vmem>>
          %dma_start3A_190 = tpu.memref_squeeze %dma_start3A_189 : memref<1x128xi32, #tpu.memory_space<vmem>> -> memref<128xi32, #tpu.memory_space<vmem>>
          %dma_start3A_191 = arith.constant 0 : i32
          %dma_start3A_192 = arith.constant 0 : i32
          %dma_start3A_193 = tpu.memref_slice %arg2[%dma_start3A_191, %dma_start3A_192] : memref<10240x64xf32, #tpu.memory_space<hbm>> -> memref<10240x64xf32, #tpu.memory_space<hbm>>
          tpu.enqueue_indirect_dma source(%dma_start3A_193 : memref<10240x64xf32, #tpu.memory_space<hbm>>) target(%arg12 : memref<128x64xf32, #tpu.memory_space<vmem>>) offsets(%dma_start3A_190 : memref<128xi32, #tpu.memory_space<vmem>>) semaphore(%arg20 : memref<!tpu.dma_semaphore, #tpu.memory_space<semaphore_mem>>)
        } else {
        }
        %add3A_171 = arith.constant 5 : i32
        %add3A_172 = arith.addi %mul3A_87, %add3A_171 : i32
        %dma_wait3A_173 = arith.constant 0 : i32
        %dma_wait3A_174 = tpu.memref_slice %arg6[%add3A_172, %dma_wait3A_173] : memref<102x128xi32, #tpu.memory_space<vmem>> -> memref<1x128xi32, #tpu.memory_space<vmem>>
        %dma_wait3A_175 = tpu.memref_squeeze %dma_wait3A_174 : memref<1x128xi32, #tpu.memory_space<vmem>> -> memref<128xi32, #tpu.memory_space<vmem>>
        %dma_wait3A_176 = arith.constant 0 : i32
        %dma_wait3A_177 = arith.constant 0 : i32
        %dma_wait3A_178 = tpu.memref_slice %arg2[%dma_wait3A_176, %dma_wait3A_177] : memref<10240x64xf32, #tpu.memory_space<hbm>> -> memref<10240x64xf32, #tpu.memory_space<hbm>>
        tpu.wait_indirect_dma semaphore(%arg21 : memref<!tpu.dma_semaphore, #tpu.memory_space<semaphore_mem>>) src(%dma_wait3A_178 : memref<10240x64xf32, #tpu.memory_space<hbm>>) dst(%arg13 : memref<128x64xf32, #tpu.memory_space<vmem>>)
        "tpu.region"() ({
          %run_scoped3A = tpu.sem_alloc : memref<!tpu.dma_semaphore, #tpu.memory_space<semaphore_mem>>
          %dma_start3A_188 = arith.constant 0 : i32
          %dma_start3A_189 = tpu.memref_slice %arg7[%add3A_172, %dma_start3A_188] : memref<102x128xi32, #tpu.memory_space<vmem>> -> memref<1x128xi32, #tpu.memory_space<vmem>>
          %dma_start3A_190 = tpu.memref_squeeze %dma_start3A_189 : memref<1x128xi32, #tpu.memory_space<vmem>> -> memref<128xi32, #tpu.memory_space<vmem>>
          %dma_start3A_191 = arith.constant 0 : i32
          %dma_start3A_192 = arith.constant 0 : i32
          %dma_start3A_193 = tpu.memref_slice %arg15[%dma_start3A_191, %dma_start3A_192] : memref<10240x64xf32, #tpu.memory_space<vmem_shared>> -> memref<10240x64xf32, #tpu.memory_space<vmem_shared>>
          tpu.enqueue_indirect_dma source(%arg13 : memref<128x64xf32, #tpu.memory_space<vmem>>) target(%dma_start3A_193 : memref<10240x64xf32, #tpu.memory_space<vmem_shared>>) offsets(%dma_start3A_190 : memref<128xi32, #tpu.memory_space<vmem>>) semaphore(%run_scoped3A : memref<!tpu.dma_semaphore, #tpu.memory_space<semaphore_mem>>) {add = true}
          %dma_wait3A_194 = arith.constant 0 : i32
          %dma_wait3A_195 = tpu.memref_slice %arg7[%add3A_172, %dma_wait3A_194] : memref<102x128xi32, #tpu.memory_space<vmem>> -> memref<1x128xi32, #tpu.memory_space<vmem>>
          %dma_wait3A_196 = tpu.memref_squeeze %dma_wait3A_195 : memref<1x128xi32, #tpu.memory_space<vmem>> -> memref<128xi32, #tpu.memory_space<vmem>>
          %dma_wait3A_197 = arith.constant 0 : i32
          %dma_wait3A_198 = arith.constant 0 : i32
          %dma_wait3A_199 = tpu.memref_slice %arg15[%dma_wait3A_197, %dma_wait3A_198] : memref<10240x64xf32, #tpu.memory_space<vmem_shared>> -> memref<10240x64xf32, #tpu.memory_space<vmem_shared>>
          tpu.wait_indirect_dma semaphore(%run_scoped3A : memref<!tpu.dma_semaphore, #tpu.memory_space<semaphore_mem>>) src(%arg13 : memref<128x64xf32, #tpu.memory_space<vmem>>) dst(%dma_wait3A_199 : memref<10240x64xf32, #tpu.memory_space<vmem_shared>>)
          tpu.yield
        }) : () -> ()
        %add3A_179 = arith.constant 6 : i32
        %add3A_180 = arith.addi %add3A_172, %add3A_179 : i32
        %lt3A_181 = arith.constant 102 : i32
        %lt3A_182 = arith.cmpi slt, %add3A_180, %lt3A_181 : i32
        %add3A_183 = arith.constant 6 : i32
        %add3A_184 = arith.addi %add3A_172, %add3A_183 : i32
        %convert_element_type3A_185 = arith.extui %lt3A_182 : i1 to i32
        %cond3A_186 = arith.constant 0 : i32
        %cond3A_187 = arith.cmpi ne, %convert_element_type3A_185, %cond3A_186 : i32
        scf.if %cond3A_187 {
          %dma_start3A_188 = arith.constant 0 : i32
          %dma_start3A_189 = tpu.memref_slice %arg6[%add3A_184, %dma_start3A_188] : memref<102x128xi32, #tpu.memory_space<vmem>> -> memref<1x128xi32, #tpu.memory_space<vmem>>
          %dma_start3A_190 = tpu.memref_squeeze %dma_start3A_189 : memref<1x128xi32, #tpu.memory_space<vmem>> -> memref<128xi32, #tpu.memory_space<vmem>>
          %dma_start3A_191 = arith.constant 0 : i32
          %dma_start3A_192 = arith.constant 0 : i32
          %dma_start3A_193 = tpu.memref_slice %arg2[%dma_start3A_191, %dma_start3A_192] : memref<10240x64xf32, #tpu.memory_space<hbm>> -> memref<10240x64xf32, #tpu.memory_space<hbm>>
          tpu.enqueue_indirect_dma source(%dma_start3A_193 : memref<10240x64xf32, #tpu.memory_space<hbm>>) target(%arg13 : memref<128x64xf32, #tpu.memory_space<vmem>>) offsets(%dma_start3A_190 : memref<128xi32, #tpu.memory_space<vmem>>) semaphore(%arg21 : memref<!tpu.dma_semaphore, #tpu.memory_space<semaphore_mem>>)
        } else {
        }
      }
      %scan3A_84 = arith.constant 17 : i32
    } else {
    }
    %eq3A_2 = arith.constant 1 : i32
    %eq3A_3 = arith.cmpi eq, %arg0, %eq3A_2 : i32
    %convert_element_type3A_4 = arith.extui %eq3A_3 : i1 to i32
    %cond3A_5 = arith.constant 0 : i32
    %cond3A_6 = arith.cmpi ne, %convert_element_type3A_4, %cond3A_5 : i32
    scf.if %cond3A_6 {
      %mul3A_10 = arith.constant 66 : i32
      %mul3A_11 = arith.muli %arg1, %mul3A_10 : i32
      %add3A = arith.constant 1632 : i32
      %add3A_12 = arith.addi %add3A, %mul3A_11 : i32
      "tpu.region"() ({
        %run_scoped3A = tpu.sem_alloc : memref<!tpu.dma_semaphore, #tpu.memory_space<semaphore_mem>>
        %dma_start3A_87 = arith.constant 0 : i32
        %dma_start3A_88 = arith.constant 0 : i32
        %dma_start3A_89 = tpu.memref_slice %arg6[%dma_start3A_87, %dma_start3A_88] : memref<102x128xi32, #tpu.memory_space<vmem>> -> memref<66x128xi32, #tpu.memory_space<vmem>>
        %dma_start3A_90 = arith.constant 0 : i32
        %dma_start3A_91 = tpu.memref_slice %arg3[%add3A_12, %dma_start3A_90] : memref<2688x128xi32, #tpu.memory_space<hbm>> -> memref<66x128xi32, #tpu.memory_space<hbm>>
        %dma_start3A_92 = arith.constant 0 : i32
        %dma_start3A_93 = arith.constant 0 : i32
        %dma_start3A_94 = tpu.memref_slice %arg6[%dma_start3A_92, %dma_start3A_93] : memref<102x128xi32, #tpu.memory_space<vmem>> -> memref<66x128xi32, #tpu.memory_space<vmem>>
        %dma_start3A_95 = arith.constant 0 : i32
        %dma_start3A_96 = tpu.memref_slice %arg3[%add3A_12, %dma_start3A_95] : memref<2688x128xi32, #tpu.memory_space<hbm>> -> memref<66x128xi32, #tpu.memory_space<hbm>>
        tpu.enqueue_dma source(%dma_start3A_96 : memref<66x128xi32, #tpu.memory_space<hbm>>) target(%dma_start3A_94 : memref<66x128xi32, #tpu.memory_space<vmem>>) target_semaphore(%run_scoped3A : memref<!tpu.dma_semaphore, #tpu.memory_space<semaphore_mem>>)
        %dma_wait3A = arith.constant 0 : i32
        %dma_wait3A_97 = arith.constant 0 : i32
        %dma_wait3A_98 = tpu.memref_slice %arg6[%dma_wait3A, %dma_wait3A_97] : memref<102x128xi32, #tpu.memory_space<vmem>> -> memref<66x128xi32, #tpu.memory_space<vmem>>
        %dma_wait3A_99 = arith.constant 0 : i32
        %dma_wait3A_100 = tpu.memref_slice %arg3[%add3A_12, %dma_wait3A_99] : memref<2688x128xi32, #tpu.memory_space<hbm>> -> memref<66x128xi32, #tpu.memory_space<hbm>>
        %dma_wait3A_101 = arith.constant 0 : i32
        %dma_wait3A_102 = arith.constant 0 : i32
        %dma_wait3A_103 = tpu.memref_slice %arg6[%dma_wait3A_101, %dma_wait3A_102] : memref<102x128xi32, #tpu.memory_space<vmem>> -> memref<66x128xi32, #tpu.memory_space<vmem>>
        %dma_wait3A_104 = arith.constant 0 : i32
        %dma_wait3A_105 = tpu.memref_slice %arg3[%add3A_12, %dma_wait3A_104] : memref<2688x128xi32, #tpu.memory_space<hbm>> -> memref<66x128xi32, #tpu.memory_space<hbm>>
        tpu.wait_dma2 semaphore(%run_scoped3A : memref<!tpu.dma_semaphore, #tpu.memory_space<semaphore_mem>>) src(%dma_wait3A_105 : memref<66x128xi32, #tpu.memory_space<hbm>>) dst(%dma_wait3A_103 : memref<66x128xi32, #tpu.memory_space<vmem>>)
        tpu.yield
      }) : () -> ()
      "tpu.region"() ({
        %run_scoped3A = tpu.sem_alloc : memref<!tpu.dma_semaphore, #tpu.memory_space<semaphore_mem>>
        %dma_start3A_87 = arith.constant 0 : i32
        %dma_start3A_88 = arith.constant 0 : i32
        %dma_start3A_89 = tpu.memref_slice %arg7[%dma_start3A_87, %dma_start3A_88] : memref<102x128xi32, #tpu.memory_space<vmem>> -> memref<66x128xi32, #tpu.memory_space<vmem>>
        %dma_start3A_90 = arith.constant 0 : i32
        %dma_start3A_91 = tpu.memref_slice %arg4[%add3A_12, %dma_start3A_90] : memref<2688x128xi32, #tpu.memory_space<hbm>> -> memref<66x128xi32, #tpu.memory_space<hbm>>
        %dma_start3A_92 = arith.constant 0 : i32
        %dma_start3A_93 = arith.constant 0 : i32
        %dma_start3A_94 = tpu.memref_slice %arg7[%dma_start3A_92, %dma_start3A_93] : memref<102x128xi32, #tpu.memory_space<vmem>> -> memref<66x128xi32, #tpu.memory_space<vmem>>
        %dma_start3A_95 = arith.constant 0 : i32
        %dma_start3A_96 = tpu.memref_slice %arg4[%add3A_12, %dma_start3A_95] : memref<2688x128xi32, #tpu.memory_space<hbm>> -> memref<66x128xi32, #tpu.memory_space<hbm>>
        tpu.enqueue_dma source(%dma_start3A_96 : memref<66x128xi32, #tpu.memory_space<hbm>>) target(%dma_start3A_94 : memref<66x128xi32, #tpu.memory_space<vmem>>) target_semaphore(%run_scoped3A : memref<!tpu.dma_semaphore, #tpu.memory_space<semaphore_mem>>)
        %dma_wait3A = arith.constant 0 : i32
        %dma_wait3A_97 = arith.constant 0 : i32
        %dma_wait3A_98 = tpu.memref_slice %arg7[%dma_wait3A, %dma_wait3A_97] : memref<102x128xi32, #tpu.memory_space<vmem>> -> memref<66x128xi32, #tpu.memory_space<vmem>>
        %dma_wait3A_99 = arith.constant 0 : i32
        %dma_wait3A_100 = tpu.memref_slice %arg4[%add3A_12, %dma_wait3A_99] : memref<2688x128xi32, #tpu.memory_space<hbm>> -> memref<66x128xi32, #tpu.memory_space<hbm>>
        %dma_wait3A_101 = arith.constant 0 : i32
        %dma_wait3A_102 = arith.constant 0 : i32
        %dma_wait3A_103 = tpu.memref_slice %arg7[%dma_wait3A_101, %dma_wait3A_102] : memref<102x128xi32, #tpu.memory_space<vmem>> -> memref<66x128xi32, #tpu.memory_space<vmem>>
        %dma_wait3A_104 = arith.constant 0 : i32
        %dma_wait3A_105 = tpu.memref_slice %arg4[%add3A_12, %dma_wait3A_104] : memref<2688x128xi32, #tpu.memory_space<hbm>> -> memref<66x128xi32, #tpu.memory_space<hbm>>
        tpu.wait_dma2 semaphore(%run_scoped3A : memref<!tpu.dma_semaphore, #tpu.memory_space<semaphore_mem>>) src(%dma_wait3A_105 : memref<66x128xi32, #tpu.memory_space<hbm>>) dst(%dma_wait3A_103 : memref<66x128xi32, #tpu.memory_space<vmem>>)
        tpu.yield
      }) : () -> ()
      %dma_start3A = arith.constant 0 : i32
      %dma_start3A_13 = arith.constant 0 : i32
      %dma_start3A_14 = tpu.memref_slice %arg6[%dma_start3A, %dma_start3A_13] : memref<102x128xi32, #tpu.memory_space<vmem>> -> memref<1x128xi32, #tpu.memory_space<vmem>>
      %dma_start3A_15 = tpu.memref_squeeze %dma_start3A_14 : memref<1x128xi32, #tpu.memory_space<vmem>> -> memref<128xi32, #tpu.memory_space<vmem>>
      %dma_start3A_16 = arith.constant 0 : i32
      %dma_start3A_17 = arith.constant 0 : i32
      %dma_start3A_18 = tpu.memref_slice %arg2[%dma_start3A_16, %dma_start3A_17] : memref<10240x64xf32, #tpu.memory_space<hbm>> -> memref<10240x64xf32, #tpu.memory_space<hbm>>
      tpu.enqueue_indirect_dma source(%dma_start3A_18 : memref<10240x64xf32, #tpu.memory_space<hbm>>) target(%arg8 : memref<128x64xf32, #tpu.memory_space<vmem>>) offsets(%dma_start3A_15 : memref<128xi32, #tpu.memory_space<vmem>>) semaphore(%arg16 : memref<!tpu.dma_semaphore, #tpu.memory_space<semaphore_mem>>)
      %dma_start3A_19 = arith.constant 1 : i32
      %dma_start3A_20 = arith.constant 0 : i32
      %dma_start3A_21 = tpu.memref_slice %arg6[%dma_start3A_19, %dma_start3A_20] : memref<102x128xi32, #tpu.memory_space<vmem>> -> memref<1x128xi32, #tpu.memory_space<vmem>>
      %dma_start3A_22 = tpu.memref_squeeze %dma_start3A_21 : memref<1x128xi32, #tpu.memory_space<vmem>> -> memref<128xi32, #tpu.memory_space<vmem>>
      %dma_start3A_23 = arith.constant 0 : i32
      %dma_start3A_24 = arith.constant 0 : i32
      %dma_start3A_25 = tpu.memref_slice %arg2[%dma_start3A_23, %dma_start3A_24] : memref<10240x64xf32, #tpu.memory_space<hbm>> -> memref<10240x64xf32, #tpu.memory_space<hbm>>
      tpu.enqueue_indirect_dma source(%dma_start3A_25 : memref<10240x64xf32, #tpu.memory_space<hbm>>) target(%arg9 : memref<128x64xf32, #tpu.memory_space<vmem>>) offsets(%dma_start3A_22 : memref<128xi32, #tpu.memory_space<vmem>>) semaphore(%arg17 : memref<!tpu.dma_semaphore, #tpu.memory_space<semaphore_mem>>)
      %dma_start3A_26 = arith.constant 2 : i32
      %dma_start3A_27 = arith.constant 0 : i32
      %dma_start3A_28 = tpu.memref_slice %arg6[%dma_start3A_26, %dma_start3A_27] : memref<102x128xi32, #tpu.memory_space<vmem>> -> memref<1x128xi32, #tpu.memory_space<vmem>>
      %dma_start3A_29 = tpu.memref_squeeze %dma_start3A_28 : memref<1x128xi32, #tpu.memory_space<vmem>> -> memref<128xi32, #tpu.memory_space<vmem>>
      %dma_start3A_30 = arith.constant 0 : i32
      %dma_start3A_31 = arith.constant 0 : i32
      %dma_start3A_32 = tpu.memref_slice %arg2[%dma_start3A_30, %dma_start3A_31] : memref<10240x64xf32, #tpu.memory_space<hbm>> -> memref<10240x64xf32, #tpu.memory_space<hbm>>
      tpu.enqueue_indirect_dma source(%dma_start3A_32 : memref<10240x64xf32, #tpu.memory_space<hbm>>) target(%arg10 : memref<128x64xf32, #tpu.memory_space<vmem>>) offsets(%dma_start3A_29 : memref<128xi32, #tpu.memory_space<vmem>>) semaphore(%arg18 : memref<!tpu.dma_semaphore, #tpu.memory_space<semaphore_mem>>)
      %dma_start3A_33 = arith.constant 3 : i32
      %dma_start3A_34 = arith.constant 0 : i32
      %dma_start3A_35 = tpu.memref_slice %arg6[%dma_start3A_33, %dma_start3A_34] : memref<102x128xi32, #tpu.memory_space<vmem>> -> memref<1x128xi32, #tpu.memory_space<vmem>>
      %dma_start3A_36 = tpu.memref_squeeze %dma_start3A_35 : memref<1x128xi32, #tpu.memory_space<vmem>> -> memref<128xi32, #tpu.memory_space<vmem>>
      %dma_start3A_37 = arith.constant 0 : i32
      %dma_start3A_38 = arith.constant 0 : i32
      %dma_start3A_39 = tpu.memref_slice %arg2[%dma_start3A_37, %dma_start3A_38] : memref<10240x64xf32, #tpu.memory_space<hbm>> -> memref<10240x64xf32, #tpu.memory_space<hbm>>
      tpu.enqueue_indirect_dma source(%dma_start3A_39 : memref<10240x64xf32, #tpu.memory_space<hbm>>) target(%arg11 : memref<128x64xf32, #tpu.memory_space<vmem>>) offsets(%dma_start3A_36 : memref<128xi32, #tpu.memory_space<vmem>>) semaphore(%arg19 : memref<!tpu.dma_semaphore, #tpu.memory_space<semaphore_mem>>)
      %dma_start3A_40 = arith.constant 4 : i32
      %dma_start3A_41 = arith.constant 0 : i32
      %dma_start3A_42 = tpu.memref_slice %arg6[%dma_start3A_40, %dma_start3A_41] : memref<102x128xi32, #tpu.memory_space<vmem>> -> memref<1x128xi32, #tpu.memory_space<vmem>>
      %dma_start3A_43 = tpu.memref_squeeze %dma_start3A_42 : memref<1x128xi32, #tpu.memory_space<vmem>> -> memref<128xi32, #tpu.memory_space<vmem>>
      %dma_start3A_44 = arith.constant 0 : i32
      %dma_start3A_45 = arith.constant 0 : i32
      %dma_start3A_46 = tpu.memref_slice %arg2[%dma_start3A_44, %dma_start3A_45] : memref<10240x64xf32, #tpu.memory_space<hbm>> -> memref<10240x64xf32, #tpu.memory_space<hbm>>
      tpu.enqueue_indirect_dma source(%dma_start3A_46 : memref<10240x64xf32, #tpu.memory_space<hbm>>) target(%arg12 : memref<128x64xf32, #tpu.memory_space<vmem>>) offsets(%dma_start3A_43 : memref<128xi32, #tpu.memory_space<vmem>>) semaphore(%arg20 : memref<!tpu.dma_semaphore, #tpu.memory_space<semaphore_mem>>)
      %dma_start3A_47 = arith.constant 5 : i32
      %dma_start3A_48 = arith.constant 0 : i32
      %dma_start3A_49 = tpu.memref_slice %arg6[%dma_start3A_47, %dma_start3A_48] : memref<102x128xi32, #tpu.memory_space<vmem>> -> memref<1x128xi32, #tpu.memory_space<vmem>>
      %dma_start3A_50 = tpu.memref_squeeze %dma_start3A_49 : memref<1x128xi32, #tpu.memory_space<vmem>> -> memref<128xi32, #tpu.memory_space<vmem>>
      %dma_start3A_51 = arith.constant 0 : i32
      %dma_start3A_52 = arith.constant 0 : i32
      %dma_start3A_53 = tpu.memref_slice %arg2[%dma_start3A_51, %dma_start3A_52] : memref<10240x64xf32, #tpu.memory_space<hbm>> -> memref<10240x64xf32, #tpu.memory_space<hbm>>
      tpu.enqueue_indirect_dma source(%dma_start3A_53 : memref<10240x64xf32, #tpu.memory_space<hbm>>) target(%arg13 : memref<128x64xf32, #tpu.memory_space<vmem>>) offsets(%dma_start3A_50 : memref<128xi32, #tpu.memory_space<vmem>>) semaphore(%arg21 : memref<!tpu.dma_semaphore, #tpu.memory_space<semaphore_mem>>)
      %broadcast_in_dim3A = arith.constant 0.000000e+00 : f32
      %broadcast_in_dim3A_54 = vector.broadcast %broadcast_in_dim3A : f32 to vector<16xf32>
      %scan3A = arith.constant 0 : i32
      %scan3A_55 = arith.constant 0 : i32
      %scan3A_56 = arith.constant 128 : i32
      %scan3A_57 = arith.addi %scan3A_55, %scan3A_56 : i32
      %scan3A_58 = arith.constant 1 : i32
      scf.for %scan3A_87 = %scan3A_55 to %scan3A_57 step %scan3A_58  : i32 {
        %swap3A = arith.index_cast %scan3A_87 : i32 to index
        %swap3A_88 = arith.constant 0 : index
        %swap3A_89 = tpu.vector_load %arg14[%swap3A, %swap3A_88] {strides = array<i32>} : memref<128x64xf32, #tpu.memory_space<vmem>>, vector<1x16xf32>,
        %swap3A_90 = vector.shape_cast %swap3A_89 : vector<1x16xf32> to vector<16xf32>
        %swap3A_91 = vector.shape_cast %broadcast_in_dim3A_54 : vector<16xf32> to vector<1x16xf32>
        tpu.vector_store %arg14[%swap3A, %swap3A_88], %swap3A_91 {strides = array<i32>} : memref<128x64xf32, #tpu.memory_space<vmem>>, vector<1x16xf32>,
        %swap3A_92 = arith.index_cast %scan3A_87 : i32 to index
        %swap3A_93 = arith.constant 16 : index
        %swap3A_94 = tpu.vector_load %arg14[%swap3A_92, %swap3A_93] {strides = array<i32>} : memref<128x64xf32, #tpu.memory_space<vmem>>, vector<1x16xf32>,
        %swap3A_95 = vector.shape_cast %swap3A_94 : vector<1x16xf32> to vector<16xf32>
        %swap3A_96 = vector.shape_cast %broadcast_in_dim3A_54 : vector<16xf32> to vector<1x16xf32>
        tpu.vector_store %arg14[%swap3A_92, %swap3A_93], %swap3A_96 {strides = array<i32>} : memref<128x64xf32, #tpu.memory_space<vmem>>, vector<1x16xf32>,
        %swap3A_97 = arith.index_cast %scan3A_87 : i32 to index
        %swap3A_98 = arith.constant 32 : index
        %swap3A_99 = tpu.vector_load %arg14[%swap3A_97, %swap3A_98] {strides = array<i32>} : memref<128x64xf32, #tpu.memory_space<vmem>>, vector<1x16xf32>,
        %swap3A_100 = vector.shape_cast %swap3A_99 : vector<1x16xf32> to vector<16xf32>
        %swap3A_101 = vector.shape_cast %broadcast_in_dim3A_54 : vector<16xf32> to vector<1x16xf32>
        tpu.vector_store %arg14[%swap3A_97, %swap3A_98], %swap3A_101 {strides = array<i32>} : memref<128x64xf32, #tpu.memory_space<vmem>>, vector<1x16xf32>,
        %swap3A_102 = arith.index_cast %scan3A_87 : i32 to index
        %swap3A_103 = arith.constant 48 : index
        %swap3A_104 = tpu.vector_load %arg14[%swap3A_102, %swap3A_103] {strides = array<i32>} : memref<128x64xf32, #tpu.memory_space<vmem>>, vector<1x16xf32>,
        %swap3A_105 = vector.shape_cast %swap3A_104 : vector<1x16xf32> to vector<16xf32>
        %swap3A_106 = vector.shape_cast %broadcast_in_dim3A_54 : vector<16xf32> to vector<1x16xf32>
        tpu.vector_store %arg14[%swap3A_102, %swap3A_103], %swap3A_106 {strides = array<i32>} : memref<128x64xf32, #tpu.memory_space<vmem>>, vector<1x16xf32>,
      }
      %scan3A_59 = arith.constant 128 : i32
      %mul3A_60 = arith.constant 640 : i32
      %mul3A_61 = arith.muli %arg1, %mul3A_60 : i32
      %add3A_62 = arith.constant 0 : i32
      %add3A_63 = arith.addi %mul3A_61, %add3A_62 : i32
      "tpu.region"() ({
        %run_scoped3A = tpu.sem_alloc : memref<!tpu.dma_semaphore, #tpu.memory_space<semaphore_mem>>
        %dma_start3A_87 = arith.constant 0 : i32
        %dma_start3A_88 = tpu.memref_slice %arg15[%add3A_63, %dma_start3A_87] : memref<10240x64xf32, #tpu.memory_space<vmem_shared>> -> memref<128x64xf32, #tpu.memory_space<vmem_shared>>
        %dma_start3A_89 = arith.constant 0 : i32
        %dma_start3A_90 = tpu.memref_slice %arg15[%add3A_63, %dma_start3A_89] : memref<10240x64xf32, #tpu.memory_space<vmem_shared>> -> memref<128x64xf32, #tpu.memory_space<vmem_shared>>
        tpu.enqueue_dma source(%arg14 : memref<128x64xf32, #tpu.memory_space<vmem>>) target(%dma_start3A_90 : memref<128x64xf32, #tpu.memory_space<vmem_shared>>) target_semaphore(%run_scoped3A : memref<!tpu.dma_semaphore, #tpu.memory_space<semaphore_mem>>)
        %dma_wait3A = arith.constant 0 : i32
        %dma_wait3A_91 = tpu.memref_slice %arg15[%add3A_63, %dma_wait3A] : memref<10240x64xf32, #tpu.memory_space<vmem_shared>> -> memref<128x64xf32, #tpu.memory_space<vmem_shared>>
        %dma_wait3A_92 = arith.constant 0 : i32
        %dma_wait3A_93 = tpu.memref_slice %arg15[%add3A_63, %dma_wait3A_92] : memref<10240x64xf32, #tpu.memory_space<vmem_shared>> -> memref<128x64xf32, #tpu.memory_space<vmem_shared>>
        tpu.wait_dma2 semaphore(%run_scoped3A : memref<!tpu.dma_semaphore, #tpu.memory_space<semaphore_mem>>) src(%arg14 : memref<128x64xf32, #tpu.memory_space<vmem>>) dst(%dma_wait3A_93 : memref<128x64xf32, #tpu.memory_space<vmem_shared>>)
        tpu.yield
      }) : () -> ()
      %mul3A_64 = arith.constant 640 : i32
      %mul3A_65 = arith.muli %arg1, %mul3A_64 : i32
      %add3A_66 = arith.constant 128 : i32
      %add3A_67 = arith.addi %mul3A_65, %add3A_66 : i32
      "tpu.region"() ({
        %run_scoped3A = tpu.sem_alloc : memref<!tpu.dma_semaphore, #tpu.memory_space<semaphore_mem>>
        %dma_start3A_87 = arith.constant 0 : i32
        %dma_start3A_88 = tpu.memref_slice %arg15[%add3A_67, %dma_start3A_87] : memref<10240x64xf32, #tpu.memory_space<vmem_shared>> -> memref<128x64xf32, #tpu.memory_space<vmem_shared>>
        %dma_start3A_89 = arith.constant 0 : i32
        %dma_start3A_90 = tpu.memref_slice %arg15[%add3A_67, %dma_start3A_89] : memref<10240x64xf32, #tpu.memory_space<vmem_shared>> -> memref<128x64xf32, #tpu.memory_space<vmem_shared>>
        tpu.enqueue_dma source(%arg14 : memref<128x64xf32, #tpu.memory_space<vmem>>) target(%dma_start3A_90 : memref<128x64xf32, #tpu.memory_space<vmem_shared>>) target_semaphore(%run_scoped3A : memref<!tpu.dma_semaphore, #tpu.memory_space<semaphore_mem>>)
        %dma_wait3A = arith.constant 0 : i32
        %dma_wait3A_91 = tpu.memref_slice %arg15[%add3A_67, %dma_wait3A] : memref<10240x64xf32, #tpu.memory_space<vmem_shared>> -> memref<128x64xf32, #tpu.memory_space<vmem_shared>>
        %dma_wait3A_92 = arith.constant 0 : i32
        %dma_wait3A_93 = tpu.memref_slice %arg15[%add3A_67, %dma_wait3A_92] : memref<10240x64xf32, #tpu.memory_space<vmem_shared>> -> memref<128x64xf32, #tpu.memory_space<vmem_shared>>
        tpu.wait_dma2 semaphore(%run_scoped3A : memref<!tpu.dma_semaphore, #tpu.memory_space<semaphore_mem>>) src(%arg14 : memref<128x64xf32, #tpu.memory_space<vmem>>) dst(%dma_wait3A_93 : memref<128x64xf32, #tpu.memory_space<vmem_shared>>)
        tpu.yield
      }) : () -> ()
      %mul3A_68 = arith.constant 640 : i32
      %mul3A_69 = arith.muli %arg1, %mul3A_68 : i32
      %add3A_70 = arith.constant 256 : i32
      %add3A_71 = arith.addi %mul3A_69, %add3A_70 : i32
      "tpu.region"() ({
        %run_scoped3A = tpu.sem_alloc : memref<!tpu.dma_semaphore, #tpu.memory_space<semaphore_mem>>
        %dma_start3A_87 = arith.constant 0 : i32
        %dma_start3A_88 = tpu.memref_slice %arg15[%add3A_71, %dma_start3A_87] : memref<10240x64xf32, #tpu.memory_space<vmem_shared>> -> memref<128x64xf32, #tpu.memory_space<vmem_shared>>
        %dma_start3A_89 = arith.constant 0 : i32
        %dma_start3A_90 = tpu.memref_slice %arg15[%add3A_71, %dma_start3A_89] : memref<10240x64xf32, #tpu.memory_space<vmem_shared>> -> memref<128x64xf32, #tpu.memory_space<vmem_shared>>
        tpu.enqueue_dma source(%arg14 : memref<128x64xf32, #tpu.memory_space<vmem>>) target(%dma_start3A_90 : memref<128x64xf32, #tpu.memory_space<vmem_shared>>) target_semaphore(%run_scoped3A : memref<!tpu.dma_semaphore, #tpu.memory_space<semaphore_mem>>)
        %dma_wait3A = arith.constant 0 : i32
        %dma_wait3A_91 = tpu.memref_slice %arg15[%add3A_71, %dma_wait3A] : memref<10240x64xf32, #tpu.memory_space<vmem_shared>> -> memref<128x64xf32, #tpu.memory_space<vmem_shared>>
        %dma_wait3A_92 = arith.constant 0 : i32
        %dma_wait3A_93 = tpu.memref_slice %arg15[%add3A_71, %dma_wait3A_92] : memref<10240x64xf32, #tpu.memory_space<vmem_shared>> -> memref<128x64xf32, #tpu.memory_space<vmem_shared>>
        tpu.wait_dma2 semaphore(%run_scoped3A : memref<!tpu.dma_semaphore, #tpu.memory_space<semaphore_mem>>) src(%arg14 : memref<128x64xf32, #tpu.memory_space<vmem>>) dst(%dma_wait3A_93 : memref<128x64xf32, #tpu.memory_space<vmem_shared>>)
        tpu.yield
      }) : () -> ()
      %mul3A_72 = arith.constant 640 : i32
      %mul3A_73 = arith.muli %arg1, %mul3A_72 : i32
      %add3A_74 = arith.constant 384 : i32
      %add3A_75 = arith.addi %mul3A_73, %add3A_74 : i32
      "tpu.region"() ({
        %run_scoped3A = tpu.sem_alloc : memref<!tpu.dma_semaphore, #tpu.memory_space<semaphore_mem>>
        %dma_start3A_87 = arith.constant 0 : i32
        %dma_start3A_88 = tpu.memref_slice %arg15[%add3A_75, %dma_start3A_87] : memref<10240x64xf32, #tpu.memory_space<vmem_shared>> -> memref<128x64xf32, #tpu.memory_space<vmem_shared>>
        %dma_start3A_89 = arith.constant 0 : i32
        %dma_start3A_90 = tpu.memref_slice %arg15[%add3A_75, %dma_start3A_89] : memref<10240x64xf32, #tpu.memory_space<vmem_shared>> -> memref<128x64xf32, #tpu.memory_space<vmem_shared>>
        tpu.enqueue_dma source(%arg14 : memref<128x64xf32, #tpu.memory_space<vmem>>) target(%dma_start3A_90 : memref<128x64xf32, #tpu.memory_space<vmem_shared>>) target_semaphore(%run_scoped3A : memref<!tpu.dma_semaphore, #tpu.memory_space<semaphore_mem>>)
        %dma_wait3A = arith.constant 0 : i32
        %dma_wait3A_91 = tpu.memref_slice %arg15[%add3A_75, %dma_wait3A] : memref<10240x64xf32, #tpu.memory_space<vmem_shared>> -> memref<128x64xf32, #tpu.memory_space<vmem_shared>>
        %dma_wait3A_92 = arith.constant 0 : i32
        %dma_wait3A_93 = tpu.memref_slice %arg15[%add3A_75, %dma_wait3A_92] : memref<10240x64xf32, #tpu.memory_space<vmem_shared>> -> memref<128x64xf32, #tpu.memory_space<vmem_shared>>
        tpu.wait_dma2 semaphore(%run_scoped3A : memref<!tpu.dma_semaphore, #tpu.memory_space<semaphore_mem>>) src(%arg14 : memref<128x64xf32, #tpu.memory_space<vmem>>) dst(%dma_wait3A_93 : memref<128x64xf32, #tpu.memory_space<vmem_shared>>)
        tpu.yield
      }) : () -> ()
      %mul3A_76 = arith.constant 640 : i32
      %mul3A_77 = arith.muli %arg1, %mul3A_76 : i32
      %add3A_78 = arith.constant 512 : i32
      %add3A_79 = arith.addi %mul3A_77, %add3A_78 : i32
      "tpu.region"() ({
        %run_scoped3A = tpu.sem_alloc : memref<!tpu.dma_semaphore, #tpu.memory_space<semaphore_mem>>
        %dma_start3A_87 = arith.constant 0 : i32
        %dma_start3A_88 = tpu.memref_slice %arg15[%add3A_79, %dma_start3A_87] : memref<10240x64xf32, #tpu.memory_space<vmem_shared>> -> memref<128x64xf32, #tpu.memory_space<vmem_shared>>
        %dma_start3A_89 = arith.constant 0 : i32
        %dma_start3A_90 = tpu.memref_slice %arg15[%add3A_79, %dma_start3A_89] : memref<10240x64xf32, #tpu.memory_space<vmem_shared>> -> memref<128x64xf32, #tpu.memory_space<vmem_shared>>
        tpu.enqueue_dma source(%arg14 : memref<128x64xf32, #tpu.memory_space<vmem>>) target(%dma_start3A_90 : memref<128x64xf32, #tpu.memory_space<vmem_shared>>) target_semaphore(%run_scoped3A : memref<!tpu.dma_semaphore, #tpu.memory_space<semaphore_mem>>)
        %dma_wait3A = arith.constant 0 : i32
        %dma_wait3A_91 = tpu.memref_slice %arg15[%add3A_79, %dma_wait3A] : memref<10240x64xf32, #tpu.memory_space<vmem_shared>> -> memref<128x64xf32, #tpu.memory_space<vmem_shared>>
        %dma_wait3A_92 = arith.constant 0 : i32
        %dma_wait3A_93 = tpu.memref_slice %arg15[%add3A_79, %dma_wait3A_92] : memref<10240x64xf32, #tpu.memory_space<vmem_shared>> -> memref<128x64xf32, #tpu.memory_space<vmem_shared>>
        tpu.wait_dma2 semaphore(%run_scoped3A : memref<!tpu.dma_semaphore, #tpu.memory_space<semaphore_mem>>) src(%arg14 : memref<128x64xf32, #tpu.memory_space<vmem>>) dst(%dma_wait3A_93 : memref<128x64xf32, #tpu.memory_space<vmem_shared>>)
        tpu.yield
      }) : () -> ()
      %barrier3A_80 = arith.constant 0 : index
      tpu.barrier barrier_id(%barrier3A_80)
      %scan3A_81 = arith.constant 0 : i32
      %scan3A_82 = arith.constant 0 : i32
      %scan3A_83 = arith.constant 11 : i32
      %scan3A_84 = arith.addi %scan3A_82, %scan3A_83 : i32
      %scan3A_85 = arith.constant 1 : i32
      scf.for %scan3A_87 = %scan3A_82 to %scan3A_84 step %scan3A_85  : i32 {
        %mul3A_88 = arith.constant 6 : i32
        %mul3A_89 = arith.muli %scan3A_87, %mul3A_88 : i32
        %add3A_90 = arith.constant 0 : i32
        %add3A_91 = arith.addi %mul3A_89, %add3A_90 : i32
        %dma_wait3A = arith.constant 0 : i32
        %dma_wait3A_92 = tpu.memref_slice %arg6[%add3A_91, %dma_wait3A] : memref<102x128xi32, #tpu.memory_space<vmem>> -> memref<1x128xi32, #tpu.memory_space<vmem>>
        %dma_wait3A_93 = tpu.memref_squeeze %dma_wait3A_92 : memref<1x128xi32, #tpu.memory_space<vmem>> -> memref<128xi32, #tpu.memory_space<vmem>>
        %dma_wait3A_94 = arith.constant 0 : i32
        %dma_wait3A_95 = arith.constant 0 : i32
        %dma_wait3A_96 = tpu.memref_slice %arg2[%dma_wait3A_94, %dma_wait3A_95] : memref<10240x64xf32, #tpu.memory_space<hbm>> -> memref<10240x64xf32, #tpu.memory_space<hbm>>
        tpu.wait_indirect_dma semaphore(%arg16 : memref<!tpu.dma_semaphore, #tpu.memory_space<semaphore_mem>>) src(%dma_wait3A_96 : memref<10240x64xf32, #tpu.memory_space<hbm>>) dst(%arg8 : memref<128x64xf32, #tpu.memory_space<vmem>>)
        "tpu.region"() ({
          %run_scoped3A = tpu.sem_alloc : memref<!tpu.dma_semaphore, #tpu.memory_space<semaphore_mem>>
          %dma_start3A_190 = arith.constant 0 : i32
          %dma_start3A_191 = tpu.memref_slice %arg7[%add3A_91, %dma_start3A_190] : memref<102x128xi32, #tpu.memory_space<vmem>> -> memref<1x128xi32, #tpu.memory_space<vmem>>
          %dma_start3A_192 = tpu.memref_squeeze %dma_start3A_191 : memref<1x128xi32, #tpu.memory_space<vmem>> -> memref<128xi32, #tpu.memory_space<vmem>>
          %dma_start3A_193 = arith.constant 0 : i32
          %dma_start3A_194 = arith.constant 0 : i32
          %dma_start3A_195 = tpu.memref_slice %arg15[%dma_start3A_193, %dma_start3A_194] : memref<10240x64xf32, #tpu.memory_space<vmem_shared>> -> memref<10240x64xf32, #tpu.memory_space<vmem_shared>>
          tpu.enqueue_indirect_dma source(%arg8 : memref<128x64xf32, #tpu.memory_space<vmem>>) target(%dma_start3A_195 : memref<10240x64xf32, #tpu.memory_space<vmem_shared>>) offsets(%dma_start3A_192 : memref<128xi32, #tpu.memory_space<vmem>>) semaphore(%run_scoped3A : memref<!tpu.dma_semaphore, #tpu.memory_space<semaphore_mem>>) {add = true}
          %dma_wait3A_196 = arith.constant 0 : i32
          %dma_wait3A_197 = tpu.memref_slice %arg7[%add3A_91, %dma_wait3A_196] : memref<102x128xi32, #tpu.memory_space<vmem>> -> memref<1x128xi32, #tpu.memory_space<vmem>>
          %dma_wait3A_198 = tpu.memref_squeeze %dma_wait3A_197 : memref<1x128xi32, #tpu.memory_space<vmem>> -> memref<128xi32, #tpu.memory_space<vmem>>
          %dma_wait3A_199 = arith.constant 0 : i32
          %dma_wait3A_200 = arith.constant 0 : i32
          %dma_wait3A_201 = tpu.memref_slice %arg15[%dma_wait3A_199, %dma_wait3A_200] : memref<10240x64xf32, #tpu.memory_space<vmem_shared>> -> memref<10240x64xf32, #tpu.memory_space<vmem_shared>>
          tpu.wait_indirect_dma semaphore(%run_scoped3A : memref<!tpu.dma_semaphore, #tpu.memory_space<semaphore_mem>>) src(%arg8 : memref<128x64xf32, #tpu.memory_space<vmem>>) dst(%dma_wait3A_201 : memref<10240x64xf32, #tpu.memory_space<vmem_shared>>)
          tpu.yield
        }) : () -> ()
        %add3A_97 = arith.constant 6 : i32
        %add3A_98 = arith.addi %add3A_91, %add3A_97 : i32
        %lt3A = arith.constant 66 : i32
        %lt3A_99 = arith.cmpi slt, %add3A_98, %lt3A : i32
        %add3A_100 = arith.constant 6 : i32
        %add3A_101 = arith.addi %add3A_91, %add3A_100 : i32
        %convert_element_type3A_102 = arith.extui %lt3A_99 : i1 to i32
        %cond3A_103 = arith.constant 0 : i32
        %cond3A_104 = arith.cmpi ne, %convert_element_type3A_102, %cond3A_103 : i32
        scf.if %cond3A_104 {
          %dma_start3A_190 = arith.constant 0 : i32
          %dma_start3A_191 = tpu.memref_slice %arg6[%add3A_101, %dma_start3A_190] : memref<102x128xi32, #tpu.memory_space<vmem>> -> memref<1x128xi32, #tpu.memory_space<vmem>>
          %dma_start3A_192 = tpu.memref_squeeze %dma_start3A_191 : memref<1x128xi32, #tpu.memory_space<vmem>> -> memref<128xi32, #tpu.memory_space<vmem>>
          %dma_start3A_193 = arith.constant 0 : i32
          %dma_start3A_194 = arith.constant 0 : i32
          %dma_start3A_195 = tpu.memref_slice %arg2[%dma_start3A_193, %dma_start3A_194] : memref<10240x64xf32, #tpu.memory_space<hbm>> -> memref<10240x64xf32, #tpu.memory_space<hbm>>
          tpu.enqueue_indirect_dma source(%dma_start3A_195 : memref<10240x64xf32, #tpu.memory_space<hbm>>) target(%arg8 : memref<128x64xf32, #tpu.memory_space<vmem>>) offsets(%dma_start3A_192 : memref<128xi32, #tpu.memory_space<vmem>>) semaphore(%arg16 : memref<!tpu.dma_semaphore, #tpu.memory_space<semaphore_mem>>)
        } else {
        }
        %add3A_105 = arith.constant 1 : i32
        %add3A_106 = arith.addi %mul3A_89, %add3A_105 : i32
        %dma_wait3A_107 = arith.constant 0 : i32
        %dma_wait3A_108 = tpu.memref_slice %arg6[%add3A_106, %dma_wait3A_107] : memref<102x128xi32, #tpu.memory_space<vmem>> -> memref<1x128xi32, #tpu.memory_space<vmem>>
        %dma_wait3A_109 = tpu.memref_squeeze %dma_wait3A_108 : memref<1x128xi32, #tpu.memory_space<vmem>> -> memref<128xi32, #tpu.memory_space<vmem>>
        %dma_wait3A_110 = arith.constant 0 : i32
        %dma_wait3A_111 = arith.constant 0 : i32
        %dma_wait3A_112 = tpu.memref_slice %arg2[%dma_wait3A_110, %dma_wait3A_111] : memref<10240x64xf32, #tpu.memory_space<hbm>> -> memref<10240x64xf32, #tpu.memory_space<hbm>>
        tpu.wait_indirect_dma semaphore(%arg17 : memref<!tpu.dma_semaphore, #tpu.memory_space<semaphore_mem>>) src(%dma_wait3A_112 : memref<10240x64xf32, #tpu.memory_space<hbm>>) dst(%arg9 : memref<128x64xf32, #tpu.memory_space<vmem>>)
        "tpu.region"() ({
          %run_scoped3A = tpu.sem_alloc : memref<!tpu.dma_semaphore, #tpu.memory_space<semaphore_mem>>
          %dma_start3A_190 = arith.constant 0 : i32
          %dma_start3A_191 = tpu.memref_slice %arg7[%add3A_106, %dma_start3A_190] : memref<102x128xi32, #tpu.memory_space<vmem>> -> memref<1x128xi32, #tpu.memory_space<vmem>>
          %dma_start3A_192 = tpu.memref_squeeze %dma_start3A_191 : memref<1x128xi32, #tpu.memory_space<vmem>> -> memref<128xi32, #tpu.memory_space<vmem>>
          %dma_start3A_193 = arith.constant 0 : i32
          %dma_start3A_194 = arith.constant 0 : i32
          %dma_start3A_195 = tpu.memref_slice %arg15[%dma_start3A_193, %dma_start3A_194] : memref<10240x64xf32, #tpu.memory_space<vmem_shared>> -> memref<10240x64xf32, #tpu.memory_space<vmem_shared>>
          tpu.enqueue_indirect_dma source(%arg9 : memref<128x64xf32, #tpu.memory_space<vmem>>) target(%dma_start3A_195 : memref<10240x64xf32, #tpu.memory_space<vmem_shared>>) offsets(%dma_start3A_192 : memref<128xi32, #tpu.memory_space<vmem>>) semaphore(%run_scoped3A : memref<!tpu.dma_semaphore, #tpu.memory_space<semaphore_mem>>) {add = true}
          %dma_wait3A_196 = arith.constant 0 : i32
          %dma_wait3A_197 = tpu.memref_slice %arg7[%add3A_106, %dma_wait3A_196] : memref<102x128xi32, #tpu.memory_space<vmem>> -> memref<1x128xi32, #tpu.memory_space<vmem>>
          %dma_wait3A_198 = tpu.memref_squeeze %dma_wait3A_197 : memref<1x128xi32, #tpu.memory_space<vmem>> -> memref<128xi32, #tpu.memory_space<vmem>>
          %dma_wait3A_199 = arith.constant 0 : i32
          %dma_wait3A_200 = arith.constant 0 : i32
          %dma_wait3A_201 = tpu.memref_slice %arg15[%dma_wait3A_199, %dma_wait3A_200] : memref<10240x64xf32, #tpu.memory_space<vmem_shared>> -> memref<10240x64xf32, #tpu.memory_space<vmem_shared>>
          tpu.wait_indirect_dma semaphore(%run_scoped3A : memref<!tpu.dma_semaphore, #tpu.memory_space<semaphore_mem>>) src(%arg9 : memref<128x64xf32, #tpu.memory_space<vmem>>) dst(%dma_wait3A_201 : memref<10240x64xf32, #tpu.memory_space<vmem_shared>>)
          tpu.yield
        }) : () -> ()
        %add3A_113 = arith.constant 6 : i32
        %add3A_114 = arith.addi %add3A_106, %add3A_113 : i32
        %lt3A_115 = arith.constant 66 : i32
        %lt3A_116 = arith.cmpi slt, %add3A_114, %lt3A_115 : i32
        %add3A_117 = arith.constant 6 : i32
        %add3A_118 = arith.addi %add3A_106, %add3A_117 : i32
        %convert_element_type3A_119 = arith.extui %lt3A_116 : i1 to i32
        %cond3A_120 = arith.constant 0 : i32
        %cond3A_121 = arith.cmpi ne, %convert_element_type3A_119, %cond3A_120 : i32
        scf.if %cond3A_121 {
          %dma_start3A_190 = arith.constant 0 : i32
          %dma_start3A_191 = tpu.memref_slice %arg6[%add3A_118, %dma_start3A_190] : memref<102x128xi32, #tpu.memory_space<vmem>> -> memref<1x128xi32, #tpu.memory_space<vmem>>
          %dma_start3A_192 = tpu.memref_squeeze %dma_start3A_191 : memref<1x128xi32, #tpu.memory_space<vmem>> -> memref<128xi32, #tpu.memory_space<vmem>>
          %dma_start3A_193 = arith.constant 0 : i32
          %dma_start3A_194 = arith.constant 0 : i32
          %dma_start3A_195 = tpu.memref_slice %arg2[%dma_start3A_193, %dma_start3A_194] : memref<10240x64xf32, #tpu.memory_space<hbm>> -> memref<10240x64xf32, #tpu.memory_space<hbm>>
          tpu.enqueue_indirect_dma source(%dma_start3A_195 : memref<10240x64xf32, #tpu.memory_space<hbm>>) target(%arg9 : memref<128x64xf32, #tpu.memory_space<vmem>>) offsets(%dma_start3A_192 : memref<128xi32, #tpu.memory_space<vmem>>) semaphore(%arg17 : memref<!tpu.dma_semaphore, #tpu.memory_space<semaphore_mem>>)
        } else {
        }
        %add3A_122 = arith.constant 2 : i32
        %add3A_123 = arith.addi %mul3A_89, %add3A_122 : i32
        %dma_wait3A_124 = arith.constant 0 : i32
        %dma_wait3A_125 = tpu.memref_slice %arg6[%add3A_123, %dma_wait3A_124] : memref<102x128xi32, #tpu.memory_space<vmem>> -> memref<1x128xi32, #tpu.memory_space<vmem>>
        %dma_wait3A_126 = tpu.memref_squeeze %dma_wait3A_125 : memref<1x128xi32, #tpu.memory_space<vmem>> -> memref<128xi32, #tpu.memory_space<vmem>>
        %dma_wait3A_127 = arith.constant 0 : i32
        %dma_wait3A_128 = arith.constant 0 : i32
        %dma_wait3A_129 = tpu.memref_slice %arg2[%dma_wait3A_127, %dma_wait3A_128] : memref<10240x64xf32, #tpu.memory_space<hbm>> -> memref<10240x64xf32, #tpu.memory_space<hbm>>
        tpu.wait_indirect_dma semaphore(%arg18 : memref<!tpu.dma_semaphore, #tpu.memory_space<semaphore_mem>>) src(%dma_wait3A_129 : memref<10240x64xf32, #tpu.memory_space<hbm>>) dst(%arg10 : memref<128x64xf32, #tpu.memory_space<vmem>>)
        "tpu.region"() ({
          %run_scoped3A = tpu.sem_alloc : memref<!tpu.dma_semaphore, #tpu.memory_space<semaphore_mem>>
          %dma_start3A_190 = arith.constant 0 : i32
          %dma_start3A_191 = tpu.memref_slice %arg7[%add3A_123, %dma_start3A_190] : memref<102x128xi32, #tpu.memory_space<vmem>> -> memref<1x128xi32, #tpu.memory_space<vmem>>
          %dma_start3A_192 = tpu.memref_squeeze %dma_start3A_191 : memref<1x128xi32, #tpu.memory_space<vmem>> -> memref<128xi32, #tpu.memory_space<vmem>>
          %dma_start3A_193 = arith.constant 0 : i32
          %dma_start3A_194 = arith.constant 0 : i32
          %dma_start3A_195 = tpu.memref_slice %arg15[%dma_start3A_193, %dma_start3A_194] : memref<10240x64xf32, #tpu.memory_space<vmem_shared>> -> memref<10240x64xf32, #tpu.memory_space<vmem_shared>>
          tpu.enqueue_indirect_dma source(%arg10 : memref<128x64xf32, #tpu.memory_space<vmem>>) target(%dma_start3A_195 : memref<10240x64xf32, #tpu.memory_space<vmem_shared>>) offsets(%dma_start3A_192 : memref<128xi32, #tpu.memory_space<vmem>>) semaphore(%run_scoped3A : memref<!tpu.dma_semaphore, #tpu.memory_space<semaphore_mem>>) {add = true}
          %dma_wait3A_196 = arith.constant 0 : i32
          %dma_wait3A_197 = tpu.memref_slice %arg7[%add3A_123, %dma_wait3A_196] : memref<102x128xi32, #tpu.memory_space<vmem>> -> memref<1x128xi32, #tpu.memory_space<vmem>>
          %dma_wait3A_198 = tpu.memref_squeeze %dma_wait3A_197 : memref<1x128xi32, #tpu.memory_space<vmem>> -> memref<128xi32, #tpu.memory_space<vmem>>
          %dma_wait3A_199 = arith.constant 0 : i32
          %dma_wait3A_200 = arith.constant 0 : i32
          %dma_wait3A_201 = tpu.memref_slice %arg15[%dma_wait3A_199, %dma_wait3A_200] : memref<10240x64xf32, #tpu.memory_space<vmem_shared>> -> memref<10240x64xf32, #tpu.memory_space<vmem_shared>>
          tpu.wait_indirect_dma semaphore(%run_scoped3A : memref<!tpu.dma_semaphore, #tpu.memory_space<semaphore_mem>>) src(%arg10 : memref<128x64xf32, #tpu.memory_space<vmem>>) dst(%dma_wait3A_201 : memref<10240x64xf32, #tpu.memory_space<vmem_shared>>)
          tpu.yield
        }) : () -> ()
        %add3A_130 = arith.constant 6 : i32
        %add3A_131 = arith.addi %add3A_123, %add3A_130 : i32
        %lt3A_132 = arith.constant 66 : i32
        %lt3A_133 = arith.cmpi slt, %add3A_131, %lt3A_132 : i32
        %add3A_134 = arith.constant 6 : i32
        %add3A_135 = arith.addi %add3A_123, %add3A_134 : i32
        %convert_element_type3A_136 = arith.extui %lt3A_133 : i1 to i32
        %cond3A_137 = arith.constant 0 : i32
        %cond3A_138 = arith.cmpi ne, %convert_element_type3A_136, %cond3A_137 : i32
        scf.if %cond3A_138 {
          %dma_start3A_190 = arith.constant 0 : i32
          %dma_start3A_191 = tpu.memref_slice %arg6[%add3A_135, %dma_start3A_190] : memref<102x128xi32, #tpu.memory_space<vmem>> -> memref<1x128xi32, #tpu.memory_space<vmem>>
          %dma_start3A_192 = tpu.memref_squeeze %dma_start3A_191 : memref<1x128xi32, #tpu.memory_space<vmem>> -> memref<128xi32, #tpu.memory_space<vmem>>
          %dma_start3A_193 = arith.constant 0 : i32
          %dma_start3A_194 = arith.constant 0 : i32
          %dma_start3A_195 = tpu.memref_slice %arg2[%dma_start3A_193, %dma_start3A_194] : memref<10240x64xf32, #tpu.memory_space<hbm>> -> memref<10240x64xf32, #tpu.memory_space<hbm>>
          tpu.enqueue_indirect_dma source(%dma_start3A_195 : memref<10240x64xf32, #tpu.memory_space<hbm>>) target(%arg10 : memref<128x64xf32, #tpu.memory_space<vmem>>) offsets(%dma_start3A_192 : memref<128xi32, #tpu.memory_space<vmem>>) semaphore(%arg18 : memref<!tpu.dma_semaphore, #tpu.memory_space<semaphore_mem>>)
        } else {
        }
        %add3A_139 = arith.constant 3 : i32
        %add3A_140 = arith.addi %mul3A_89, %add3A_139 : i32
        %dma_wait3A_141 = arith.constant 0 : i32
        %dma_wait3A_142 = tpu.memref_slice %arg6[%add3A_140, %dma_wait3A_141] : memref<102x128xi32, #tpu.memory_space<vmem>> -> memref<1x128xi32, #tpu.memory_space<vmem>>
        %dma_wait3A_143 = tpu.memref_squeeze %dma_wait3A_142 : memref<1x128xi32, #tpu.memory_space<vmem>> -> memref<128xi32, #tpu.memory_space<vmem>>
        %dma_wait3A_144 = arith.constant 0 : i32
        %dma_wait3A_145 = arith.constant 0 : i32
        %dma_wait3A_146 = tpu.memref_slice %arg2[%dma_wait3A_144, %dma_wait3A_145] : memref<10240x64xf32, #tpu.memory_space<hbm>> -> memref<10240x64xf32, #tpu.memory_space<hbm>>
        tpu.wait_indirect_dma semaphore(%arg19 : memref<!tpu.dma_semaphore, #tpu.memory_space<semaphore_mem>>) src(%dma_wait3A_146 : memref<10240x64xf32, #tpu.memory_space<hbm>>) dst(%arg11 : memref<128x64xf32, #tpu.memory_space<vmem>>)
        "tpu.region"() ({
          %run_scoped3A = tpu.sem_alloc : memref<!tpu.dma_semaphore, #tpu.memory_space<semaphore_mem>>
          %dma_start3A_190 = arith.constant 0 : i32
          %dma_start3A_191 = tpu.memref_slice %arg7[%add3A_140, %dma_start3A_190] : memref<102x128xi32, #tpu.memory_space<vmem>> -> memref<1x128xi32, #tpu.memory_space<vmem>>
          %dma_start3A_192 = tpu.memref_squeeze %dma_start3A_191 : memref<1x128xi32, #tpu.memory_space<vmem>> -> memref<128xi32, #tpu.memory_space<vmem>>
          %dma_start3A_193 = arith.constant 0 : i32
          %dma_start3A_194 = arith.constant 0 : i32
          %dma_start3A_195 = tpu.memref_slice %arg15[%dma_start3A_193, %dma_start3A_194] : memref<10240x64xf32, #tpu.memory_space<vmem_shared>> -> memref<10240x64xf32, #tpu.memory_space<vmem_shared>>
          tpu.enqueue_indirect_dma source(%arg11 : memref<128x64xf32, #tpu.memory_space<vmem>>) target(%dma_start3A_195 : memref<10240x64xf32, #tpu.memory_space<vmem_shared>>) offsets(%dma_start3A_192 : memref<128xi32, #tpu.memory_space<vmem>>) semaphore(%run_scoped3A : memref<!tpu.dma_semaphore, #tpu.memory_space<semaphore_mem>>) {add = true}
          %dma_wait3A_196 = arith.constant 0 : i32
          %dma_wait3A_197 = tpu.memref_slice %arg7[%add3A_140, %dma_wait3A_196] : memref<102x128xi32, #tpu.memory_space<vmem>> -> memref<1x128xi32, #tpu.memory_space<vmem>>
          %dma_wait3A_198 = tpu.memref_squeeze %dma_wait3A_197 : memref<1x128xi32, #tpu.memory_space<vmem>> -> memref<128xi32, #tpu.memory_space<vmem>>
          %dma_wait3A_199 = arith.constant 0 : i32
          %dma_wait3A_200 = arith.constant 0 : i32
          %dma_wait3A_201 = tpu.memref_slice %arg15[%dma_wait3A_199, %dma_wait3A_200] : memref<10240x64xf32, #tpu.memory_space<vmem_shared>> -> memref<10240x64xf32, #tpu.memory_space<vmem_shared>>
          tpu.wait_indirect_dma semaphore(%run_scoped3A : memref<!tpu.dma_semaphore, #tpu.memory_space<semaphore_mem>>) src(%arg11 : memref<128x64xf32, #tpu.memory_space<vmem>>) dst(%dma_wait3A_201 : memref<10240x64xf32, #tpu.memory_space<vmem_shared>>)
          tpu.yield
        }) : () -> ()
        %add3A_147 = arith.constant 6 : i32
        %add3A_148 = arith.addi %add3A_140, %add3A_147 : i32
        %lt3A_149 = arith.constant 66 : i32
        %lt3A_150 = arith.cmpi slt, %add3A_148, %lt3A_149 : i32
        %add3A_151 = arith.constant 6 : i32
        %add3A_152 = arith.addi %add3A_140, %add3A_151 : i32
        %convert_element_type3A_153 = arith.extui %lt3A_150 : i1 to i32
        %cond3A_154 = arith.constant 0 : i32
        %cond3A_155 = arith.cmpi ne, %convert_element_type3A_153, %cond3A_154 : i32
        scf.if %cond3A_155 {
          %dma_start3A_190 = arith.constant 0 : i32
          %dma_start3A_191 = tpu.memref_slice %arg6[%add3A_152, %dma_start3A_190] : memref<102x128xi32, #tpu.memory_space<vmem>> -> memref<1x128xi32, #tpu.memory_space<vmem>>
          %dma_start3A_192 = tpu.memref_squeeze %dma_start3A_191 : memref<1x128xi32, #tpu.memory_space<vmem>> -> memref<128xi32, #tpu.memory_space<vmem>>
          %dma_start3A_193 = arith.constant 0 : i32
          %dma_start3A_194 = arith.constant 0 : i32
          %dma_start3A_195 = tpu.memref_slice %arg2[%dma_start3A_193, %dma_start3A_194] : memref<10240x64xf32, #tpu.memory_space<hbm>> -> memref<10240x64xf32, #tpu.memory_space<hbm>>
          tpu.enqueue_indirect_dma source(%dma_start3A_195 : memref<10240x64xf32, #tpu.memory_space<hbm>>) target(%arg11 : memref<128x64xf32, #tpu.memory_space<vmem>>) offsets(%dma_start3A_192 : memref<128xi32, #tpu.memory_space<vmem>>) semaphore(%arg19 : memref<!tpu.dma_semaphore, #tpu.memory_space<semaphore_mem>>)
        } else {
        }
        %add3A_156 = arith.constant 4 : i32
        %add3A_157 = arith.addi %mul3A_89, %add3A_156 : i32
        %dma_wait3A_158 = arith.constant 0 : i32
        %dma_wait3A_159 = tpu.memref_slice %arg6[%add3A_157, %dma_wait3A_158] : memref<102x128xi32, #tpu.memory_space<vmem>> -> memref<1x128xi32, #tpu.memory_space<vmem>>
        %dma_wait3A_160 = tpu.memref_squeeze %dma_wait3A_159 : memref<1x128xi32, #tpu.memory_space<vmem>> -> memref<128xi32, #tpu.memory_space<vmem>>
        %dma_wait3A_161 = arith.constant 0 : i32
        %dma_wait3A_162 = arith.constant 0 : i32
        %dma_wait3A_163 = tpu.memref_slice %arg2[%dma_wait3A_161, %dma_wait3A_162] : memref<10240x64xf32, #tpu.memory_space<hbm>> -> memref<10240x64xf32, #tpu.memory_space<hbm>>
        tpu.wait_indirect_dma semaphore(%arg20 : memref<!tpu.dma_semaphore, #tpu.memory_space<semaphore_mem>>) src(%dma_wait3A_163 : memref<10240x64xf32, #tpu.memory_space<hbm>>) dst(%arg12 : memref<128x64xf32, #tpu.memory_space<vmem>>)
        "tpu.region"() ({
          %run_scoped3A = tpu.sem_alloc : memref<!tpu.dma_semaphore, #tpu.memory_space<semaphore_mem>>
          %dma_start3A_190 = arith.constant 0 : i32
          %dma_start3A_191 = tpu.memref_slice %arg7[%add3A_157, %dma_start3A_190] : memref<102x128xi32, #tpu.memory_space<vmem>> -> memref<1x128xi32, #tpu.memory_space<vmem>>
          %dma_start3A_192 = tpu.memref_squeeze %dma_start3A_191 : memref<1x128xi32, #tpu.memory_space<vmem>> -> memref<128xi32, #tpu.memory_space<vmem>>
          %dma_start3A_193 = arith.constant 0 : i32
          %dma_start3A_194 = arith.constant 0 : i32
          %dma_start3A_195 = tpu.memref_slice %arg15[%dma_start3A_193, %dma_start3A_194] : memref<10240x64xf32, #tpu.memory_space<vmem_shared>> -> memref<10240x64xf32, #tpu.memory_space<vmem_shared>>
          tpu.enqueue_indirect_dma source(%arg12 : memref<128x64xf32, #tpu.memory_space<vmem>>) target(%dma_start3A_195 : memref<10240x64xf32, #tpu.memory_space<vmem_shared>>) offsets(%dma_start3A_192 : memref<128xi32, #tpu.memory_space<vmem>>) semaphore(%run_scoped3A : memref<!tpu.dma_semaphore, #tpu.memory_space<semaphore_mem>>) {add = true}
          %dma_wait3A_196 = arith.constant 0 : i32
          %dma_wait3A_197 = tpu.memref_slice %arg7[%add3A_157, %dma_wait3A_196] : memref<102x128xi32, #tpu.memory_space<vmem>> -> memref<1x128xi32, #tpu.memory_space<vmem>>
          %dma_wait3A_198 = tpu.memref_squeeze %dma_wait3A_197 : memref<1x128xi32, #tpu.memory_space<vmem>> -> memref<128xi32, #tpu.memory_space<vmem>>
          %dma_wait3A_199 = arith.constant 0 : i32
          %dma_wait3A_200 = arith.constant 0 : i32
          %dma_wait3A_201 = tpu.memref_slice %arg15[%dma_wait3A_199, %dma_wait3A_200] : memref<10240x64xf32, #tpu.memory_space<vmem_shared>> -> memref<10240x64xf32, #tpu.memory_space<vmem_shared>>
          tpu.wait_indirect_dma semaphore(%run_scoped3A : memref<!tpu.dma_semaphore, #tpu.memory_space<semaphore_mem>>) src(%arg12 : memref<128x64xf32, #tpu.memory_space<vmem>>) dst(%dma_wait3A_201 : memref<10240x64xf32, #tpu.memory_space<vmem_shared>>)
          tpu.yield
        }) : () -> ()
        %add3A_164 = arith.constant 6 : i32
        %add3A_165 = arith.addi %add3A_157, %add3A_164 : i32
        %lt3A_166 = arith.constant 66 : i32
        %lt3A_167 = arith.cmpi slt, %add3A_165, %lt3A_166 : i32
        %add3A_168 = arith.constant 6 : i32
        %add3A_169 = arith.addi %add3A_157, %add3A_168 : i32
        %convert_element_type3A_170 = arith.extui %lt3A_167 : i1 to i32
        %cond3A_171 = arith.constant 0 : i32
        %cond3A_172 = arith.cmpi ne, %convert_element_type3A_170, %cond3A_171 : i32
        scf.if %cond3A_172 {
          %dma_start3A_190 = arith.constant 0 : i32
          %dma_start3A_191 = tpu.memref_slice %arg6[%add3A_169, %dma_start3A_190] : memref<102x128xi32, #tpu.memory_space<vmem>> -> memref<1x128xi32, #tpu.memory_space<vmem>>
          %dma_start3A_192 = tpu.memref_squeeze %dma_start3A_191 : memref<1x128xi32, #tpu.memory_space<vmem>> -> memref<128xi32, #tpu.memory_space<vmem>>
          %dma_start3A_193 = arith.constant 0 : i32
          %dma_start3A_194 = arith.constant 0 : i32
          %dma_start3A_195 = tpu.memref_slice %arg2[%dma_start3A_193, %dma_start3A_194] : memref<10240x64xf32, #tpu.memory_space<hbm>> -> memref<10240x64xf32, #tpu.memory_space<hbm>>
          tpu.enqueue_indirect_dma source(%dma_start3A_195 : memref<10240x64xf32, #tpu.memory_space<hbm>>) target(%arg12 : memref<128x64xf32, #tpu.memory_space<vmem>>) offsets(%dma_start3A_192 : memref<128xi32, #tpu.memory_space<vmem>>) semaphore(%arg20 : memref<!tpu.dma_semaphore, #tpu.memory_space<semaphore_mem>>)
        } else {
        }
        %add3A_173 = arith.constant 5 : i32
        %add3A_174 = arith.addi %mul3A_89, %add3A_173 : i32
        %dma_wait3A_175 = arith.constant 0 : i32
        %dma_wait3A_176 = tpu.memref_slice %arg6[%add3A_174, %dma_wait3A_175] : memref<102x128xi32, #tpu.memory_space<vmem>> -> memref<1x128xi32, #tpu.memory_space<vmem>>
        %dma_wait3A_177 = tpu.memref_squeeze %dma_wait3A_176 : memref<1x128xi32, #tpu.memory_space<vmem>> -> memref<128xi32, #tpu.memory_space<vmem>>
        %dma_wait3A_178 = arith.constant 0 : i32
        %dma_wait3A_179 = arith.constant 0 : i32
        %dma_wait3A_180 = tpu.memref_slice %arg2[%dma_wait3A_178, %dma_wait3A_179] : memref<10240x64xf32, #tpu.memory_space<hbm>> -> memref<10240x64xf32, #tpu.memory_space<hbm>>
        tpu.wait_indirect_dma semaphore(%arg21 : memref<!tpu.dma_semaphore, #tpu.memory_space<semaphore_mem>>) src(%dma_wait3A_180 : memref<10240x64xf32, #tpu.memory_space<hbm>>) dst(%arg13 : memref<128x64xf32, #tpu.memory_space<vmem>>)
        "tpu.region"() ({
          %run_scoped3A = tpu.sem_alloc : memref<!tpu.dma_semaphore, #tpu.memory_space<semaphore_mem>>
          %dma_start3A_190 = arith.constant 0 : i32
          %dma_start3A_191 = tpu.memref_slice %arg7[%add3A_174, %dma_start3A_190] : memref<102x128xi32, #tpu.memory_space<vmem>> -> memref<1x128xi32, #tpu.memory_space<vmem>>
          %dma_start3A_192 = tpu.memref_squeeze %dma_start3A_191 : memref<1x128xi32, #tpu.memory_space<vmem>> -> memref<128xi32, #tpu.memory_space<vmem>>
          %dma_start3A_193 = arith.constant 0 : i32
          %dma_start3A_194 = arith.constant 0 : i32
          %dma_start3A_195 = tpu.memref_slice %arg15[%dma_start3A_193, %dma_start3A_194] : memref<10240x64xf32, #tpu.memory_space<vmem_shared>> -> memref<10240x64xf32, #tpu.memory_space<vmem_shared>>
          tpu.enqueue_indirect_dma source(%arg13 : memref<128x64xf32, #tpu.memory_space<vmem>>) target(%dma_start3A_195 : memref<10240x64xf32, #tpu.memory_space<vmem_shared>>) offsets(%dma_start3A_192 : memref<128xi32, #tpu.memory_space<vmem>>) semaphore(%run_scoped3A : memref<!tpu.dma_semaphore, #tpu.memory_space<semaphore_mem>>) {add = true}
          %dma_wait3A_196 = arith.constant 0 : i32
          %dma_wait3A_197 = tpu.memref_slice %arg7[%add3A_174, %dma_wait3A_196] : memref<102x128xi32, #tpu.memory_space<vmem>> -> memref<1x128xi32, #tpu.memory_space<vmem>>
          %dma_wait3A_198 = tpu.memref_squeeze %dma_wait3A_197 : memref<1x128xi32, #tpu.memory_space<vmem>> -> memref<128xi32, #tpu.memory_space<vmem>>
          %dma_wait3A_199 = arith.constant 0 : i32
          %dma_wait3A_200 = arith.constant 0 : i32
          %dma_wait3A_201 = tpu.memref_slice %arg15[%dma_wait3A_199, %dma_wait3A_200] : memref<10240x64xf32, #tpu.memory_space<vmem_shared>> -> memref<10240x64xf32, #tpu.memory_space<vmem_shared>>
          tpu.wait_indirect_dma semaphore(%run_scoped3A : memref<!tpu.dma_semaphore, #tpu.memory_space<semaphore_mem>>) src(%arg13 : memref<128x64xf32, #tpu.memory_space<vmem>>) dst(%dma_wait3A_201 : memref<10240x64xf32, #tpu.memory_space<vmem_shared>>)
          tpu.yield
        }) : () -> ()
        %add3A_181 = arith.constant 6 : i32
        %add3A_182 = arith.addi %add3A_174, %add3A_181 : i32
        %lt3A_183 = arith.constant 66 : i32
        %lt3A_184 = arith.cmpi slt, %add3A_182, %lt3A_183 : i32
        %add3A_185 = arith.constant 6 : i32
        %add3A_186 = arith.addi %add3A_174, %add3A_185 : i32
        %convert_element_type3A_187 = arith.extui %lt3A_184 : i1 to i32
        %cond3A_188 = arith.constant 0 : i32
        %cond3A_189 = arith.cmpi ne, %convert_element_type3A_187, %cond3A_188 : i32
        scf.if %cond3A_189 {
          %dma_start3A_190 = arith.constant 0 : i32
          %dma_start3A_191 = tpu.memref_slice %arg6[%add3A_186, %dma_start3A_190] : memref<102x128xi32, #tpu.memory_space<vmem>> -> memref<1x128xi32, #tpu.memory_space<vmem>>
          %dma_start3A_192 = tpu.memref_squeeze %dma_start3A_191 : memref<1x128xi32, #tpu.memory_space<vmem>> -> memref<128xi32, #tpu.memory_space<vmem>>
          %dma_start3A_193 = arith.constant 0 : i32
          %dma_start3A_194 = arith.constant 0 : i32
          %dma_start3A_195 = tpu.memref_slice %arg2[%dma_start3A_193, %dma_start3A_194] : memref<10240x64xf32, #tpu.memory_space<hbm>> -> memref<10240x64xf32, #tpu.memory_space<hbm>>
          tpu.enqueue_indirect_dma source(%dma_start3A_195 : memref<10240x64xf32, #tpu.memory_space<hbm>>) target(%arg13 : memref<128x64xf32, #tpu.memory_space<vmem>>) offsets(%dma_start3A_192 : memref<128xi32, #tpu.memory_space<vmem>>) semaphore(%arg21 : memref<!tpu.dma_semaphore, #tpu.memory_space<semaphore_mem>>)
        } else {
        }
      }
      %scan3A_86 = arith.constant 11 : i32
    } else {
    }
    %barrier3A = arith.constant 0 : index
    tpu.barrier barrier_id(%barrier3A)
    %mul3A = arith.constant 640 : i32
    %mul3A_7 = arith.muli %arg1, %mul3A : i32
    %mul3A_8 = arith.constant 640 : i32
    %mul3A_9 = arith.muli %arg1, %mul3A_8 : i32
    "tpu.region"() ({
      %run_scoped3A = tpu.sem_alloc : memref<!tpu.dma_semaphore, #tpu.memory_space<semaphore_mem>>
      %dma_start3A = arith.constant 0 : i32
      %dma_start3A_10 = tpu.memref_slice %arg5[%arg0, %mul3A_9, %dma_start3A] : memref<2x10240x64xf32, #tpu.memory_space<hbm>> -> memref<1x640x64xf32, #tpu.memory_space<hbm>>
      %dma_start3A_11 = tpu.memref_squeeze %dma_start3A_10 : memref<1x640x64xf32, #tpu.memory_space<hbm>> -> memref<640x64xf32, #tpu.memory_space<hbm>>
      %dma_start3A_12 = arith.constant 0 : i32
      %dma_start3A_13 = tpu.memref_slice %arg15[%mul3A_7, %dma_start3A_12] : memref<10240x64xf32, #tpu.memory_space<vmem_shared>> -> memref<640x64xf32, #tpu.memory_space<vmem_shared>>
      tpu.enqueue_dma source(%dma_start3A_13 : memref<640x64xf32, #tpu.memory_space<vmem_shared>>) target(%dma_start3A_11 : memref<640x64xf32, #tpu.memory_space<hbm>>) target_semaphore(%run_scoped3A : memref<!tpu.dma_semaphore, #tpu.memory_space<semaphore_mem>>)
      %dma_wait3A = arith.constant 0 : i32
      %dma_wait3A_14 = tpu.memref_slice %arg5[%arg0, %mul3A_9, %dma_wait3A] : memref<2x10240x64xf32, #tpu.memory_space<hbm>> -> memref<1x640x64xf32, #tpu.memory_space<hbm>>
      %dma_wait3A_15 = tpu.memref_squeeze %dma_wait3A_14 : memref<1x640x64xf32, #tpu.memory_space<hbm>> -> memref<640x64xf32, #tpu.memory_space<hbm>>
      %dma_wait3A_16 = arith.constant 0 : i32
      %dma_wait3A_17 = tpu.memref_slice %arg15[%mul3A_7, %dma_wait3A_16] : memref<10240x64xf32, #tpu.memory_space<vmem_shared>> -> memref<640x64xf32, #tpu.memory_space<vmem_shared>>
      tpu.wait_dma2 semaphore(%run_scoped3A : memref<!tpu.dma_semaphore, #tpu.memory_space<semaphore_mem>>) src(%dma_wait3A_17 : memref<640x64xf32, #tpu.memory_space<vmem_shared>>) dst(%dma_wait3A_15 : memref<640x64xf32, #tpu.memory_space<hbm>>)
      tpu.yield
    }) : () -> ()
    return
  }
}

module attributes {stable_mosaic.version = 14 : i64} {
  func.func @body(%arg0: memref<10240x32xf32, #tpu.memory_space<vmem>>, %arg1: memref<10240x128xf32, #tpu.memory_space<vmem>>, %arg2: memref<128x64xf32, #tpu.memory_space<vmem>>, %arg3: memref<10240x64xf32, #tpu.memory_space<vmem>>, %arg4: memref<10240x64xf32, #tpu.memory_space<vmem>>) attributes {dimension_semantics = [], scalar_prefetch = 0 : i64, scratch_operands = 0 : i64, tpu.core_type = #tpu.core_type<tc>} {
    %get3A = arith.constant 0 : index
    %get3A_0 = arith.constant 0 : index
    %get3A_1 = vector.load %arg0[%get3A, %get3A_0] : memref<10240x32xf32, #tpu.memory_space<vmem>>, vector<10240x32xf32>
    %reduce_sum3A = arith.constant dense<0.000000e+00> : vector<10240xf32>
    %reduce_sum3A_2 = vector.multi_reduction <add>, %get3A_1, %reduce_sum3A [1] : vector<10240x32xf32> to vector<10240xf32>
    %broadcast_in_dim3A = vector.shape_cast %reduce_sum3A_2 : vector<10240xf32> to vector<10240x1xf32>
    %gt3A = arith.constant 0.000000e+00 : f32
    %gt3A_3 = vector.broadcast %gt3A : f32 to vector<10240x1xf32>
    %gt3A_4 = arith.cmpf ogt, %broadcast_in_dim3A, %gt3A_3 : vector<10240x1xf32>
    %rsqrt3A = math.rsqrt %broadcast_in_dim3A : vector<10240x1xf32>
    %jit3A = arith.constant 0.000000e+00 : f32
    %broadcast_in_dim3A_5 = vector.broadcast %jit3A : f32 to vector<10240x1xf32>
    %select_n3A = arith.select %gt3A_4, %rsqrt3A, %broadcast_in_dim3A_5 : vector<10240x1xi1>, vector<10240x1xf32>
    %broadcast_in_dim3A_6 = vector.shape_cast %select_n3A : vector<10240x1xf32> to vector<10240x1xf32>
    %broadcast_in_dim3A_7 = vector.broadcast %broadcast_in_dim3A_6 : vector<10240x1xf32> to vector<10240x64xf32>
    %swap3A = arith.constant 0 : index
    %swap3A_8 = arith.constant 0 : index
    %swap3A_9 = vector.load %arg3[%swap3A, %swap3A_8] : memref<10240x64xf32, #tpu.memory_space<vmem>>, vector<10240x64xf32>
    tpu.vector_store %arg3[%swap3A, %swap3A_8], %broadcast_in_dim3A_7 {strides = array<i32>} : memref<10240x64xf32, #tpu.memory_space<vmem>>, vector<10240x64xf32>,
    %get3A_10 = arith.constant 0 : index
    %get3A_11 = arith.constant 0 : index
    %get3A_12 = vector.load %arg1[%get3A_10, %get3A_11] : memref<10240x128xf32, #tpu.memory_space<vmem>>, vector<10240x128xf32>
    %get3A_13 = arith.constant 0 : index
    %get3A_14 = arith.constant 0 : index
    %get3A_15 = vector.load %arg2[%get3A_13, %get3A_14] : memref<128x64xf32, #tpu.memory_space<vmem>>, vector<128x64xf32>
    %dot_general3A = arith.constant dense<0.000000e+00> : vector<10240x64xf32>
    %dot_general3A_16 = tpu.matmul %get3A_12, %get3A_15, %dot_general3A {dimension_numbers = #tpu.dot_dimension_numbers<[1], [0], [0], [1], [0, 0, 1, 1], [], []>, transpose_lhs_hint = false} : vector<10240x128xf32>, vector<128x64xf32>, vector<10240x64xf32> -> vector<10240x64xf32>
    %mul3A = arith.mulf %dot_general3A_16, %broadcast_in_dim3A_7 : vector<10240x64xf32>
    %swap3A_17 = arith.constant 0 : index
    %swap3A_18 = arith.constant 0 : index
    %swap3A_19 = vector.load %arg4[%swap3A_17, %swap3A_18] : memref<10240x64xf32, #tpu.memory_space<vmem>>, vector<10240x64xf32>
    tpu.vector_store %arg4[%swap3A_17, %swap3A_18], %mul3A {strides = array<i32>} : memref<10240x64xf32, #tpu.memory_space<vmem>>, vector<10240x64xf32>,
    return
  }
}

module attributes {stable_mosaic.version = 14 : i64} {
  func.func @body(%arg0: memref<2x10240x64xf32, #tpu.memory_space<vmem>>, %arg1: memref<10240x64xf32, #tpu.memory_space<vmem>>, %arg2: memref<1x64xf32, #tpu.memory_space<vmem>>, %arg3: memref<64x64xf32, #tpu.memory_space<vmem>>, %arg4: memref<10240x64xf32, #tpu.memory_space<vmem>>) attributes {dimension_semantics = [], scalar_prefetch = 0 : i64, scratch_operands = 0 : i64, tpu.core_type = #tpu.core_type<tc>} {
    %get3A = arith.constant 0 : index
    %get3A_0 = arith.constant 0 : index
    %get3A_1 = vector.load %arg1[%get3A, %get3A_0] : memref<10240x64xf32, #tpu.memory_space<vmem>>, vector<10240x64xf32>
    %get3A_2 = arith.constant 0 : index
    %get3A_3 = arith.constant 0 : index
    %get3A_4 = arith.constant 0 : index
    %get3A_5 = vector.load %arg0[%get3A_2, %get3A_3, %get3A_4] : memref<2x10240x64xf32, #tpu.memory_space<vmem>>, vector<1x10240x64xf32>
    %get3A_6 = vector.shape_cast %get3A_5 : vector<1x10240x64xf32> to vector<10240x64xf32>
    %get3A_7 = arith.constant 1 : index
    %get3A_8 = arith.constant 0 : index
    %get3A_9 = arith.constant 0 : index
    %get3A_10 = vector.load %arg0[%get3A_7, %get3A_8, %get3A_9] : memref<2x10240x64xf32, #tpu.memory_space<vmem>>, vector<1x10240x64xf32>
    %get3A_11 = vector.shape_cast %get3A_10 : vector<1x10240x64xf32> to vector<10240x64xf32>
    %add3A = arith.addf %get3A_6, %get3A_11 : vector<10240x64xf32>
    %mul3A = arith.mulf %add3A, %get3A_1 : vector<10240x64xf32>
    %get3A_12 = arith.constant 0 : index
    %get3A_13 = arith.constant 0 : index
    %get3A_14 = vector.load %arg2[%get3A_12, %get3A_13] : memref<1x64xf32, #tpu.memory_space<vmem>>, vector<1x64xf32>
    %add3A_15 = vector.broadcast %get3A_14 : vector<1x64xf32> to vector<10240x64xf32>
    %add3A_16 = arith.addf %mul3A, %add3A_15 : vector<10240x64xf32>
    %max3A = arith.constant 0.000000e+00 : f32
    %max3A_17 = vector.broadcast %max3A : f32 to vector<10240x64xf32>
    %max3A_18 = arith.maximumf %add3A_16, %max3A_17 : vector<10240x64xf32>
    %get3A_19 = arith.constant 0 : index
    %get3A_20 = arith.constant 0 : index
    %get3A_21 = vector.load %arg3[%get3A_19, %get3A_20] : memref<64x64xf32, #tpu.memory_space<vmem>>, vector<64x64xf32>
    %dot_general3A = arith.constant dense<0.000000e+00> : vector<10240x64xf32>
    %dot_general3A_22 = tpu.matmul %max3A_18, %get3A_21, %dot_general3A {dimension_numbers = #tpu.dot_dimension_numbers<[1], [0], [0], [1], [0, 0, 1, 1], [], []>, transpose_lhs_hint = false} : vector<10240x64xf32>, vector<64x64xf32>, vector<10240x64xf32> -> vector<10240x64xf32>
    %mul3A_23 = arith.mulf %dot_general3A_22, %get3A_1 : vector<10240x64xf32>
    %swap3A = arith.constant 0 : index
    %swap3A_24 = arith.constant 0 : index
    %swap3A_25 = vector.load %arg4[%swap3A, %swap3A_24] : memref<10240x64xf32, #tpu.memory_space<vmem>>, vector<10240x64xf32>
    tpu.vector_store %arg4[%swap3A, %swap3A_24], %mul3A_23 {strides = array<i32>} : memref<10240x64xf32, #tpu.memory_space<vmem>>, vector<10240x64xf32>,
    return
  }
}

module attributes {stable_mosaic.version = 14 : i64} {
  func.func @body(%arg0: memref<2x10240x64xf32, #tpu.memory_space<vmem>>, %arg1: memref<10240x64xf32, #tpu.memory_space<vmem>>, %arg2: memref<1x64xf32, #tpu.memory_space<vmem>>, %arg3: memref<64x64xf32, #tpu.memory_space<vmem>>, %arg4: memref<1x64xf32, #tpu.memory_space<vmem>>, %arg5: memref<64x1xf32, #tpu.memory_space<vmem>>, %arg6: memref<1x1xf32, #tpu.memory_space<vmem>>, %arg7: memref<10240x1xf32, #tpu.memory_space<vmem>>) attributes {dimension_semantics = [], scalar_prefetch = 0 : i64, scratch_operands = 0 : i64, tpu.core_type = #tpu.core_type<tc>} {
    %get3A = arith.constant 0 : index
    %get3A_0 = arith.constant 0 : index
    %get3A_1 = vector.load %arg1[%get3A, %get3A_0] : memref<10240x64xf32, #tpu.memory_space<vmem>>, vector<10240x64xf32>
    %get3A_2 = arith.constant 0 : index
    %get3A_3 = arith.constant 0 : index
    %get3A_4 = arith.constant 0 : index
    %get3A_5 = vector.load %arg0[%get3A_2, %get3A_3, %get3A_4] : memref<2x10240x64xf32, #tpu.memory_space<vmem>>, vector<1x10240x64xf32>
    %get3A_6 = vector.shape_cast %get3A_5 : vector<1x10240x64xf32> to vector<10240x64xf32>
    %get3A_7 = arith.constant 1 : index
    %get3A_8 = arith.constant 0 : index
    %get3A_9 = arith.constant 0 : index
    %get3A_10 = vector.load %arg0[%get3A_7, %get3A_8, %get3A_9] : memref<2x10240x64xf32, #tpu.memory_space<vmem>>, vector<1x10240x64xf32>
    %get3A_11 = vector.shape_cast %get3A_10 : vector<1x10240x64xf32> to vector<10240x64xf32>
    %add3A = arith.addf %get3A_6, %get3A_11 : vector<10240x64xf32>
    %mul3A = arith.mulf %add3A, %get3A_1 : vector<10240x64xf32>
    %get3A_12 = arith.constant 0 : index
    %get3A_13 = arith.constant 0 : index
    %get3A_14 = vector.load %arg2[%get3A_12, %get3A_13] : memref<1x64xf32, #tpu.memory_space<vmem>>, vector<1x64xf32>
    %add3A_15 = vector.broadcast %get3A_14 : vector<1x64xf32> to vector<10240x64xf32>
    %add3A_16 = arith.addf %mul3A, %add3A_15 : vector<10240x64xf32>
    %max3A = arith.constant 0.000000e+00 : f32
    %max3A_17 = vector.broadcast %max3A : f32 to vector<10240x64xf32>
    %max3A_18 = arith.maximumf %add3A_16, %max3A_17 : vector<10240x64xf32>
    %get3A_19 = arith.constant 0 : index
    %get3A_20 = arith.constant 0 : index
    %get3A_21 = vector.load %arg3[%get3A_19, %get3A_20] : memref<64x64xf32, #tpu.memory_space<vmem>>, vector<64x64xf32>
    %dot_general3A = arith.constant dense<0.000000e+00> : vector<10240x64xf32>
    %dot_general3A_22 = tpu.matmul %max3A_18, %get3A_21, %dot_general3A {dimension_numbers = #tpu.dot_dimension_numbers<[1], [0], [0], [1], [0, 0, 1, 1], [], []>, transpose_lhs_hint = false} : vector<10240x64xf32>, vector<64x64xf32>, vector<10240x64xf32> -> vector<10240x64xf32>
    %get3A_23 = arith.constant 0 : index
    %get3A_24 = arith.constant 0 : index
    %get3A_25 = vector.load %arg4[%get3A_23, %get3A_24] : memref<1x64xf32, #tpu.memory_space<vmem>>, vector<1x64xf32>
    %add3A_26 = vector.broadcast %get3A_25 : vector<1x64xf32> to vector<10240x64xf32>
    %add3A_27 = arith.addf %dot_general3A_22, %add3A_26 : vector<10240x64xf32>
    %max3A_28 = arith.constant 0.000000e+00 : f32
    %max3A_29 = vector.broadcast %max3A_28 : f32 to vector<10240x64xf32>
    %max3A_30 = arith.maximumf %add3A_27, %max3A_29 : vector<10240x64xf32>
    %get3A_31 = arith.constant 0 : index
    %get3A_32 = arith.constant 0 : index
    %get3A_33 = vector.load %arg5[%get3A_31, %get3A_32] : memref<64x1xf32, #tpu.memory_space<vmem>>, vector<64x1xf32>
    %dot_general3A_34 = arith.constant dense<0.000000e+00> : vector<10240x1xf32>
    %dot_general3A_35 = tpu.matmul %max3A_30, %get3A_33, %dot_general3A_34 {dimension_numbers = #tpu.dot_dimension_numbers<[1], [0], [0], [1], [0, 0, 1, 1], [], []>, transpose_lhs_hint = false} : vector<10240x64xf32>, vector<64x1xf32>, vector<10240x1xf32> -> vector<10240x1xf32>
    %get3A_36 = arith.constant 0 : index
    %get3A_37 = arith.constant 0 : index
    %get3A_38 = vector.load %arg6[%get3A_36, %get3A_37] : memref<1x1xf32, #tpu.memory_space<vmem>>, vector<1x1xf32>
    %add3A_39 = vector.broadcast %get3A_38 : vector<1x1xf32> to vector<10240x1xf32>
    %add3A_40 = arith.addf %dot_general3A_35, %add3A_39 : vector<10240x1xf32>
    %swap3A = arith.constant 0 : index
    %swap3A_41 = arith.constant 0 : index
    %swap3A_42 = vector.load %arg7[%swap3A, %swap3A_41] : memref<10240x1xf32, #tpu.memory_space<vmem>>, vector<10240x1xf32>
    tpu.vector_store %arg7[%swap3A, %swap3A_41], %add3A_40 {strides = array<i32>} : memref<10240x1xf32, #tpu.memory_space<vmem>>, vector<10240x1xf32>,
    return
  }
}

</mosaic_0001>

<sc_bundles>
// kernel: gcn_sc_degree.3.cloned.1.call-start
scs
__scs_entry_jumppad:
0x0: {  	(pc) =	sbr.rel $0x88, $3  }
0x1: {  	(tag) =	ssettag $0x0;
	lr =	simm.s32 $0x1  }
0x2: {  	[smem:$0x3F95] =	sst lr;
	_ =	strace $0xD0000000  }
0x3: {  	_ = 	snop  }
0x4: {  	_ = 	snop  }
0x5: {  	_ = 	snop  }
0x6: {  	_ = 	snop  }
0x7: {  	_ = 	snop  }
__scs_overlays_trampoline_lowered:
0x8: {  	[smem:$0x3FA4] =	sst s0  }
0x9: {  	[smem:$0x3FA5] =	sst s1  }
0xa: {  	[smem:$0x3FA6] =	sst s2  }
0xb: {  	[smem:$0x3FA7] =	sst s3  }
0xc: {  	[smem:$0x3FA8] =	sst s4  }
0xd: {  	[smem:$0x3FA9] =	sst s5  }
0xe: {  	[smem:$0x3FAA] =	sst s6  }
0xf: {  	[smem:$0x3FAB] =	sst s7  }
0x10: {  	[smem:$0x3FAC] =	sst s8  }
0x11: {  	[smem:$0x3FAD] =	sst s9;
	s0 =	simm.s32 @!p0 $0x0  }
0x12: {  	s1 =	sld [smem:$0x3F93];
	s0 =	simm.s32 @p0 $0x1  }
0x13: {  	[smem:$0x3FAE] =	sst s0;
	s0 =	simm.s32 @!p1 $0x0  }
0x14: {  	s2 =	sld [smem:$0x3F92];
	s0 =	simm.s32 @p1 $0x1  }
0x15: {  	[smem:$0x3FAF] =	sst s0;
	s0 =	simm.s32 @!p2 $0x0  }
0x16: {  	s3 =	sld [smem:$0x3FDB];
	s0 =	simm.s32 @p2 $0x1  }
0x17: {  	s4 =	simm.s32 $0x1BF5;
	[smem:$0x3FB1] =	sst s0  }
0x18: {  	s0 =	sld [smem:$0x3F94];
	_ =	swait.ge [sflag:s4], $0x0  }
0x19: {  	s7 =	sld [smem:$0x3F95]  }
0x1a: {  	s8 =	sadd.s32 $0xFFFFE003, lr  }
0x1b: {  	s9 =	sadd.s32 $0xFFFFFEF7, lr;
	s5 =	simm.s32 $0xFFFFFFFF;
	p2 =	slt.u32 s8, $0xFFFFF086  }
0x1c: {  	p1 =	slt.u32 s9, $0xF7A;
	s5 =	simm.s32 @!p2 $0x0  }
0x1d: {  	s5 =	simm.s32 @p1 $0x1;
	p0 =	seq.s32 s7, s2  }
0x1e: {  	s7 =	smul.u32 @!p0 $0xF7A, s2;
	p2 =	seq.s32 @!p0 s5, $0x0  }
0x1f: {  	s9 =	smul.u32 $0xF7A, s1;
	s8 =	simm.s32 @!p0 $0x1BF5;
	p2 =	por !p2, p0  }
0x20: {  	[sflag:s8] =	ssyncset.s32 @!p0 $0xFFFFF086;
	s6 =	sadd.s32 @!p0 s3, s7;
	s7 =	simm.s32 @!p0 $0x108  }
0x21: {  	s3 =	sadd.s32 s3, s9;
	s6 =	sadd.s32 @!p0 $0x88, s6;
	s7 =	simm.s32 @p2 $0x1082  }
0x22: {  	[simem:s7], [sflag:s8] =	dma.local @!p0 [hbm:s6], $0xF7A  }
0x23: {  	s9 =	sor.u32 $0xD0000000, s2;
	s6 =	simm.s32 $0x108;
	_ =	swait.ge @!p0 [sflag:s8], $0x0  }
0x24: {  	s3 =	sadd.s32 $0x88, s3;
	s6 =	simm.s32 @!p1 $0x1082;
	[sflag:s4] =	ssyncset.s32 $0xFFFFF086  }
0x25: {  	[simem:s6], [sflag:s4] =	dma.local [hbm:s3], $0xF7A  }
0x26: {  	[smem:$0x3F95] =	sst s1;
	(tag) =	ssettag s2;
	_ =	strace s9  }
0x27: {  	s1 =	sld [smem:$0x3FA5]  }
0x28: {  	s2 =	sld [smem:$0x3FA6]  }
0x29: {  	s4 =	sld [smem:$0x3FA8]  }
0x2a: {  	p0 =	seq.s32 s5, $0x0;
	s5 =	sld [smem:$0x3FA9]  }
0x2b: {  	s6 =	sld [smem:$0x3FAA]  }
0x2c: {  	s7 =	sld [smem:$0x3FAB]  }
0x2d: {  	s3 =	simm.s32 $0x108;
	s8 =	sld [smem:$0x3FAC]  }
0x2e: {  	s3 =	simm.s32 @!p0 $0x1082;
	s9 =	sld [smem:$0x3FAD]  }
0x2f: {  	lr =	sadd.s32 s0, s3;
	s0 =	sld [smem:$0x3FA4]  }
0x30: {  	s3 =	sld [smem:$0x3FA7]  }
0x31: {  	[smem:$0x3FB0] =	sst s10  }
0x32: {  	s10 =	sld [smem:$0x3FAE];
	_ =	sdelay $0x3  }
0x33: {  	p0 =	seq.s32 s10, $0x1;
	s10 =	sld [smem:$0x3FB0];
	_ =	sdelay $0x3  }
0x34: {  	[smem:$0x3FB0] =	sst s10  }
0x35: {  	s10 =	sld [smem:$0x3FAF];
	_ =	sdelay $0x3  }
0x36: {  	p1 =	seq.s32 s10, $0x1;
	s10 =	sld [smem:$0x3FB0];
	_ =	sdelay $0x3  }
0x37: {  	[smem:$0x3FB0] =	sst s10  }
0x38: {  	s10 =	sld [smem:$0x3FB1]  }
0x39: {  	_ = 	snop;
	(pc) =	sbr.ind lr, $3  }
0x3a: {  	_ = 	snop  }
0x3b: {  	_ = 	snop  }
0x3c: {  	p2 =	seq.s32 s10, $0x1;
	s10 =	sld [smem:$0x3FB0]  }
0x3d: {  	_ =	shalt  }
0x3e: {  	_ =	shalt  }
0x3f: {  	_ =	shalt  }
0x40: {  	_ =	shalt  }
0x41: {  	_ =	shalt  }
0x42: {  	_ =	shalt  }
0x43: {  	_ =	shalt  }
0x44: {  	_ =	shalt  }
0x45: {  	_ =	shalt  }
0x46: {  	_ =	shalt  }
0x47: {  	_ =	shalt  }
0x48: {  	_ =	shalt  }
0x49: {  	_ =	shalt  }
0x4a: {  	_ =	shalt  }
0x4b: {  	_ =	shalt  }
0x4c: {  	_ =	shalt  }
0x4d: {  	_ =	shalt  }
0x4e: {  	_ =	shalt  }
0x4f: {  	_ =	shalt  }
0x50: {  	_ =	shalt  }
0x51: {  	_ =	shalt  }
0x52: {  	_ =	shalt  }
0x53: {  	_ =	shalt  }
0x54: {  	_ =	shalt  }
0x55: {  	_ =	shalt  }
0x56: {  	_ =	shalt  }
0x57: {  	_ =	shalt  }
0x58: {  	_ =	shalt  }
0x59: {  	_ =	shalt  }
0x5a: {  	_ =	shalt  }
0x5b: {  	_ =	shalt  }
0x5c: {  	_ =	shalt  }
0x5d: {  	_ =	shalt  }
0x5e: {  	_ =	shalt  }
0x5f: {  	_ =	shalt  }
0x60: {  	_ =	shalt  }
0x61: {  	_ =	shalt  }
0x62: {  	_ =	shalt  }
0x63: {  	_ =	shalt  }
0x64: {  	_ =	shalt  }
0x65: {  	_ =	shalt  }
0x66: {  	_ =	shalt  }
0x67: {  	_ =	shalt  }
0x68: {  	_ =	shalt  }
0x69: {  	_ =	shalt  }
0x6a: {  	_ =	shalt  }
0x6b: {  	_ =	shalt  }
0x6c: {  	_ =	shalt  }
0x6d: {  	_ =	shalt  }
0x6e: {  	_ =	shalt  }
0x6f: {  	_ =	shalt  }
0x70: {  	_ =	shalt  }
0x71: {  	_ =	shalt  }
0x72: {  	_ =	shalt  }
0x73: {  	_ =	shalt  }
0x74: {  	_ =	shalt  }
0x75: {  	_ =	shalt  }
0x76: {  	_ =	shalt  }
0x77: {  	_ =	shalt  }
0x78: {  	_ =	shalt  }
0x79: {  	_ =	shalt  }
0x7a: {  	_ =	shalt  }
0x7b: {  	_ =	shalt  }
0x7c: {  	_ =	shalt  }
0x7d: {  	_ =	shalt  }
0x7e: {  	_ =	shalt  }
0x7f: {  	_ =	shalt  }
0x80: {  	_ =	shalt  }
0x81: {  	_ =	shalt  }
0x82: {  	_ =	shalt  }
0x83: {  	_ =	shalt  }
0x84: {  	_ =	shalt  }
0x85: {  	_ =	shalt  }
0x86: {  	_ =	shalt  }
0x87: {  	_ =	shalt  }
.Lfunc_end0:
.L_simem_size_0:
called_computation_lowered:
.L_overlay_start_0:
0x88: {  	s2 =	sld [smem:$0x3FD9]  }
0x89: {  	s3 =	sld [smem:$0x3FFE];
	_ =	sdelay $0x1  }
0x8a: {  	s1 =	srdreg.scid  }
0x8b: {  	s0 =	sand.u32 $0x1, s1  }
0x8c: {  	s16 =	sshll.u32 s0, $0xA;
	s2 =	sadd.s32 s3, s2  }
0x8d: {  	s2 =	sadd.s32 s2, s16  }
0x8e: {  	[smem:$0x3FBC] =	sst s2  }
0x8f: {  	_ = 	snop  }
0x90: {  	(tm) =	ssettm $0x1  }
0x91: {  	s17 =	sld [smem:$0x3FFB];
	_ =	sdelay $0x3  }
0x92: {  	_ =	strace s17  }
0x93: {  	s2 =	sld [smem:$0x3FFC];
	_ =	sdelay $0x3  }
0x94: {  	_ =	strace s2  }
0x95: {  	s2 =	sld [smem:$0x3FFD];
	_ =	sdelay $0x3  }
0x96: {  	_ =	strace s2  }
0x97: {  	_ =	strace $0x8FFFFFFF  }
0x98: {  	s18 =	sld [smem:$0x3FDB];
	_ =	sdelay $0x1  }
0x99: {  	s19 =	simm.s32 $_scs_section_size  }
0x9a: {  	s4 =	simm.s32 $_size__tile_overlayer_lowered;
	s5 =	simm.s32 $_tile_overlayer_lowered  }
0x9b: {  	s22 =	simm.s32 $0x1BFF;
	s21 =	sshll.u32 s5, $0x1;
	s2 =	sadd.s32 s19, s18  }
0x9c: {  	s6 =	simm.s32 $0x0;
	s20 =	sshll.u32 s4, $0x1;
	s4 =	sadd.s32 s21, s2  }
0x9d: {  	[timem:s6], [sflag:s22] =	dma.local [hbm:s4], s20  }
0x9e: {  	_ =	swait.ge [sflag:s22], s20  }
0x9f: {  	s3 =	ssub.s32 $0x0, s20;
	[sflag:s22] =	ssyncset.done $0x0  }
0xa0: {  	[sflag:s22] =	ssyncadd.s32 s3;
	_ =	sdelay $0x1  }
0xa1: {  	s23 =	simm.s32 $0x1B8B  }
0xa2: {  	_ =	swait.ge [sflag:s23], $0x1  }
0xa3: {  	[sflag:s23] =	ssyncset.done $0x0  }
0xa4: {  	s25 =	simm.s32 $0x1B8E;
	s24 =	sld [smem:$0x3FFE];
	[sflag:s23] =	ssyncadd.s32 $0xFFFFFFFF  }
0xa5: {  	s26 =	simm.s32 $execute0_lowered;
	[smem:$0x3FD2] =	sst s25  }
0xa6: {  	s4 =	sshll.u32 s26, $0x1;
	_ =	strace $0x80000046;
	[dreg:$0x1] =	wrdreg $0xFFFFFFFF  }
0xa7: {  	s28 =	simm.s32 $_size_execute0_lowered;
	s2 =	sadd.s32 s2, s4;
	[dreg:$0x0] =	wrdreg $0x0  }
0xa8: {  	s4 =	sshll.u32 s28, $0x1;
	[dreg:$0x2] =	wrdreg s2  }
0xa9: {  	[dreg:$0x3] =	wrdreg s4  }
0xaa: {  	[dreg:$0x4] =	wrdreg $0xC0  }
0xab: {  	_ =	task [dreg:s6], $0x5FFFF  }
0xac: {  	[dreg:$0x1] =	wrdreg $0xFFFFFFFF  }
0xad: {  	[dreg:$0x0] =	wrdreg $0x60  }
0xae: {  	[dreg:$0x2] =	wrdreg s24  }
0xaf: {  	[dreg:$0x3] =	wrdreg $0x9  }
0xb0: {  	_ =	task.clear_ibuf [dreg:s6], $0x4FFFF;
	_ =	strace $0x90000046  }
0xb1: {  	s29 =	simm.s32 $0x9;
	_ =	strace $0x80000048  }
0xb2: {  	_ =	swait.ge [sflag:s29], $0x1  }
0xb3: {  	[sflag:s29] =	ssyncadd.s32 $0xFFFFFFFF  }
0xb4: {  	_ =	strace $0x90000048  }
0xb5: {  	_ =	sfence  }
0xb6: {  	s30 =	sld [smem:$0x0];
	_ =	sdelay $0x2  }
0xb7: {  	s31 =	sshll.u32 s1, $0xD;
	s1 =	sshrl.u32 s1, $0x2  }
0xb8: {  	s3 =	sand.u32 $0x4000, s31;
	s1 =	sadd.s32 s1, s30  }
0xb9: {  	s0 =	sor.u32 s3, s0;
	s1 =	sshll.u32 s1, $0x11  }
0xba: {  	s0 =	sor.u32 s1, s0  }
0xbb: {  	s0 =	sadd.s32 $0x8F2B, s0  }
0xbc: {  	[sflag:s0] =	ssyncadd.remote.s32 $0x1  }
0xbd: {  	_ =	sfence.sel $0xFFFF  }
0xbe: {  	[dreg:$0x0] =	wrdreg $0xFFFFFFFF;
	(pc) =	sbr.abs _section_cstart, $3  }
0xbf: {  	[dreg:$0x1] =	wrdreg $0xFFFFFFFF  }
0xc0: {  	_ =	task.clear_ibuf [dreg:s6], $0x2FFFF;
	_ =	strace $0x9FFFFFFF  }
0xc1: {  	(tm) =	ssettm $0x7FFFFFFF  }
tec
execute0_lowered:
.L_overlay_start_1:
0x0: {  	(tag) =	ssettag $0x1  }
0x1: {  	s1 =	srdreg.scid  }
0x2: {  	s3 =	rddreg [dreg:$0x0];
	s4 =	sand.u32 $0x1, s1  }
0x3: {  	s1 =	stileid.u32;
	s5 =	smul.u32 $0x28000, s4  }
0x4: {  	s0 =	rddreg [dreg:$0x1];
	s6 =	sshll.u32 s4, $0x4;
	s7 =	smul.u32 $0x2800, s1  }
0x5: {  	s2 =	simm.s32 $0x0;
	s8 =	simm.s32 $0x0;
	s6 =	sor.u32 s1, s6  }
0x6: {  	[smem:$0x7FF] =	sst s2;
	s6 =	smul.u32 $0x540, s6;
	s5 =	sadd.s32 s7, s5  }
0x7: {  	s4 =	ssub.s32 $0x2, s4;
	_ =	strace $0x80000047;
	s5 =	sshrl.u32 s5, $0x3  }
0x8: {  	s31 =	sshrl.u32 s4, $0x1;
	s6 =	sadd.s32 s6, s3;
	s5 =	sadd.s32 s5, s3  }
0x9: {  	s7 =	ssub.s32 s4, s31;
	s3 =	sadd.s32 $0x1E00, s6;
	s4 =	sadd.s32 $0xC600, s5  }
0xa: {  	v0 =	vimm.f32 $0.0e+00;
	v1 =	vimm.f32 $1.000000000e+00;
	s5 =	smax.u32 s7, $0x1;
	s6 =	simm.s32 $0x1;
	s7 =	simm.s32 $0x2A00  }
.LBB2_1:
0xb: {  	s9 =	simm.s32 $0x40;
	s10 =	simm.s32 $0x0  }
.LBB2_2:
0xc: {  	p0 =	sne.s32 s9, $0x9FC0;
	[tilespmem:s10+$0x2A00] =	vst v0;
	s10 =	smov.u32 s9;
	s9 =	sadd.s32 $0x40, s9  }
.Ltmp0:
0xd: {  	(pc) =	sbr.rel @p0 .LBB2_2-.Ltmp0, $2  }
0xe: {  	_ =	sdelay $0x2  }
0xf: {  	s10 =	sshra.s32 s10, $0x2  }
0x10: {  	[tilespmem:s10+$0x2A00] =	vst v0;
	s9 =	simm.s32 $0x0  }
0x11: {  	[tilespmem:s9], [sflag:$0x1] =	stream.linear.gather [hbm4b:s3+s9], $0x2A00, $0x38;
	[tilespmem:$0x5200] =	vst v63  }
0x12: {  	_ =	swait.ge [sflag:s6], $0x2A00  }
0x13: {  	[sflag:s6] =	ssyncset.done $0x0  }
0x14: {  	[sflag:s6] =	ssyncadd.s32 $0xFFFFD600  }
.LBB2_4:
0x15: {  	s10 =	sshra.s32 s9, $0x2  }
0x16: {  	v2 =	vld [tilespmem:s10+$0x0];
	_ =	sdelay $0x7  }
0x17: {  	[tilespmem:v2+s7+$0x0] =	vst.idx.add.f32.msk $0xffff, v1  }
0x18: {  	v2 =	vld [tilespmem:s10+$0x10];
	_ =	sdelay $0x7  }
0x19: {  	[tilespmem:v2+s7+$0x0] =	vst.idx.add.f32.msk $0xffff, v1  }
0x1a: {  	v2 =	vld [tilespmem:s10+$0x20];
	_ =	sdelay $0x7  }
0x1b: {  	[tilespmem:v2+s7+$0x0] =	vst.idx.add.f32.msk $0xffff, v1  }
0x1c: {  	v2 =	vld [tilespmem:s10+$0x30];
	_ =	sdelay $0x7  }
0x1d: {  	[tilespmem:v2+s7+$0x0] =	vst.idx.add.f32.msk $0xffff, v1  }
0x1e: {  	v2 =	vld [tilespmem:s10+$0x40];
	_ =	sdelay $0x7  }
0x1f: {  	[tilespmem:v2+s7+$0x0] =	vst.idx.add.f32.msk $0xffff, v1  }
0x20: {  	v2 =	vld [tilespmem:s10+$0x50];
	_ =	sdelay $0x7  }
0x21: {  	[tilespmem:v2+s7+$0x0] =	vst.idx.add.f32.msk $0xffff, v1  }
0x22: {  	v2 =	vld [tilespmem:s10+$0x60];
	_ =	sdelay $0x7  }
0x23: {  	[tilespmem:v2+s7+$0x0] =	vst.idx.add.f32.msk $0xffff, v1  }
0x24: {  	v2 =	vld [tilespmem:s10+$0x70];
	_ =	sdelay $0x2  }
0x25: {  	p0 =	sne.s32 s9, $0xA600  }
.Ltmp1:
0x26: {  	_ = 	snop;
	(pc) =	sbr.rel @p0 .LBB2_4-.Ltmp1, $2  }
0x27: {  	_ =	sdelay $0x2  }
0x28: {  	s9 =	sadd.s32 $0x200, s9;
	[tilespmem:v2+s7+$0x0] =	vst.idx.add.f32.msk $0xffff, v1  }
0x29: {  	s8 =	sadd.s32 $0x1, s8  }
0x2a: {  	p0 =	sne.s32 s8, s5  }
.Ltmp2:
0x2b: {  	_ = 	snop;
	(pc) =	sbr.rel @p0 .LBB2_1-.Ltmp2, $4  }
0x2c: {  	[hbm4b:s4+s2] =	stream.linear.scatter [tilespmem:s7], [sflag:$0x1], $0x2800, $0x38;
	[tilespmem:$0x5200] =	vst v63  }
0x2d: {  	_ =	swait.ge [sflag:s6], $0x2800  }
0x2e: {  	[sflag:s6] =	ssyncset.done $0x0  }
0x2f: {  	[sflag:s6] =	ssyncadd.s32 $0xFFFFD800  }
0x30: {  	_ =	sfence.sel $0x180000  }
0x31: {  	[bflag:$0x0] =	sbarrier.arrive $0xFFFF  }
0x32: {  	p0 =	sne.s32 s1, $0x0;
	_ =	strace $0x90000047  }
0x33: {  	s0 =	sadd.s32 @!p0 $0x100000, s0;
	[bflag:$0x2] =	sbarrier.arrive $0xFFFF  }
0x34: {  	[sflag:s0] =	ssyncadd.tile.s32 @!p0 $0x1;
	_ =	shalt  }
.Lfunc_end2:
_tile_overlayer_lowered:
.L_overlay_start_2:
0x35: {  	(tag) =	ssettag $0x2  }
0x36: {  	s0 =	rddreg [dreg:$0x0];
	s2 =	stileid.u32  }
0x37: {  	s1 =	rddreg [dreg:$0x1];
	p0 =	sne.s32 s2, $0x0  }
0x38: {  	s3 =	rddreg [dreg:$0x2];
	[bflag:$0x3] =	sbarrier.arrive $0xFFFF;
	s2 =	simm.s32 @!p0 $0x1C01  }
0x39: {  	[timem:s3], [sflag:s2] =	dma.local @!p0 [hbm:s0], s1  }
0x3a: {  	s0 =	simm.s32 @!p0 $0x1  }
0x3b: {  	_ =	swait.ge @!p0 [sflag:s0], s1  }
0x3c: {  	s1 =	ssub.s32 @!p0 $0x0, s1;
	[sflag:s0] =	ssyncset.done @!p0 $0x0  }
0x3d: {  	[sflag:s0] =	ssyncadd.s32 @!p0 s1  }
0x3e: {  	[bflag:$0x3] =	sbarrier.arrive $0xFFFF  }
0x3f: {  	_ =	shalt  }

// kernel: gcn_sc_scatter_d64.11.cloned.1.call-start
scs
__scs_entry_jumppad:
0x0: {  	(pc) =	sbr.rel $0x88, $3  }
0x1: {  	(tag) =	ssettag $0x0;
	lr =	simm.s32 $0x1  }
0x2: {  	[smem:$0x3F95] =	sst lr;
	_ =	strace $0xD0000000  }
0x3: {  	_ = 	snop  }
0x4: {  	_ = 	snop  }
0x5: {  	_ = 	snop  }
0x6: {  	_ = 	snop  }
0x7: {  	_ = 	snop  }
__scs_overlays_trampoline_lowered:
0x8: {  	[smem:$0x3FA4] =	sst s0  }
0x9: {  	[smem:$0x3FA5] =	sst s1  }
0xa: {  	[smem:$0x3FA6] =	sst s2  }
0xb: {  	[smem:$0x3FA7] =	sst s3  }
0xc: {  	[smem:$0x3FA8] =	sst s4  }
0xd: {  	[smem:$0x3FA9] =	sst s5  }
0xe: {  	[smem:$0x3FAA] =	sst s6  }
0xf: {  	[smem:$0x3FAB] =	sst s7  }
0x10: {  	[smem:$0x3FAC] =	sst s8  }
0x11: {  	[smem:$0x3FAD] =	sst s9;
	s0 =	simm.s32 @!p0 $0x0  }
0x12: {  	s1 =	sld [smem:$0x3F93];
	s0 =	simm.s32 @p0 $0x1  }
0x13: {  	[smem:$0x3FAE] =	sst s0;
	s0 =	simm.s32 @!p1 $0x0  }
0x14: {  	s2 =	sld [smem:$0x3F92];
	s0 =	simm.s32 @p1 $0x1  }
0x15: {  	[smem:$0x3FAF] =	sst s0;
	s0 =	simm.s32 @!p2 $0x0  }
0x16: {  	s3 =	sld [smem:$0x3FDB];
	s0 =	simm.s32 @p2 $0x1  }
0x17: {  	s4 =	simm.s32 $0x1BF5;
	[smem:$0x3FB1] =	sst s0  }
0x18: {  	s0 =	sld [smem:$0x3F94];
	_ =	swait.ge [sflag:s4], $0x0  }
0x19: {  	s7 =	sld [smem:$0x3F95]  }
0x1a: {  	s8 =	sadd.s32 $0xFFFFE003, lr  }
0x1b: {  	s9 =	sadd.s32 $0xFFFFFEF7, lr;
	s5 =	simm.s32 $0xFFFFFFFF;
	p2 =	slt.u32 s8, $0xFFFFF086  }
0x1c: {  	p1 =	slt.u32 s9, $0xF7A;
	s5 =	simm.s32 @!p2 $0x0  }
0x1d: {  	s5 =	simm.s32 @p1 $0x1;
	p0 =	seq.s32 s7, s2  }
0x1e: {  	s7 =	smul.u32 @!p0 $0xF7A, s2;
	p2 =	seq.s32 @!p0 s5, $0x0  }
0x1f: {  	s9 =	smul.u32 $0xF7A, s1;
	s8 =	simm.s32 @!p0 $0x1BF5;
	p2 =	por !p2, p0  }
0x20: {  	[sflag:s8] =	ssyncset.s32 @!p0 $0xFFFFF086;
	s6 =	sadd.s32 @!p0 s3, s7;
	s7 =	simm.s32 @!p0 $0x108  }
0x21: {  	s3 =	sadd.s32 s3, s9;
	s6 =	sadd.s32 @!p0 $0x88, s6;
	s7 =	simm.s32 @p2 $0x1082  }
0x22: {  	[simem:s7], [sflag:s8] =	dma.local @!p0 [hbm:s6], $0xF7A  }
0x23: {  	s9 =	sor.u32 $0xD0000000, s2;
	s6 =	simm.s32 $0x108;
	_ =	swait.ge @!p0 [sflag:s8], $0x0  }
0x24: {  	s3 =	sadd.s32 $0x88, s3;
	s6 =	simm.s32 @!p1 $0x1082;
	[sflag:s4] =	ssyncset.s32 $0xFFFFF086  }
0x25: {  	[simem:s6], [sflag:s4] =	dma.local [hbm:s3], $0xF7A  }
0x26: {  	[smem:$0x3F95] =	sst s1;
	(tag) =	ssettag s2;
	_ =	strace s9  }
0x27: {  	s1 =	sld [smem:$0x3FA5]  }
0x28: {  	s2 =	sld [smem:$0x3FA6]  }
0x29: {  	s4 =	sld [smem:$0x3FA8]  }
0x2a: {  	p0 =	seq.s32 s5, $0x0;
	s5 =	sld [smem:$0x3FA9]  }
0x2b: {  	s6 =	sld [smem:$0x3FAA]  }
0x2c: {  	s7 =	sld [smem:$0x3FAB]  }
0x2d: {  	s3 =	simm.s32 $0x108;
	s8 =	sld [smem:$0x3FAC]  }
0x2e: {  	s3 =	simm.s32 @!p0 $0x1082;
	s9 =	sld [smem:$0x3FAD]  }
0x2f: {  	lr =	sadd.s32 s0, s3;
	s0 =	sld [smem:$0x3FA4]  }
0x30: {  	s3 =	sld [smem:$0x3FA7]  }
0x31: {  	[smem:$0x3FB0] =	sst s10  }
0x32: {  	s10 =	sld [smem:$0x3FAE];
	_ =	sdelay $0x3  }
0x33: {  	p0 =	seq.s32 s10, $0x1;
	s10 =	sld [smem:$0x3FB0];
	_ =	sdelay $0x3  }
0x34: {  	[smem:$0x3FB0] =	sst s10  }
0x35: {  	s10 =	sld [smem:$0x3FAF];
	_ =	sdelay $0x3  }
0x36: {  	p1 =	seq.s32 s10, $0x1;
	s10 =	sld [smem:$0x3FB0];
	_ =	sdelay $0x3  }
0x37: {  	[smem:$0x3FB0] =	sst s10  }
0x38: {  	s10 =	sld [smem:$0x3FB1]  }
0x39: {  	_ = 	snop;
	(pc) =	sbr.ind lr, $3  }
0x3a: {  	_ = 	snop  }
0x3b: {  	_ = 	snop  }
0x3c: {  	p2 =	seq.s32 s10, $0x1;
	s10 =	sld [smem:$0x3FB0]  }
0x3d: {  	_ =	shalt  }
0x3e: {  	_ =	shalt  }
0x3f: {  	_ =	shalt  }
0x40: {  	_ =	shalt  }
0x41: {  	_ =	shalt  }
0x42: {  	_ =	shalt  }
0x43: {  	_ =	shalt  }
0x44: {  	_ =	shalt  }
0x45: {  	_ =	shalt  }
0x46: {  	_ =	shalt  }
0x47: {  	_ =	shalt  }
0x48: {  	_ =	shalt  }
0x49: {  	_ =	shalt  }
0x4a: {  	_ =	shalt  }
0x4b: {  	_ =	shalt  }
0x4c: {  	_ =	shalt  }
0x4d: {  	_ =	shalt  }
0x4e: {  	_ =	shalt  }
0x4f: {  	_ =	shalt  }
0x50: {  	_ =	shalt  }
0x51: {  	_ =	shalt  }
0x52: {  	_ =	shalt  }
0x53: {  	_ =	shalt  }
0x54: {  	_ =	shalt  }
0x55: {  	_ =	shalt  }
0x56: {  	_ =	shalt  }
0x57: {  	_ =	shalt  }
0x58: {  	_ =	shalt  }
0x59: {  	_ =	shalt  }
0x5a: {  	_ =	shalt  }
0x5b: {  	_ =	shalt  }
0x5c: {  	_ =	shalt  }
0x5d: {  	_ =	shalt  }
0x5e: {  	_ =	shalt  }
0x5f: {  	_ =	shalt  }
0x60: {  	_ =	shalt  }
0x61: {  	_ =	shalt  }
0x62: {  	_ =	shalt  }
0x63: {  	_ =	shalt  }
0x64: {  	_ =	shalt  }
0x65: {  	_ =	shalt  }
0x66: {  	_ =	shalt  }
0x67: {  	_ =	shalt  }
0x68: {  	_ =	shalt  }
0x69: {  	_ =	shalt  }
0x6a: {  	_ =	shalt  }
0x6b: {  	_ =	shalt  }
0x6c: {  	_ =	shalt  }
0x6d: {  	_ =	shalt  }
0x6e: {  	_ =	shalt  }
0x6f: {  	_ =	shalt  }
0x70: {  	_ =	shalt  }
0x71: {  	_ =	shalt  }
0x72: {  	_ =	shalt  }
0x73: {  	_ =	shalt  }
0x74: {  	_ =	shalt  }
0x75: {  	_ =	shalt  }
0x76: {  	_ =	shalt  }
0x77: {  	_ =	shalt  }
0x78: {  	_ =	shalt  }
0x79: {  	_ =	shalt  }
0x7a: {  	_ =	shalt  }
0x7b: {  	_ =	shalt  }
0x7c: {  	_ =	shalt  }
0x7d: {  	_ =	shalt  }
0x7e: {  	_ =	shalt  }
0x7f: {  	_ =	shalt  }
0x80: {  	_ =	shalt  }
0x81: {  	_ =	shalt  }
0x82: {  	_ =	shalt  }
0x83: {  	_ =	shalt  }
0x84: {  	_ =	shalt  }
0x85: {  	_ =	shalt  }
0x86: {  	_ =	shalt  }
0x87: {  	_ =	shalt  }
.Lfunc_end0:
.L_simem_size_0:
called_computation.3_lowered:
.L_overlay_start_0:
0x88: {  	s2 =	sld [smem:$0x3FD9]  }
0x89: {  	s3 =	sld [smem:$0x3FFE];
	_ =	sdelay $0x1  }
0x8a: {  	s1 =	srdreg.scid  }
0x8b: {  	s0 =	sand.u32 $0x1, s1  }
0x8c: {  	s16 =	sshll.u32 s0, $0xA;
	s2 =	sadd.s32 s3, s2  }
0x8d: {  	s2 =	sadd.s32 s2, s16  }
0x8e: {  	[smem:$0x3FBC] =	sst s2  }
0x8f: {  	_ = 	snop  }
0x90: {  	(tm) =	ssettm $0x1  }
0x91: {  	s17 =	sld [smem:$0x3FFB];
	_ =	sdelay $0x3  }
0x92: {  	_ =	strace s17  }
0x93: {  	s2 =	sld [smem:$0x3FFC];
	_ =	sdelay $0x3  }
0x94: {  	_ =	strace s2  }
0x95: {  	s2 =	sld [smem:$0x3FFD];
	_ =	sdelay $0x3  }
0x96: {  	_ =	strace s2  }
0x97: {  	_ =	strace $0x8FFFFFFF  }
0x98: {  	s18 =	sld [smem:$0x3FDB];
	_ =	sdelay $0x1  }
0x99: {  	s19 =	simm.s32 $_scs_section_size  }
0x9a: {  	s4 =	simm.s32 $_size__tile_overlayer_lowered;
	s5 =	simm.s32 $_tile_overlayer_lowered  }
0x9b: {  	s22 =	simm.s32 $0x1BFF;
	s21 =	sshll.u32 s5, $0x1;
	s2 =	sadd.s32 s19, s18  }
0x9c: {  	s6 =	simm.s32 $0x0;
	s20 =	sshll.u32 s4, $0x1;
	s4 =	sadd.s32 s21, s2  }
0x9d: {  	[timem:s6], [sflag:s22] =	dma.local [hbm:s4], s20  }
0x9e: {  	_ =	swait.ge [sflag:s22], s20  }
0x9f: {  	s3 =	ssub.s32 $0x0, s20;
	[sflag:s22] =	ssyncset.done $0x0  }
0xa0: {  	[sflag:s22] =	ssyncadd.s32 s3;
	_ =	sdelay $0x1  }
0xa1: {  	s23 =	simm.s32 $0x1B8B  }
0xa2: {  	_ =	swait.ge [sflag:s23], $0x1  }
0xa3: {  	[sflag:s23] =	ssyncset.done $0x0  }
0xa4: {  	s25 =	simm.s32 $0x1B8E;
	s24 =	sld [smem:$0x3FFE];
	[sflag:s23] =	ssyncadd.s32 $0xFFFFFFFF  }
0xa5: {  	s26 =	simm.s32 $execute0_lowered;
	[smem:$0x3FD2] =	sst s25  }
0xa6: {  	s4 =	sshll.u32 s26, $0x1;
	_ =	strace $0x8000004F;
	[dreg:$0x1] =	wrdreg $0xFFFFFFFF  }
0xa7: {  	s28 =	simm.s32 $_size_execute0_lowered;
	s2 =	sadd.s32 s2, s4;
	[dreg:$0x0] =	wrdreg $0x0  }
0xa8: {  	s4 =	sshll.u32 s28, $0x1;
	[dreg:$0x2] =	wrdreg s2  }
0xa9: {  	[dreg:$0x3] =	wrdreg s4  }
0xaa: {  	[dreg:$0x4] =	wrdreg $0xC0  }
0xab: {  	_ =	task [dreg:s6], $0x5FFFF  }
0xac: {  	[dreg:$0x1] =	wrdreg $0xFFFFFFFF  }
0xad: {  	[dreg:$0x0] =	wrdreg $0x60  }
0xae: {  	[dreg:$0x2] =	wrdreg s24  }
0xaf: {  	[dreg:$0x3] =	wrdreg $0x146000  }
0xb0: {  	[dreg:$0x4] =	wrdreg $0x9  }
0xb1: {  	_ =	task.clear_ibuf [dreg:s6], $0x5FFFF;
	_ =	strace $0x9000004F  }
0xb2: {  	s29 =	simm.s32 $0x9;
	_ =	strace $0x80000051  }
0xb3: {  	_ =	swait.ge [sflag:s29], $0x1  }
0xb4: {  	[sflag:s29] =	ssyncadd.s32 $0xFFFFFFFF  }
0xb5: {  	_ =	strace $0x90000051  }
0xb6: {  	_ =	sfence  }
0xb7: {  	s30 =	sld [smem:$0x0];
	_ =	sdelay $0x2  }
0xb8: {  	s31 =	sshll.u32 s1, $0xD;
	s1 =	sshrl.u32 s1, $0x2  }
0xb9: {  	s3 =	sand.u32 $0x4000, s31;
	s1 =	sadd.s32 s1, s30  }
0xba: {  	s0 =	sor.u32 s3, s0;
	s1 =	sshll.u32 s1, $0x11  }
0xbb: {  	s0 =	sor.u32 s1, s0  }
0xbc: {  	s0 =	sadd.s32 $0x8F2B, s0  }
0xbd: {  	[sflag:s0] =	ssyncadd.remote.s32 $0x1  }
0xbe: {  	_ =	sfence.sel $0xFFFF  }
0xbf: {  	[dreg:$0x0] =	wrdreg $0xFFFFFFFF;
	(pc) =	sbr.abs _section_cstart, $3  }
0xc0: {  	[dreg:$0x1] =	wrdreg $0xFFFFFFFF  }
0xc1: {  	_ =	task.clear_ibuf [dreg:s6], $0x2FFFF;
	_ =	strace $0x9FFFFFFF  }
0xc2: {  	(tm) =	ssettm $0x7FFFFFFF  }
0xc3: {  	_ =	shalt  }
tec
execute0_lowered:
.L_overlay_start_1:
0x0: {  	(tag) =	ssettag $0x1  }
0x1: {  	s0 =	rddreg [dreg:$0x0]  }
0x2: {  	s1 =	rddreg [dreg:$0x1]  }
0x3: {  	s2 =	srdreg.scid;
	s3 =	simm.s32 $0x0;
	s17 =	stileid.u32  }
0x4: {  	s16 =	simm.s32 $0x7;
	s28 =	simm.s32 $0xE600;
	s15 =	smul.u32 $0xA000, s17  }
0x5: {  	s30 =	simm.s32 $0x10600;
	s31 =	simm.s32 $0x12600;
	s9 =	smul.u32 $0x28000, s17  }
0x6: {  	s5 =	sand.u32 $0x1, s2;
	[smem:$0x7FF] =	sst s3;
	s19 =	smul.u32 $0x660, s17  }
0x7: {  	s4 =	sadd.s32 $0x20E00, s0;
	s12 =	sadd.s32 $0x16600, s0;
	s10 =	smul.u32 $0x2100, s17  }
0x8: {  	s13 =	sadd.s32 $0x1E00, s0;
	s17 =	simm.s32 $0x6;
	s6 =	smul.u32 $0xA0000, s5  }
0x9: {  	_ =	strace $0x80000050;
	s7 =	ssub.s32 $0x2, s5;
	p0 =	seq.s32 s5, $0x1  }
0xa: {  	s8 =	sshrl.u32 s7, $0x1;
	s20 =	sshrl.u32 s9, $0x2;
	s21 =	sadd.s32 s12, s19  }
0xb: {  	s22 =	sadd.s32 s13, s19;
	s24 =	sshrl.u32 s10, $0x3;
	s29 =	sadd.s32 s15, s1  }
0xc: {  	s19 =	simm.s32 $0x6600;
	s6 =	sadd.s32 s15, s6;
	[dreg:$0x3] =	wrdreg s21  }
0xd: {  	s18 =	ssub.s32 s7, s8;
	[dreg:$0x4] =	wrdreg s22;
	s7 =	sadd.s32 s20, s1  }
0xe: {  	s5 =	sadd.s32 $0x6600, s24;
	s22 =	simm.s32 $0xA600;
	s6 =	sshrl.u32 s6, $0x3  }
0xf: {  	s23 =	sadd.s32 $0x2000, s7;
	s9 =	sadd.s32 $0x4000, s7;
	s10 =	sadd.s32 $0x6000, s7  }
.Ltmp0:
0x10: {  	s11 =	sadd.s32 $0x8000, s7;
	s25 =	sadd.s32 s12, s5;
	(pc) =	sbr.rel .LBB2_1-.Ltmp0, $4  }
0x11: {  	s26 =	sadd.s32 s13, s5;
	s15 =	smax.u32 s18, $0x1;
	[dreg:$0x5] =	wrdreg s23  }
0x12: {  	s18 =	simm.s32 $0x80;
	s5 =	simm.s32 $0x3;
	[dreg:$0x6] =	wrdreg s25  }
0x13: {  	s0 =	sadd.s32 s6, s0;
	[dreg:$0x7] =	wrdreg s26;
	s25 =	sshrl.u32 s29, $0x3  }
0x14: {  	v0 =	vimm.f32 $0.0e+00;
	s6 =	simm.s32 $0x5;
	s14 =	sadd.s32 $0x34E00, s0;
	s0 =	simm.s32 $0x1  }
.LBB2_12:
0x15: {  	_ =	swait.ge [sflag:s17], $0x2000  }
0x16: {  	s2 =	sshra.s32 s20, $0x2;
	[sflag:s17] =	ssyncset.done $0x0  }
0x17: {  	s2 =	sadd.s32 $0x3580, s2;
	[sflag:s17] =	ssyncadd.s32 $0xFFFFE000  }
0x18: {  	[spmem:s1] =	stream.indirect.scatter.add.f32 [tilespmem:s30], [sflag:$0x7], $0x40, s2, s18, $0xb8;
	[tilespmem:$0x1E600] =	vst v63  }
0x19: {  	_ =	swait.ge [sflag:s16], $0x2000  }
0x1a: {  	s29 =	stileid.u32;
	s3 =	sadd.s32 $0x1, s3;
	[sflag:s16] =	ssyncset.done $0x0  }
0x1b: {  	p1 =	sne.s32 s3, s15;
	s2 =	sshll.u32 s29, $0x6;
	[sflag:s16] =	ssyncadd.s32 $0xFFFFE000  }
.Ltmp1:
0x1c: {  	s2 =	sor.u32 $0x1C07, s2;
	[bflag:$0x0] =	sbarrier.arrive $0xFFFF;
	(pc) =	sbr.rel @!p1 .LBB2_13-.Ltmp1, $4  }
0x1d: {  	[hbm:s14], [sflag:s2] =	dma.local [spmem:s25], $0x1400  }
0x1e: {  	_ =	swait.ge [sflag:s16], $0x1400  }
0x1f: {  	[sflag:s16] =	ssyncset.done $0x0  }
0x20: {  	[sflag:s16] =	ssyncadd.s32 $0xFFFFEC00  }
.LBB2_1:
.Ltmp2:
0x21: {  	(pc) =	sbr.rel @!p0 .LBB2_2-.Ltmp2, $1  }
0x22: {  	_ =	sdelay $0x3  }
0x23: {  	s2 =	simm.s32 $0x0;
	s8 =	rddreg [dreg:$0x6]  }
0x24: {  	[tilespmem:s2], [sflag:$0x7] =	stream.linear.gather [hbm4b:s8+s2], $0x2100, $0x38;
	[tilespmem:$0x1E600] =	vst v63  }
0x25: {  	_ =	swait.ge [sflag:s16], $0x2100  }
0x26: {  	[sflag:s16] =	ssyncset.done $0x0  }
0x27: {  	s12 =	simm.s32 $0x3300;
	s13 =	rddreg [dreg:$0x7];
	[sflag:s16] =	ssyncadd.s32 $0xFFFFDF00  }
0x28: {  	[tilespmem:s12], [sflag:$0x7] =	stream.linear.gather [hbm4b:s13+s2], $0x2100, $0x38;
	[tilespmem:$0x1E600] =	vst v63  }
0x29: {  	_ =	swait.ge [sflag:s16], $0x2100  }
0x2a: {  	[sflag:s16] =	ssyncset.done $0x0  }
0x2b: {  	[sflag:s16] =	ssyncadd.s32 $0xFFFFDF00  }
0x2c: {  	[tilespmem:s19], [sflag:$0x1] =	stream.indirect.gather [hbm4b:s4+s18], $0x40, s2, s18, $0xb8;
	[tilespmem:$0x1E600] =	vst v63  }
0x2d: {  	s20 =	simm.s32 $0x8600  }
0x2e: {  	[tilespmem:s20], [sflag:$0x2] =	stream.indirect.gather [hbm4b:s4+s18], $0x40, s18, s18, $0xb8;
	[tilespmem:$0x1E600] =	vst v63  }
0x2f: {  	s21 =	simm.s32 $0x100  }
0x30: {  	[tilespmem:s22], [sflag:$0x3] =	stream.indirect.gather [hbm4b:s4+s18], $0x40, s21, s18, $0xb8;
	[tilespmem:$0x1E600] =	vst v63  }
0x31: {  	s23 =	simm.s32 $0x180;
	s24 =	simm.s32 $0xC600  }
0x32: {  	[tilespmem:s24], [sflag:$0x4] =	stream.indirect.gather [hbm4b:s4+s18], $0x40, s23, s18, $0xb8;
	[tilespmem:$0x1E600] =	vst v63  }
0x33: {  	s26 =	simm.s32 $0x200  }
0x34: {  	[tilespmem:s28], [sflag:$0x5] =	stream.indirect.gather [hbm4b:s4+s18], $0x40, s26, s18, $0xb8;
	[tilespmem:$0x1E600] =	vst v63  }
0x35: {  	s29 =	simm.s32 $0x280;
	s20 =	simm.s32 $0x0;
	s21 =	simm.s32 $0x100  }
0x36: {  	[tilespmem:s30], [sflag:$0x6] =	stream.indirect.gather [hbm4b:s4+s18], $0x40, s29, s18, $0xb8;
	[tilespmem:$0x1E600] =	vst v63  }
.LBB2_8:
0x37: {  	p1 =	sne.s32 s21, $0x7F00;
	[tilespmem:s20+$0x12630] =	vst v0;
	s2 =	smov.u32 s21;
	s21 =	sadd.s32 $0x100, s21  }
.Ltmp3:
0x38: {  	[tilespmem:s20+$0x12620] =	vst v0;
	(pc) =	sbr.rel @p1 .LBB2_8-.Ltmp3, $3  }
0x39: {  	[tilespmem:s20+$0x12600] =	vst v0  }
0x3a: {  	[tilespmem:s20+$0x12610] =	vst v0;
	_ =	sdelay $0x1  }
0x3b: {  	s20 =	sshra.s32 s2, $0x2  }
0x3c: {  	[tilespmem:s20+$0x12630] =	vst v0  }
0x3d: {  	[tilespmem:s20+$0x12620] =	vst v0  }
0x3e: {  	[tilespmem:s20+$0x12600] =	vst v0  }
0x3f: {  	[tilespmem:s20+$0x12610] =	vst v0  }
0x40: {  	[spmem:s7] =	stream.linear.scatter [tilespmem:s31], [sflag:$0x7], $0x2000, $0x38;
	[tilespmem:$0x1E600] =	vst v63  }
0x41: {  	_ =	swait.ge [sflag:s16], $0x2000  }
0x42: {  	[sflag:s16] =	ssyncset.done $0x0  }
0x43: {  	s2 =	rddreg [dreg:$0x5];
	[sflag:s16] =	ssyncadd.s32 $0xFFFFE000  }
0x44: {  	[spmem:s2] =	stream.linear.scatter [tilespmem:s31], [sflag:$0x7], $0x2000, $0x38;
	[tilespmem:$0x1E600] =	vst v63  }
0x45: {  	_ =	swait.ge [sflag:s16], $0x2000  }
0x46: {  	[sflag:s16] =	ssyncset.done $0x0  }
0x47: {  	[sflag:s16] =	ssyncadd.s32 $0xFFFFE000  }
0x48: {  	[spmem:s9] =	stream.linear.scatter [tilespmem:s31], [sflag:$0x7], $0x2000, $0x38;
	[tilespmem:$0x1E600] =	vst v63  }
0x49: {  	_ =	swait.ge [sflag:s16], $0x2000  }
0x4a: {  	[sflag:s16] =	ssyncset.done $0x0  }
0x4b: {  	[sflag:s16] =	ssyncadd.s32 $0xFFFFE000  }
0x4c: {  	[spmem:s10] =	stream.linear.scatter [tilespmem:s31], [sflag:$0x7], $0x2000, $0x38;
	[tilespmem:$0x1E600] =	vst v63  }
0x4d: {  	_ =	swait.ge [sflag:s16], $0x2000  }
0x4e: {  	[sflag:s16] =	ssyncset.done $0x0  }
0x4f: {  	[sflag:s16] =	ssyncadd.s32 $0xFFFFE000  }
0x50: {  	[spmem:s11] =	stream.linear.scatter [tilespmem:s31], [sflag:$0x7], $0x2000, $0x38;
	[tilespmem:$0x1E600] =	vst v63  }
0x51: {  	_ =	swait.ge [sflag:s16], $0x2000  }
0x52: {  	[sflag:s16] =	ssyncset.done $0x0  }
0x53: {  	[sflag:s16] =	ssyncadd.s32 $0xFFFFE000  }
0x54: {  	s20 =	simm.s32 $0x0;
	[bflag:$0x0] =	sbarrier.arrive $0xFFFF  }
.LBB2_10:
0x55: {  	_ =	swait.ge [sflag:s0], $0x2000  }
0x56: {  	s21 =	sshra.s32 s20, $0x2;
	[sflag:s0] =	ssyncset.done $0x0  }
0x57: {  	s2 =	sadd.s32 $0x3300, s21;
	[sflag:s0] =	ssyncadd.s32 $0xFFFFE000  }
0x58: {  	[spmem:s1] =	stream.indirect.scatter.add.f32 [tilespmem:s19], [sflag:$0x7], $0x40, s2, s18, $0xb8;
	[tilespmem:$0x1E600] =	vst v63  }
0x59: {  	_ =	swait.ge [sflag:s16], $0x2000  }
0x5a: {  	p1 =	seq.s32 s20, $0x7800;
	[sflag:s16] =	ssyncset.done $0x0  }
0x5b: {  	s2 =	simm.s32 @p1 $0x2;
	[sflag:s16] =	ssyncadd.s32 $0xFFFFE000  }
0x5c: {  	_ =	swait.ge @p1 [sflag:s2], $0x2000  }
0x5d: {  	[sflag:s2] =	ssyncset.done @p1 $0x0  }
0x5e: {  	[sflag:s2] =	ssyncadd.s32 @p1 $0xFFFFE000;
	s2 =	sshra.s32 @p1 s20, $0x2  }
0x5f: {  	s12 =	simm.s32 @p1 $0x80;
	s13 =	simm.s32 @p1 $0x8600;
	s8 =	sadd.s32 @p1 $0x3380, s2  }
0x60: {  	[spmem:s1] =	stream.indirect.scatter.add.f32 @p1 [tilespmem:s13], [sflag:$0x7], $0x40, s8, s12, $0xb8;
	[tilespmem:$0x1E600] =	vst v63  }
0x61: {  	s8 =	simm.s32 @p1 $0x7  }
0x62: {  	_ =	swait.ge @p1 [sflag:s8], $0x2000  }
0x63: {  	s24 =	simm.s32 @!p1 $0x80;
	s13 =	sshra.s32 @!p1 s20, $0x2;
	[sflag:s8] =	ssyncset.done @p1 $0x0  }
0x64: {  	s26 =	simm.s32 @!p1 $0x6600;
	s23 =	sadd.s32 @!p1 $0x300, s13;
	[sflag:s8] =	ssyncadd.s32 @p1 $0xFFFFE000  }
0x65: {  	[tilespmem:s26], [sflag:$0x1] =	stream.indirect.gather @!p1 [hbm4b:s4+s24], $0x40, s23, s24, $0xb8;
	[tilespmem:$0x1E600] =	vst v63  }
0x66: {  	s23 =	simm.s32 @!p1 $0x2  }
0x67: {  	_ =	swait.ge @!p1 [sflag:s23], $0x2000  }
0x68: {  	[sflag:s23] =	ssyncset.done @!p1 $0x0  }
0x69: {  	s26 =	simm.s32 @!p1 $0x8600;
	[sflag:s23] =	ssyncadd.s32 @!p1 $0xFFFFE000;
	s23 =	sadd.s32 @!p1 $0x3380, s13  }
0x6a: {  	[spmem:s1] =	stream.indirect.scatter.add.f32 @!p1 [tilespmem:s26], [sflag:$0x7], $0x40, s23, s24, $0xb8;
	[tilespmem:$0x1E600] =	vst v63  }
0x6b: {  	s23 =	simm.s32 @!p1 $0x7  }
0x6c: {  	_ =	swait.ge @!p1 [sflag:s23], $0x2000  }
0x6d: {  	[sflag:s23] =	ssyncset.done @!p1 $0x0  }
0x6e: {  	s29 =	sadd.s32 @!p1 $0x380, s13;
	[sflag:s23] =	ssyncadd.s32 @!p1 $0xFFFFE000  }
0x6f: {  	[tilespmem:s26], [sflag:$0x2] =	stream.indirect.gather @!p1 [hbm4b:s4+s24], $0x40, s29, s24, $0xb8;
	[tilespmem:$0x1E600] =	vst v63  }
0x70: {  	_ =	swait.ge [sflag:s5], $0x2000  }
0x71: {  	[sflag:s5] =	ssyncset.done $0x0  }
0x72: {  	s29 =	sadd.s32 $0x3400, s21;
	[sflag:s5] =	ssyncadd.s32 $0xFFFFE000  }
0x73: {  	[spmem:s1] =	stream.indirect.scatter.add.f32 [tilespmem:s22], [sflag:$0x7], $0x40, s29, s18, $0xb8;
	[tilespmem:$0x1E600] =	vst v63  }
0x74: {  	_ =	swait.ge [sflag:s16], $0x2000  }
0x75: {  	[sflag:s16] =	ssyncset.done $0x0  }
0x76: {  	s26 =	simm.s32 @p1 $0x4;
	[sflag:s16] =	ssyncadd.s32 $0xFFFFE000  }
0x77: {  	_ =	swait.ge @p1 [sflag:s26], $0x2000  }
0x78: {  	[sflag:s26] =	ssyncset.done @p1 $0x0  }
0x79: {  	s2 =	sadd.s32 @p1 $0x3480, s2;
	[sflag:s26] =	ssyncadd.s32 @p1 $0xFFFFE000;
	s26 =	simm.s32 @p1 $0xC600  }
0x7a: {  	[spmem:s1] =	stream.indirect.scatter.add.f32 @p1 [tilespmem:s26], [sflag:$0x7], $0x40, s2, s12, $0xb8;
	[tilespmem:$0x1E600] =	vst v63  }
0x7b: {  	_ =	swait.ge @p1 [sflag:s8], $0x2000  }
0x7c: {  	[sflag:s8] =	ssyncset.done @p1 $0x0  }
0x7d: {  	s2 =	sadd.s32 @!p1 $0x400, s13;
	[sflag:s8] =	ssyncadd.s32 @p1 $0xFFFFE000;
	s8 =	simm.s32 @!p1 $0xA600  }
0x7e: {  	[tilespmem:s8], [sflag:$0x3] =	stream.indirect.gather @!p1 [hbm4b:s4+s24], $0x40, s2, s24, $0xb8;
	[tilespmem:$0x1E600] =	vst v63  }
0x7f: {  	s2 =	simm.s32 @!p1 $0x4  }
0x80: {  	_ =	swait.ge @!p1 [sflag:s2], $0x2000  }
0x81: {  	[sflag:s2] =	ssyncset.done @!p1 $0x0  }
0x82: {  	s8 =	simm.s32 @!p1 $0xC600;
	[sflag:s2] =	ssyncadd.s32 @!p1 $0xFFFFE000;
	s2 =	sadd.s32 @!p1 $0x3480, s13  }
0x83: {  	[spmem:s1] =	stream.indirect.scatter.add.f32 @!p1 [tilespmem:s8], [sflag:$0x7], $0x40, s2, s24, $0xb8;
	[tilespmem:$0x1E600] =	vst v63  }
0x84: {  	_ =	swait.ge @!p1 [sflag:s23], $0x2000  }
0x85: {  	[sflag:s23] =	ssyncset.done @!p1 $0x0  }
0x86: {  	s2 =	sadd.s32 @!p1 $0x480, s13;
	[sflag:s23] =	ssyncadd.s32 @!p1 $0xFFFFE000  }
0x87: {  	[tilespmem:s8], [sflag:$0x4] =	stream.indirect.gather @!p1 [hbm4b:s4+s24], $0x40, s2, s24, $0xb8;
	[tilespmem:$0x1E600] =	vst v63  }
0x88: {  	_ =	swait.ge [sflag:s6], $0x2000  }
0x89: {  	[sflag:s6] =	ssyncset.done $0x0  }
.Ltmp4:
0x8a: {  	s29 =	sadd.s32 $0x3500, s21;
	[sflag:s6] =	ssyncadd.s32 $0xFFFFE000;
	(pc) =	sbr.rel @p1 .LBB2_12-.Ltmp4, $4  }
0x8b: {  	[spmem:s1] =	stream.indirect.scatter.add.f32 [tilespmem:s28], [sflag:$0x7], $0x40, s29, s18, $0xb8;
	[tilespmem:$0x1E600] =	vst v63  }
0x8c: {  	_ =	swait.ge [sflag:s16], $0x2000  }
0x8d: {  	[sflag:s16] =	ssyncset.done $0x0  }
0x8e: {  	[sflag:s16] =	ssyncadd.s32 $0xFFFFE000  }
0x8f: {  	s2 =	sadd.s32 $0x500, s21  }
0x90: {  	[tilespmem:s28], [sflag:$0x5] =	stream.indirect.gather [hbm4b:s4+s18], $0x40, s2, s18, $0xb8;
	[tilespmem:$0x1E600] =	vst v63  }
0x91: {  	_ =	swait.ge [sflag:s17], $0x2000  }
0x92: {  	[sflag:s17] =	ssyncset.done $0x0  }
0x93: {  	s26 =	sadd.s32 $0x3580, s21;
	[sflag:s17] =	ssyncadd.s32 $0xFFFFE000  }
0x94: {  	[spmem:s1] =	stream.indirect.scatter.add.f32 [tilespmem:s30], [sflag:$0x7], $0x40, s26, s18, $0xb8;
	[tilespmem:$0x1E600] =	vst v63  }
.Ltmp5:
0x95: {  	_ = 	snop;
	(pc) =	sbr.rel .LBB2_10-.Ltmp5, $4  }
0x96: {  	_ =	swait.ge [sflag:s16], $0x2000  }
0x97: {  	[sflag:s16] =	ssyncset.done $0x0  }
0x98: {  	s29 =	sadd.s32 $0x580, s21;
	s20 =	sadd.s32 $0xC00, s20;
	[sflag:s16] =	ssyncadd.s32 $0xFFFFE000  }
0x99: {  	[tilespmem:s30], [sflag:$0x6] =	stream.indirect.gather [hbm4b:s4+s18], $0x40, s29, s18, $0xb8;
	[tilespmem:$0x1E600] =	vst v63  }
.LBB2_2:
0x9a: {  	s20 =	simm.s32 $0x0;
	s2 =	rddreg [dreg:$0x3]  }
0x9b: {  	[tilespmem:s20], [sflag:$0x7] =	stream.linear.gather [hbm4b:s2+s20], $0x3300, $0x38;
	[tilespmem:$0x1E600] =	vst v63  }
0x9c: {  	_ =	swait.ge [sflag:s16], $0x3300  }
0x9d: {  	[sflag:s16] =	ssyncset.done $0x0  }
0x9e: {  	s8 =	simm.s32 $0x3300;
	s13 =	rddreg [dreg:$0x4];
	[sflag:s16] =	ssyncadd.s32 $0xFFFFCD00  }
0x9f: {  	[tilespmem:s8], [sflag:$0x7] =	stream.linear.gather [hbm4b:s13+s20], $0x3300, $0x38;
	[tilespmem:$0x1E600] =	vst v63  }
0xa0: {  	_ =	swait.ge [sflag:s16], $0x3300  }
0xa1: {  	[sflag:s16] =	ssyncset.done $0x0  }
0xa2: {  	[sflag:s16] =	ssyncadd.s32 $0xFFFFCD00  }
0xa3: {  	[tilespmem:s19], [sflag:$0x1] =	stream.indirect.gather [hbm4b:s4+s18], $0x40, s20, s18, $0xb8;
	[tilespmem:$0x1E600] =	vst v63  }
0xa4: {  	s20 =	simm.s32 $0x8600  }
0xa5: {  	[tilespmem:s20], [sflag:$0x2] =	stream.indirect.gather [hbm4b:s4+s18], $0x40, s18, s18, $0xb8;
	[tilespmem:$0x1E600] =	vst v63  }
0xa6: {  	s21 =	simm.s32 $0x100  }
0xa7: {  	[tilespmem:s22], [sflag:$0x3] =	stream.indirect.gather [hbm4b:s4+s18], $0x40, s21, s18, $0xb8;
	[tilespmem:$0x1E600] =	vst v63  }
0xa8: {  	s23 =	simm.s32 $0x180;
	s24 =	simm.s32 $0xC600  }
0xa9: {  	[tilespmem:s24], [sflag:$0x4] =	stream.indirect.gather [hbm4b:s4+s18], $0x40, s23, s18, $0xb8;
	[tilespmem:$0x1E600] =	vst v63  }
0xaa: {  	s26 =	simm.s32 $0x200  }
0xab: {  	[tilespmem:s28], [sflag:$0x5] =	stream.indirect.gather [hbm4b:s4+s18], $0x40, s26, s18, $0xb8;
	[tilespmem:$0x1E600] =	vst v63  }
0xac: {  	s29 =	simm.s32 $0x280;
	s20 =	simm.s32 $0x0;
	s21 =	simm.s32 $0x100  }
0xad: {  	[tilespmem:s30], [sflag:$0x6] =	stream.indirect.gather [hbm4b:s4+s18], $0x40, s29, s18, $0xb8;
	[tilespmem:$0x1E600] =	vst v63  }
.LBB2_3:
0xae: {  	p1 =	sne.s32 s21, $0x7F00;
	[tilespmem:s20+$0x12630] =	vst v0;
	s12 =	smov.u32 s21;
	s21 =	sadd.s32 $0x100, s21  }
.Ltmp6:
0xaf: {  	[tilespmem:s20+$0x12620] =	vst v0;
	(pc) =	sbr.rel @p1 .LBB2_3-.Ltmp6, $3  }
0xb0: {  	[tilespmem:s20+$0x12600] =	vst v0  }
0xb1: {  	[tilespmem:s20+$0x12610] =	vst v0;
	_ =	sdelay $0x1  }
0xb2: {  	s20 =	sshra.s32 s12, $0x2  }
0xb3: {  	[tilespmem:s20+$0x12630] =	vst v0  }
0xb4: {  	[tilespmem:s20+$0x12620] =	vst v0  }
0xb5: {  	[tilespmem:s20+$0x12600] =	vst v0  }
0xb6: {  	[tilespmem:s20+$0x12610] =	vst v0  }
0xb7: {  	[spmem:s7] =	stream.linear.scatter [tilespmem:s31], [sflag:$0x7], $0x2000, $0x38;
	[tilespmem:$0x1E600] =	vst v63  }
0xb8: {  	_ =	swait.ge [sflag:s16], $0x2000  }
0xb9: {  	[sflag:s16] =	ssyncset.done $0x0  }
0xba: {  	s2 =	rddreg [dreg:$0x5];
	[sflag:s16] =	ssyncadd.s32 $0xFFFFE000  }
0xbb: {  	[spmem:s2] =	stream.linear.scatter [tilespmem:s31], [sflag:$0x7], $0x2000, $0x38;
	[tilespmem:$0x1E600] =	vst v63  }
0xbc: {  	_ =	swait.ge [sflag:s16], $0x2000  }
0xbd: {  	[sflag:s16] =	ssyncset.done $0x0  }
0xbe: {  	[sflag:s16] =	ssyncadd.s32 $0xFFFFE000  }
0xbf: {  	[spmem:s9] =	stream.linear.scatter [tilespmem:s31], [sflag:$0x7], $0x2000, $0x38;
	[tilespmem:$0x1E600] =	vst v63  }
0xc0: {  	_ =	swait.ge [sflag:s16], $0x2000  }
0xc1: {  	[sflag:s16] =	ssyncset.done $0x0  }
0xc2: {  	[sflag:s16] =	ssyncadd.s32 $0xFFFFE000  }
0xc3: {  	[spmem:s10] =	stream.linear.scatter [tilespmem:s31], [sflag:$0x7], $0x2000, $0x38;
	[tilespmem:$0x1E600] =	vst v63  }
0xc4: {  	_ =	swait.ge [sflag:s16], $0x2000  }
0xc5: {  	[sflag:s16] =	ssyncset.done $0x0  }
0xc6: {  	[sflag:s16] =	ssyncadd.s32 $0xFFFFE000  }
0xc7: {  	[spmem:s11] =	stream.linear.scatter [tilespmem:s31], [sflag:$0x7], $0x2000, $0x38;
	[tilespmem:$0x1E600] =	vst v63  }
0xc8: {  	_ =	swait.ge [sflag:s16], $0x2000  }
0xc9: {  	[sflag:s16] =	ssyncset.done $0x0  }
0xca: {  	[sflag:s16] =	ssyncadd.s32 $0xFFFFE000  }
0xcb: {  	s20 =	simm.s32 $0x0;
	[bflag:$0x0] =	sbarrier.arrive $0xFFFF  }
.LBB2_5:
0xcc: {  	_ =	swait.ge [sflag:s0], $0x2000  }
0xcd: {  	s21 =	sshra.s32 s20, $0x2;
	[sflag:s0] =	ssyncset.done $0x0  }
0xce: {  	s12 =	sadd.s32 $0x3300, s21;
	[sflag:s0] =	ssyncadd.s32 $0xFFFFE000  }
0xcf: {  	[spmem:s1] =	stream.indirect.scatter.add.f32 [tilespmem:s19], [sflag:$0x7], $0x40, s12, s18, $0xb8;
	[tilespmem:$0x1E600] =	vst v63  }
0xd0: {  	_ =	swait.ge [sflag:s16], $0x2000  }
0xd1: {  	p1 =	seq.s32 s20, $0xC000;
	[sflag:s16] =	ssyncset.done $0x0  }
0xd2: {  	s12 =	simm.s32 @p1 $0x2;
	[sflag:s16] =	ssyncadd.s32 $0xFFFFE000  }
0xd3: {  	_ =	swait.ge @p1 [sflag:s12], $0x2000  }
0xd4: {  	[sflag:s12] =	ssyncset.done @p1 $0x0  }
0xd5: {  	[sflag:s12] =	ssyncadd.s32 @p1 $0xFFFFE000;
	s12 =	sshra.s32 @p1 s20, $0x2  }
0xd6: {  	s13 =	simm.s32 @p1 $0x80;
	s24 =	simm.s32 @p1 $0x8600;
	s23 =	sadd.s32 @p1 $0x3380, s12  }
0xd7: {  	[spmem:s1] =	stream.indirect.scatter.add.f32 @p1 [tilespmem:s24], [sflag:$0x7], $0x40, s23, s13, $0xb8;
	[tilespmem:$0x1E600] =	vst v63  }
0xd8: {  	s23 =	simm.s32 @p1 $0x7  }
0xd9: {  	_ =	swait.ge @p1 [sflag:s23], $0x2000  }
0xda: {  	s29 =	simm.s32 @!p1 $0x80;
	s24 =	sshra.s32 @!p1 s20, $0x2;
	[sflag:s23] =	ssyncset.done @p1 $0x0  }
0xdb: {  	s2 =	simm.s32 @!p1 $0x6600;
	s26 =	sadd.s32 @!p1 $0x300, s24;
	[sflag:s23] =	ssyncadd.s32 @p1 $0xFFFFE000  }
0xdc: {  	[tilespmem:s2], [sflag:$0x1] =	stream.indirect.gather @!p1 [hbm4b:s4+s29], $0x40, s26, s29, $0xb8;
	[tilespmem:$0x1E600] =	vst v63  }
0xdd: {  	s2 =	simm.s32 @!p1 $0x2  }
0xde: {  	_ =	swait.ge @!p1 [sflag:s2], $0x2000  }
0xdf: {  	[sflag:s2] =	ssyncset.done @!p1 $0x0  }
0xe0: {  	s26 =	simm.s32 @!p1 $0x8600;
	[sflag:s2] =	ssyncadd.s32 @!p1 $0xFFFFE000;
	s2 =	sadd.s32 @!p1 $0x3380, s24  }
0xe1: {  	[spmem:s1] =	stream.indirect.scatter.add.f32 @!p1 [tilespmem:s26], [sflag:$0x7], $0x40, s2, s29, $0xb8;
	[tilespmem:$0x1E600] =	vst v63  }
0xe2: {  	s2 =	simm.s32 @!p1 $0x7  }
0xe3: {  	_ =	swait.ge @!p1 [sflag:s2], $0x2000  }
0xe4: {  	[sflag:s2] =	ssyncset.done @!p1 $0x0  }
0xe5: {  	s8 =	sadd.s32 @!p1 $0x380, s24;
	[sflag:s2] =	ssyncadd.s32 @!p1 $0xFFFFE000  }
0xe6: {  	[tilespmem:s26], [sflag:$0x2] =	stream.indirect.gather @!p1 [hbm4b:s4+s29], $0x40, s8, s29, $0xb8;
	[tilespmem:$0x1E600] =	vst v63  }
0xe7: {  	_ =	swait.ge [sflag:s5], $0x2000  }
0xe8: {  	[sflag:s5] =	ssyncset.done $0x0  }
0xe9: {  	s26 =	sadd.s32 $0x3400, s21;
	[sflag:s5] =	ssyncadd.s32 $0xFFFFE000  }
0xea: {  	[spmem:s1] =	stream.indirect.scatter.add.f32 [tilespmem:s22], [sflag:$0x7], $0x40, s26, s18, $0xb8;
	[tilespmem:$0x1E600] =	vst v63  }
0xeb: {  	_ =	swait.ge [sflag:s16], $0x2000  }
0xec: {  	[sflag:s16] =	ssyncset.done $0x0  }
0xed: {  	s8 =	simm.s32 @p1 $0x4;
	[sflag:s16] =	ssyncadd.s32 $0xFFFFE000  }
0xee: {  	_ =	swait.ge @p1 [sflag:s8], $0x2000  }
0xef: {  	[sflag:s8] =	ssyncset.done @p1 $0x0  }
0xf0: {  	[sflag:s8] =	ssyncadd.s32 @p1 $0xFFFFE000;
	s8 =	sadd.s32 @p1 $0x3480, s12;
	s12 =	simm.s32 @p1 $0xC600  }
0xf1: {  	[spmem:s1] =	stream.indirect.scatter.add.f32 @p1 [tilespmem:s12], [sflag:$0x7], $0x40, s8, s13, $0xb8;
	[tilespmem:$0x1E600] =	vst v63  }
0xf2: {  	_ =	swait.ge @p1 [sflag:s23], $0x2000  }
0xf3: {  	[sflag:s23] =	ssyncset.done @p1 $0x0  }
0xf4: {  	s8 =	sadd.s32 @!p1 $0x400, s24;
	s12 =	simm.s32 @!p1 $0xA600;
	[sflag:s23] =	ssyncadd.s32 @p1 $0xFFFFE000  }
0xf5: {  	[tilespmem:s12], [sflag:$0x3] =	stream.indirect.gather @!p1 [hbm4b:s4+s29], $0x40, s8, s29, $0xb8;
	[tilespmem:$0x1E600] =	vst v63  }
0xf6: {  	s8 =	simm.s32 @!p1 $0x4  }
0xf7: {  	_ =	swait.ge @!p1 [sflag:s8], $0x2000  }
0xf8: {  	[sflag:s8] =	ssyncset.done @!p1 $0x0  }
0xf9: {  	s12 =	simm.s32 @!p1 $0xC600;
	[sflag:s8] =	ssyncadd.s32 @!p1 $0xFFFFE000;
	s8 =	sadd.s32 @!p1 $0x3480, s24  }
0xfa: {  	[spmem:s1] =	stream.indirect.scatter.add.f32 @!p1 [tilespmem:s12], [sflag:$0x7], $0x40, s8, s29, $0xb8;
	[tilespmem:$0x1E600] =	vst v63  }
0xfb: {  	_ =	swait.ge @!p1 [sflag:s2], $0x2000  }
0xfc: {  	[sflag:s2] =	ssyncset.done @!p1 $0x0  }
0xfd: {  	[sflag:s2] =	ssyncadd.s32 @!p1 $0xFFFFE000;
	s2 =	sadd.s32 @!p1 $0x480, s24  }
0xfe: {  	[tilespmem:s12], [sflag:$0x4] =	stream.indirect.gather @!p1 [hbm4b:s4+s29], $0x40, s2, s29, $0xb8;
	[tilespmem:$0x1E600] =	vst v63  }
0xff: {  	_ =	swait.ge [sflag:s6], $0x2000  }
0x100: {  	[sflag:s6] =	ssyncset.done $0x0  }
.Ltmp7:
0x101: {  	s29 =	sadd.s32 $0x3500, s21;
	[sflag:s6] =	ssyncadd.s32 $0xFFFFE000;
	(pc) =	sbr.rel @p1 .LBB2_12-.Ltmp7, $4  }
0x102: {  	[spmem:s1] =	stream.indirect.scatter.add.f32 [tilespmem:s28], [sflag:$0x7], $0x40, s29, s18, $0xb8;
	[tilespmem:$0x1E600] =	vst v63  }
0x103: {  	_ =	swait.ge [sflag:s16], $0x2000  }
0x104: {  	[sflag:s16] =	ssyncset.done $0x0  }
0x105: {  	[sflag:s16] =	ssyncadd.s32 $0xFFFFE000  }
0x106: {  	s2 =	sadd.s32 $0x500, s21  }
0x107: {  	[tilespmem:s28], [sflag:$0x5] =	stream.indirect.gather [hbm4b:s4+s18], $0x40, s2, s18, $0xb8;
	[tilespmem:$0x1E600] =	vst v63  }
0x108: {  	_ =	swait.ge [sflag:s17], $0x2000  }
0x109: {  	[sflag:s17] =	ssyncset.done $0x0  }
0x10a: {  	s26 =	sadd.s32 $0x3580, s21;
	[sflag:s17] =	ssyncadd.s32 $0xFFFFE000  }
0x10b: {  	[spmem:s1] =	stream.indirect.scatter.add.f32 [tilespmem:s30], [sflag:$0x7], $0x40, s26, s18, $0xb8;
	[tilespmem:$0x1E600] =	vst v63  }
.Ltmp8:
0x10c: {  	_ = 	snop;
	(pc) =	sbr.rel .LBB2_5-.Ltmp8, $4  }
0x10d: {  	_ =	swait.ge [sflag:s16], $0x2000  }
0x10e: {  	[sflag:s16] =	ssyncset.done $0x0  }
0x10f: {  	s29 =	sadd.s32 $0x580, s21;
	s20 =	sadd.s32 $0xC00, s20;
	[sflag:s16] =	ssyncadd.s32 $0xFFFFE000  }
0x110: {  	[tilespmem:s30], [sflag:$0x6] =	stream.indirect.gather [hbm4b:s4+s18], $0x40, s29, s18, $0xb8;
	[tilespmem:$0x1E600] =	vst v63  }
.LBB2_13:
0x111: {  	_ =	sfence.sel $0x180000  }
0x112: {  	[bflag:$0x0] =	sbarrier.arrive $0xFFFF  }
0x113: {  	_ =	strace $0x90000050  }
0x114: {  	s0 =	stileid.u32;
	[bflag:$0x2] =	sbarrier.arrive $0xFFFF  }
0x115: {  	p0 =	sne.s32 s0, $0x0;
	s0 =	rddreg [dreg:$0x2]  }
0x116: {  	s0 =	sadd.s32 @!p0 $0x100000, s0  }
0x117: {  	[sflag:s0] =	ssyncadd.tile.s32 @!p0 $0x1;
	_ =	shalt  }
.Lfunc_end2:
_tile_overlayer_lowered:
.L_overlay_start_2:
0x118: {  	(tag) =	ssettag $0x2  }
0x119: {  	s0 =	rddreg [dreg:$0x0];
	s2 =	stileid.u32  }
0x11a: {  	s1 =	rddreg [dreg:$0x1];
	p0 =	sne.s32 s2, $0x0  }
0x11b: {  	s3 =	rddreg [dreg:$0x2];
	[bflag:$0x3] =	sbarrier.arrive $0xFFFF;
	s2 =	simm.s32 @!p0 $0x1C07  }
0x11c: {  	[timem:s3], [sflag:s2] =	dma.local @!p0 [hbm:s0], s1  }
0x11d: {  	s0 =	simm.s32 @!p0 $0x7  }
0x11e: {  	_ =	swait.ge @!p0 [sflag:s0], s1  }
0x11f: {  	s1 =	ssub.s32 @!p0 $0x0, s1;
	[sflag:s0] =	ssyncset.done @!p0 $0x0  }
0x120: {  	[sflag:s0] =	ssyncadd.s32 @!p0 s1  }
0x121: {  	[bflag:$0x3] =	sbarrier.arrive $0xFFFF  }
0x122: {  	_ =	shalt  }

// kernel: gcn_sc_scatter_d64.5.cloned.1.call-start
scs
__scs_entry_jumppad:
0x0: {  	(pc) =	sbr.rel $0x88, $3  }
0x1: {  	(tag) =	ssettag $0x0;
	lr =	simm.s32 $0x1  }
0x2: {  	[smem:$0x3F95] =	sst lr;
	_ =	strace $0xD0000000  }
0x3: {  	_ = 	snop  }
0x4: {  	_ = 	snop  }
0x5: {  	_ = 	snop  }
0x6: {  	_ = 	snop  }
0x7: {  	_ = 	snop  }
__scs_overlays_trampoline_lowered:
0x8: {  	[smem:$0x3FA4] =	sst s0  }
0x9: {  	[smem:$0x3FA5] =	sst s1  }
0xa: {  	[smem:$0x3FA6] =	sst s2  }
0xb: {  	[smem:$0x3FA7] =	sst s3  }
0xc: {  	[smem:$0x3FA8] =	sst s4  }
0xd: {  	[smem:$0x3FA9] =	sst s5  }
0xe: {  	[smem:$0x3FAA] =	sst s6  }
0xf: {  	[smem:$0x3FAB] =	sst s7  }
0x10: {  	[smem:$0x3FAC] =	sst s8  }
0x11: {  	[smem:$0x3FAD] =	sst s9;
	s0 =	simm.s32 @!p0 $0x0  }
0x12: {  	s1 =	sld [smem:$0x3F93];
	s0 =	simm.s32 @p0 $0x1  }
0x13: {  	[smem:$0x3FAE] =	sst s0;
	s0 =	simm.s32 @!p1 $0x0  }
0x14: {  	s2 =	sld [smem:$0x3F92];
	s0 =	simm.s32 @p1 $0x1  }
0x15: {  	[smem:$0x3FAF] =	sst s0;
	s0 =	simm.s32 @!p2 $0x0  }
0x16: {  	s3 =	sld [smem:$0x3FDB];
	s0 =	simm.s32 @p2 $0x1  }
0x17: {  	s4 =	simm.s32 $0x1BF5;
	[smem:$0x3FB1] =	sst s0  }
0x18: {  	s0 =	sld [smem:$0x3F94];
	_ =	swait.ge [sflag:s4], $0x0  }
0x19: {  	s7 =	sld [smem:$0x3F95]  }
0x1a: {  	s8 =	sadd.s32 $0xFFFFE003, lr  }
0x1b: {  	s9 =	sadd.s32 $0xFFFFFEF7, lr;
	s5 =	simm.s32 $0xFFFFFFFF;
	p2 =	slt.u32 s8, $0xFFFFF086  }
0x1c: {  	p1 =	slt.u32 s9, $0xF7A;
	s5 =	simm.s32 @!p2 $0x0  }
0x1d: {  	s5 =	simm.s32 @p1 $0x1;
	p0 =	seq.s32 s7, s2  }
0x1e: {  	s7 =	smul.u32 @!p0 $0xF7A, s2;
	p2 =	seq.s32 @!p0 s5, $0x0  }
0x1f: {  	s9 =	smul.u32 $0xF7A, s1;
	s8 =	simm.s32 @!p0 $0x1BF5;
	p2 =	por !p2, p0  }
0x20: {  	[sflag:s8] =	ssyncset.s32 @!p0 $0xFFFFF086;
	s6 =	sadd.s32 @!p0 s3, s7;
	s7 =	simm.s32 @!p0 $0x108  }
0x21: {  	s3 =	sadd.s32 s3, s9;
	s6 =	sadd.s32 @!p0 $0x88, s6;
	s7 =	simm.s32 @p2 $0x1082  }
0x22: {  	[simem:s7], [sflag:s8] =	dma.local @!p0 [hbm:s6], $0xF7A  }
0x23: {  	s9 =	sor.u32 $0xD0000000, s2;
	s6 =	simm.s32 $0x108;
	_ =	swait.ge @!p0 [sflag:s8], $0x0  }
0x24: {  	s3 =	sadd.s32 $0x88, s3;
	s6 =	simm.s32 @!p1 $0x1082;
	[sflag:s4] =	ssyncset.s32 $0xFFFFF086  }
0x25: {  	[simem:s6], [sflag:s4] =	dma.local [hbm:s3], $0xF7A  }
0x26: {  	[smem:$0x3F95] =	sst s1;
	(tag) =	ssettag s2;
	_ =	strace s9  }
0x27: {  	s1 =	sld [smem:$0x3FA5]  }
0x28: {  	s2 =	sld [smem:$0x3FA6]  }
0x29: {  	s4 =	sld [smem:$0x3FA8]  }
0x2a: {  	p0 =	seq.s32 s5, $0x0;
	s5 =	sld [smem:$0x3FA9]  }
0x2b: {  	s6 =	sld [smem:$0x3FAA]  }
0x2c: {  	s7 =	sld [smem:$0x3FAB]  }
0x2d: {  	s3 =	simm.s32 $0x108;
	s8 =	sld [smem:$0x3FAC]  }
0x2e: {  	s3 =	simm.s32 @!p0 $0x1082;
	s9 =	sld [smem:$0x3FAD]  }
0x2f: {  	lr =	sadd.s32 s0, s3;
	s0 =	sld [smem:$0x3FA4]  }
0x30: {  	s3 =	sld [smem:$0x3FA7]  }
0x31: {  	[smem:$0x3FB0] =	sst s10  }
0x32: {  	s10 =	sld [smem:$0x3FAE];
	_ =	sdelay $0x3  }
0x33: {  	p0 =	seq.s32 s10, $0x1;
	s10 =	sld [smem:$0x3FB0];
	_ =	sdelay $0x3  }
0x34: {  	[smem:$0x3FB0] =	sst s10  }
0x35: {  	s10 =	sld [smem:$0x3FAF];
	_ =	sdelay $0x3  }
0x36: {  	p1 =	seq.s32 s10, $0x1;
	s10 =	sld [smem:$0x3FB0];
	_ =	sdelay $0x3  }
0x37: {  	[smem:$0x3FB0] =	sst s10  }
0x38: {  	s10 =	sld [smem:$0x3FB1]  }
0x39: {  	_ = 	snop;
	(pc) =	sbr.ind lr, $3  }
0x3a: {  	_ = 	snop  }
0x3b: {  	_ = 	snop  }
0x3c: {  	p2 =	seq.s32 s10, $0x1;
	s10 =	sld [smem:$0x3FB0]  }
0x3d: {  	_ =	shalt  }
0x3e: {  	_ =	shalt  }
0x3f: {  	_ =	shalt  }
0x40: {  	_ =	shalt  }
0x41: {  	_ =	shalt  }
0x42: {  	_ =	shalt  }
0x43: {  	_ =	shalt  }
0x44: {  	_ =	shalt  }
0x45: {  	_ =	shalt  }
0x46: {  	_ =	shalt  }
0x47: {  	_ =	shalt  }
0x48: {  	_ =	shalt  }
0x49: {  	_ =	shalt  }
0x4a: {  	_ =	shalt  }
0x4b: {  	_ =	shalt  }
0x4c: {  	_ =	shalt  }
0x4d: {  	_ =	shalt  }
0x4e: {  	_ =	shalt  }
0x4f: {  	_ =	shalt  }
0x50: {  	_ =	shalt  }
0x51: {  	_ =	shalt  }
0x52: {  	_ =	shalt  }
0x53: {  	_ =	shalt  }
0x54: {  	_ =	shalt  }
0x55: {  	_ =	shalt  }
0x56: {  	_ =	shalt  }
0x57: {  	_ =	shalt  }
0x58: {  	_ =	shalt  }
0x59: {  	_ =	shalt  }
0x5a: {  	_ =	shalt  }
0x5b: {  	_ =	shalt  }
0x5c: {  	_ =	shalt  }
0x5d: {  	_ =	shalt  }
0x5e: {  	_ =	shalt  }
0x5f: {  	_ =	shalt  }
0x60: {  	_ =	shalt  }
0x61: {  	_ =	shalt  }
0x62: {  	_ =	shalt  }
0x63: {  	_ =	shalt  }
0x64: {  	_ =	shalt  }
0x65: {  	_ =	shalt  }
0x66: {  	_ =	shalt  }
0x67: {  	_ =	shalt  }
0x68: {  	_ =	shalt  }
0x69: {  	_ =	shalt  }
0x6a: {  	_ =	shalt  }
0x6b: {  	_ =	shalt  }
0x6c: {  	_ =	shalt  }
0x6d: {  	_ =	shalt  }
0x6e: {  	_ =	shalt  }
0x6f: {  	_ =	shalt  }
0x70: {  	_ =	shalt  }
0x71: {  	_ =	shalt  }
0x72: {  	_ =	shalt  }
0x73: {  	_ =	shalt  }
0x74: {  	_ =	shalt  }
0x75: {  	_ =	shalt  }
0x76: {  	_ =	shalt  }
0x77: {  	_ =	shalt  }
0x78: {  	_ =	shalt  }
0x79: {  	_ =	shalt  }
0x7a: {  	_ =	shalt  }
0x7b: {  	_ =	shalt  }
0x7c: {  	_ =	shalt  }
0x7d: {  	_ =	shalt  }
0x7e: {  	_ =	shalt  }
0x7f: {  	_ =	shalt  }
0x80: {  	_ =	shalt  }
0x81: {  	_ =	shalt  }
0x82: {  	_ =	shalt  }
0x83: {  	_ =	shalt  }
0x84: {  	_ =	shalt  }
0x85: {  	_ =	shalt  }
0x86: {  	_ =	shalt  }
0x87: {  	_ =	shalt  }
.Lfunc_end0:
.L_simem_size_0:
called_computation.1_lowered:
.L_overlay_start_0:
0x88: {  	s2 =	sld [smem:$0x3FD9]  }
0x89: {  	s3 =	sld [smem:$0x3FFE];
	_ =	sdelay $0x1  }
0x8a: {  	s1 =	srdreg.scid  }
0x8b: {  	s0 =	sand.u32 $0x1, s1  }
0x8c: {  	s16 =	sshll.u32 s0, $0xA;
	s2 =	sadd.s32 s3, s2  }
0x8d: {  	s2 =	sadd.s32 s2, s16  }
0x8e: {  	[smem:$0x3FBC] =	sst s2  }
0x8f: {  	_ = 	snop  }
0x90: {  	(tm) =	ssettm $0x1  }
0x91: {  	s17 =	sld [smem:$0x3FFB];
	_ =	sdelay $0x3  }
0x92: {  	_ =	strace s17  }
0x93: {  	s2 =	sld [smem:$0x3FFC];
	_ =	sdelay $0x3  }
0x94: {  	_ =	strace s2  }
0x95: {  	s2 =	sld [smem:$0x3FFD];
	_ =	sdelay $0x3  }
0x96: {  	_ =	strace s2  }
0x97: {  	_ =	strace $0x8FFFFFFF  }
0x98: {  	s18 =	sld [smem:$0x3FDB];
	_ =	sdelay $0x1  }
0x99: {  	s19 =	simm.s32 $_scs_section_size  }
0x9a: {  	s4 =	simm.s32 $_size__tile_overlayer_lowered;
	s5 =	simm.s32 $_tile_overlayer_lowered  }
0x9b: {  	s22 =	simm.s32 $0x1BFF;
	s21 =	sshll.u32 s5, $0x1;
	s2 =	sadd.s32 s19, s18  }
0x9c: {  	s6 =	simm.s32 $0x0;
	s20 =	sshll.u32 s4, $0x1;
	s4 =	sadd.s32 s21, s2  }
0x9d: {  	[timem:s6], [sflag:s22] =	dma.local [hbm:s4], s20  }
0x9e: {  	_ =	swait.ge [sflag:s22], s20  }
0x9f: {  	s3 =	ssub.s32 $0x0, s20;
	[sflag:s22] =	ssyncset.done $0x0  }
0xa0: {  	[sflag:s22] =	ssyncadd.s32 s3;
	_ =	sdelay $0x1  }
0xa1: {  	s23 =	simm.s32 $0x1B8B  }
0xa2: {  	_ =	swait.ge [sflag:s23], $0x1  }
0xa3: {  	[sflag:s23] =	ssyncset.done $0x0  }
0xa4: {  	s25 =	simm.s32 $0x1B8E;
	s24 =	sld [smem:$0x3FFE];
	[sflag:s23] =	ssyncadd.s32 $0xFFFFFFFF  }
0xa5: {  	s26 =	simm.s32 $execute0_lowered;
	[smem:$0x3FD2] =	sst s25  }
0xa6: {  	s4 =	sshll.u32 s26, $0x1;
	_ =	strace $0x80000049;
	[dreg:$0x1] =	wrdreg $0xFFFFFFFF  }
0xa7: {  	s28 =	simm.s32 $_size_execute0_lowered;
	s2 =	sadd.s32 s2, s4;
	[dreg:$0x0] =	wrdreg $0x0  }
0xa8: {  	s4 =	sshll.u32 s28, $0x1;
	[dreg:$0x2] =	wrdreg s2  }
0xa9: {  	[dreg:$0x3] =	wrdreg s4  }
0xaa: {  	[dreg:$0x4] =	wrdreg $0xC0  }
0xab: {  	_ =	task [dreg:s6], $0x5FFFF  }
0xac: {  	[dreg:$0x1] =	wrdreg $0xFFFFFFFF  }
0xad: {  	[dreg:$0x0] =	wrdreg $0x60  }
0xae: {  	[dreg:$0x2] =	wrdreg s24  }
0xaf: {  	[dreg:$0x3] =	wrdreg $0x146000  }
0xb0: {  	[dreg:$0x4] =	wrdreg $0x9  }
0xb1: {  	_ =	task.clear_ibuf [dreg:s6], $0x5FFFF;
	_ =	strace $0x90000049  }
0xb2: {  	s29 =	simm.s32 $0x9;
	_ =	strace $0x8000004B  }
0xb3: {  	_ =	swait.ge [sflag:s29], $0x1  }
0xb4: {  	[sflag:s29] =	ssyncadd.s32 $0xFFFFFFFF  }
0xb5: {  	_ =	strace $0x9000004B  }
0xb6: {  	_ =	sfence  }
0xb7: {  	s30 =	sld [smem:$0x0];
	_ =	sdelay $0x2  }
0xb8: {  	s31 =	sshll.u32 s1, $0xD;
	s1 =	sshrl.u32 s1, $0x2  }
0xb9: {  	s3 =	sand.u32 $0x4000, s31;
	s1 =	sadd.s32 s1, s30  }
0xba: {  	s0 =	sor.u32 s3, s0;
	s1 =	sshll.u32 s1, $0x11  }
0xbb: {  	s0 =	sor.u32 s1, s0  }
0xbc: {  	s0 =	sadd.s32 $0x8F2B, s0  }
0xbd: {  	[sflag:s0] =	ssyncadd.remote.s32 $0x1  }
0xbe: {  	_ =	sfence.sel $0xFFFF  }
0xbf: {  	[dreg:$0x0] =	wrdreg $0xFFFFFFFF;
	(pc) =	sbr.abs _section_cstart, $3  }
0xc0: {  	[dreg:$0x1] =	wrdreg $0xFFFFFFFF  }
0xc1: {  	_ =	task.clear_ibuf [dreg:s6], $0x2FFFF;
	_ =	strace $0x9FFFFFFF  }
0xc2: {  	(tm) =	ssettm $0x7FFFFFFF  }
0xc3: {  	_ =	shalt  }
tec
execute0_lowered:
.L_overlay_start_1:
0x0: {  	(tag) =	ssettag $0x1  }
0x1: {  	s0 =	rddreg [dreg:$0x0]  }
0x2: {  	s1 =	rddreg [dreg:$0x1]  }
0x3: {  	s2 =	srdreg.scid;
	s3 =	simm.s32 $0x0;
	s17 =	stileid.u32  }
0x4: {  	s16 =	simm.s32 $0x7;
	s28 =	simm.s32 $0xE600;
	s15 =	smul.u32 $0xA000, s17  }
0x5: {  	s30 =	simm.s32 $0x10600;
	s31 =	simm.s32 $0x12600;
	s9 =	smul.u32 $0x28000, s17  }
0x6: {  	s5 =	sand.u32 $0x1, s2;
	[smem:$0x7FF] =	sst s3;
	s19 =	smul.u32 $0x660, s17  }
0x7: {  	s4 =	sadd.s32 $0x20E00, s0;
	s12 =	sadd.s32 $0x16600, s0;
	s10 =	smul.u32 $0x2100, s17  }
0x8: {  	s13 =	sadd.s32 $0x1E00, s0;
	s17 =	simm.s32 $0x6;
	s6 =	smul.u32 $0xA0000, s5  }
0x9: {  	_ =	strace $0x8000004A;
	s7 =	ssub.s32 $0x2, s5;
	p0 =	seq.s32 s5, $0x1  }
0xa: {  	s8 =	sshrl.u32 s7, $0x1;
	s20 =	sshrl.u32 s9, $0x2;
	s21 =	sadd.s32 s12, s19  }
0xb: {  	s22 =	sadd.s32 s13, s19;
	s24 =	sshrl.u32 s10, $0x3;
	s29 =	sadd.s32 s15, s1  }
0xc: {  	s19 =	simm.s32 $0x6600;
	s6 =	sadd.s32 s15, s6;
	[dreg:$0x3] =	wrdreg s21  }
0xd: {  	s18 =	ssub.s32 s7, s8;
	[dreg:$0x4] =	wrdreg s22;
	s7 =	sadd.s32 s20, s1  }
0xe: {  	s5 =	sadd.s32 $0x6600, s24;
	s22 =	simm.s32 $0xA600;
	s6 =	sshrl.u32 s6, $0x3  }
0xf: {  	s23 =	sadd.s32 $0x2000, s7;
	s9 =	sadd.s32 $0x4000, s7;
	s10 =	sadd.s32 $0x6000, s7  }
.Ltmp0:
0x10: {  	s11 =	sadd.s32 $0x8000, s7;
	s25 =	sadd.s32 s12, s5;
	(pc) =	sbr.rel .LBB2_1-.Ltmp0, $4  }
0x11: {  	s26 =	sadd.s32 s13, s5;
	s15 =	smax.u32 s18, $0x1;
	[dreg:$0x5] =	wrdreg s23  }
0x12: {  	s18 =	simm.s32 $0x80;
	s5 =	simm.s32 $0x3;
	[dreg:$0x6] =	wrdreg s25  }
0x13: {  	s0 =	sadd.s32 s6, s0;
	[dreg:$0x7] =	wrdreg s26;
	s25 =	sshrl.u32 s29, $0x3  }
0x14: {  	v0 =	vimm.f32 $0.0e+00;
	s6 =	simm.s32 $0x5;
	s14 =	sadd.s32 $0x34E00, s0;
	s0 =	simm.s32 $0x1  }
.LBB2_12:
0x15: {  	_ =	swait.ge [sflag:s17], $0x2000  }
0x16: {  	s2 =	sshra.s32 s20, $0x2;
	[sflag:s17] =	ssyncset.done $0x0  }
0x17: {  	s2 =	sadd.s32 $0x3580, s2;
	[sflag:s17] =	ssyncadd.s32 $0xFFFFE000  }
0x18: {  	[spmem:s1] =	stream.indirect.scatter.add.f32 [tilespmem:s30], [sflag:$0x7], $0x40, s2, s18, $0xb8;
	[tilespmem:$0x1E600] =	vst v63  }
0x19: {  	_ =	swait.ge [sflag:s16], $0x2000  }
0x1a: {  	s29 =	stileid.u32;
	s3 =	sadd.s32 $0x1, s3;
	[sflag:s16] =	ssyncset.done $0x0  }
0x1b: {  	p1 =	sne.s32 s3, s15;
	s2 =	sshll.u32 s29, $0x6;
	[sflag:s16] =	ssyncadd.s32 $0xFFFFE000  }
.Ltmp1:
0x1c: {  	s2 =	sor.u32 $0x1C07, s2;
	[bflag:$0x0] =	sbarrier.arrive $0xFFFF;
	(pc) =	sbr.rel @!p1 .LBB2_13-.Ltmp1, $4  }
0x1d: {  	[hbm:s14], [sflag:s2] =	dma.local [spmem:s25], $0x1400  }
0x1e: {  	_ =	swait.ge [sflag:s16], $0x1400  }
0x1f: {  	[sflag:s16] =	ssyncset.done $0x0  }
0x20: {  	[sflag:s16] =	ssyncadd.s32 $0xFFFFEC00  }
.LBB2_1:
.Ltmp2:
0x21: {  	(pc) =	sbr.rel @!p0 .LBB2_2-.Ltmp2, $1  }
0x22: {  	_ =	sdelay $0x3  }
0x23: {  	s2 =	simm.s32 $0x0;
	s8 =	rddreg [dreg:$0x6]  }
0x24: {  	[tilespmem:s2], [sflag:$0x7] =	stream.linear.gather [hbm4b:s8+s2], $0x2100, $0x38;
	[tilespmem:$0x1E600] =	vst v63  }
0x25: {  	_ =	swait.ge [sflag:s16], $0x2100  }
0x26: {  	[sflag:s16] =	ssyncset.done $0x0  }
0x27: {  	s12 =	simm.s32 $0x3300;
	s13 =	rddreg [dreg:$0x7];
	[sflag:s16] =	ssyncadd.s32 $0xFFFFDF00  }
0x28: {  	[tilespmem:s12], [sflag:$0x7] =	stream.linear.gather [hbm4b:s13+s2], $0x2100, $0x38;
	[tilespmem:$0x1E600] =	vst v63  }
0x29: {  	_ =	swait.ge [sflag:s16], $0x2100  }
0x2a: {  	[sflag:s16] =	ssyncset.done $0x0  }
0x2b: {  	[sflag:s16] =	ssyncadd.s32 $0xFFFFDF00  }
0x2c: {  	[tilespmem:s19], [sflag:$0x1] =	stream.indirect.gather [hbm4b:s4+s18], $0x40, s2, s18, $0xb8;
	[tilespmem:$0x1E600] =	vst v63  }
0x2d: {  	s20 =	simm.s32 $0x8600  }
0x2e: {  	[tilespmem:s20], [sflag:$0x2] =	stream.indirect.gather [hbm4b:s4+s18], $0x40, s18, s18, $0xb8;
	[tilespmem:$0x1E600] =	vst v63  }
0x2f: {  	s21 =	simm.s32 $0x100  }
0x30: {  	[tilespmem:s22], [sflag:$0x3] =	stream.indirect.gather [hbm4b:s4+s18], $0x40, s21, s18, $0xb8;
	[tilespmem:$0x1E600] =	vst v63  }
0x31: {  	s23 =	simm.s32 $0x180;
	s24 =	simm.s32 $0xC600  }
0x32: {  	[tilespmem:s24], [sflag:$0x4] =	stream.indirect.gather [hbm4b:s4+s18], $0x40, s23, s18, $0xb8;
	[tilespmem:$0x1E600] =	vst v63  }
0x33: {  	s26 =	simm.s32 $0x200  }
0x34: {  	[tilespmem:s28], [sflag:$0x5] =	stream.indirect.gather [hbm4b:s4+s18], $0x40, s26, s18, $0xb8;
	[tilespmem:$0x1E600] =	vst v63  }
0x35: {  	s29 =	simm.s32 $0x280;
	s20 =	simm.s32 $0x0;
	s21 =	simm.s32 $0x100  }
0x36: {  	[tilespmem:s30], [sflag:$0x6] =	stream.indirect.gather [hbm4b:s4+s18], $0x40, s29, s18, $0xb8;
	[tilespmem:$0x1E600] =	vst v63  }
.LBB2_8:
0x37: {  	p1 =	sne.s32 s21, $0x7F00;
	[tilespmem:s20+$0x12630] =	vst v0;
	s2 =	smov.u32 s21;
	s21 =	sadd.s32 $0x100, s21  }
.Ltmp3:
0x38: {  	[tilespmem:s20+$0x12620] =	vst v0;
	(pc) =	sbr.rel @p1 .LBB2_8-.Ltmp3, $3  }
0x39: {  	[tilespmem:s20+$0x12600] =	vst v0  }
0x3a: {  	[tilespmem:s20+$0x12610] =	vst v0;
	_ =	sdelay $0x1  }
0x3b: {  	s20 =	sshra.s32 s2, $0x2  }
0x3c: {  	[tilespmem:s20+$0x12630] =	vst v0  }
0x3d: {  	[tilespmem:s20+$0x12620] =	vst v0  }
0x3e: {  	[tilespmem:s20+$0x12600] =	vst v0  }
0x3f: {  	[tilespmem:s20+$0x12610] =	vst v0  }
0x40: {  	[spmem:s7] =	stream.linear.scatter [tilespmem:s31], [sflag:$0x7], $0x2000, $0x38;
	[tilespmem:$0x1E600] =	vst v63  }
0x41: {  	_ =	swait.ge [sflag:s16], $0x2000  }
0x42: {  	[sflag:s16] =	ssyncset.done $0x0  }
0x43: {  	s2 =	rddreg [dreg:$0x5];
	[sflag:s16] =	ssyncadd.s32 $0xFFFFE000  }
0x44: {  	[spmem:s2] =	stream.linear.scatter [tilespmem:s31], [sflag:$0x7], $0x2000, $0x38;
	[tilespmem:$0x1E600] =	vst v63  }
0x45: {  	_ =	swait.ge [sflag:s16], $0x2000  }
0x46: {  	[sflag:s16] =	ssyncset.done $0x0  }
0x47: {  	[sflag:s16] =	ssyncadd.s32 $0xFFFFE000  }
0x48: {  	[spmem:s9] =	stream.linear.scatter [tilespmem:s31], [sflag:$0x7], $0x2000, $0x38;
	[tilespmem:$0x1E600] =	vst v63  }
0x49: {  	_ =	swait.ge [sflag:s16], $0x2000  }
0x4a: {  	[sflag:s16] =	ssyncset.done $0x0  }
0x4b: {  	[sflag:s16] =	ssyncadd.s32 $0xFFFFE000  }
0x4c: {  	[spmem:s10] =	stream.linear.scatter [tilespmem:s31], [sflag:$0x7], $0x2000, $0x38;
	[tilespmem:$0x1E600] =	vst v63  }
0x4d: {  	_ =	swait.ge [sflag:s16], $0x2000  }
0x4e: {  	[sflag:s16] =	ssyncset.done $0x0  }
0x4f: {  	[sflag:s16] =	ssyncadd.s32 $0xFFFFE000  }
0x50: {  	[spmem:s11] =	stream.linear.scatter [tilespmem:s31], [sflag:$0x7], $0x2000, $0x38;
	[tilespmem:$0x1E600] =	vst v63  }
0x51: {  	_ =	swait.ge [sflag:s16], $0x2000  }
0x52: {  	[sflag:s16] =	ssyncset.done $0x0  }
0x53: {  	[sflag:s16] =	ssyncadd.s32 $0xFFFFE000  }
0x54: {  	s20 =	simm.s32 $0x0;
	[bflag:$0x0] =	sbarrier.arrive $0xFFFF  }
.LBB2_10:
0x55: {  	_ =	swait.ge [sflag:s0], $0x2000  }
0x56: {  	s21 =	sshra.s32 s20, $0x2;
	[sflag:s0] =	ssyncset.done $0x0  }
0x57: {  	s2 =	sadd.s32 $0x3300, s21;
	[sflag:s0] =	ssyncadd.s32 $0xFFFFE000  }
0x58: {  	[spmem:s1] =	stream.indirect.scatter.add.f32 [tilespmem:s19], [sflag:$0x7], $0x40, s2, s18, $0xb8;
	[tilespmem:$0x1E600] =	vst v63  }
0x59: {  	_ =	swait.ge [sflag:s16], $0x2000  }
0x5a: {  	p1 =	seq.s32 s20, $0x7800;
	[sflag:s16] =	ssyncset.done $0x0  }
0x5b: {  	s2 =	simm.s32 @p1 $0x2;
	[sflag:s16] =	ssyncadd.s32 $0xFFFFE000  }
0x5c: {  	_ =	swait.ge @p1 [sflag:s2], $0x2000  }
0x5d: {  	[sflag:s2] =	ssyncset.done @p1 $0x0  }
0x5e: {  	[sflag:s2] =	ssyncadd.s32 @p1 $0xFFFFE000;
	s2 =	sshra.s32 @p1 s20, $0x2  }
0x5f: {  	s12 =	simm.s32 @p1 $0x80;
	s13 =	simm.s32 @p1 $0x8600;
	s8 =	sadd.s32 @p1 $0x3380, s2  }
0x60: {  	[spmem:s1] =	stream.indirect.scatter.add.f32 @p1 [tilespmem:s13], [sflag:$0x7], $0x40, s8, s12, $0xb8;
	[tilespmem:$0x1E600] =	vst v63  }
0x61: {  	s8 =	simm.s32 @p1 $0x7  }
0x62: {  	_ =	swait.ge @p1 [sflag:s8], $0x2000  }
0x63: {  	s24 =	simm.s32 @!p1 $0x80;
	s13 =	sshra.s32 @!p1 s20, $0x2;
	[sflag:s8] =	ssyncset.done @p1 $0x0  }
0x64: {  	s26 =	simm.s32 @!p1 $0x6600;
	s23 =	sadd.s32 @!p1 $0x300, s13;
	[sflag:s8] =	ssyncadd.s32 @p1 $0xFFFFE000  }
0x65: {  	[tilespmem:s26], [sflag:$0x1] =	stream.indirect.gather @!p1 [hbm4b:s4+s24], $0x40, s23, s24, $0xb8;
	[tilespmem:$0x1E600] =	vst v63  }
0x66: {  	s23 =	simm.s32 @!p1 $0x2  }
0x67: {  	_ =	swait.ge @!p1 [sflag:s23], $0x2000  }
0x68: {  	[sflag:s23] =	ssyncset.done @!p1 $0x0  }
0x69: {  	s26 =	simm.s32 @!p1 $0x8600;
	[sflag:s23] =	ssyncadd.s32 @!p1 $0xFFFFE000;
	s23 =	sadd.s32 @!p1 $0x3380, s13  }
0x6a: {  	[spmem:s1] =	stream.indirect.scatter.add.f32 @!p1 [tilespmem:s26], [sflag:$0x7], $0x40, s23, s24, $0xb8;
	[tilespmem:$0x1E600] =	vst v63  }
0x6b: {  	s23 =	simm.s32 @!p1 $0x7  }
0x6c: {  	_ =	swait.ge @!p1 [sflag:s23], $0x2000  }
0x6d: {  	[sflag:s23] =	ssyncset.done @!p1 $0x0  }
0x6e: {  	s29 =	sadd.s32 @!p1 $0x380, s13;
	[sflag:s23] =	ssyncadd.s32 @!p1 $0xFFFFE000  }
0x6f: {  	[tilespmem:s26], [sflag:$0x2] =	stream.indirect.gather @!p1 [hbm4b:s4+s24], $0x40, s29, s24, $0xb8;
	[tilespmem:$0x1E600] =	vst v63  }
0x70: {  	_ =	swait.ge [sflag:s5], $0x2000  }
0x71: {  	[sflag:s5] =	ssyncset.done $0x0  }
0x72: {  	s29 =	sadd.s32 $0x3400, s21;
	[sflag:s5] =	ssyncadd.s32 $0xFFFFE000  }
0x73: {  	[spmem:s1] =	stream.indirect.scatter.add.f32 [tilespmem:s22], [sflag:$0x7], $0x40, s29, s18, $0xb8;
	[tilespmem:$0x1E600] =	vst v63  }
0x74: {  	_ =	swait.ge [sflag:s16], $0x2000  }
0x75: {  	[sflag:s16] =	ssyncset.done $0x0  }
0x76: {  	s26 =	simm.s32 @p1 $0x4;
	[sflag:s16] =	ssyncadd.s32 $0xFFFFE000  }
0x77: {  	_ =	swait.ge @p1 [sflag:s26], $0x2000  }
0x78: {  	[sflag:s26] =	ssyncset.done @p1 $0x0  }
0x79: {  	s2 =	sadd.s32 @p1 $0x3480, s2;
	[sflag:s26] =	ssyncadd.s32 @p1 $0xFFFFE000;
	s26 =	simm.s32 @p1 $0xC600  }
0x7a: {  	[spmem:s1] =	stream.indirect.scatter.add.f32 @p1 [tilespmem:s26], [sflag:$0x7], $0x40, s2, s12, $0xb8;
	[tilespmem:$0x1E600] =	vst v63  }
0x7b: {  	_ =	swait.ge @p1 [sflag:s8], $0x2000  }
0x7c: {  	[sflag:s8] =	ssyncset.done @p1 $0x0  }
0x7d: {  	s2 =	sadd.s32 @!p1 $0x400, s13;
	[sflag:s8] =	ssyncadd.s32 @p1 $0xFFFFE000;
	s8 =	simm.s32 @!p1 $0xA600  }
0x7e: {  	[tilespmem:s8], [sflag:$0x3] =	stream.indirect.gather @!p1 [hbm4b:s4+s24], $0x40, s2, s24, $0xb8;
	[tilespmem:$0x1E600] =	vst v63  }
0x7f: {  	s2 =	simm.s32 @!p1 $0x4  }
0x80: {  	_ =	swait.ge @!p1 [sflag:s2], $0x2000  }
0x81: {  	[sflag:s2] =	ssyncset.done @!p1 $0x0  }
0x82: {  	s8 =	simm.s32 @!p1 $0xC600;
	[sflag:s2] =	ssyncadd.s32 @!p1 $0xFFFFE000;
	s2 =	sadd.s32 @!p1 $0x3480, s13  }
0x83: {  	[spmem:s1] =	stream.indirect.scatter.add.f32 @!p1 [tilespmem:s8], [sflag:$0x7], $0x40, s2, s24, $0xb8;
	[tilespmem:$0x1E600] =	vst v63  }
0x84: {  	_ =	swait.ge @!p1 [sflag:s23], $0x2000  }
0x85: {  	[sflag:s23] =	ssyncset.done @!p1 $0x0  }
0x86: {  	s2 =	sadd.s32 @!p1 $0x480, s13;
	[sflag:s23] =	ssyncadd.s32 @!p1 $0xFFFFE000  }
0x87: {  	[tilespmem:s8], [sflag:$0x4] =	stream.indirect.gather @!p1 [hbm4b:s4+s24], $0x40, s2, s24, $0xb8;
	[tilespmem:$0x1E600] =	vst v63  }
0x88: {  	_ =	swait.ge [sflag:s6], $0x2000  }
0x89: {  	[sflag:s6] =	ssyncset.done $0x0  }
.Ltmp4:
0x8a: {  	s29 =	sadd.s32 $0x3500, s21;
	[sflag:s6] =	ssyncadd.s32 $0xFFFFE000;
	(pc) =	sbr.rel @p1 .LBB2_12-.Ltmp4, $4  }
0x8b: {  	[spmem:s1] =	stream.indirect.scatter.add.f32 [tilespmem:s28], [sflag:$0x7], $0x40, s29, s18, $0xb8;
	[tilespmem:$0x1E600] =	vst v63  }
0x8c: {  	_ =	swait.ge [sflag:s16], $0x2000  }
0x8d: {  	[sflag:s16] =	ssyncset.done $0x0  }
0x8e: {  	[sflag:s16] =	ssyncadd.s32 $0xFFFFE000  }
0x8f: {  	s2 =	sadd.s32 $0x500, s21  }
0x90: {  	[tilespmem:s28], [sflag:$0x5] =	stream.indirect.gather [hbm4b:s4+s18], $0x40, s2, s18, $0xb8;
	[tilespmem:$0x1E600] =	vst v63  }
0x91: {  	_ =	swait.ge [sflag:s17], $0x2000  }
0x92: {  	[sflag:s17] =	ssyncset.done $0x0  }
0x93: {  	s26 =	sadd.s32 $0x3580, s21;
	[sflag:s17] =	ssyncadd.s32 $0xFFFFE000  }
0x94: {  	[spmem:s1] =	stream.indirect.scatter.add.f32 [tilespmem:s30], [sflag:$0x7], $0x40, s26, s18, $0xb8;
	[tilespmem:$0x1E600] =	vst v63  }
.Ltmp5:
0x95: {  	_ = 	snop;
	(pc) =	sbr.rel .LBB2_10-.Ltmp5, $4  }
0x96: {  	_ =	swait.ge [sflag:s16], $0x2000  }
0x97: {  	[sflag:s16] =	ssyncset.done $0x0  }
0x98: {  	s29 =	sadd.s32 $0x580, s21;
	s20 =	sadd.s32 $0xC00, s20;
	[sflag:s16] =	ssyncadd.s32 $0xFFFFE000  }
0x99: {  	[tilespmem:s30], [sflag:$0x6] =	stream.indirect.gather [hbm4b:s4+s18], $0x40, s29, s18, $0xb8;
	[tilespmem:$0x1E600] =	vst v63  }
.LBB2_2:
0x9a: {  	s20 =	simm.s32 $0x0;
	s2 =	rddreg [dreg:$0x3]  }
0x9b: {  	[tilespmem:s20], [sflag:$0x7] =	stream.linear.gather [hbm4b:s2+s20], $0x3300, $0x38;
	[tilespmem:$0x1E600] =	vst v63  }
0x9c: {  	_ =	swait.ge [sflag:s16], $0x3300  }
0x9d: {  	[sflag:s16] =	ssyncset.done $0x0  }
0x9e: {  	s8 =	simm.s32 $0x3300;
	s13 =	rddreg [dreg:$0x4];
	[sflag:s16] =	ssyncadd.s32 $0xFFFFCD00  }
0x9f: {  	[tilespmem:s8], [sflag:$0x7] =	stream.linear.gather [hbm4b:s13+s20], $0x3300, $0x38;
	[tilespmem:$0x1E600] =	vst v63  }
0xa0: {  	_ =	swait.ge [sflag:s16], $0x3300  }
0xa1: {  	[sflag:s16] =	ssyncset.done $0x0  }
0xa2: {  	[sflag:s16] =	ssyncadd.s32 $0xFFFFCD00  }
0xa3: {  	[tilespmem:s19], [sflag:$0x1] =	stream.indirect.gather [hbm4b:s4+s18], $0x40, s20, s18, $0xb8;
	[tilespmem:$0x1E600] =	vst v63  }
0xa4: {  	s20 =	simm.s32 $0x8600  }
0xa5: {  	[tilespmem:s20], [sflag:$0x2] =	stream.indirect.gather [hbm4b:s4+s18], $0x40, s18, s18, $0xb8;
	[tilespmem:$0x1E600] =	vst v63  }
0xa6: {  	s21 =	simm.s32 $0x100  }
0xa7: {  	[tilespmem:s22], [sflag:$0x3] =	stream.indirect.gather [hbm4b:s4+s18], $0x40, s21, s18, $0xb8;
	[tilespmem:$0x1E600] =	vst v63  }
0xa8: {  	s23 =	simm.s32 $0x180;
	s24 =	simm.s32 $0xC600  }
0xa9: {  	[tilespmem:s24], [sflag:$0x4] =	stream.indirect.gather [hbm4b:s4+s18], $0x40, s23, s18, $0xb8;
	[tilespmem:$0x1E600] =	vst v63  }
0xaa: {  	s26 =	simm.s32 $0x200  }
0xab: {  	[tilespmem:s28], [sflag:$0x5] =	stream.indirect.gather [hbm4b:s4+s18], $0x40, s26, s18, $0xb8;
	[tilespmem:$0x1E600] =	vst v63  }
0xac: {  	s29 =	simm.s32 $0x280;
	s20 =	simm.s32 $0x0;
	s21 =	simm.s32 $0x100  }
0xad: {  	[tilespmem:s30], [sflag:$0x6] =	stream.indirect.gather [hbm4b:s4+s18], $0x40, s29, s18, $0xb8;
	[tilespmem:$0x1E600] =	vst v63  }
.LBB2_3:
0xae: {  	p1 =	sne.s32 s21, $0x7F00;
	[tilespmem:s20+$0x12630] =	vst v0;
	s12 =	smov.u32 s21;
	s21 =	sadd.s32 $0x100, s21  }
.Ltmp6:
0xaf: {  	[tilespmem:s20+$0x12620] =	vst v0;
	(pc) =	sbr.rel @p1 .LBB2_3-.Ltmp6, $3  }
0xb0: {  	[tilespmem:s20+$0x12600] =	vst v0  }
0xb1: {  	[tilespmem:s20+$0x12610] =	vst v0;
	_ =	sdelay $0x1  }
0xb2: {  	s20 =	sshra.s32 s12, $0x2  }
0xb3: {  	[tilespmem:s20+$0x12630] =	vst v0  }
0xb4: {  	[tilespmem:s20+$0x12620] =	vst v0  }
0xb5: {  	[tilespmem:s20+$0x12600] =	vst v0  }
0xb6: {  	[tilespmem:s20+$0x12610] =	vst v0  }
0xb7: {  	[spmem:s7] =	stream.linear.scatter [tilespmem:s31], [sflag:$0x7], $0x2000, $0x38;
	[tilespmem:$0x1E600] =	vst v63  }
0xb8: {  	_ =	swait.ge [sflag:s16], $0x2000  }
0xb9: {  	[sflag:s16] =	ssyncset.done $0x0  }
0xba: {  	s2 =	rddreg [dreg:$0x5];
	[sflag:s16] =	ssyncadd.s32 $0xFFFFE000  }
0xbb: {  	[spmem:s2] =	stream.linear.scatter [tilespmem:s31], [sflag:$0x7], $0x2000, $0x38;
	[tilespmem:$0x1E600] =	vst v63  }
0xbc: {  	_ =	swait.ge [sflag:s16], $0x2000  }
0xbd: {  	[sflag:s16] =	ssyncset.done $0x0  }
0xbe: {  	[sflag:s16] =	ssyncadd.s32 $0xFFFFE000  }
0xbf: {  	[spmem:s9] =	stream.linear.scatter [tilespmem:s31], [sflag:$0x7], $0x2000, $0x38;
	[tilespmem:$0x1E600] =	vst v63  }
0xc0: {  	_ =	swait.ge [sflag:s16], $0x2000  }
0xc1: {  	[sflag:s16] =	ssyncset.done $0x0  }
0xc2: {  	[sflag:s16] =	ssyncadd.s32 $0xFFFFE000  }
0xc3: {  	[spmem:s10] =	stream.linear.scatter [tilespmem:s31], [sflag:$0x7], $0x2000, $0x38;
	[tilespmem:$0x1E600] =	vst v63  }
0xc4: {  	_ =	swait.ge [sflag:s16], $0x2000  }
0xc5: {  	[sflag:s16] =	ssyncset.done $0x0  }
0xc6: {  	[sflag:s16] =	ssyncadd.s32 $0xFFFFE000  }
0xc7: {  	[spmem:s11] =	stream.linear.scatter [tilespmem:s31], [sflag:$0x7], $0x2000, $0x38;
	[tilespmem:$0x1E600] =	vst v63  }
0xc8: {  	_ =	swait.ge [sflag:s16], $0x2000  }
0xc9: {  	[sflag:s16] =	ssyncset.done $0x0  }
0xca: {  	[sflag:s16] =	ssyncadd.s32 $0xFFFFE000  }
0xcb: {  	s20 =	simm.s32 $0x0;
	[bflag:$0x0] =	sbarrier.arrive $0xFFFF  }
.LBB2_5:
0xcc: {  	_ =	swait.ge [sflag:s0], $0x2000  }
0xcd: {  	s21 =	sshra.s32 s20, $0x2;
	[sflag:s0] =	ssyncset.done $0x0  }
0xce: {  	s12 =	sadd.s32 $0x3300, s21;
	[sflag:s0] =	ssyncadd.s32 $0xFFFFE000  }
0xcf: {  	[spmem:s1] =	stream.indirect.scatter.add.f32 [tilespmem:s19], [sflag:$0x7], $0x40, s12, s18, $0xb8;
	[tilespmem:$0x1E600] =	vst v63  }
0xd0: {  	_ =	swait.ge [sflag:s16], $0x2000  }
0xd1: {  	p1 =	seq.s32 s20, $0xC000;
	[sflag:s16] =	ssyncset.done $0x0  }
0xd2: {  	s12 =	simm.s32 @p1 $0x2;
	[sflag:s16] =	ssyncadd.s32 $0xFFFFE000  }
0xd3: {  	_ =	swait.ge @p1 [sflag:s12], $0x2000  }
0xd4: {  	[sflag:s12] =	ssyncset.done @p1 $0x0  }
0xd5: {  	[sflag:s12] =	ssyncadd.s32 @p1 $0xFFFFE000;
	s12 =	sshra.s32 @p1 s20, $0x2  }
0xd6: {  	s13 =	simm.s32 @p1 $0x80;
	s24 =	simm.s32 @p1 $0x8600;
	s23 =	sadd.s32 @p1 $0x3380, s12  }
0xd7: {  	[spmem:s1] =	stream.indirect.scatter.add.f32 @p1 [tilespmem:s24], [sflag:$0x7], $0x40, s23, s13, $0xb8;
	[tilespmem:$0x1E600] =	vst v63  }
0xd8: {  	s23 =	simm.s32 @p1 $0x7  }
0xd9: {  	_ =	swait.ge @p1 [sflag:s23], $0x2000  }
0xda: {  	s29 =	simm.s32 @!p1 $0x80;
	s24 =	sshra.s32 @!p1 s20, $0x2;
	[sflag:s23] =	ssyncset.done @p1 $0x0  }
0xdb: {  	s2 =	simm.s32 @!p1 $0x6600;
	s26 =	sadd.s32 @!p1 $0x300, s24;
	[sflag:s23] =	ssyncadd.s32 @p1 $0xFFFFE000  }
0xdc: {  	[tilespmem:s2], [sflag:$0x1] =	stream.indirect.gather @!p1 [hbm4b:s4+s29], $0x40, s26, s29, $0xb8;
	[tilespmem:$0x1E600] =	vst v63  }
0xdd: {  	s2 =	simm.s32 @!p1 $0x2  }
0xde: {  	_ =	swait.ge @!p1 [sflag:s2], $0x2000  }
0xdf: {  	[sflag:s2] =	ssyncset.done @!p1 $0x0  }
0xe0: {  	s26 =	simm.s32 @!p1 $0x8600;
	[sflag:s2] =	ssyncadd.s32 @!p1 $0xFFFFE000;
	s2 =	sadd.s32 @!p1 $0x3380, s24  }
0xe1: {  	[spmem:s1] =	stream.indirect.scatter.add.f32 @!p1 [tilespmem:s26], [sflag:$0x7], $0x40, s2, s29, $0xb8;
	[tilespmem:$0x1E600] =	vst v63  }
0xe2: {  	s2 =	simm.s32 @!p1 $0x7  }
0xe3: {  	_ =	swait.ge @!p1 [sflag:s2], $0x2000  }
0xe4: {  	[sflag:s2] =	ssyncset.done @!p1 $0x0  }
0xe5: {  	s8 =	sadd.s32 @!p1 $0x380, s24;
	[sflag:s2] =	ssyncadd.s32 @!p1 $0xFFFFE000  }
0xe6: {  	[tilespmem:s26], [sflag:$0x2] =	stream.indirect.gather @!p1 [hbm4b:s4+s29], $0x40, s8, s29, $0xb8;
	[tilespmem:$0x1E600] =	vst v63  }
0xe7: {  	_ =	swait.ge [sflag:s5], $0x2000  }
0xe8: {  	[sflag:s5] =	ssyncset.done $0x0  }
0xe9: {  	s26 =	sadd.s32 $0x3400, s21;
	[sflag:s5] =	ssyncadd.s32 $0xFFFFE000  }
0xea: {  	[spmem:s1] =	stream.indirect.scatter.add.f32 [tilespmem:s22], [sflag:$0x7], $0x40, s26, s18, $0xb8;
	[tilespmem:$0x1E600] =	vst v63  }
0xeb: {  	_ =	swait.ge [sflag:s16], $0x2000  }
0xec: {  	[sflag:s16] =	ssyncset.done $0x0  }
0xed: {  	s8 =	simm.s32 @p1 $0x4;
	[sflag:s16] =	ssyncadd.s32 $0xFFFFE000  }
0xee: {  	_ =	swait.ge @p1 [sflag:s8], $0x2000  }
0xef: {  	[sflag:s8] =	ssyncset.done @p1 $0x0  }
0xf0: {  	[sflag:s8] =	ssyncadd.s32 @p1 $0xFFFFE000;
	s8 =	sadd.s32 @p1 $0x3480, s12;
	s12 =	simm.s32 @p1 $0xC600  }
0xf1: {  	[spmem:s1] =	stream.indirect.scatter.add.f32 @p1 [tilespmem:s12], [sflag:$0x7], $0x40, s8, s13, $0xb8;
	[tilespmem:$0x1E600] =	vst v63  }
0xf2: {  	_ =	swait.ge @p1 [sflag:s23], $0x2000  }
0xf3: {  	[sflag:s23] =	ssyncset.done @p1 $0x0  }
0xf4: {  	s8 =	sadd.s32 @!p1 $0x400, s24;
	s12 =	simm.s32 @!p1 $0xA600;
	[sflag:s23] =	ssyncadd.s32 @p1 $0xFFFFE000  }
0xf5: {  	[tilespmem:s12], [sflag:$0x3] =	stream.indirect.gather @!p1 [hbm4b:s4+s29], $0x40, s8, s29, $0xb8;
	[tilespmem:$0x1E600] =	vst v63  }
0xf6: {  	s8 =	simm.s32 @!p1 $0x4  }
0xf7: {  	_ =	swait.ge @!p1 [sflag:s8], $0x2000  }
0xf8: {  	[sflag:s8] =	ssyncset.done @!p1 $0x0  }
0xf9: {  	s12 =	simm.s32 @!p1 $0xC600;
	[sflag:s8] =	ssyncadd.s32 @!p1 $0xFFFFE000;
	s8 =	sadd.s32 @!p1 $0x3480, s24  }
0xfa: {  	[spmem:s1] =	stream.indirect.scatter.add.f32 @!p1 [tilespmem:s12], [sflag:$0x7], $0x40, s8, s29, $0xb8;
	[tilespmem:$0x1E600] =	vst v63  }
0xfb: {  	_ =	swait.ge @!p1 [sflag:s2], $0x2000  }
0xfc: {  	[sflag:s2] =	ssyncset.done @!p1 $0x0  }
0xfd: {  	[sflag:s2] =	ssyncadd.s32 @!p1 $0xFFFFE000;
	s2 =	sadd.s32 @!p1 $0x480, s24  }
0xfe: {  	[tilespmem:s12], [sflag:$0x4] =	stream.indirect.gather @!p1 [hbm4b:s4+s29], $0x40, s2, s29, $0xb8;
	[tilespmem:$0x1E600] =	vst v63  }
0xff: {  	_ =	swait.ge [sflag:s6], $0x2000  }
0x100: {  	[sflag:s6] =	ssyncset.done $0x0  }
.Ltmp7:
0x101: {  	s29 =	sadd.s32 $0x3500, s21;
	[sflag:s6] =	ssyncadd.s32 $0xFFFFE000;
	(pc) =	sbr.rel @p1 .LBB2_12-.Ltmp7, $4  }
0x102: {  	[spmem:s1] =	stream.indirect.scatter.add.f32 [tilespmem:s28], [sflag:$0x7], $0x40, s29, s18, $0xb8;
	[tilespmem:$0x1E600] =	vst v63  }
0x103: {  	_ =	swait.ge [sflag:s16], $0x2000  }
0x104: {  	[sflag:s16] =	ssyncset.done $0x0  }
0x105: {  	[sflag:s16] =	ssyncadd.s32 $0xFFFFE000  }
0x106: {  	s2 =	sadd.s32 $0x500, s21  }
0x107: {  	[tilespmem:s28], [sflag:$0x5] =	stream.indirect.gather [hbm4b:s4+s18], $0x40, s2, s18, $0xb8;
	[tilespmem:$0x1E600] =	vst v63  }
0x108: {  	_ =	swait.ge [sflag:s17], $0x2000  }
0x109: {  	[sflag:s17] =	ssyncset.done $0x0  }
0x10a: {  	s26 =	sadd.s32 $0x3580, s21;
	[sflag:s17] =	ssyncadd.s32 $0xFFFFE000  }
0x10b: {  	[spmem:s1] =	stream.indirect.scatter.add.f32 [tilespmem:s30], [sflag:$0x7], $0x40, s26, s18, $0xb8;
	[tilespmem:$0x1E600] =	vst v63  }
.Ltmp8:
0x10c: {  	_ = 	snop;
	(pc) =	sbr.rel .LBB2_5-.Ltmp8, $4  }
0x10d: {  	_ =	swait.ge [sflag:s16], $0x2000  }
0x10e: {  	[sflag:s16] =	ssyncset.done $0x0  }
0x10f: {  	s29 =	sadd.s32 $0x580, s21;
	s20 =	sadd.s32 $0xC00, s20;
	[sflag:s16] =	ssyncadd.s32 $0xFFFFE000  }
0x110: {  	[tilespmem:s30], [sflag:$0x6] =	stream.indirect.gather [hbm4b:s4+s18], $0x40, s29, s18, $0xb8;
	[tilespmem:$0x1E600] =	vst v63  }
.LBB2_13:
0x111: {  	_ =	sfence.sel $0x180000  }
0x112: {  	[bflag:$0x0] =	sbarrier.arrive $0xFFFF  }
0x113: {  	_ =	strace $0x9000004A  }
0x114: {  	s0 =	stileid.u32;
	[bflag:$0x2] =	sbarrier.arrive $0xFFFF  }
0x115: {  	p0 =	sne.s32 s0, $0x0;
	s0 =	rddreg [dreg:$0x2]  }
0x116: {  	s0 =	sadd.s32 @!p0 $0x100000, s0  }
0x117: {  	[sflag:s0] =	ssyncadd.tile.s32 @!p0 $0x1;
	_ =	shalt  }
.Lfunc_end2:
_tile_overlayer_lowered:
.L_overlay_start_2:
0x118: {  	(tag) =	ssettag $0x2  }
0x119: {  	s0 =	rddreg [dreg:$0x0];
	s2 =	stileid.u32  }
0x11a: {  	s1 =	rddreg [dreg:$0x1];
	p0 =	sne.s32 s2, $0x0  }
0x11b: {  	s3 =	rddreg [dreg:$0x2];
	[bflag:$0x3] =	sbarrier.arrive $0xFFFF;
	s2 =	simm.s32 @!p0 $0x1C07  }
0x11c: {  	[timem:s3], [sflag:s2] =	dma.local @!p0 [hbm:s0], s1  }
0x11d: {  	s0 =	simm.s32 @!p0 $0x7  }
0x11e: {  	_ =	swait.ge @!p0 [sflag:s0], s1  }
0x11f: {  	s1 =	ssub.s32 @!p0 $0x0, s1;
	[sflag:s0] =	ssyncset.done @!p0 $0x0  }
0x120: {  	[sflag:s0] =	ssyncadd.s32 @!p0 s1  }
0x121: {  	[bflag:$0x3] =	sbarrier.arrive $0xFFFF  }
0x122: {  	_ =	shalt  }

// kernel: gcn_sc_scatter_d64.8.cloned.1.call-start
scs
__scs_entry_jumppad:
0x0: {  	(pc) =	sbr.rel $0x88, $3  }
0x1: {  	(tag) =	ssettag $0x0;
	lr =	simm.s32 $0x1  }
0x2: {  	[smem:$0x3F95] =	sst lr;
	_ =	strace $0xD0000000  }
0x3: {  	_ = 	snop  }
0x4: {  	_ = 	snop  }
0x5: {  	_ = 	snop  }
0x6: {  	_ = 	snop  }
0x7: {  	_ = 	snop  }
__scs_overlays_trampoline_lowered:
0x8: {  	[smem:$0x3FA4] =	sst s0  }
0x9: {  	[smem:$0x3FA5] =	sst s1  }
0xa: {  	[smem:$0x3FA6] =	sst s2  }
0xb: {  	[smem:$0x3FA7] =	sst s3  }
0xc: {  	[smem:$0x3FA8] =	sst s4  }
0xd: {  	[smem:$0x3FA9] =	sst s5  }
0xe: {  	[smem:$0x3FAA] =	sst s6  }
0xf: {  	[smem:$0x3FAB] =	sst s7  }
0x10: {  	[smem:$0x3FAC] =	sst s8  }
0x11: {  	[smem:$0x3FAD] =	sst s9;
	s0 =	simm.s32 @!p0 $0x0  }
0x12: {  	s1 =	sld [smem:$0x3F93];
	s0 =	simm.s32 @p0 $0x1  }
0x13: {  	[smem:$0x3FAE] =	sst s0;
	s0 =	simm.s32 @!p1 $0x0  }
0x14: {  	s2 =	sld [smem:$0x3F92];
	s0 =	simm.s32 @p1 $0x1  }
0x15: {  	[smem:$0x3FAF] =	sst s0;
	s0 =	simm.s32 @!p2 $0x0  }
0x16: {  	s3 =	sld [smem:$0x3FDB];
	s0 =	simm.s32 @p2 $0x1  }
0x17: {  	s4 =	simm.s32 $0x1BF5;
	[smem:$0x3FB1] =	sst s0  }
0x18: {  	s0 =	sld [smem:$0x3F94];
	_ =	swait.ge [sflag:s4], $0x0  }
0x19: {  	s7 =	sld [smem:$0x3F95]  }
0x1a: {  	s8 =	sadd.s32 $0xFFFFE003, lr  }
0x1b: {  	s9 =	sadd.s32 $0xFFFFFEF7, lr;
	s5 =	simm.s32 $0xFFFFFFFF;
	p2 =	slt.u32 s8, $0xFFFFF086  }
0x1c: {  	p1 =	slt.u32 s9, $0xF7A;
	s5 =	simm.s32 @!p2 $0x0  }
0x1d: {  	s5 =	simm.s32 @p1 $0x1;
	p0 =	seq.s32 s7, s2  }
0x1e: {  	s7 =	smul.u32 @!p0 $0xF7A, s2;
	p2 =	seq.s32 @!p0 s5, $0x0  }
0x1f: {  	s9 =	smul.u32 $0xF7A, s1;
	s8 =	simm.s32 @!p0 $0x1BF5;
	p2 =	por !p2, p0  }
0x20: {  	[sflag:s8] =	ssyncset.s32 @!p0 $0xFFFFF086;
	s6 =	sadd.s32 @!p0 s3, s7;
	s7 =	simm.s32 @!p0 $0x108  }
0x21: {  	s3 =	sadd.s32 s3, s9;
	s6 =	sadd.s32 @!p0 $0x88, s6;
	s7 =	simm.s32 @p2 $0x1082  }
0x22: {  	[simem:s7], [sflag:s8] =	dma.local @!p0 [hbm:s6], $0xF7A  }
0x23: {  	s9 =	sor.u32 $0xD0000000, s2;
	s6 =	simm.s32 $0x108;
	_ =	swait.ge @!p0 [sflag:s8], $0x0  }
0x24: {  	s3 =	sadd.s32 $0x88, s3;
	s6 =	simm.s32 @!p1 $0x1082;
	[sflag:s4] =	ssyncset.s32 $0xFFFFF086  }
0x25: {  	[simem:s6], [sflag:s4] =	dma.local [hbm:s3], $0xF7A  }
0x26: {  	[smem:$0x3F95] =	sst s1;
	(tag) =	ssettag s2;
	_ =	strace s9  }
0x27: {  	s1 =	sld [smem:$0x3FA5]  }
0x28: {  	s2 =	sld [smem:$0x3FA6]  }
0x29: {  	s4 =	sld [smem:$0x3FA8]  }
0x2a: {  	p0 =	seq.s32 s5, $0x0;
	s5 =	sld [smem:$0x3FA9]  }
0x2b: {  	s6 =	sld [smem:$0x3FAA]  }
0x2c: {  	s7 =	sld [smem:$0x3FAB]  }
0x2d: {  	s3 =	simm.s32 $0x108;
	s8 =	sld [smem:$0x3FAC]  }
0x2e: {  	s3 =	simm.s32 @!p0 $0x1082;
	s9 =	sld [smem:$0x3FAD]  }
0x2f: {  	lr =	sadd.s32 s0, s3;
	s0 =	sld [smem:$0x3FA4]  }
0x30: {  	s3 =	sld [smem:$0x3FA7]  }
0x31: {  	[smem:$0x3FB0] =	sst s10  }
0x32: {  	s10 =	sld [smem:$0x3FAE];
	_ =	sdelay $0x3  }
0x33: {  	p0 =	seq.s32 s10, $0x1;
	s10 =	sld [smem:$0x3FB0];
	_ =	sdelay $0x3  }
0x34: {  	[smem:$0x3FB0] =	sst s10  }
0x35: {  	s10 =	sld [smem:$0x3FAF];
	_ =	sdelay $0x3  }
0x36: {  	p1 =	seq.s32 s10, $0x1;
	s10 =	sld [smem:$0x3FB0];
	_ =	sdelay $0x3  }
0x37: {  	[smem:$0x3FB0] =	sst s10  }
0x38: {  	s10 =	sld [smem:$0x3FB1]  }
0x39: {  	_ = 	snop;
	(pc) =	sbr.ind lr, $3  }
0x3a: {  	_ = 	snop  }
0x3b: {  	_ = 	snop  }
0x3c: {  	p2 =	seq.s32 s10, $0x1;
	s10 =	sld [smem:$0x3FB0]  }
0x3d: {  	_ =	shalt  }
0x3e: {  	_ =	shalt  }
0x3f: {  	_ =	shalt  }
0x40: {  	_ =	shalt  }
0x41: {  	_ =	shalt  }
0x42: {  	_ =	shalt  }
0x43: {  	_ =	shalt  }
0x44: {  	_ =	shalt  }
0x45: {  	_ =	shalt  }
0x46: {  	_ =	shalt  }
0x47: {  	_ =	shalt  }
0x48: {  	_ =	shalt  }
0x49: {  	_ =	shalt  }
0x4a: {  	_ =	shalt  }
0x4b: {  	_ =	shalt  }
0x4c: {  	_ =	shalt  }
0x4d: {  	_ =	shalt  }
0x4e: {  	_ =	shalt  }
0x4f: {  	_ =	shalt  }
0x50: {  	_ =	shalt  }
0x51: {  	_ =	shalt  }
0x52: {  	_ =	shalt  }
0x53: {  	_ =	shalt  }
0x54: {  	_ =	shalt  }
0x55: {  	_ =	shalt  }
0x56: {  	_ =	shalt  }
0x57: {  	_ =	shalt  }
0x58: {  	_ =	shalt  }
0x59: {  	_ =	shalt  }
0x5a: {  	_ =	shalt  }
0x5b: {  	_ =	shalt  }
0x5c: {  	_ =	shalt  }
0x5d: {  	_ =	shalt  }
0x5e: {  	_ =	shalt  }
0x5f: {  	_ =	shalt  }
0x60: {  	_ =	shalt  }
0x61: {  	_ =	shalt  }
0x62: {  	_ =	shalt  }
0x63: {  	_ =	shalt  }
0x64: {  	_ =	shalt  }
0x65: {  	_ =	shalt  }
0x66: {  	_ =	shalt  }
0x67: {  	_ =	shalt  }
0x68: {  	_ =	shalt  }
0x69: {  	_ =	shalt  }
0x6a: {  	_ =	shalt  }
0x6b: {  	_ =	shalt  }
0x6c: {  	_ =	shalt  }
0x6d: {  	_ =	shalt  }
0x6e: {  	_ =	shalt  }
0x6f: {  	_ =	shalt  }
0x70: {  	_ =	shalt  }
0x71: {  	_ =	shalt  }
0x72: {  	_ =	shalt  }
0x73: {  	_ =	shalt  }
0x74: {  	_ =	shalt  }
0x75: {  	_ =	shalt  }
0x76: {  	_ =	shalt  }
0x77: {  	_ =	shalt  }
0x78: {  	_ =	shalt  }
0x79: {  	_ =	shalt  }
0x7a: {  	_ =	shalt  }
0x7b: {  	_ =	shalt  }
0x7c: {  	_ =	shalt  }
0x7d: {  	_ =	shalt  }
0x7e: {  	_ =	shalt  }
0x7f: {  	_ =	shalt  }
0x80: {  	_ =	shalt  }
0x81: {  	_ =	shalt  }
0x82: {  	_ =	shalt  }
0x83: {  	_ =	shalt  }
0x84: {  	_ =	shalt  }
0x85: {  	_ =	shalt  }
0x86: {  	_ =	shalt  }
0x87: {  	_ =	shalt  }
.Lfunc_end0:
.L_simem_size_0:
called_computation.2_lowered:
.L_overlay_start_0:
0x88: {  	s2 =	sld [smem:$0x3FD9]  }
0x89: {  	s3 =	sld [smem:$0x3FFE];
	_ =	sdelay $0x1  }
0x8a: {  	s1 =	srdreg.scid  }
0x8b: {  	s0 =	sand.u32 $0x1, s1  }
0x8c: {  	s16 =	sshll.u32 s0, $0xA;
	s2 =	sadd.s32 s3, s2  }
0x8d: {  	s2 =	sadd.s32 s2, s16  }
0x8e: {  	[smem:$0x3FBC] =	sst s2  }
0x8f: {  	_ = 	snop  }
0x90: {  	(tm) =	ssettm $0x1  }
0x91: {  	s17 =	sld [smem:$0x3FFB];
	_ =	sdelay $0x3  }
0x92: {  	_ =	strace s17  }
0x93: {  	s2 =	sld [smem:$0x3FFC];
	_ =	sdelay $0x3  }
0x94: {  	_ =	strace s2  }
0x95: {  	s2 =	sld [smem:$0x3FFD];
	_ =	sdelay $0x3  }
0x96: {  	_ =	strace s2  }
0x97: {  	_ =	strace $0x8FFFFFFF  }
0x98: {  	s18 =	sld [smem:$0x3FDB];
	_ =	sdelay $0x1  }
0x99: {  	s19 =	simm.s32 $_scs_section_size  }
0x9a: {  	s4 =	simm.s32 $_size__tile_overlayer_lowered;
	s5 =	simm.s32 $_tile_overlayer_lowered  }
0x9b: {  	s22 =	simm.s32 $0x1BFF;
	s21 =	sshll.u32 s5, $0x1;
	s2 =	sadd.s32 s19, s18  }
0x9c: {  	s6 =	simm.s32 $0x0;
	s20 =	sshll.u32 s4, $0x1;
	s4 =	sadd.s32 s21, s2  }
0x9d: {  	[timem:s6], [sflag:s22] =	dma.local [hbm:s4], s20  }
0x9e: {  	_ =	swait.ge [sflag:s22], s20  }
0x9f: {  	s3 =	ssub.s32 $0x0, s20;
	[sflag:s22] =	ssyncset.done $0x0  }
0xa0: {  	[sflag:s22] =	ssyncadd.s32 s3;
	_ =	sdelay $0x1  }
0xa1: {  	s23 =	simm.s32 $0x1B8B  }
0xa2: {  	_ =	swait.ge [sflag:s23], $0x1  }
0xa3: {  	[sflag:s23] =	ssyncset.done $0x0  }
0xa4: {  	s25 =	simm.s32 $0x1B8E;
	s24 =	sld [smem:$0x3FFE];
	[sflag:s23] =	ssyncadd.s32 $0xFFFFFFFF  }
0xa5: {  	s26 =	simm.s32 $execute0_lowered;
	[smem:$0x3FD2] =	sst s25  }
0xa6: {  	s4 =	sshll.u32 s26, $0x1;
	_ =	strace $0x8000004C;
	[dreg:$0x1] =	wrdreg $0xFFFFFFFF  }
0xa7: {  	s28 =	simm.s32 $_size_execute0_lowered;
	s2 =	sadd.s32 s2, s4;
	[dreg:$0x0] =	wrdreg $0x0  }
0xa8: {  	s4 =	sshll.u32 s28, $0x1;
	[dreg:$0x2] =	wrdreg s2  }
0xa9: {  	[dreg:$0x3] =	wrdreg s4  }
0xaa: {  	[dreg:$0x4] =	wrdreg $0xC0  }
0xab: {  	_ =	task [dreg:s6], $0x5FFFF  }
0xac: {  	[dreg:$0x1] =	wrdreg $0xFFFFFFFF  }
0xad: {  	[dreg:$0x0] =	wrdreg $0x60  }
0xae: {  	[dreg:$0x2] =	wrdreg s24  }
0xaf: {  	[dreg:$0x3] =	wrdreg $0x146000  }
0xb0: {  	[dreg:$0x4] =	wrdreg $0x9  }
0xb1: {  	_ =	task.clear_ibuf [dreg:s6], $0x5FFFF;
	_ =	strace $0x9000004C  }
0xb2: {  	s29 =	simm.s32 $0x9;
	_ =	strace $0x8000004E  }
0xb3: {  	_ =	swait.ge [sflag:s29], $0x1  }
0xb4: {  	[sflag:s29] =	ssyncadd.s32 $0xFFFFFFFF  }
0xb5: {  	_ =	strace $0x9000004E  }
0xb6: {  	_ =	sfence  }
0xb7: {  	s30 =	sld [smem:$0x0];
	_ =	sdelay $0x2  }
0xb8: {  	s31 =	sshll.u32 s1, $0xD;
	s1 =	sshrl.u32 s1, $0x2  }
0xb9: {  	s3 =	sand.u32 $0x4000, s31;
	s1 =	sadd.s32 s1, s30  }
0xba: {  	s0 =	sor.u32 s3, s0;
	s1 =	sshll.u32 s1, $0x11  }
0xbb: {  	s0 =	sor.u32 s1, s0  }
0xbc: {  	s0 =	sadd.s32 $0x8F2B, s0  }
0xbd: {  	[sflag:s0] =	ssyncadd.remote.s32 $0x1  }
0xbe: {  	_ =	sfence.sel $0xFFFF  }
0xbf: {  	[dreg:$0x0] =	wrdreg $0xFFFFFFFF;
	(pc) =	sbr.abs _section_cstart, $3  }
0xc0: {  	[dreg:$0x1] =	wrdreg $0xFFFFFFFF  }
0xc1: {  	_ =	task.clear_ibuf [dreg:s6], $0x2FFFF;
	_ =	strace $0x9FFFFFFF  }
0xc2: {  	(tm) =	ssettm $0x7FFFFFFF  }
0xc3: {  	_ =	shalt  }
tec
execute0_lowered:
.L_overlay_start_1:
0x0: {  	(tag) =	ssettag $0x1  }
0x1: {  	s0 =	rddreg [dreg:$0x0]  }
0x2: {  	s1 =	rddreg [dreg:$0x1]  }
0x3: {  	s2 =	srdreg.scid;
	s3 =	simm.s32 $0x0;
	s17 =	stileid.u32  }
0x4: {  	s16 =	simm.s32 $0x7;
	s28 =	simm.s32 $0xE600;
	s15 =	smul.u32 $0xA000, s17  }
0x5: {  	s30 =	simm.s32 $0x10600;
	s31 =	simm.s32 $0x12600;
	s9 =	smul.u32 $0x28000, s17  }
0x6: {  	s5 =	sand.u32 $0x1, s2;
	[smem:$0x7FF] =	sst s3;
	s19 =	smul.u32 $0x660, s17  }
0x7: {  	s4 =	sadd.s32 $0x20E00, s0;
	s12 =	sadd.s32 $0x16600, s0;
	s10 =	smul.u32 $0x2100, s17  }
0x8: {  	s13 =	sadd.s32 $0x1E00, s0;
	s17 =	simm.s32 $0x6;
	s6 =	smul.u32 $0xA0000, s5  }
0x9: {  	_ =	strace $0x8000004D;
	s7 =	ssub.s32 $0x2, s5;
	p0 =	seq.s32 s5, $0x1  }
0xa: {  	s8 =	sshrl.u32 s7, $0x1;
	s20 =	sshrl.u32 s9, $0x2;
	s21 =	sadd.s32 s12, s19  }
0xb: {  	s22 =	sadd.s32 s13, s19;
	s24 =	sshrl.u32 s10, $0x3;
	s29 =	sadd.s32 s15, s1  }
0xc: {  	s19 =	simm.s32 $0x6600;
	s6 =	sadd.s32 s15, s6;
	[dreg:$0x3] =	wrdreg s21  }
0xd: {  	s18 =	ssub.s32 s7, s8;
	[dreg:$0x4] =	wrdreg s22;
	s7 =	sadd.s32 s20, s1  }
0xe: {  	s5 =	sadd.s32 $0x6600, s24;
	s22 =	simm.s32 $0xA600;
	s6 =	sshrl.u32 s6, $0x3  }
0xf: {  	s23 =	sadd.s32 $0x2000, s7;
	s9 =	sadd.s32 $0x4000, s7;
	s10 =	sadd.s32 $0x6000, s7  }
.Ltmp0:
0x10: {  	s11 =	sadd.s32 $0x8000, s7;
	s25 =	sadd.s32 s12, s5;
	(pc) =	sbr.rel .LBB2_1-.Ltmp0, $4  }
0x11: {  	s26 =	sadd.s32 s13, s5;
	s15 =	smax.u32 s18, $0x1;
	[dreg:$0x5] =	wrdreg s23  }
0x12: {  	s18 =	simm.s32 $0x80;
	s5 =	simm.s32 $0x3;
	[dreg:$0x6] =	wrdreg s25  }
0x13: {  	s0 =	sadd.s32 s6, s0;
	[dreg:$0x7] =	wrdreg s26;
	s25 =	sshrl.u32 s29, $0x3  }
0x14: {  	v0 =	vimm.f32 $0.0e+00;
	s6 =	simm.s32 $0x5;
	s14 =	sadd.s32 $0x34E00, s0;
	s0 =	simm.s32 $0x1  }
.LBB2_12:
0x15: {  	_ =	swait.ge [sflag:s17], $0x2000  }
0x16: {  	s2 =	sshra.s32 s20, $0x2;
	[sflag:s17] =	ssyncset.done $0x0  }
0x17: {  	s2 =	sadd.s32 $0x3580, s2;
	[sflag:s17] =	ssyncadd.s32 $0xFFFFE000  }
0x18: {  	[spmem:s1] =	stream.indirect.scatter.add.f32 [tilespmem:s30], [sflag:$0x7], $0x40, s2, s18, $0xb8;
	[tilespmem:$0x1E600] =	vst v63  }
0x19: {  	_ =	swait.ge [sflag:s16], $0x2000  }
0x1a: {  	s29 =	stileid.u32;
	s3 =	sadd.s32 $0x1, s3;
	[sflag:s16] =	ssyncset.done $0x0  }
0x1b: {  	p1 =	sne.s32 s3, s15;
	s2 =	sshll.u32 s29, $0x6;
	[sflag:s16] =	ssyncadd.s32 $0xFFFFE000  }
.Ltmp1:
0x1c: {  	s2 =	sor.u32 $0x1C07, s2;
	[bflag:$0x0] =	sbarrier.arrive $0xFFFF;
	(pc) =	sbr.rel @!p1 .LBB2_13-.Ltmp1, $4  }
0x1d: {  	[hbm:s14], [sflag:s2] =	dma.local [spmem:s25], $0x1400  }
0x1e: {  	_ =	swait.ge [sflag:s16], $0x1400  }
0x1f: {  	[sflag:s16] =	ssyncset.done $0x0  }
0x20: {  	[sflag:s16] =	ssyncadd.s32 $0xFFFFEC00  }
.LBB2_1:
.Ltmp2:
0x21: {  	(pc) =	sbr.rel @!p0 .LBB2_2-.Ltmp2, $1  }
0x22: {  	_ =	sdelay $0x3  }
0x23: {  	s2 =	simm.s32 $0x0;
	s8 =	rddreg [dreg:$0x6]  }
0x24: {  	[tilespmem:s2], [sflag:$0x7] =	stream.linear.gather [hbm4b:s8+s2], $0x2100, $0x38;
	[tilespmem:$0x1E600] =	vst v63  }
0x25: {  	_ =	swait.ge [sflag:s16], $0x2100  }
0x26: {  	[sflag:s16] =	ssyncset.done $0x0  }
0x27: {  	s12 =	simm.s32 $0x3300;
	s13 =	rddreg [dreg:$0x7];
	[sflag:s16] =	ssyncadd.s32 $0xFFFFDF00  }
0x28: {  	[tilespmem:s12], [sflag:$0x7] =	stream.linear.gather [hbm4b:s13+s2], $0x2100, $0x38;
	[tilespmem:$0x1E600] =	vst v63  }
0x29: {  	_ =	swait.ge [sflag:s16], $0x2100  }
0x2a: {  	[sflag:s16] =	ssyncset.done $0x0  }
0x2b: {  	[sflag:s16] =	ssyncadd.s32 $0xFFFFDF00  }
0x2c: {  	[tilespmem:s19], [sflag:$0x1] =	stream.indirect.gather [hbm4b:s4+s18], $0x40, s2, s18, $0xb8;
	[tilespmem:$0x1E600] =	vst v63  }
0x2d: {  	s20 =	simm.s32 $0x8600  }
0x2e: {  	[tilespmem:s20], [sflag:$0x2] =	stream.indirect.gather [hbm4b:s4+s18], $0x40, s18, s18, $0xb8;
	[tilespmem:$0x1E600] =	vst v63  }
0x2f: {  	s21 =	simm.s32 $0x100  }
0x30: {  	[tilespmem:s22], [sflag:$0x3] =	stream.indirect.gather [hbm4b:s4+s18], $0x40, s21, s18, $0xb8;
	[tilespmem:$0x1E600] =	vst v63  }
0x31: {  	s23 =	simm.s32 $0x180;
	s24 =	simm.s32 $0xC600  }
0x32: {  	[tilespmem:s24], [sflag:$0x4] =	stream.indirect.gather [hbm4b:s4+s18], $0x40, s23, s18, $0xb8;
	[tilespmem:$0x1E600] =	vst v63  }
0x33: {  	s26 =	simm.s32 $0x200  }
0x34: {  	[tilespmem:s28], [sflag:$0x5] =	stream.indirect.gather [hbm4b:s4+s18], $0x40, s26, s18, $0xb8;
	[tilespmem:$0x1E600] =	vst v63  }
0x35: {  	s29 =	simm.s32 $0x280;
	s20 =	simm.s32 $0x0;
	s21 =	simm.s32 $0x100  }
0x36: {  	[tilespmem:s30], [sflag:$0x6] =	stream.indirect.gather [hbm4b:s4+s18], $0x40, s29, s18, $0xb8;
	[tilespmem:$0x1E600] =	vst v63  }
.LBB2_8:
0x37: {  	p1 =	sne.s32 s21, $0x7F00;
	[tilespmem:s20+$0x12630] =	vst v0;
	s2 =	smov.u32 s21;
	s21 =	sadd.s32 $0x100, s21  }
.Ltmp3:
0x38: {  	[tilespmem:s20+$0x12620] =	vst v0;
	(pc) =	sbr.rel @p1 .LBB2_8-.Ltmp3, $3  }
0x39: {  	[tilespmem:s20+$0x12600] =	vst v0  }
0x3a: {  	[tilespmem:s20+$0x12610] =	vst v0;
	_ =	sdelay $0x1  }
0x3b: {  	s20 =	sshra.s32 s2, $0x2  }
0x3c: {  	[tilespmem:s20+$0x12630] =	vst v0  }
0x3d: {  	[tilespmem:s20+$0x12620] =	vst v0  }
0x3e: {  	[tilespmem:s20+$0x12600] =	vst v0  }
0x3f: {  	[tilespmem:s20+$0x12610] =	vst v0  }
0x40: {  	[spmem:s7] =	stream.linear.scatter [tilespmem:s31], [sflag:$0x7], $0x2000, $0x38;
	[tilespmem:$0x1E600] =	vst v63  }
0x41: {  	_ =	swait.ge [sflag:s16], $0x2000  }
0x42: {  	[sflag:s16] =	ssyncset.done $0x0  }
0x43: {  	s2 =	rddreg [dreg:$0x5];
	[sflag:s16] =	ssyncadd.s32 $0xFFFFE000  }
0x44: {  	[spmem:s2] =	stream.linear.scatter [tilespmem:s31], [sflag:$0x7], $0x2000, $0x38;
	[tilespmem:$0x1E600] =	vst v63  }
0x45: {  	_ =	swait.ge [sflag:s16], $0x2000  }
0x46: {  	[sflag:s16] =	ssyncset.done $0x0  }
0x47: {  	[sflag:s16] =	ssyncadd.s32 $0xFFFFE000  }
0x48: {  	[spmem:s9] =	stream.linear.scatter [tilespmem:s31], [sflag:$0x7], $0x2000, $0x38;
	[tilespmem:$0x1E600] =	vst v63  }
0x49: {  	_ =	swait.ge [sflag:s16], $0x2000  }
0x4a: {  	[sflag:s16] =	ssyncset.done $0x0  }
0x4b: {  	[sflag:s16] =	ssyncadd.s32 $0xFFFFE000  }
0x4c: {  	[spmem:s10] =	stream.linear.scatter [tilespmem:s31], [sflag:$0x7], $0x2000, $0x38;
	[tilespmem:$0x1E600] =	vst v63  }
0x4d: {  	_ =	swait.ge [sflag:s16], $0x2000  }
0x4e: {  	[sflag:s16] =	ssyncset.done $0x0  }
0x4f: {  	[sflag:s16] =	ssyncadd.s32 $0xFFFFE000  }
0x50: {  	[spmem:s11] =	stream.linear.scatter [tilespmem:s31], [sflag:$0x7], $0x2000, $0x38;
	[tilespmem:$0x1E600] =	vst v63  }
0x51: {  	_ =	swait.ge [sflag:s16], $0x2000  }
0x52: {  	[sflag:s16] =	ssyncset.done $0x0  }
0x53: {  	[sflag:s16] =	ssyncadd.s32 $0xFFFFE000  }
0x54: {  	s20 =	simm.s32 $0x0;
	[bflag:$0x0] =	sbarrier.arrive $0xFFFF  }
.LBB2_10:
0x55: {  	_ =	swait.ge [sflag:s0], $0x2000  }
0x56: {  	s21 =	sshra.s32 s20, $0x2;
	[sflag:s0] =	ssyncset.done $0x0  }
0x57: {  	s2 =	sadd.s32 $0x3300, s21;
	[sflag:s0] =	ssyncadd.s32 $0xFFFFE000  }
0x58: {  	[spmem:s1] =	stream.indirect.scatter.add.f32 [tilespmem:s19], [sflag:$0x7], $0x40, s2, s18, $0xb8;
	[tilespmem:$0x1E600] =	vst v63  }
0x59: {  	_ =	swait.ge [sflag:s16], $0x2000  }
0x5a: {  	p1 =	seq.s32 s20, $0x7800;
	[sflag:s16] =	ssyncset.done $0x0  }
0x5b: {  	s2 =	simm.s32 @p1 $0x2;
	[sflag:s16] =	ssyncadd.s32 $0xFFFFE000  }
0x5c: {  	_ =	swait.ge @p1 [sflag:s2], $0x2000  }
0x5d: {  	[sflag:s2] =	ssyncset.done @p1 $0x0  }
0x5e: {  	[sflag:s2] =	ssyncadd.s32 @p1 $0xFFFFE000;
	s2 =	sshra.s32 @p1 s20, $0x2  }
0x5f: {  	s12 =	simm.s32 @p1 $0x80;
	s13 =	simm.s32 @p1 $0x8600;
	s8 =	sadd.s32 @p1 $0x3380, s2  }
0x60: {  	[spmem:s1] =	stream.indirect.scatter.add.f32 @p1 [tilespmem:s13], [sflag:$0x7], $0x40, s8, s12, $0xb8;
	[tilespmem:$0x1E600] =	vst v63  }
0x61: {  	s8 =	simm.s32 @p1 $0x7  }
0x62: {  	_ =	swait.ge @p1 [sflag:s8], $0x2000  }
0x63: {  	s24 =	simm.s32 @!p1 $0x80;
	s13 =	sshra.s32 @!p1 s20, $0x2;
	[sflag:s8] =	ssyncset.done @p1 $0x0  }
0x64: {  	s26 =	simm.s32 @!p1 $0x6600;
	s23 =	sadd.s32 @!p1 $0x300, s13;
	[sflag:s8] =	ssyncadd.s32 @p1 $0xFFFFE000  }
0x65: {  	[tilespmem:s26], [sflag:$0x1] =	stream.indirect.gather @!p1 [hbm4b:s4+s24], $0x40, s23, s24, $0xb8;
	[tilespmem:$0x1E600] =	vst v63  }
0x66: {  	s23 =	simm.s32 @!p1 $0x2  }
0x67: {  	_ =	swait.ge @!p1 [sflag:s23], $0x2000  }
0x68: {  	[sflag:s23] =	ssyncset.done @!p1 $0x0  }
0x69: {  	s26 =	simm.s32 @!p1 $0x8600;
	[sflag:s23] =	ssyncadd.s32 @!p1 $0xFFFFE000;
	s23 =	sadd.s32 @!p1 $0x3380, s13  }
0x6a: {  	[spmem:s1] =	stream.indirect.scatter.add.f32 @!p1 [tilespmem:s26], [sflag:$0x7], $0x40, s23, s24, $0xb8;
	[tilespmem:$0x1E600] =	vst v63  }
0x6b: {  	s23 =	simm.s32 @!p1 $0x7  }
0x6c: {  	_ =	swait.ge @!p1 [sflag:s23], $0x2000  }
0x6d: {  	[sflag:s23] =	ssyncset.done @!p1 $0x0  }
0x6e: {  	s29 =	sadd.s32 @!p1 $0x380, s13;
	[sflag:s23] =	ssyncadd.s32 @!p1 $0xFFFFE000  }
0x6f: {  	[tilespmem:s26], [sflag:$0x2] =	stream.indirect.gather @!p1 [hbm4b:s4+s24], $0x40, s29, s24, $0xb8;
	[tilespmem:$0x1E600] =	vst v63  }
0x70: {  	_ =	swait.ge [sflag:s5], $0x2000  }
0x71: {  	[sflag:s5] =	ssyncset.done $0x0  }
0x72: {  	s29 =	sadd.s32 $0x3400, s21;
	[sflag:s5] =	ssyncadd.s32 $0xFFFFE000  }
0x73: {  	[spmem:s1] =	stream.indirect.scatter.add.f32 [tilespmem:s22], [sflag:$0x7], $0x40, s29, s18, $0xb8;
	[tilespmem:$0x1E600] =	vst v63  }
0x74: {  	_ =	swait.ge [sflag:s16], $0x2000  }
0x75: {  	[sflag:s16] =	ssyncset.done $0x0  }
0x76: {  	s26 =	simm.s32 @p1 $0x4;
	[sflag:s16] =	ssyncadd.s32 $0xFFFFE000  }
0x77: {  	_ =	swait.ge @p1 [sflag:s26], $0x2000  }
0x78: {  	[sflag:s26] =	ssyncset.done @p1 $0x0  }
0x79: {  	s2 =	sadd.s32 @p1 $0x3480, s2;
	[sflag:s26] =	ssyncadd.s32 @p1 $0xFFFFE000;
	s26 =	simm.s32 @p1 $0xC600  }
0x7a: {  	[spmem:s1] =	stream.indirect.scatter.add.f32 @p1 [tilespmem:s26], [sflag:$0x7], $0x40, s2, s12, $0xb8;
	[tilespmem:$0x1E600] =	vst v63  }
0x7b: {  	_ =	swait.ge @p1 [sflag:s8], $0x2000  }
0x7c: {  	[sflag:s8] =	ssyncset.done @p1 $0x0  }
0x7d: {  	s2 =	sadd.s32 @!p1 $0x400, s13;
	[sflag:s8] =	ssyncadd.s32 @p1 $0xFFFFE000;
	s8 =	simm.s32 @!p1 $0xA600  }
0x7e: {  	[tilespmem:s8], [sflag:$0x3] =	stream.indirect.gather @!p1 [hbm4b:s4+s24], $0x40, s2, s24, $0xb8;
	[tilespmem:$0x1E600] =	vst v63  }
0x7f: {  	s2 =	simm.s32 @!p1 $0x4  }
0x80: {  	_ =	swait.ge @!p1 [sflag:s2], $0x2000  }
0x81: {  	[sflag:s2] =	ssyncset.done @!p1 $0x0  }
0x82: {  	s8 =	simm.s32 @!p1 $0xC600;
	[sflag:s2] =	ssyncadd.s32 @!p1 $0xFFFFE000;
	s2 =	sadd.s32 @!p1 $0x3480, s13  }
0x83: {  	[spmem:s1] =	stream.indirect.scatter.add.f32 @!p1 [tilespmem:s8], [sflag:$0x7], $0x40, s2, s24, $0xb8;
	[tilespmem:$0x1E600] =	vst v63  }
0x84: {  	_ =	swait.ge @!p1 [sflag:s23], $0x2000  }
0x85: {  	[sflag:s23] =	ssyncset.done @!p1 $0x0  }
0x86: {  	s2 =	sadd.s32 @!p1 $0x480, s13;
	[sflag:s23] =	ssyncadd.s32 @!p1 $0xFFFFE000  }
0x87: {  	[tilespmem:s8], [sflag:$0x4] =	stream.indirect.gather @!p1 [hbm4b:s4+s24], $0x40, s2, s24, $0xb8;
	[tilespmem:$0x1E600] =	vst v63  }
0x88: {  	_ =	swait.ge [sflag:s6], $0x2000  }
0x89: {  	[sflag:s6] =	ssyncset.done $0x0  }
.Ltmp4:
0x8a: {  	s29 =	sadd.s32 $0x3500, s21;
	[sflag:s6] =	ssyncadd.s32 $0xFFFFE000;
	(pc) =	sbr.rel @p1 .LBB2_12-.Ltmp4, $4  }
0x8b: {  	[spmem:s1] =	stream.indirect.scatter.add.f32 [tilespmem:s28], [sflag:$0x7], $0x40, s29, s18, $0xb8;
	[tilespmem:$0x1E600] =	vst v63  }
0x8c: {  	_ =	swait.ge [sflag:s16], $0x2000  }
0x8d: {  	[sflag:s16] =	ssyncset.done $0x0  }
0x8e: {  	[sflag:s16] =	ssyncadd.s32 $0xFFFFE000  }
0x8f: {  	s2 =	sadd.s32 $0x500, s21  }
0x90: {  	[tilespmem:s28], [sflag:$0x5] =	stream.indirect.gather [hbm4b:s4+s18], $0x40, s2, s18, $0xb8;
	[tilespmem:$0x1E600] =	vst v63  }
0x91: {  	_ =	swait.ge [sflag:s17], $0x2000  }
0x92: {  	[sflag:s17] =	ssyncset.done $0x0  }
0x93: {  	s26 =	sadd.s32 $0x3580, s21;
	[sflag:s17] =	ssyncadd.s32 $0xFFFFE000  }
0x94: {  	[spmem:s1] =	stream.indirect.scatter.add.f32 [tilespmem:s30], [sflag:$0x7], $0x40, s26, s18, $0xb8;
	[tilespmem:$0x1E600] =	vst v63  }
.Ltmp5:
0x95: {  	_ = 	snop;
	(pc) =	sbr.rel .LBB2_10-.Ltmp5, $4  }
0x96: {  	_ =	swait.ge [sflag:s16], $0x2000  }
0x97: {  	[sflag:s16] =	ssyncset.done $0x0  }
0x98: {  	s29 =	sadd.s32 $0x580, s21;
	s20 =	sadd.s32 $0xC00, s20;
	[sflag:s16] =	ssyncadd.s32 $0xFFFFE000  }
0x99: {  	[tilespmem:s30], [sflag:$0x6] =	stream.indirect.gather [hbm4b:s4+s18], $0x40, s29, s18, $0xb8;
	[tilespmem:$0x1E600] =	vst v63  }
.LBB2_2:
0x9a: {  	s20 =	simm.s32 $0x0;
	s2 =	rddreg [dreg:$0x3]  }
0x9b: {  	[tilespmem:s20], [sflag:$0x7] =	stream.linear.gather [hbm4b:s2+s20], $0x3300, $0x38;
	[tilespmem:$0x1E600] =	vst v63  }
0x9c: {  	_ =	swait.ge [sflag:s16], $0x3300  }
0x9d: {  	[sflag:s16] =	ssyncset.done $0x0  }
0x9e: {  	s8 =	simm.s32 $0x3300;
	s13 =	rddreg [dreg:$0x4];
	[sflag:s16] =	ssyncadd.s32 $0xFFFFCD00  }
0x9f: {  	[tilespmem:s8], [sflag:$0x7] =	stream.linear.gather [hbm4b:s13+s20], $0x3300, $0x38;
	[tilespmem:$0x1E600] =	vst v63  }
0xa0: {  	_ =	swait.ge [sflag:s16], $0x3300  }
0xa1: {  	[sflag:s16] =	ssyncset.done $0x0  }
0xa2: {  	[sflag:s16] =	ssyncadd.s32 $0xFFFFCD00  }
0xa3: {  	[tilespmem:s19], [sflag:$0x1] =	stream.indirect.gather [hbm4b:s4+s18], $0x40, s20, s18, $0xb8;
	[tilespmem:$0x1E600] =	vst v63  }
0xa4: {  	s20 =	simm.s32 $0x8600  }
0xa5: {  	[tilespmem:s20], [sflag:$0x2] =	stream.indirect.gather [hbm4b:s4+s18], $0x40, s18, s18, $0xb8;
	[tilespmem:$0x1E600] =	vst v63  }
0xa6: {  	s21 =	simm.s32 $0x100  }
0xa7: {  	[tilespmem:s22], [sflag:$0x3] =	stream.indirect.gather [hbm4b:s4+s18], $0x40, s21, s18, $0xb8;
	[tilespmem:$0x1E600] =	vst v63  }
0xa8: {  	s23 =	simm.s32 $0x180;
	s24 =	simm.s32 $0xC600  }
0xa9: {  	[tilespmem:s24], [sflag:$0x4] =	stream.indirect.gather [hbm4b:s4+s18], $0x40, s23, s18, $0xb8;
	[tilespmem:$0x1E600] =	vst v63  }
0xaa: {  	s26 =	simm.s32 $0x200  }
0xab: {  	[tilespmem:s28], [sflag:$0x5] =	stream.indirect.gather [hbm4b:s4+s18], $0x40, s26, s18, $0xb8;
	[tilespmem:$0x1E600] =	vst v63  }
0xac: {  	s29 =	simm.s32 $0x280;
	s20 =	simm.s32 $0x0;
	s21 =	simm.s32 $0x100  }
0xad: {  	[tilespmem:s30], [sflag:$0x6] =	stream.indirect.gather [hbm4b:s4+s18], $0x40, s29, s18, $0xb8;
	[tilespmem:$0x1E600] =	vst v63  }
.LBB2_3:
0xae: {  	p1 =	sne.s32 s21, $0x7F00;
	[tilespmem:s20+$0x12630] =	vst v0;
	s12 =	smov.u32 s21;
	s21 =	sadd.s32 $0x100, s21  }
.Ltmp6:
0xaf: {  	[tilespmem:s20+$0x12620] =	vst v0;
	(pc) =	sbr.rel @p1 .LBB2_3-.Ltmp6, $3  }
0xb0: {  	[tilespmem:s20+$0x12600] =	vst v0  }
0xb1: {  	[tilespmem:s20+$0x12610] =	vst v0;
	_ =	sdelay $0x1  }
0xb2: {  	s20 =	sshra.s32 s12, $0x2  }
0xb3: {  	[tilespmem:s20+$0x12630] =	vst v0  }
0xb4: {  	[tilespmem:s20+$0x12620] =	vst v0  }
0xb5: {  	[tilespmem:s20+$0x12600] =	vst v0  }
0xb6: {  	[tilespmem:s20+$0x12610] =	vst v0  }
0xb7: {  	[spmem:s7] =	stream.linear.scatter [tilespmem:s31], [sflag:$0x7], $0x2000, $0x38;
	[tilespmem:$0x1E600] =	vst v63  }
0xb8: {  	_ =	swait.ge [sflag:s16], $0x2000  }
0xb9: {  	[sflag:s16] =	ssyncset.done $0x0  }
0xba: {  	s2 =	rddreg [dreg:$0x5];
	[sflag:s16] =	ssyncadd.s32 $0xFFFFE000  }
0xbb: {  	[spmem:s2] =	stream.linear.scatter [tilespmem:s31], [sflag:$0x7], $0x2000, $0x38;
	[tilespmem:$0x1E600] =	vst v63  }
0xbc: {  	_ =	swait.ge [sflag:s16], $0x2000  }
0xbd: {  	[sflag:s16] =	ssyncset.done $0x0  }
0xbe: {  	[sflag:s16] =	ssyncadd.s32 $0xFFFFE000  }
0xbf: {  	[spmem:s9] =	stream.linear.scatter [tilespmem:s31], [sflag:$0x7], $0x2000, $0x38;
	[tilespmem:$0x1E600] =	vst v63  }
0xc0: {  	_ =	swait.ge [sflag:s16], $0x2000  }
0xc1: {  	[sflag:s16] =	ssyncset.done $0x0  }
0xc2: {  	[sflag:s16] =	ssyncadd.s32 $0xFFFFE000  }
0xc3: {  	[spmem:s10] =	stream.linear.scatter [tilespmem:s31], [sflag:$0x7], $0x2000, $0x38;
	[tilespmem:$0x1E600] =	vst v63  }
0xc4: {  	_ =	swait.ge [sflag:s16], $0x2000  }
0xc5: {  	[sflag:s16] =	ssyncset.done $0x0  }
0xc6: {  	[sflag:s16] =	ssyncadd.s32 $0xFFFFE000  }
0xc7: {  	[spmem:s11] =	stream.linear.scatter [tilespmem:s31], [sflag:$0x7], $0x2000, $0x38;
	[tilespmem:$0x1E600] =	vst v63  }
0xc8: {  	_ =	swait.ge [sflag:s16], $0x2000  }
0xc9: {  	[sflag:s16] =	ssyncset.done $0x0  }
0xca: {  	[sflag:s16] =	ssyncadd.s32 $0xFFFFE000  }
0xcb: {  	s20 =	simm.s32 $0x0;
	[bflag:$0x0] =	sbarrier.arrive $0xFFFF  }
.LBB2_5:
0xcc: {  	_ =	swait.ge [sflag:s0], $0x2000  }
0xcd: {  	s21 =	sshra.s32 s20, $0x2;
	[sflag:s0] =	ssyncset.done $0x0  }
0xce: {  	s12 =	sadd.s32 $0x3300, s21;
	[sflag:s0] =	ssyncadd.s32 $0xFFFFE000  }
0xcf: {  	[spmem:s1] =	stream.indirect.scatter.add.f32 [tilespmem:s19], [sflag:$0x7], $0x40, s12, s18, $0xb8;
	[tilespmem:$0x1E600] =	vst v63  }
0xd0: {  	_ =	swait.ge [sflag:s16], $0x2000  }
0xd1: {  	p1 =	seq.s32 s20, $0xC000;
	[sflag:s16] =	ssyncset.done $0x0  }
0xd2: {  	s12 =	simm.s32 @p1 $0x2;
	[sflag:s16] =	ssyncadd.s32 $0xFFFFE000  }
0xd3: {  	_ =	swait.ge @p1 [sflag:s12], $0x2000  }
0xd4: {  	[sflag:s12] =	ssyncset.done @p1 $0x0  }
0xd5: {  	[sflag:s12] =	ssyncadd.s32 @p1 $0xFFFFE000;
	s12 =	sshra.s32 @p1 s20, $0x2  }
0xd6: {  	s13 =	simm.s32 @p1 $0x80;
	s24 =	simm.s32 @p1 $0x8600;
	s23 =	sadd.s32 @p1 $0x3380, s12  }
0xd7: {  	[spmem:s1] =	stream.indirect.scatter.add.f32 @p1 [tilespmem:s24], [sflag:$0x7], $0x40, s23, s13, $0xb8;
	[tilespmem:$0x1E600] =	vst v63  }
0xd8: {  	s23 =	simm.s32 @p1 $0x7  }
0xd9: {  	_ =	swait.ge @p1 [sflag:s23], $0x2000  }
0xda: {  	s29 =	simm.s32 @!p1 $0x80;
	s24 =	sshra.s32 @!p1 s20, $0x2;
	[sflag:s23] =	ssyncset.done @p1 $0x0  }
0xdb: {  	s2 =	simm.s32 @!p1 $0x6600;
	s26 =	sadd.s32 @!p1 $0x300, s24;
	[sflag:s23] =	ssyncadd.s32 @p1 $0xFFFFE000  }
0xdc: {  	[tilespmem:s2], [sflag:$0x1] =	stream.indirect.gather @!p1 [hbm4b:s4+s29], $0x40, s26, s29, $0xb8;
	[tilespmem:$0x1E600] =	vst v63  }
0xdd: {  	s2 =	simm.s32 @!p1 $0x2  }
0xde: {  	_ =	swait.ge @!p1 [sflag:s2], $0x2000  }
0xdf: {  	[sflag:s2] =	ssyncset.done @!p1 $0x0  }
0xe0: {  	s26 =	simm.s32 @!p1 $0x8600;
	[sflag:s2] =	ssyncadd.s32 @!p1 $0xFFFFE000;
	s2 =	sadd.s32 @!p1 $0x3380, s24  }
0xe1: {  	[spmem:s1] =	stream.indirect.scatter.add.f32 @!p1 [tilespmem:s26], [sflag:$0x7], $0x40, s2, s29, $0xb8;
	[tilespmem:$0x1E600] =	vst v63  }
0xe2: {  	s2 =	simm.s32 @!p1 $0x7  }
0xe3: {  	_ =	swait.ge @!p1 [sflag:s2], $0x2000  }
0xe4: {  	[sflag:s2] =	ssyncset.done @!p1 $0x0  }
0xe5: {  	s8 =	sadd.s32 @!p1 $0x380, s24;
	[sflag:s2] =	ssyncadd.s32 @!p1 $0xFFFFE000  }
0xe6: {  	[tilespmem:s26], [sflag:$0x2] =	stream.indirect.gather @!p1 [hbm4b:s4+s29], $0x40, s8, s29, $0xb8;
	[tilespmem:$0x1E600] =	vst v63  }
0xe7: {  	_ =	swait.ge [sflag:s5], $0x2000  }
0xe8: {  	[sflag:s5] =	ssyncset.done $0x0  }
0xe9: {  	s26 =	sadd.s32 $0x3400, s21;
	[sflag:s5] =	ssyncadd.s32 $0xFFFFE000  }
0xea: {  	[spmem:s1] =	stream.indirect.scatter.add.f32 [tilespmem:s22], [sflag:$0x7], $0x40, s26, s18, $0xb8;
	[tilespmem:$0x1E600] =	vst v63  }
0xeb: {  	_ =	swait.ge [sflag:s16], $0x2000  }
0xec: {  	[sflag:s16] =	ssyncset.done $0x0  }
0xed: {  	s8 =	simm.s32 @p1 $0x4;
	[sflag:s16] =	ssyncadd.s32 $0xFFFFE000  }
0xee: {  	_ =	swait.ge @p1 [sflag:s8], $0x2000  }
0xef: {  	[sflag:s8] =	ssyncset.done @p1 $0x0  }
0xf0: {  	[sflag:s8] =	ssyncadd.s32 @p1 $0xFFFFE000;
	s8 =	sadd.s32 @p1 $0x3480, s12;
	s12 =	simm.s32 @p1 $0xC600  }
0xf1: {  	[spmem:s1] =	stream.indirect.scatter.add.f32 @p1 [tilespmem:s12], [sflag:$0x7], $0x40, s8, s13, $0xb8;
	[tilespmem:$0x1E600] =	vst v63  }
0xf2: {  	_ =	swait.ge @p1 [sflag:s23], $0x2000  }
0xf3: {  	[sflag:s23] =	ssyncset.done @p1 $0x0  }
0xf4: {  	s8 =	sadd.s32 @!p1 $0x400, s24;
	s12 =	simm.s32 @!p1 $0xA600;
	[sflag:s23] =	ssyncadd.s32 @p1 $0xFFFFE000  }
0xf5: {  	[tilespmem:s12], [sflag:$0x3] =	stream.indirect.gather @!p1 [hbm4b:s4+s29], $0x40, s8, s29, $0xb8;
	[tilespmem:$0x1E600] =	vst v63  }
0xf6: {  	s8 =	simm.s32 @!p1 $0x4  }
0xf7: {  	_ =	swait.ge @!p1 [sflag:s8], $0x2000  }
0xf8: {  	[sflag:s8] =	ssyncset.done @!p1 $0x0  }
0xf9: {  	s12 =	simm.s32 @!p1 $0xC600;
	[sflag:s8] =	ssyncadd.s32 @!p1 $0xFFFFE000;
	s8 =	sadd.s32 @!p1 $0x3480, s24  }
0xfa: {  	[spmem:s1] =	stream.indirect.scatter.add.f32 @!p1 [tilespmem:s12], [sflag:$0x7], $0x40, s8, s29, $0xb8;
	[tilespmem:$0x1E600] =	vst v63  }
0xfb: {  	_ =	swait.ge @!p1 [sflag:s2], $0x2000  }
0xfc: {  	[sflag:s2] =	ssyncset.done @!p1 $0x0  }
0xfd: {  	[sflag:s2] =	ssyncadd.s32 @!p1 $0xFFFFE000;
	s2 =	sadd.s32 @!p1 $0x480, s24  }
0xfe: {  	[tilespmem:s12], [sflag:$0x4] =	stream.indirect.gather @!p1 [hbm4b:s4+s29], $0x40, s2, s29, $0xb8;
	[tilespmem:$0x1E600] =	vst v63  }
0xff: {  	_ =	swait.ge [sflag:s6], $0x2000  }
0x100: {  	[sflag:s6] =	ssyncset.done $0x0  }
.Ltmp7:
0x101: {  	s29 =	sadd.s32 $0x3500, s21;
	[sflag:s6] =	ssyncadd.s32 $0xFFFFE000;
	(pc) =	sbr.rel @p1 .LBB2_12-.Ltmp7, $4  }
0x102: {  	[spmem:s1] =	stream.indirect.scatter.add.f32 [tilespmem:s28], [sflag:$0x7], $0x40, s29, s18, $0xb8;
	[tilespmem:$0x1E600] =	vst v63  }
0x103: {  	_ =	swait.ge [sflag:s16], $0x2000  }
0x104: {  	[sflag:s16] =	ssyncset.done $0x0  }
0x105: {  	[sflag:s16] =	ssyncadd.s32 $0xFFFFE000  }
0x106: {  	s2 =	sadd.s32 $0x500, s21  }
0x107: {  	[tilespmem:s28], [sflag:$0x5] =	stream.indirect.gather [hbm4b:s4+s18], $0x40, s2, s18, $0xb8;
	[tilespmem:$0x1E600] =	vst v63  }
0x108: {  	_ =	swait.ge [sflag:s17], $0x2000  }
0x109: {  	[sflag:s17] =	ssyncset.done $0x0  }
0x10a: {  	s26 =	sadd.s32 $0x3580, s21;
	[sflag:s17] =	ssyncadd.s32 $0xFFFFE000  }
0x10b: {  	[spmem:s1] =	stream.indirect.scatter.add.f32 [tilespmem:s30], [sflag:$0x7], $0x40, s26, s18, $0xb8;
	[tilespmem:$0x1E600] =	vst v63  }
.Ltmp8:
0x10c: {  	_ = 	snop;
	(pc) =	sbr.rel .LBB2_5-.Ltmp8, $4  }
0x10d: {  	_ =	swait.ge [sflag:s16], $0x2000  }
0x10e: {  	[sflag:s16] =	ssyncset.done $0x0  }
0x10f: {  	s29 =	sadd.s32 $0x580, s21;
	s20 =	sadd.s32 $0xC00, s20;
	[sflag:s16] =	ssyncadd.s32 $0xFFFFE000  }
0x110: {  	[tilespmem:s30], [sflag:$0x6] =	stream.indirect.gather [hbm4b:s4+s18], $0x40, s29, s18, $0xb8;
	[tilespmem:$0x1E600] =	vst v63  }
.LBB2_13:
0x111: {  	_ =	sfence.sel $0x180000  }
0x112: {  	[bflag:$0x0] =	sbarrier.arrive $0xFFFF  }
0x113: {  	_ =	strace $0x9000004D  }
0x114: {  	s0 =	stileid.u32;
	[bflag:$0x2] =	sbarrier.arrive $0xFFFF  }
0x115: {  	p0 =	sne.s32 s0, $0x0;
	s0 =	rddreg [dreg:$0x2]  }
0x116: {  	s0 =	sadd.s32 @!p0 $0x100000, s0  }
0x117: {  	[sflag:s0] =	ssyncadd.tile.s32 @!p0 $0x1;
	_ =	shalt  }
.Lfunc_end2:
_tile_overlayer_lowered:
.L_overlay_start_2:
0x118: {  	(tag) =	ssettag $0x2  }
0x119: {  	s0 =	rddreg [dreg:$0x0];
	s2 =	stileid.u32  }
0x11a: {  	s1 =	rddreg [dreg:$0x1];
	p0 =	sne.s32 s2, $0x0  }
0x11b: {  	s3 =	rddreg [dreg:$0x2];
	[bflag:$0x3] =	sbarrier.arrive $0xFFFF;
	s2 =	simm.s32 @!p0 $0x1C07  }
0x11c: {  	[timem:s3], [sflag:s2] =	dma.local @!p0 [hbm:s0], s1  }
0x11d: {  	s0 =	simm.s32 @!p0 $0x7  }
0x11e: {  	_ =	swait.ge @!p0 [sflag:s0], s1  }
0x11f: {  	s1 =	ssub.s32 @!p0 $0x0, s1;
	[sflag:s0] =	ssyncset.done @!p0 $0x0  }
0x120: {  	[sflag:s0] =	ssyncadd.s32 @!p0 s1  }
0x121: {  	[bflag:$0x3] =	sbarrier.arrive $0xFFFF  }
0x122: {  	_ =	shalt  }

</sc_bundles>
